<compile_context>
chip_gen: v7x
topology: tpu7x:2x2x1
jax: 0.10.2.dev20260603
libtpu: 0.0.44.dev20260713+nightly
codegen_flags: <defaults>
</compile_context>

<pallas_src>
import functools

import jax
import jax.numpy as jnp
from jax import lax
from jax.experimental import pallas as pl
from jax.experimental.pallas import tpu as pltpu
from jax.experimental.pallas import tpu_sc as plsc

_K = 80




@functools.lru_cache(maxsize=None)
def _sc_kernels(N, E, H):
    info = plsc.get_sparse_core_info()
    NC, NS = info.num_cores, info.num_subcores
    NW = NC * NS

    assert E % _K == 0, "edge count must be padded to a multiple of 128"
    CH = E // _K
    q, r = divmod(CH, NW)
    NPAIR = q // 2

    NA = -(-(N + 1) // (NS * 8)) * NS * 8
    RPT = NA // NS
    NH = -(-(N + 1) // 1024) * 1024

    mesh = plsc.VectorSubcoreMesh(core_axis_name="c", subcore_axis_name="s")

    @functools.partial(
        pl.kernel,
        mesh=mesh,
        out_type=jax.ShapeDtypeStruct((NC * NA, H), jnp.float32),
        scratch_types=[
            pltpu.VMEM((4, _K), jnp.int32),
            pltpu.VMEM((4, _K), jnp.int32),
            pltpu.VMEM((4, _K, H), jnp.float32),
            pltpu.VMEM_SHARED((NA, H), jnp.float32),
        ] + [pltpu.SemaphoreType.DMA] * 16,
    )
    def agg_kernel(xs, srce, dste, zeros, out, srcb, dstb, rowsb, acc,
                   *sems):
        cid = lax.axis_index("c")
        sid = lax.axis_index("s")
        wid = cid * NS + sid
        nchw = q + jnp.where(wid < r, 1, 0)
        c0 = wid * q + jnp.minimum(wid, r)

        gsem = sems[0:4]
        ssem = sems[4:8]
        dsem = sems[8:12]
        csem = sems[12:16]

        def ebase(j):
            return (c0 + j) * _K

        def load_src(j, m):
            pltpu.async_copy(srce.at[pl.ds(ebase(j), _K)], srcb.at[m],
                             ssem[m])

        def load_dst(j, m):
            pltpu.async_copy(dste.at[pl.ds(ebase(j), _K)], dstb.at[m],
                             dsem[m])

        def wait_src(m):
            pltpu.make_async_copy(srce.at[pl.ds(0, _K)], srcb.at[m],
                                  ssem[m]).wait()

        def wait_dst(m):
            pltpu.make_async_copy(dste.at[pl.ds(0, _K)], dstb.at[m],
                                  dsem[m]).wait()

        def gather(m):
            pltpu.async_copy(xs.at[srcb.at[m]], rowsb.at[m], gsem[m])

        def wait_gather(m):
            pltpu.make_async_copy(xs.at[srcb.at[m]], rowsb.at[m],
                                  gsem[m]).wait()

        def scatter(m):
            pltpu.async_copy(rowsb.at[m], acc.at[dstb.at[m]], csem[m],
                             add=True)

        def wait_scatter(m):
            pltpu.make_async_copy(rowsb.at[m], acc.at[dstb.at[m]],
                                  csem[m]).wait()

        for jj in range(4):
            load_src(jj, jj)
            load_dst(jj, jj)
        wait_src(0)
        gather(0)
        wait_src(1)
        gather(1)
        pltpu.sync_copy(zeros.at[pl.ds(sid * RPT, RPT)],
                        acc.at[pl.ds(sid * RPT, RPT)])
        plsc.subcore_barrier()

        def chunk_body(j, m):
            m2 = (m + 2) % 4

            wait_gather(m)
            wait_dst(m)
            scatter(m)

            @pl.when(j + 2 < nchw)
            def _():
                @pl.when(j >= 2)
                def _():
                    wait_scatter(m2)
                    load_dst(j + 2, m2)
                wait_src(m2)
                gather(m2)

            @pl.when(j + 4 < nchw)
            def _():
                load_src(j + 4, m)

        def chunk4(jq, carry):
            j = 4 * jq
            chunk_body(j, 0)
            chunk_body(j + 1, 1)
            chunk_body(j + 2, 2)
            chunk_body(j + 3, 3)
            return carry

        lax.fori_loop(0, q // 4, chunk4, 0)
        for j in range(q - q % 4, q):
            chunk_body(j, j % 4)
        if r:
            @pl.when(wid < r)
            def _():
                chunk_body(q, q % 4)

        for m in range(4):
            wait_scatter(m)
        plsc.subcore_barrier()
        pltpu.sync_copy(acc.at[pl.ds(sid * RPT, RPT)],
                        out.at[pl.ds(cid * NA + sid * RPT, RPT)])

    @functools.partial(
        pl.kernel,
        mesh=mesh,
        out_type=jax.ShapeDtypeStruct((NW * NH,), jnp.float32),
        compiler_params=pltpu.CompilerParams(needs_layout_passes=False),
        scratch_types=[
            pltpu.VMEM((2, _K), jnp.int32),
            pltpu.VMEM((NH,), jnp.float32),
            pltpu.SemaphoreType.DMA,
            pltpu.SemaphoreType.DMA,
        ],
    )
    def hist_kernel(dste, zeros1, out, dstb, hist, sd0, sd1):
        cid = lax.axis_index("c")
        sid = lax.axis_index("s")
        wid = cid * NS + sid
        nchw = q + jnp.where(wid < r, 1, 0)
        c0 = wid * q + jnp.minimum(wid, r)

        pltpu.sync_copy(zeros1, hist)

        dsem = (sd0, sd1)

        def load_dst(j, s):
            pltpu.async_copy(dste.at[pl.ds((c0 + j) * _K, _K)], dstb.at[s],
                             dsem[s])

        def wait_dst(s):
            pltpu.make_async_copy(dste.at[pl.ds(0, _K)], dstb.at[s],
                                  dsem[s]).wait()

        lanes = lax.iota(jnp.int32, 16)
        ones16 = jnp.ones((16,), jnp.float32)

        def count16(d):
            for k in range(16):
                plsc.addupdate_scatter(hist, [d], ones16, mask=lanes == k)

        def chunk_body(j, s):
            wait_dst(s)
            for v in range(_K // 16):
                count16(dstb[s, pl.ds(v * 16, 16)])

            @pl.when(j + 2 < nchw)
            def _():
                load_dst(j + 2, s)

        load_dst(0, 0)
        load_dst(1, 1)

        def pair(jp, carry):
            chunk_body(2 * jp, 0)
            chunk_body(2 * jp + 1, 1)
            return carry

        lax.fori_loop(0, NPAIR, pair, 0)
        if q % 2:
            chunk_body(q - 1, (q - 1) % 2)
        if r:
            @pl.when(wid < r)
            def _():
                chunk_body(q, q % 2)

        pltpu.sync_copy(hist, out.at[pl.ds(wid * NH, NH)])

    return agg_kernel, hist_kernel, NA, NH, NC, NW




def _pre_body(x_ref, w_ref, degp_ref, xs_ref, dinv_ref):
    deg = 1.0 + jnp.sum(degp_ref[...], axis=0)
    dinv = lax.rsqrt(deg).reshape(-1, 1)
    dinv_ref[...] = dinv
    xs_ref[...] = dinv * jnp.dot(x_ref[...], w_ref[...],
                                 preferred_element_type=jnp.float32)


def _mid_body(p_ref, xs_ref, dinv_ref, b_ref, w_ref, o_ref):
    dinv = dinv_ref[...]
    h = jnp.maximum(dinv * (p_ref[0] + p_ref[1] + xs_ref[...]) + b_ref[...],
                    0.0)
    o_ref[...] = dinv * jnp.dot(h, w_ref[...],
                                preferred_element_type=jnp.float32)


def _final_body(n_nodes, ncols, p_ref, xs_ref, dinv_ref, b_ref, wl_ref,
                bl_ref, o_ref, acc_ref):
    i = pl.program_id(0)

    @pl.when(i == 0)
    def _():
        acc_ref[...] = jnp.zeros_like(acc_ref)

    h = dinv_ref[...] * (p_ref[0] + p_ref[1] + xs_ref[...]) + b_ref[...]
    acc_ref[...] += jnp.sum(h, axis=0, keepdims=True)

    @pl.when(i == pl.num_programs(0) - 1)
    def _():
        pooled = acc_ref[...] * (1.0 / n_nodes)
        logits = jnp.dot(pooled, wl_ref[...],
                         preferred_element_type=jnp.float32) + bl_ref[...]
        col = lax.broadcasted_iota(jnp.int32, logits.shape, 1)
        valid = col < ncols
        mx = jnp.max(jnp.where(valid, logits, -jnp.inf), axis=1,
                     keepdims=True)
        ez = jnp.where(valid, jnp.exp(logits - mx), 0.0)
        o_ref[...] = ez / jnp.sum(ez, axis=1, keepdims=True)




def kernel(x, edge_index, W0, b0, W1, b1, W2, b2, Wlin, blin):
    N, D = x.shape
    H = W0.shape[1]
    C = Wlin.shape[1]
    E = edge_index.shape[1]
    src = edge_index[0]
    dst = edge_index[1]
    if E % _K:
        pad = _K - E % _K
        src = jnp.concatenate([src, jnp.zeros((pad,), src.dtype)])
        dst = jnp.concatenate([dst, jnp.full((pad,), N, dst.dtype)])
        E += pad

    agg_kernel, hist_kernel, NA, NH, NC, NW = _sc_kernels(N, E, H)

    zerosH = jnp.zeros((NA, H), jnp.float32)
    zeros1 = jnp.zeros((NH,), jnp.float32)

    degp = hist_kernel(dst, zeros1).reshape(NW, NH)

    BR = 1000 if N % 1000 == 0 else 8
    grid = (N // BR,)
    b0r, b1r, b2r = (b.reshape(1, H) for b in (b0, b1, b2))
    wl_pad = jnp.zeros((H, 128), jnp.float32).at[:, :C].set(Wlin)
    bl_pad = jnp.zeros((1, 128), jnp.float32).at[:, :C].set(blin)

    BRP = 1024
    xs0, dinv = pl.pallas_call(
        _pre_body,
        grid=(NH // BRP,),
        in_specs=[
            pl.BlockSpec((BRP, D), lambda i: (i, 0)),
            pl.BlockSpec((D, H), lambda i: (0, 0)),
            pl.BlockSpec((NW, BRP), lambda i: (0, i)),
        ],
        out_specs=[
            pl.BlockSpec((BRP, H), lambda i: (i, 0)),
            pl.BlockSpec((BRP, 1), lambda i: (i, 0)),
        ],
        out_shape=[
            jax.ShapeDtypeStruct((N, H), jnp.float32),
            jax.ShapeDtypeStruct((N, 1), jnp.float32),
        ],
    )(x, W0, degp)

    def mid(parts, xs, b, w):
        return pl.pallas_call(
            _mid_body,
            grid=grid,
            in_specs=[
                pl.BlockSpec((NC, BR, H), lambda i: (0, i, 0)),
                pl.BlockSpec((BR, H), lambda i: (i, 0)),
                pl.BlockSpec((BR, 1), lambda i: (i, 0)),
                pl.BlockSpec((1, H), lambda i: (0, 0)),
                pl.BlockSpec((H, H), lambda i: (0, 0)),
            ],
            out_specs=pl.BlockSpec((BR, H), lambda i: (i, 0)),
            out_shape=jax.ShapeDtypeStruct((N, H), jnp.float32),
        )(parts, xs, dinv, b, w)

    p1 = agg_kernel(xs0, src, dst, zerosH).reshape(NC, NA, H)
    xs1 = mid(p1, xs0, b0r, W1)
    p2 = agg_kernel(xs1, src, dst, zerosH).reshape(NC, NA, H)
    xs2 = mid(p2, xs1, b1r, W2)
    p3 = agg_kernel(xs2, src, dst, zerosH).reshape(NC, NA, H)

    out = pl.pallas_call(
        functools.partial(_final_body, N, C),
        grid=grid,
        in_specs=[
            pl.BlockSpec((NC, BR, H), lambda i: (0, i, 0)),
            pl.BlockSpec((BR, H), lambda i: (i, 0)),
            pl.BlockSpec((BR, 1), lambda i: (i, 0)),
            pl.BlockSpec((1, H), lambda i: (0, 0)),
            pl.BlockSpec((H, 128), lambda i: (0, 0)),
            pl.BlockSpec((1, 128), lambda i: (0, 0)),
        ],
        out_specs=pl.BlockSpec((1, 128), lambda i: (0, 0)),
        out_shape=jax.ShapeDtypeStruct((1, 128), jnp.float32),
        scratch_shapes=[pltpu.VMEM((1, 128), jnp.float32)],
    )(p3, xs2, dinv, b2r, wl_pad, bl_pad)

    return out[:, :C]

# --- scband reference (transcript-rebuilt; emitter-appended) ---
"""Pipeline reference for scband-gcnflat-34110630265034 (READ-ONLY COPY).

The authoritative reference and input builder live on the scoring server;
editing this copy changes nothing except your own understanding.
"""

import jax, jax.numpy as jnp
import numpy as np

N = 10000
E = 320000
D = 128
H = 128
C = 10


def setup_inputs(seed: int = 0) -> dict:
    key = jax.random.key(seed)
    ks = jax.random.split(key, 10)
    x = jax.random.normal(ks[0], (N, D), dtype=jnp.float32)
    edge_index = jax.random.randint(ks[1], (2, E), 0, N, dtype=jnp.int32)
    W0 = jax.random.normal(ks[2], (D, H), dtype=jnp.float32) * (1.0 / np.sqrt(D))
    b0 = jnp.zeros((H,), dtype=jnp.float32)
    W1 = jax.random.normal(ks[3], (H, H), dtype=jnp.float32) * (1.0 / np.sqrt(H))
    b1 = jnp.zeros((H,), dtype=jnp.float32)
    W2 = jax.random.normal(ks[4], (H, H), dtype=jnp.float32) * (1.0 / np.sqrt(H))
    b2 = jnp.zeros((H,), dtype=jnp.float32)
    Wlin = jax.random.normal(ks[5], (H, C), dtype=jnp.float32) * (1.0 / np.sqrt(H))
    blin = jnp.zeros((C,), dtype=jnp.float32)
    return {"x": x, "edge_index": edge_index, "W0": W0, "b0": b0,
            "W1": W1, "b1": b1, "W2": W2, "b2": b2,
            "Wlin": Wlin, "blin": blin}


def _gcn_conv(h, src, dst, W, b, n_nodes):
    # PyG GCNConv (normalize=True, improved=False):
    # out = D^{-1/2} (A + I) D^{-1/2} (h W) + b, self-loops already in src/dst
    hw = h @ W
    deg = jnp.zeros((n_nodes,), dtype=h.dtype).at[dst].add(1.0)
    dinv = jnp.where(deg > 0, deg ** -0.5, 0.0)
    norm = dinv[src] * dinv[dst]
    msg = hw[src] * norm[:, None]
    out = jnp.zeros((n_nodes, hw.shape[1]), dtype=h.dtype).at[dst].add(msg)
    return out + b


def reference(x, edge_index, W0, b0, W1, b1, W2, b2, Wlin, blin):
    n_nodes = x.shape[0]
    loop = jnp.arange(n_nodes, dtype=edge_index.dtype)
    src = jnp.concatenate([edge_index[0], loop])
    dst = jnp.concatenate([edge_index[1], loop])
    h = _gcn_conv(x, src, dst, W0, b0, n_nodes)
    h = jax.nn.relu(h)
    h = _gcn_conv(h, src, dst, W1, b1, n_nodes)
    h = jax.nn.relu(h)
    h = _gcn_conv(h, src, dst, W2, b2, n_nodes)
    # global_mean_pool with batch = zeros -> single graph mean over all nodes
    pooled = jnp.mean(h, axis=0, keepdims=True)
    # dropout p=0.5 is identity in eval mode
    logits = pooled @ Wlin + blin
    return jax.nn.softmax(logits, axis=1)

if __name__ == "__main__":
    import jax
    _d = setup_inputs()
    print(jax.jit(kernel)(*tuple(_d.values())))

</pallas_src>

<mosaic_0001>
#map = affine_map<(d0, d1) -> (0, 0)>
#map1 = affine_map<(d0, d1) -> (0)>
module attributes {stable_mosaic.version = 14 : i64} {
  func.func @agg_kernel(%arg0: i32, %arg1: i32, %arg2: memref<10000x128xf32, #tpu.memory_space<hbm>>, %arg3: memref<320000xi32, #tpu.memory_space<hbm>>, %arg4: memref<320000xi32, #tpu.memory_space<hbm>>, %arg5: memref<10112x128xf32, #tpu.memory_space<hbm>>, %arg6: memref<20224x128xf32, #tpu.memory_space<hbm>>, %arg7: memref<4x80xi32, #tpu.memory_space<vmem>>, %arg8: memref<4x80xi32, #tpu.memory_space<vmem>>, %arg9: memref<4x80x128xf32, #tpu.memory_space<vmem>>, %arg10: memref<10112x128xf32, #tpu.memory_space<vmem_shared>>, %arg11: memref<!tpu.dma_semaphore, #tpu.memory_space<semaphore_mem>>, %arg12: memref<!tpu.dma_semaphore, #tpu.memory_space<semaphore_mem>>, %arg13: memref<!tpu.dma_semaphore, #tpu.memory_space<semaphore_mem>>, %arg14: memref<!tpu.dma_semaphore, #tpu.memory_space<semaphore_mem>>, %arg15: memref<!tpu.dma_semaphore, #tpu.memory_space<semaphore_mem>>, %arg16: memref<!tpu.dma_semaphore, #tpu.memory_space<semaphore_mem>>, %arg17: memref<!tpu.dma_semaphore, #tpu.memory_space<semaphore_mem>>, %arg18: memref<!tpu.dma_semaphore, #tpu.memory_space<semaphore_mem>>, %arg19: memref<!tpu.dma_semaphore, #tpu.memory_space<semaphore_mem>>, %arg20: memref<!tpu.dma_semaphore, #tpu.memory_space<semaphore_mem>>, %arg21: memref<!tpu.dma_semaphore, #tpu.memory_space<semaphore_mem>>, %arg22: memref<!tpu.dma_semaphore, #tpu.memory_space<semaphore_mem>>, %arg23: memref<!tpu.dma_semaphore, #tpu.memory_space<semaphore_mem>>, %arg24: memref<!tpu.dma_semaphore, #tpu.memory_space<semaphore_mem>>, %arg25: memref<!tpu.dma_semaphore, #tpu.memory_space<semaphore_mem>>, %arg26: memref<!tpu.dma_semaphore, #tpu.memory_space<semaphore_mem>>) attributes {dimension_semantics = [#tpu.dimension_semantics<core_parallel>, #tpu.dimension_semantics<subcore_parallel>], iteration_bounds = array<i64: 2, 16>, scalar_prefetch = 0 : i64, scratch_operands = 20 : i64, tpu.core_type = #tpu.core_type<sc_vector_subcore>, window_params = [{transform_indices = #map}, {transform_indices = #map1}, {transform_indices = #map1}, {transform_indices = #map}, {transform_indices = #map}]} {
    %mul3A = arith.constant 16 : i32
    %mul3A_0 = arith.muli %arg0, %mul3A : i32
    %add3A = arith.addi %mul3A_0, %arg1 : i32
    %lt3A = arith.constant 0 : i32
    %lt3A_1 = arith.cmpi slt, %add3A, %lt3A : i32
    %jit3A = arith.constant 1 : i32
    %jit3A_2 = arith.constant 0 : i32
    %select_n3A = arith.select %lt3A_1, %jit3A, %jit3A_2 : i32
    %add3A_3 = arith.constant 125 : i32
    %add3A_4 = arith.addi %add3A_3, %select_n3A : i32
    %mul3A_5 = arith.constant 125 : i32
    %mul3A_6 = arith.muli %add3A, %mul3A_5 : i32
    %min3A = arith.constant 0 : i32
    %min3A_7 = arith.minsi %add3A, %min3A : i32
    %add3A_8 = arith.addi %mul3A_6, %min3A_7 : i32
    %add3A_9 = arith.constant 0 : i32
    %add3A_10 = arith.addi %add3A_8, %add3A_9 : i32
    %mul3A_11 = arith.constant 80 : i32
    %mul3A_12 = arith.muli %add3A_10, %mul3A_11 : i32
    %dma_start3A = arith.constant 0 : i32
    %dma_start3A_13 = arith.constant 0 : i32
    %dma_start3A_14 = tpu.memref_slice %arg7[%dma_start3A, %dma_start3A_13] : memref<4x80xi32, #tpu.memory_space<vmem>> -> memref<1x80xi32, #tpu.memory_space<vmem>>
    %dma_start3A_15 = tpu.memref_squeeze %dma_start3A_14 : memref<1x80xi32, #tpu.memory_space<vmem>> -> memref<80xi32, #tpu.memory_space<vmem>>
    %dma_start3A_16 = tpu.memref_slice %arg3[%mul3A_12] : memref<320000xi32, #tpu.memory_space<hbm>> -> memref<80xi32, #tpu.memory_space<hbm>>
    %dma_start3A_17 = arith.constant 0 : i32
    %dma_start3A_18 = tpu.memref_slice %arg7[%dma_start3A, %dma_start3A_17] : memref<4x80xi32, #tpu.memory_space<vmem>> -> memref<1x80xi32, #tpu.memory_space<vmem>>
    %dma_start3A_19 = tpu.memref_squeeze %dma_start3A_18 : memref<1x80xi32, #tpu.memory_space<vmem>> -> memref<80xi32, #tpu.memory_space<vmem>>
    %dma_start3A_20 = tpu.memref_slice %arg3[%mul3A_12] : memref<320000xi32, #tpu.memory_space<hbm>> -> memref<80xi32, #tpu.memory_space<hbm>>
    tpu.enqueue_dma source(%dma_start3A_20 : memref<80xi32, #tpu.memory_space<hbm>>) target(%dma_start3A_19 : memref<80xi32, #tpu.memory_space<vmem>>) target_semaphore(%arg15 : memref<!tpu.dma_semaphore, #tpu.memory_space<semaphore_mem>>)
    %add3A_21 = arith.constant 0 : i32
    %add3A_22 = arith.addi %add3A_8, %add3A_21 : i32
    %mul3A_23 = arith.constant 80 : i32
    %mul3A_24 = arith.muli %add3A_22, %mul3A_23 : i32
    %dma_start3A_25 = arith.constant 0 : i32
    %dma_start3A_26 = arith.constant 0 : i32
    %dma_start3A_27 = tpu.memref_slice %arg8[%dma_start3A_25, %dma_start3A_26] : memref<4x80xi32, #tpu.memory_space<vmem>> -> memref<1x80xi32, #tpu.memory_space<vmem>>
    %dma_start3A_28 = tpu.memref_squeeze %dma_start3A_27 : memref<1x80xi32, #tpu.memory_space<vmem>> -> memref<80xi32, #tpu.memory_space<vmem>>
    %dma_start3A_29 = tpu.memref_slice %arg4[%mul3A_24] : memref<320000xi32, #tpu.memory_space<hbm>> -> memref<80xi32, #tpu.memory_space<hbm>>
    %dma_start3A_30 = arith.constant 0 : i32
    %dma_start3A_31 = tpu.memref_slice %arg8[%dma_start3A_25, %dma_start3A_30] : memref<4x80xi32, #tpu.memory_space<vmem>> -> memref<1x80xi32, #tpu.memory_space<vmem>>
    %dma_start3A_32 = tpu.memref_squeeze %dma_start3A_31 : memref<1x80xi32, #tpu.memory_space<vmem>> -> memref<80xi32, #tpu.memory_space<vmem>>
    %dma_start3A_33 = tpu.memref_slice %arg4[%mul3A_24] : memref<320000xi32, #tpu.memory_space<hbm>> -> memref<80xi32, #tpu.memory_space<hbm>>
    tpu.enqueue_dma source(%dma_start3A_33 : memref<80xi32, #tpu.memory_space<hbm>>) target(%dma_start3A_32 : memref<80xi32, #tpu.memory_space<vmem>>) target_semaphore(%arg19 : memref<!tpu.dma_semaphore, #tpu.memory_space<semaphore_mem>>)
    %add3A_34 = arith.constant 1 : i32
    %add3A_35 = arith.addi %add3A_8, %add3A_34 : i32
    %mul3A_36 = arith.constant 80 : i32
    %mul3A_37 = arith.muli %add3A_35, %mul3A_36 : i32
    %dma_start3A_38 = arith.constant 1 : i32
    %dma_start3A_39 = arith.constant 0 : i32
    %dma_start3A_40 = tpu.memref_slice %arg7[%dma_start3A_38, %dma_start3A_39] : memref<4x80xi32, #tpu.memory_space<vmem>> -> memref<1x80xi32, #tpu.memory_space<vmem>>
    %dma_start3A_41 = tpu.memref_squeeze %dma_start3A_40 : memref<1x80xi32, #tpu.memory_space<vmem>> -> memref<80xi32, #tpu.memory_space<vmem>>
    %dma_start3A_42 = tpu.memref_slice %arg3[%mul3A_37] : memref<320000xi32, #tpu.memory_space<hbm>> -> memref<80xi32, #tpu.memory_space<hbm>>
    %dma_start3A_43 = arith.constant 0 : i32
    %dma_start3A_44 = tpu.memref_slice %arg7[%dma_start3A_38, %dma_start3A_43] : memref<4x80xi32, #tpu.memory_space<vmem>> -> memref<1x80xi32, #tpu.memory_space<vmem>>
    %dma_start3A_45 = tpu.memref_squeeze %dma_start3A_44 : memref<1x80xi32, #tpu.memory_space<vmem>> -> memref<80xi32, #tpu.memory_space<vmem>>
    %dma_start3A_46 = tpu.memref_slice %arg3[%mul3A_37] : memref<320000xi32, #tpu.memory_space<hbm>> -> memref<80xi32, #tpu.memory_space<hbm>>
    tpu.enqueue_dma source(%dma_start3A_46 : memref<80xi32, #tpu.memory_space<hbm>>) target(%dma_start3A_45 : memref<80xi32, #tpu.memory_space<vmem>>) target_semaphore(%arg16 : memref<!tpu.dma_semaphore, #tpu.memory_space<semaphore_mem>>)
    %add3A_47 = arith.constant 1 : i32
    %add3A_48 = arith.addi %add3A_8, %add3A_47 : i32
    %mul3A_49 = arith.constant 80 : i32
    %mul3A_50 = arith.muli %add3A_48, %mul3A_49 : i32
    %dma_start3A_51 = arith.constant 1 : i32
    %dma_start3A_52 = arith.constant 0 : i32
    %dma_start3A_53 = tpu.memref_slice %arg8[%dma_start3A_51, %dma_start3A_52] : memref<4x80xi32, #tpu.memory_space<vmem>> -> memref<1x80xi32, #tpu.memory_space<vmem>>
    %dma_start3A_54 = tpu.memref_squeeze %dma_start3A_53 : memref<1x80xi32, #tpu.memory_space<vmem>> -> memref<80xi32, #tpu.memory_space<vmem>>
    %dma_start3A_55 = tpu.memref_slice %arg4[%mul3A_50] : memref<320000xi32, #tpu.memory_space<hbm>> -> memref<80xi32, #tpu.memory_space<hbm>>
    %dma_start3A_56 = arith.constant 0 : i32
    %dma_start3A_57 = tpu.memref_slice %arg8[%dma_start3A_51, %dma_start3A_56] : memref<4x80xi32, #tpu.memory_space<vmem>> -> memref<1x80xi32, #tpu.memory_space<vmem>>
    %dma_start3A_58 = tpu.memref_squeeze %dma_start3A_57 : memref<1x80xi32, #tpu.memory_space<vmem>> -> memref<80xi32, #tpu.memory_space<vmem>>
    %dma_start3A_59 = tpu.memref_slice %arg4[%mul3A_50] : memref<320000xi32, #tpu.memory_space<hbm>> -> memref<80xi32, #tpu.memory_space<hbm>>
    tpu.enqueue_dma source(%dma_start3A_59 : memref<80xi32, #tpu.memory_space<hbm>>) target(%dma_start3A_58 : memref<80xi32, #tpu.memory_space<vmem>>) target_semaphore(%arg20 : memref<!tpu.dma_semaphore, #tpu.memory_space<semaphore_mem>>)
    %add3A_60 = arith.constant 2 : i32
    %add3A_61 = arith.addi %add3A_8, %add3A_60 : i32
    %mul3A_62 = arith.constant 80 : i32
    %mul3A_63 = arith.muli %add3A_61, %mul3A_62 : i32
    %dma_start3A_64 = arith.constant 2 : i32
    %dma_start3A_65 = arith.constant 0 : i32
    %dma_start3A_66 = tpu.memref_slice %arg7[%dma_start3A_64, %dma_start3A_65] : memref<4x80xi32, #tpu.memory_space<vmem>> -> memref<1x80xi32, #tpu.memory_space<vmem>>
    %dma_start3A_67 = tpu.memref_squeeze %dma_start3A_66 : memref<1x80xi32, #tpu.memory_space<vmem>> -> memref<80xi32, #tpu.memory_space<vmem>>
    %dma_start3A_68 = tpu.memref_slice %arg3[%mul3A_63] : memref<320000xi32, #tpu.memory_space<hbm>> -> memref<80xi32, #tpu.memory_space<hbm>>
    %dma_start3A_69 = arith.constant 0 : i32
    %dma_start3A_70 = tpu.memref_slice %arg7[%dma_start3A_64, %dma_start3A_69] : memref<4x80xi32, #tpu.memory_space<vmem>> -> memref<1x80xi32, #tpu.memory_space<vmem>>
    %dma_start3A_71 = tpu.memref_squeeze %dma_start3A_70 : memref<1x80xi32, #tpu.memory_space<vmem>> -> memref<80xi32, #tpu.memory_space<vmem>>
    %dma_start3A_72 = tpu.memref_slice %arg3[%mul3A_63] : memref<320000xi32, #tpu.memory_space<hbm>> -> memref<80xi32, #tpu.memory_space<hbm>>
    tpu.enqueue_dma source(%dma_start3A_72 : memref<80xi32, #tpu.memory_space<hbm>>) target(%dma_start3A_71 : memref<80xi32, #tpu.memory_space<vmem>>) target_semaphore(%arg17 : memref<!tpu.dma_semaphore, #tpu.memory_space<semaphore_mem>>)
    %add3A_73 = arith.constant 2 : i32
    %add3A_74 = arith.addi %add3A_8, %add3A_73 : i32
    %mul3A_75 = arith.constant 80 : i32
    %mul3A_76 = arith.muli %add3A_74, %mul3A_75 : i32
    %dma_start3A_77 = arith.constant 2 : i32
    %dma_start3A_78 = arith.constant 0 : i32
    %dma_start3A_79 = tpu.memref_slice %arg8[%dma_start3A_77, %dma_start3A_78] : memref<4x80xi32, #tpu.memory_space<vmem>> -> memref<1x80xi32, #tpu.memory_space<vmem>>
    %dma_start3A_80 = tpu.memref_squeeze %dma_start3A_79 : memref<1x80xi32, #tpu.memory_space<vmem>> -> memref<80xi32, #tpu.memory_space<vmem>>
    %dma_start3A_81 = tpu.memref_slice %arg4[%mul3A_76] : memref<320000xi32, #tpu.memory_space<hbm>> -> memref<80xi32, #tpu.memory_space<hbm>>
    %dma_start3A_82 = arith.constant 0 : i32
    %dma_start3A_83 = tpu.memref_slice %arg8[%dma_start3A_77, %dma_start3A_82] : memref<4x80xi32, #tpu.memory_space<vmem>> -> memref<1x80xi32, #tpu.memory_space<vmem>>
    %dma_start3A_84 = tpu.memref_squeeze %dma_start3A_83 : memref<1x80xi32, #tpu.memory_space<vmem>> -> memref<80xi32, #tpu.memory_space<vmem>>
    %dma_start3A_85 = tpu.memref_slice %arg4[%mul3A_76] : memref<320000xi32, #tpu.memory_space<hbm>> -> memref<80xi32, #tpu.memory_space<hbm>>
    tpu.enqueue_dma source(%dma_start3A_85 : memref<80xi32, #tpu.memory_space<hbm>>) target(%dma_start3A_84 : memref<80xi32, #tpu.memory_space<vmem>>) target_semaphore(%arg21 : memref<!tpu.dma_semaphore, #tpu.memory_space<semaphore_mem>>)
    %add3A_86 = arith.constant 3 : i32
    %add3A_87 = arith.addi %add3A_8, %add3A_86 : i32
    %mul3A_88 = arith.constant 80 : i32
    %mul3A_89 = arith.muli %add3A_87, %mul3A_88 : i32
    %dma_start3A_90 = arith.constant 3 : i32
    %dma_start3A_91 = arith.constant 0 : i32
    %dma_start3A_92 = tpu.memref_slice %arg7[%dma_start3A_90, %dma_start3A_91] : memref<4x80xi32, #tpu.memory_space<vmem>> -> memref<1x80xi32, #tpu.memory_space<vmem>>
    %dma_start3A_93 = tpu.memref_squeeze %dma_start3A_92 : memref<1x80xi32, #tpu.memory_space<vmem>> -> memref<80xi32, #tpu.memory_space<vmem>>
    %dma_start3A_94 = tpu.memref_slice %arg3[%mul3A_89] : memref<320000xi32, #tpu.memory_space<hbm>> -> memref<80xi32, #tpu.memory_space<hbm>>
    %dma_start3A_95 = arith.constant 0 : i32
    %dma_start3A_96 = tpu.memref_slice %arg7[%dma_start3A_90, %dma_start3A_95] : memref<4x80xi32, #tpu.memory_space<vmem>> -> memref<1x80xi32, #tpu.memory_space<vmem>>
    %dma_start3A_97 = tpu.memref_squeeze %dma_start3A_96 : memref<1x80xi32, #tpu.memory_space<vmem>> -> memref<80xi32, #tpu.memory_space<vmem>>
    %dma_start3A_98 = tpu.memref_slice %arg3[%mul3A_89] : memref<320000xi32, #tpu.memory_space<hbm>> -> memref<80xi32, #tpu.memory_space<hbm>>
    tpu.enqueue_dma source(%dma_start3A_98 : memref<80xi32, #tpu.memory_space<hbm>>) target(%dma_start3A_97 : memref<80xi32, #tpu.memory_space<vmem>>) target_semaphore(%arg18 : memref<!tpu.dma_semaphore, #tpu.memory_space<semaphore_mem>>)
    %add3A_99 = arith.constant 3 : i32
    %add3A_100 = arith.addi %add3A_8, %add3A_99 : i32
    %mul3A_101 = arith.constant 80 : i32
    %mul3A_102 = arith.muli %add3A_100, %mul3A_101 : i32
    %dma_start3A_103 = arith.constant 3 : i32
    %dma_start3A_104 = arith.constant 0 : i32
    %dma_start3A_105 = tpu.memref_slice %arg8[%dma_start3A_103, %dma_start3A_104] : memref<4x80xi32, #tpu.memory_space<vmem>> -> memref<1x80xi32, #tpu.memory_space<vmem>>
    %dma_start3A_106 = tpu.memref_squeeze %dma_start3A_105 : memref<1x80xi32, #tpu.memory_space<vmem>> -> memref<80xi32, #tpu.memory_space<vmem>>
    %dma_start3A_107 = tpu.memref_slice %arg4[%mul3A_102] : memref<320000xi32, #tpu.memory_space<hbm>> -> memref<80xi32, #tpu.memory_space<hbm>>
    %dma_start3A_108 = arith.constant 0 : i32
    %dma_start3A_109 = tpu.memref_slice %arg8[%dma_start3A_103, %dma_start3A_108] : memref<4x80xi32, #tpu.memory_space<vmem>> -> memref<1x80xi32, #tpu.memory_space<vmem>>
    %dma_start3A_110 = tpu.memref_squeeze %dma_start3A_109 : memref<1x80xi32, #tpu.memory_space<vmem>> -> memref<80xi32, #tpu.memory_space<vmem>>
    %dma_start3A_111 = tpu.memref_slice %arg4[%mul3A_102] : memref<320000xi32, #tpu.memory_space<hbm>> -> memref<80xi32, #tpu.memory_space<hbm>>
    tpu.enqueue_dma source(%dma_start3A_111 : memref<80xi32, #tpu.memory_space<hbm>>) target(%dma_start3A_110 : memref<80xi32, #tpu.memory_space<vmem>>) target_semaphore(%arg22 : memref<!tpu.dma_semaphore, #tpu.memory_space<semaphore_mem>>)
    %dma_wait3A = arith.constant 0 : i32
    %dma_wait3A_112 = arith.constant 0 : i32
    %dma_wait3A_113 = tpu.memref_slice %arg7[%dma_wait3A, %dma_wait3A_112] : memref<4x80xi32, #tpu.memory_space<vmem>> -> memref<1x80xi32, #tpu.memory_space<vmem>>
    %dma_wait3A_114 = tpu.memref_squeeze %dma_wait3A_113 : memref<1x80xi32, #tpu.memory_space<vmem>> -> memref<80xi32, #tpu.memory_space<vmem>>
    %dma_wait3A_115 = arith.constant 0 : i32
    %dma_wait3A_116 = tpu.memref_slice %arg3[%dma_wait3A_115] : memref<320000xi32, #tpu.memory_space<hbm>> -> memref<80xi32, #tpu.memory_space<hbm>>
    %dma_wait3A_117 = arith.constant 0 : i32
    %dma_wait3A_118 = tpu.memref_slice %arg7[%dma_wait3A, %dma_wait3A_117] : memref<4x80xi32, #tpu.memory_space<vmem>> -> memref<1x80xi32, #tpu.memory_space<vmem>>
    %dma_wait3A_119 = tpu.memref_squeeze %dma_wait3A_118 : memref<1x80xi32, #tpu.memory_space<vmem>> -> memref<80xi32, #tpu.memory_space<vmem>>
    %dma_wait3A_120 = arith.constant 0 : i32
    %dma_wait3A_121 = tpu.memref_slice %arg3[%dma_wait3A_120] : memref<320000xi32, #tpu.memory_space<hbm>> -> memref<80xi32, #tpu.memory_space<hbm>>
    tpu.wait_dma2 semaphore(%arg15 : memref<!tpu.dma_semaphore, #tpu.memory_space<semaphore_mem>>) src(%dma_wait3A_121 : memref<80xi32, #tpu.memory_space<hbm>>) dst(%dma_wait3A_119 : memref<80xi32, #tpu.memory_space<vmem>>)
    %dma_start3A_122 = arith.constant 0 : i32
    %dma_start3A_123 = arith.constant 0 : i32
    %dma_start3A_124 = arith.constant 0 : i32
    %dma_start3A_125 = arith.constant 0 : i32
    %dma_start3A_126 = tpu.memref_slice %arg9[%dma_start3A_123, %dma_start3A_124, %dma_start3A_125] : memref<4x80x128xf32, #tpu.memory_space<vmem>> -> memref<1x80x128xf32, #tpu.memory_space<vmem>>
    %dma_start3A_127 = tpu.memref_squeeze %dma_start3A_126 : memref<1x80x128xf32, #tpu.memory_space<vmem>> -> memref<80x128xf32, #tpu.memory_space<vmem>>
    %dma_start3A_128 = arith.constant 0 : i32
    %dma_start3A_129 = tpu.memref_slice %arg7[%dma_start3A_122, %dma_start3A_128] : memref<4x80xi32, #tpu.memory_space<vmem>> -> memref<1x80xi32, #tpu.memory_space<vmem>>
    %dma_start3A_130 = tpu.memref_squeeze %dma_start3A_129 : memref<1x80xi32, #tpu.memory_space<vmem>> -> memref<80xi32, #tpu.memory_space<vmem>>
    %dma_start3A_131 = arith.constant 0 : i32
    %dma_start3A_132 = arith.constant 0 : i32
    %dma_start3A_133 = tpu.memref_slice %arg2[%dma_start3A_131, %dma_start3A_132] : memref<10000x128xf32, #tpu.memory_space<hbm>> -> memref<10000x128xf32, #tpu.memory_space<hbm>>
    tpu.enqueue_indirect_dma source(%dma_start3A_133 : memref<10000x128xf32, #tpu.memory_space<hbm>>) target(%dma_start3A_127 : memref<80x128xf32, #tpu.memory_space<vmem>>) offsets(%dma_start3A_130 : memref<80xi32, #tpu.memory_space<vmem>>) semaphore(%arg11 : memref<!tpu.dma_semaphore, #tpu.memory_space<semaphore_mem>>)
    %dma_wait3A_134 = arith.constant 1 : i32
    %dma_wait3A_135 = arith.constant 0 : i32
    %dma_wait3A_136 = tpu.memref_slice %arg7[%dma_wait3A_134, %dma_wait3A_135] : memref<4x80xi32, #tpu.memory_space<vmem>> -> memref<1x80xi32, #tpu.memory_space<vmem>>
    %dma_wait3A_137 = tpu.memref_squeeze %dma_wait3A_136 : memref<1x80xi32, #tpu.memory_space<vmem>> -> memref<80xi32, #tpu.memory_space<vmem>>
    %dma_wait3A_138 = arith.constant 0 : i32
    %dma_wait3A_139 = tpu.memref_slice %arg3[%dma_wait3A_138] : memref<320000xi32, #tpu.memory_space<hbm>> -> memref<80xi32, #tpu.memory_space<hbm>>
    %dma_wait3A_140 = arith.constant 0 : i32
    %dma_wait3A_141 = tpu.memref_slice %arg7[%dma_wait3A_134, %dma_wait3A_140] : memref<4x80xi32, #tpu.memory_space<vmem>> -> memref<1x80xi32, #tpu.memory_space<vmem>>
    %dma_wait3A_142 = tpu.memref_squeeze %dma_wait3A_141 : memref<1x80xi32, #tpu.memory_space<vmem>> -> memref<80xi32, #tpu.memory_space<vmem>>
    %dma_wait3A_143 = arith.constant 0 : i32
    %dma_wait3A_144 = tpu.memref_slice %arg3[%dma_wait3A_143] : memref<320000xi32, #tpu.memory_space<hbm>> -> memref<80xi32, #tpu.memory_space<hbm>>
    tpu.wait_dma2 semaphore(%arg16 : memref<!tpu.dma_semaphore, #tpu.memory_space<semaphore_mem>>) src(%dma_wait3A_144 : memref<80xi32, #tpu.memory_space<hbm>>) dst(%dma_wait3A_142 : memref<80xi32, #tpu.memory_space<vmem>>)
    %dma_start3A_145 = arith.constant 1 : i32
    %dma_start3A_146 = arith.constant 1 : i32
    %dma_start3A_147 = arith.constant 0 : i32
    %dma_start3A_148 = arith.constant 0 : i32
    %dma_start3A_149 = tpu.memref_slice %arg9[%dma_start3A_146, %dma_start3A_147, %dma_start3A_148] : memref<4x80x128xf32, #tpu.memory_space<vmem>> -> memref<1x80x128xf32, #tpu.memory_space<vmem>>
    %dma_start3A_150 = tpu.memref_squeeze %dma_start3A_149 : memref<1x80x128xf32, #tpu.memory_space<vmem>> -> memref<80x128xf32, #tpu.memory_space<vmem>>
    %dma_start3A_151 = arith.constant 0 : i32
    %dma_start3A_152 = tpu.memref_slice %arg7[%dma_start3A_145, %dma_start3A_151] : memref<4x80xi32, #tpu.memory_space<vmem>> -> memref<1x80xi32, #tpu.memory_space<vmem>>
    %dma_start3A_153 = tpu.memref_squeeze %dma_start3A_152 : memref<1x80xi32, #tpu.memory_space<vmem>> -> memref<80xi32, #tpu.memory_space<vmem>>
    %dma_start3A_154 = arith.constant 0 : i32
    %dma_start3A_155 = arith.constant 0 : i32
    %dma_start3A_156 = tpu.memref_slice %arg2[%dma_start3A_154, %dma_start3A_155] : memref<10000x128xf32, #tpu.memory_space<hbm>> -> memref<10000x128xf32, #tpu.memory_space<hbm>>
    tpu.enqueue_indirect_dma source(%dma_start3A_156 : memref<10000x128xf32, #tpu.memory_space<hbm>>) target(%dma_start3A_150 : memref<80x128xf32, #tpu.memory_space<vmem>>) offsets(%dma_start3A_153 : memref<80xi32, #tpu.memory_space<vmem>>) semaphore(%arg12 : memref<!tpu.dma_semaphore, #tpu.memory_space<semaphore_mem>>)
    %mul3A_157 = arith.constant 632 : i32
    %mul3A_158 = arith.muli %arg1, %mul3A_157 : i32
    %mul3A_159 = arith.constant 632 : i32
    %mul3A_160 = arith.muli %arg1, %mul3A_159 : i32
    "tpu.region"() ({
      %run_scoped3A = tpu.sem_alloc : memref<!tpu.dma_semaphore, #tpu.memory_space<semaphore_mem>>
      %dma_start3A_264 = arith.constant 0 : i32
      %dma_start3A_265 = tpu.memref_slice %arg10[%mul3A_160, %dma_start3A_264] : memref<10112x128xf32, #tpu.memory_space<vmem_shared>> -> memref<632x128xf32, #tpu.memory_space<vmem_shared>>
      %dma_start3A_266 = arith.constant 0 : i32
      %dma_start3A_267 = tpu.memref_slice %arg5[%mul3A_158, %dma_start3A_266] : memref<10112x128xf32, #tpu.memory_space<hbm>> -> memref<632x128xf32, #tpu.memory_space<hbm>>
      tpu.enqueue_dma source(%dma_start3A_267 : memref<632x128xf32, #tpu.memory_space<hbm>>) target(%dma_start3A_265 : memref<632x128xf32, #tpu.memory_space<vmem_shared>>) target_semaphore(%run_scoped3A : memref<!tpu.dma_semaphore, #tpu.memory_space<semaphore_mem>>)
      %dma_wait3A_268 = arith.constant 0 : i32
      %dma_wait3A_269 = tpu.memref_slice %arg10[%mul3A_160, %dma_wait3A_268] : memref<10112x128xf32, #tpu.memory_space<vmem_shared>> -> memref<632x128xf32, #tpu.memory_space<vmem_shared>>
      %dma_wait3A_270 = arith.constant 0 : i32
      %dma_wait3A_271 = tpu.memref_slice %arg5[%mul3A_158, %dma_wait3A_270] : memref<10112x128xf32, #tpu.memory_space<hbm>> -> memref<632x128xf32, #tpu.memory_space<hbm>>
      tpu.wait_dma2 semaphore(%run_scoped3A : memref<!tpu.dma_semaphore, #tpu.memory_space<semaphore_mem>>) src(%dma_wait3A_271 : memref<632x128xf32, #tpu.memory_space<hbm>>) dst(%dma_wait3A_269 : memref<632x128xf32, #tpu.memory_space<vmem_shared>>)
      tpu.yield
    }) : () -> ()
    %barrier3A = arith.constant 0 : index
    tpu.barrier barrier_id(%barrier3A)
    %scan3A = arith.constant 0 : i32
    %scan3A_161 = arith.constant 0 : i32
    %scan3A_162 = arith.constant 31 : i32
    %scan3A_163 = arith.addi %scan3A_161, %scan3A_162 : i32
    %scan3A_164 = arith.constant 1 : i32
    scf.for %scan3A_264 = %scan3A_161 to %scan3A_163 step %scan3A_164  : i32 {
      %mul3A_265 = arith.constant 4 : i32
      %mul3A_266 = arith.muli %mul3A_265, %scan3A_264 : i32
      %dma_wait3A_267 = arith.constant 0 : i32
      %dma_wait3A_268 = arith.constant 0 : i32
      %dma_wait3A_269 = arith.constant 0 : i32
      %dma_wait3A_270 = arith.constant 0 : i32
      %dma_wait3A_271 = tpu.memref_slice %arg9[%dma_wait3A_268, %dma_wait3A_269, %dma_wait3A_270] : memref<4x80x128xf32, #tpu.memory_space<vmem>> -> memref<1x80x128xf32, #tpu.memory_space<vmem>>
      %dma_wait3A_272 = tpu.memref_squeeze %dma_wait3A_271 : memref<1x80x128xf32, #tpu.memory_space<vmem>> -> memref<80x128xf32, #tpu.memory_space<vmem>>
      %dma_wait3A_273 = arith.constant 0 : i32
      %dma_wait3A_274 = tpu.memref_slice %arg7[%dma_wait3A_267, %dma_wait3A_273] : memref<4x80xi32, #tpu.memory_space<vmem>> -> memref<1x80xi32, #tpu.memory_space<vmem>>
      %dma_wait3A_275 = tpu.memref_squeeze %dma_wait3A_274 : memref<1x80xi32, #tpu.memory_space<vmem>> -> memref<80xi32, #tpu.memory_space<vmem>>
      %dma_wait3A_276 = arith.constant 0 : i32
      %dma_wait3A_277 = arith.constant 0 : i32
      %dma_wait3A_278 = tpu.memref_slice %arg2[%dma_wait3A_276, %dma_wait3A_277] : memref<10000x128xf32, #tpu.memory_space<hbm>> -> memref<10000x128xf32, #tpu.memory_space<hbm>>
      tpu.wait_indirect_dma semaphore(%arg11 : memref<!tpu.dma_semaphore, #tpu.memory_space<semaphore_mem>>) src(%dma_wait3A_278 : memref<10000x128xf32, #tpu.memory_space<hbm>>) dst(%dma_wait3A_272 : memref<80x128xf32, #tpu.memory_space<vmem>>)
      %dma_wait3A_279 = arith.constant 0 : i32
      %dma_wait3A_280 = arith.constant 0 : i32
      %dma_wait3A_281 = tpu.memref_slice %arg8[%dma_wait3A_279, %dma_wait3A_280] : memref<4x80xi32, #tpu.memory_space<vmem>> -> memref<1x80xi32, #tpu.memory_space<vmem>>
      %dma_wait3A_282 = tpu.memref_squeeze %dma_wait3A_281 : memref<1x80xi32, #tpu.memory_space<vmem>> -> memref<80xi32, #tpu.memory_space<vmem>>
      %dma_wait3A_283 = arith.constant 0 : i32
      %dma_wait3A_284 = tpu.memref_slice %arg4[%dma_wait3A_283] : memref<320000xi32, #tpu.memory_space<hbm>> -> memref<80xi32, #tpu.memory_space<hbm>>
      %dma_wait3A_285 = arith.constant 0 : i32
      %dma_wait3A_286 = tpu.memref_slice %arg8[%dma_wait3A_279, %dma_wait3A_285] : memref<4x80xi32, #tpu.memory_space<vmem>> -> memref<1x80xi32, #tpu.memory_space<vmem>>
      %dma_wait3A_287 = tpu.memref_squeeze %dma_wait3A_286 : memref<1x80xi32, #tpu.memory_space<vmem>> -> memref<80xi32, #tpu.memory_space<vmem>>
      %dma_wait3A_288 = arith.constant 0 : i32
      %dma_wait3A_289 = tpu.memref_slice %arg4[%dma_wait3A_288] : memref<320000xi32, #tpu.memory_space<hbm>> -> memref<80xi32, #tpu.memory_space<hbm>>
      tpu.wait_dma2 semaphore(%arg19 : memref<!tpu.dma_semaphore, #tpu.memory_space<semaphore_mem>>) src(%dma_wait3A_289 : memref<80xi32, #tpu.memory_space<hbm>>) dst(%dma_wait3A_287 : memref<80xi32, #tpu.memory_space<vmem>>)
      %dma_start3A_290 = arith.constant 0 : i32
      %dma_start3A_291 = arith.constant 0 : i32
      %dma_start3A_292 = arith.constant 0 : i32
      %dma_start3A_293 = arith.constant 0 : i32
      %dma_start3A_294 = tpu.memref_slice %arg9[%dma_start3A_290, %dma_start3A_292, %dma_start3A_293] : memref<4x80x128xf32, #tpu.memory_space<vmem>> -> memref<1x80x128xf32, #tpu.memory_space<vmem>>
      %dma_start3A_295 = tpu.memref_squeeze %dma_start3A_294 : memref<1x80x128xf32, #tpu.memory_space<vmem>> -> memref<80x128xf32, #tpu.memory_space<vmem>>
      %dma_start3A_296 = arith.constant 0 : i32
      %dma_start3A_297 = tpu.memref_slice %arg8[%dma_start3A_291, %dma_start3A_296] : memref<4x80xi32, #tpu.memory_space<vmem>> -> memref<1x80xi32, #tpu.memory_space<vmem>>
      %dma_start3A_298 = tpu.memref_squeeze %dma_start3A_297 : memref<1x80xi32, #tpu.memory_space<vmem>> -> memref<80xi32, #tpu.memory_space<vmem>>
      %dma_start3A_299 = arith.constant 0 : i32
      %dma_start3A_300 = arith.constant 0 : i32
      %dma_start3A_301 = tpu.memref_slice %arg10[%dma_start3A_299, %dma_start3A_300] : memref<10112x128xf32, #tpu.memory_space<vmem_shared>> -> memref<10112x128xf32, #tpu.memory_space<vmem_shared>>
      tpu.enqueue_indirect_dma source(%dma_start3A_295 : memref<80x128xf32, #tpu.memory_space<vmem>>) target(%dma_start3A_301 : memref<10112x128xf32, #tpu.memory_space<vmem_shared>>) offsets(%dma_start3A_298 : memref<80xi32, #tpu.memory_space<vmem>>) semaphore(%arg23 : memref<!tpu.dma_semaphore, #tpu.memory_space<semaphore_mem>>) {add = true}
      %add3A_302 = arith.constant 2 : i32
      %add3A_303 = arith.addi %mul3A_266, %add3A_302 : i32
      %lt3A_304 = arith.cmpi slt, %add3A_303, %add3A_4 : i32
      %convert_element_type3A_305 = arith.extui %lt3A_304 : i1 to i32
      %cond3A_306 = arith.constant 0 : i32
      %cond3A_307 = arith.cmpi ne, %convert_element_type3A_305, %cond3A_306 : i32
      scf.if %cond3A_307 {
        %ge3A = arith.constant 2 : i32
        %ge3A_461 = arith.cmpi sge, %mul3A_266, %ge3A : i32
        %convert_element_type3A_462 = arith.extui %ge3A_461 : i1 to i32
        %cond3A_463 = arith.constant 0 : i32
        %cond3A_464 = arith.cmpi ne, %convert_element_type3A_462, %cond3A_463 : i32
        scf.if %cond3A_464 {
          %dma_wait3A_488 = arith.constant 2 : i32
          %dma_wait3A_489 = arith.constant 2 : i32
          %dma_wait3A_490 = arith.constant 0 : i32
          %dma_wait3A_491 = arith.constant 0 : i32
          %dma_wait3A_492 = tpu.memref_slice %arg9[%dma_wait3A_488, %dma_wait3A_490, %dma_wait3A_491] : memref<4x80x128xf32, #tpu.memory_space<vmem>> -> memref<1x80x128xf32, #tpu.memory_space<vmem>>
          %dma_wait3A_493 = tpu.memref_squeeze %dma_wait3A_492 : memref<1x80x128xf32, #tpu.memory_space<vmem>> -> memref<80x128xf32, #tpu.memory_space<vmem>>
          %dma_wait3A_494 = arith.constant 0 : i32
          %dma_wait3A_495 = tpu.memref_slice %arg8[%dma_wait3A_489, %dma_wait3A_494] : memref<4x80xi32, #tpu.memory_space<vmem>> -> memref<1x80xi32, #tpu.memory_space<vmem>>
          %dma_wait3A_496 = tpu.memref_squeeze %dma_wait3A_495 : memref<1x80xi32, #tpu.memory_space<vmem>> -> memref<80xi32, #tpu.memory_space<vmem>>
          %dma_wait3A_497 = arith.constant 0 : i32
          %dma_wait3A_498 = arith.constant 0 : i32
          %dma_wait3A_499 = tpu.memref_slice %arg10[%dma_wait3A_497, %dma_wait3A_498] : memref<10112x128xf32, #tpu.memory_space<vmem_shared>> -> memref<10112x128xf32, #tpu.memory_space<vmem_shared>>
          tpu.wait_indirect_dma semaphore(%arg25 : memref<!tpu.dma_semaphore, #tpu.memory_space<semaphore_mem>>) src(%dma_wait3A_493 : memref<80x128xf32, #tpu.memory_space<vmem>>) dst(%dma_wait3A_499 : memref<10112x128xf32, #tpu.memory_space<vmem_shared>>)
          %add3A_500 = arith.constant 2 : i32
          %add3A_501 = arith.addi %mul3A_266, %add3A_500 : i32
          %add3A_502 = arith.addi %add3A_8, %add3A_501 : i32
          %mul3A_503 = arith.constant 80 : i32
          %mul3A_504 = arith.muli %add3A_502, %mul3A_503 : i32
          %dma_start3A_505 = arith.constant 2 : i32
          %dma_start3A_506 = arith.constant 0 : i32
          %dma_start3A_507 = tpu.memref_slice %arg8[%dma_start3A_505, %dma_start3A_506] : memref<4x80xi32, #tpu.memory_space<vmem>> -> memref<1x80xi32, #tpu.memory_space<vmem>>
          %dma_start3A_508 = tpu.memref_squeeze %dma_start3A_507 : memref<1x80xi32, #tpu.memory_space<vmem>> -> memref<80xi32, #tpu.memory_space<vmem>>
          %dma_start3A_509 = tpu.memref_slice %arg4[%mul3A_504] : memref<320000xi32, #tpu.memory_space<hbm>> -> memref<80xi32, #tpu.memory_space<hbm>>
          %dma_start3A_510 = arith.constant 0 : i32
          %dma_start3A_511 = tpu.memref_slice %arg8[%dma_start3A_505, %dma_start3A_510] : memref<4x80xi32, #tpu.memory_space<vmem>> -> memref<1x80xi32, #tpu.memory_space<vmem>>
          %dma_start3A_512 = tpu.memref_squeeze %dma_start3A_511 : memref<1x80xi32, #tpu.memory_space<vmem>> -> memref<80xi32, #tpu.memory_space<vmem>>
          %dma_start3A_513 = tpu.memref_slice %arg4[%mul3A_504] : memref<320000xi32, #tpu.memory_space<hbm>> -> memref<80xi32, #tpu.memory_space<hbm>>
          tpu.enqueue_dma source(%dma_start3A_513 : memref<80xi32, #tpu.memory_space<hbm>>) target(%dma_start3A_512 : memref<80xi32, #tpu.memory_space<vmem>>) target_semaphore(%arg21 : memref<!tpu.dma_semaphore, #tpu.memory_space<semaphore_mem>>)
        } else {
        }
        %dma_wait3A_465 = arith.constant 2 : i32
        %dma_wait3A_466 = arith.constant 0 : i32
        %dma_wait3A_467 = tpu.memref_slice %arg7[%dma_wait3A_465, %dma_wait3A_466] : memref<4x80xi32, #tpu.memory_space<vmem>> -> memref<1x80xi32, #tpu.memory_space<vmem>>
        %dma_wait3A_468 = tpu.memref_squeeze %dma_wait3A_467 : memref<1x80xi32, #tpu.memory_space<vmem>> -> memref<80xi32, #tpu.memory_space<vmem>>
        %dma_wait3A_469 = arith.constant 0 : i32
        %dma_wait3A_470 = tpu.memref_slice %arg3[%dma_wait3A_469] : memref<320000xi32, #tpu.memory_space<hbm>> -> memref<80xi32, #tpu.memory_space<hbm>>
        %dma_wait3A_471 = arith.constant 0 : i32
        %dma_wait3A_472 = tpu.memref_slice %arg7[%dma_wait3A_465, %dma_wait3A_471] : memref<4x80xi32, #tpu.memory_space<vmem>> -> memref<1x80xi32, #tpu.memory_space<vmem>>
        %dma_wait3A_473 = tpu.memref_squeeze %dma_wait3A_472 : memref<1x80xi32, #tpu.memory_space<vmem>> -> memref<80xi32, #tpu.memory_space<vmem>>
        %dma_wait3A_474 = arith.constant 0 : i32
        %dma_wait3A_475 = tpu.memref_slice %arg3[%dma_wait3A_474] : memref<320000xi32, #tpu.memory_space<hbm>> -> memref<80xi32, #tpu.memory_space<hbm>>
        tpu.wait_dma2 semaphore(%arg17 : memref<!tpu.dma_semaphore, #tpu.memory_space<semaphore_mem>>) src(%dma_wait3A_475 : memref<80xi32, #tpu.memory_space<hbm>>) dst(%dma_wait3A_473 : memref<80xi32, #tpu.memory_space<vmem>>)
        %dma_start3A_476 = arith.constant 2 : i32
        %dma_start3A_477 = arith.constant 2 : i32
        %dma_start3A_478 = arith.constant 0 : i32
        %dma_start3A_479 = arith.constant 0 : i32
        %dma_start3A_480 = tpu.memref_slice %arg9[%dma_start3A_477, %dma_start3A_478, %dma_start3A_479] : memref<4x80x128xf32, #tpu.memory_space<vmem>> -> memref<1x80x128xf32, #tpu.memory_space<vmem>>
        %dma_start3A_481 = tpu.memref_squeeze %dma_start3A_480 : memref<1x80x128xf32, #tpu.memory_space<vmem>> -> memref<80x128xf32, #tpu.memory_space<vmem>>
        %dma_start3A_482 = arith.constant 0 : i32
        %dma_start3A_483 = tpu.memref_slice %arg7[%dma_start3A_476, %dma_start3A_482] : memref<4x80xi32, #tpu.memory_space<vmem>> -> memref<1x80xi32, #tpu.memory_space<vmem>>
        %dma_start3A_484 = tpu.memref_squeeze %dma_start3A_483 : memref<1x80xi32, #tpu.memory_space<vmem>> -> memref<80xi32, #tpu.memory_space<vmem>>
        %dma_start3A_485 = arith.constant 0 : i32
        %dma_start3A_486 = arith.constant 0 : i32
        %dma_start3A_487 = tpu.memref_slice %arg2[%dma_start3A_485, %dma_start3A_486] : memref<10000x128xf32, #tpu.memory_space<hbm>> -> memref<10000x128xf32, #tpu.memory_space<hbm>>
        tpu.enqueue_indirect_dma source(%dma_start3A_487 : memref<10000x128xf32, #tpu.memory_space<hbm>>) target(%dma_start3A_481 : memref<80x128xf32, #tpu.memory_space<vmem>>) offsets(%dma_start3A_484 : memref<80xi32, #tpu.memory_space<vmem>>) semaphore(%arg13 : memref<!tpu.dma_semaphore, #tpu.memory_space<semaphore_mem>>)
      } else {
      }
      %add3A_308 = arith.constant 4 : i32
      %add3A_309 = arith.addi %mul3A_266, %add3A_308 : i32
      %lt3A_310 = arith.cmpi slt, %add3A_309, %add3A_4 : i32
      %convert_element_type3A_311 = arith.extui %lt3A_310 : i1 to i32
      %cond3A_312 = arith.constant 0 : i32
      %cond3A_313 = arith.cmpi ne, %convert_element_type3A_311, %cond3A_312 : i32
      scf.if %cond3A_313 {
        %add3A_461 = arith.constant 4 : i32
        %add3A_462 = arith.addi %mul3A_266, %add3A_461 : i32
        %add3A_463 = arith.addi %add3A_8, %add3A_462 : i32
        %mul3A_464 = arith.constant 80 : i32
        %mul3A_465 = arith.muli %add3A_463, %mul3A_464 : i32
        %dma_start3A_466 = arith.constant 0 : i32
        %dma_start3A_467 = arith.constant 0 : i32
        %dma_start3A_468 = tpu.memref_slice %arg7[%dma_start3A_466, %dma_start3A_467] : memref<4x80xi32, #tpu.memory_space<vmem>> -> memref<1x80xi32, #tpu.memory_space<vmem>>
        %dma_start3A_469 = tpu.memref_squeeze %dma_start3A_468 : memref<1x80xi32, #tpu.memory_space<vmem>> -> memref<80xi32, #tpu.memory_space<vmem>>
        %dma_start3A_470 = tpu.memref_slice %arg3[%mul3A_465] : memref<320000xi32, #tpu.memory_space<hbm>> -> memref<80xi32, #tpu.memory_space<hbm>>
        %dma_start3A_471 = arith.constant 0 : i32
        %dma_start3A_472 = tpu.memref_slice %arg7[%dma_start3A_466, %dma_start3A_471] : memref<4x80xi32, #tpu.memory_space<vmem>> -> memref<1x80xi32, #tpu.memory_space<vmem>>
        %dma_start3A_473 = tpu.memref_squeeze %dma_start3A_472 : memref<1x80xi32, #tpu.memory_space<vmem>> -> memref<80xi32, #tpu.memory_space<vmem>>
        %dma_start3A_474 = tpu.memref_slice %arg3[%mul3A_465] : memref<320000xi32, #tpu.memory_space<hbm>> -> memref<80xi32, #tpu.memory_space<hbm>>
        tpu.enqueue_dma source(%dma_start3A_474 : memref<80xi32, #tpu.memory_space<hbm>>) target(%dma_start3A_473 : memref<80xi32, #tpu.memory_space<vmem>>) target_semaphore(%arg15 : memref<!tpu.dma_semaphore, #tpu.memory_space<semaphore_mem>>)
      } else {
      }
      %add3A_314 = arith.constant 1 : i32
      %add3A_315 = arith.addi %mul3A_266, %add3A_314 : i32
      %dma_wait3A_316 = arith.constant 1 : i32
      %dma_wait3A_317 = arith.constant 1 : i32
      %dma_wait3A_318 = arith.constant 0 : i32
      %dma_wait3A_319 = arith.constant 0 : i32
      %dma_wait3A_320 = tpu.memref_slice %arg9[%dma_wait3A_317, %dma_wait3A_318, %dma_wait3A_319] : memref<4x80x128xf32, #tpu.memory_space<vmem>> -> memref<1x80x128xf32, #tpu.memory_space<vmem>>
      %dma_wait3A_321 = tpu.memref_squeeze %dma_wait3A_320 : memref<1x80x128xf32, #tpu.memory_space<vmem>> -> memref<80x128xf32, #tpu.memory_space<vmem>>
      %dma_wait3A_322 = arith.constant 0 : i32
      %dma_wait3A_323 = tpu.memref_slice %arg7[%dma_wait3A_316, %dma_wait3A_322] : memref<4x80xi32, #tpu.memory_space<vmem>> -> memref<1x80xi32, #tpu.memory_space<vmem>>
      %dma_wait3A_324 = tpu.memref_squeeze %dma_wait3A_323 : memref<1x80xi32, #tpu.memory_space<vmem>> -> memref<80xi32, #tpu.memory_space<vmem>>
      %dma_wait3A_325 = arith.constant 0 : i32
      %dma_wait3A_326 = arith.constant 0 : i32
      %dma_wait3A_327 = tpu.memref_slice %arg2[%dma_wait3A_325, %dma_wait3A_326] : memref<10000x128xf32, #tpu.memory_space<hbm>> -> memref<10000x128xf32, #tpu.memory_space<hbm>>
      tpu.wait_indirect_dma semaphore(%arg12 : memref<!tpu.dma_semaphore, #tpu.memory_space<semaphore_mem>>) src(%dma_wait3A_327 : memref<10000x128xf32, #tpu.memory_space<hbm>>) dst(%dma_wait3A_321 : memref<80x128xf32, #tpu.memory_space<vmem>>)
      %dma_wait3A_328 = arith.constant 1 : i32
      %dma_wait3A_329 = arith.constant 0 : i32
      %dma_wait3A_330 = tpu.memref_slice %arg8[%dma_wait3A_328, %dma_wait3A_329] : memref<4x80xi32, #tpu.memory_space<vmem>> -> memref<1x80xi32, #tpu.memory_space<vmem>>
      %dma_wait3A_331 = tpu.memref_squeeze %dma_wait3A_330 : memref<1x80xi32, #tpu.memory_space<vmem>> -> memref<80xi32, #tpu.memory_space<vmem>>
      %dma_wait3A_332 = arith.constant 0 : i32
      %dma_wait3A_333 = tpu.memref_slice %arg4[%dma_wait3A_332] : memref<320000xi32, #tpu.memory_space<hbm>> -> memref<80xi32, #tpu.memory_space<hbm>>
      %dma_wait3A_334 = arith.constant 0 : i32
      %dma_wait3A_335 = tpu.memref_slice %arg8[%dma_wait3A_328, %dma_wait3A_334] : memref<4x80xi32, #tpu.memory_space<vmem>> -> memref<1x80xi32, #tpu.memory_space<vmem>>
      %dma_wait3A_336 = tpu.memref_squeeze %dma_wait3A_335 : memref<1x80xi32, #tpu.memory_space<vmem>> -> memref<80xi32, #tpu.memory_space<vmem>>
      %dma_wait3A_337 = arith.constant 0 : i32
      %dma_wait3A_338 = tpu.memref_slice %arg4[%dma_wait3A_337] : memref<320000xi32, #tpu.memory_space<hbm>> -> memref<80xi32, #tpu.memory_space<hbm>>
      tpu.wait_dma2 semaphore(%arg20 : memref<!tpu.dma_semaphore, #tpu.memory_space<semaphore_mem>>) src(%dma_wait3A_338 : memref<80xi32, #tpu.memory_space<hbm>>) dst(%dma_wait3A_336 : memref<80xi32, #tpu.memory_space<vmem>>)
      %dma_start3A_339 = arith.constant 1 : i32
      %dma_start3A_340 = arith.constant 1 : i32
      %dma_start3A_341 = arith.constant 0 : i32
      %dma_start3A_342 = arith.constant 0 : i32
      %dma_start3A_343 = tpu.memref_slice %arg9[%dma_start3A_339, %dma_start3A_341, %dma_start3A_342] : memref<4x80x128xf32, #tpu.memory_space<vmem>> -> memref<1x80x128xf32, #tpu.memory_space<vmem>>
      %dma_start3A_344 = tpu.memref_squeeze %dma_start3A_343 : memref<1x80x128xf32, #tpu.memory_space<vmem>> -> memref<80x128xf32, #tpu.memory_space<vmem>>
      %dma_start3A_345 = arith.constant 0 : i32
      %dma_start3A_346 = tpu.memref_slice %arg8[%dma_start3A_340, %dma_start3A_345] : memref<4x80xi32, #tpu.memory_space<vmem>> -> memref<1x80xi32, #tpu.memory_space<vmem>>
      %dma_start3A_347 = tpu.memref_squeeze %dma_start3A_346 : memref<1x80xi32, #tpu.memory_space<vmem>> -> memref<80xi32, #tpu.memory_space<vmem>>
      %dma_start3A_348 = arith.constant 0 : i32
      %dma_start3A_349 = arith.constant 0 : i32
      %dma_start3A_350 = tpu.memref_slice %arg10[%dma_start3A_348, %dma_start3A_349] : memref<10112x128xf32, #tpu.memory_space<vmem_shared>> -> memref<10112x128xf32, #tpu.memory_space<vmem_shared>>
      tpu.enqueue_indirect_dma source(%dma_start3A_344 : memref<80x128xf32, #tpu.memory_space<vmem>>) target(%dma_start3A_350 : memref<10112x128xf32, #tpu.memory_space<vmem_shared>>) offsets(%dma_start3A_347 : memref<80xi32, #tpu.memory_space<vmem>>) semaphore(%arg24 : memref<!tpu.dma_semaphore, #tpu.memory_space<semaphore_mem>>) {add = true}
      %add3A_351 = arith.constant 2 : i32
      %add3A_352 = arith.addi %add3A_315, %add3A_351 : i32
      %lt3A_353 = arith.cmpi slt, %add3A_352, %add3A_4 : i32
      %convert_element_type3A_354 = arith.extui %lt3A_353 : i1 to i32
      %cond3A_355 = arith.constant 0 : i32
      %cond3A_356 = arith.cmpi ne, %convert_element_type3A_354, %cond3A_355 : i32
      scf.if %cond3A_356 {
        %ge3A = arith.constant 2 : i32
        %ge3A_461 = arith.cmpi sge, %add3A_315, %ge3A : i32
        %convert_element_type3A_462 = arith.extui %ge3A_461 : i1 to i32
        %cond3A_463 = arith.constant 0 : i32
        %cond3A_464 = arith.cmpi ne, %convert_element_type3A_462, %cond3A_463 : i32
        scf.if %cond3A_464 {
          %dma_wait3A_488 = arith.constant 3 : i32
          %dma_wait3A_489 = arith.constant 3 : i32
          %dma_wait3A_490 = arith.constant 0 : i32
          %dma_wait3A_491 = arith.constant 0 : i32
          %dma_wait3A_492 = tpu.memref_slice %arg9[%dma_wait3A_488, %dma_wait3A_490, %dma_wait3A_491] : memref<4x80x128xf32, #tpu.memory_space<vmem>> -> memref<1x80x128xf32, #tpu.memory_space<vmem>>
          %dma_wait3A_493 = tpu.memref_squeeze %dma_wait3A_492 : memref<1x80x128xf32, #tpu.memory_space<vmem>> -> memref<80x128xf32, #tpu.memory_space<vmem>>
          %dma_wait3A_494 = arith.constant 0 : i32
          %dma_wait3A_495 = tpu.memref_slice %arg8[%dma_wait3A_489, %dma_wait3A_494] : memref<4x80xi32, #tpu.memory_space<vmem>> -> memref<1x80xi32, #tpu.memory_space<vmem>>
          %dma_wait3A_496 = tpu.memref_squeeze %dma_wait3A_495 : memref<1x80xi32, #tpu.memory_space<vmem>> -> memref<80xi32, #tpu.memory_space<vmem>>
          %dma_wait3A_497 = arith.constant 0 : i32
          %dma_wait3A_498 = arith.constant 0 : i32
          %dma_wait3A_499 = tpu.memref_slice %arg10[%dma_wait3A_497, %dma_wait3A_498] : memref<10112x128xf32, #tpu.memory_space<vmem_shared>> -> memref<10112x128xf32, #tpu.memory_space<vmem_shared>>
          tpu.wait_indirect_dma semaphore(%arg26 : memref<!tpu.dma_semaphore, #tpu.memory_space<semaphore_mem>>) src(%dma_wait3A_493 : memref<80x128xf32, #tpu.memory_space<vmem>>) dst(%dma_wait3A_499 : memref<10112x128xf32, #tpu.memory_space<vmem_shared>>)
          %add3A_500 = arith.constant 2 : i32
          %add3A_501 = arith.addi %add3A_315, %add3A_500 : i32
          %add3A_502 = arith.addi %add3A_8, %add3A_501 : i32
          %mul3A_503 = arith.constant 80 : i32
          %mul3A_504 = arith.muli %add3A_502, %mul3A_503 : i32
          %dma_start3A_505 = arith.constant 3 : i32
          %dma_start3A_506 = arith.constant 0 : i32
          %dma_start3A_507 = tpu.memref_slice %arg8[%dma_start3A_505, %dma_start3A_506] : memref<4x80xi32, #tpu.memory_space<vmem>> -> memref<1x80xi32, #tpu.memory_space<vmem>>
          %dma_start3A_508 = tpu.memref_squeeze %dma_start3A_507 : memref<1x80xi32, #tpu.memory_space<vmem>> -> memref<80xi32, #tpu.memory_space<vmem>>
          %dma_start3A_509 = tpu.memref_slice %arg4[%mul3A_504] : memref<320000xi32, #tpu.memory_space<hbm>> -> memref<80xi32, #tpu.memory_space<hbm>>
          %dma_start3A_510 = arith.constant 0 : i32
          %dma_start3A_511 = tpu.memref_slice %arg8[%dma_start3A_505, %dma_start3A_510] : memref<4x80xi32, #tpu.memory_space<vmem>> -> memref<1x80xi32, #tpu.memory_space<vmem>>
          %dma_start3A_512 = tpu.memref_squeeze %dma_start3A_511 : memref<1x80xi32, #tpu.memory_space<vmem>> -> memref<80xi32, #tpu.memory_space<vmem>>
          %dma_start3A_513 = tpu.memref_slice %arg4[%mul3A_504] : memref<320000xi32, #tpu.memory_space<hbm>> -> memref<80xi32, #tpu.memory_space<hbm>>
          tpu.enqueue_dma source(%dma_start3A_513 : memref<80xi32, #tpu.memory_space<hbm>>) target(%dma_start3A_512 : memref<80xi32, #tpu.memory_space<vmem>>) target_semaphore(%arg22 : memref<!tpu.dma_semaphore, #tpu.memory_space<semaphore_mem>>)
        } else {
        }
        %dma_wait3A_465 = arith.constant 3 : i32
        %dma_wait3A_466 = arith.constant 0 : i32
        %dma_wait3A_467 = tpu.memref_slice %arg7[%dma_wait3A_465, %dma_wait3A_466] : memref<4x80xi32, #tpu.memory_space<vmem>> -> memref<1x80xi32, #tpu.memory_space<vmem>>
        %dma_wait3A_468 = tpu.memref_squeeze %dma_wait3A_467 : memref<1x80xi32, #tpu.memory_space<vmem>> -> memref<80xi32, #tpu.memory_space<vmem>>
        %dma_wait3A_469 = arith.constant 0 : i32
        %dma_wait3A_470 = tpu.memref_slice %arg3[%dma_wait3A_469] : memref<320000xi32, #tpu.memory_space<hbm>> -> memref<80xi32, #tpu.memory_space<hbm>>
        %dma_wait3A_471 = arith.constant 0 : i32
        %dma_wait3A_472 = tpu.memref_slice %arg7[%dma_wait3A_465, %dma_wait3A_471] : memref<4x80xi32, #tpu.memory_space<vmem>> -> memref<1x80xi32, #tpu.memory_space<vmem>>
        %dma_wait3A_473 = tpu.memref_squeeze %dma_wait3A_472 : memref<1x80xi32, #tpu.memory_space<vmem>> -> memref<80xi32, #tpu.memory_space<vmem>>
        %dma_wait3A_474 = arith.constant 0 : i32
        %dma_wait3A_475 = tpu.memref_slice %arg3[%dma_wait3A_474] : memref<320000xi32, #tpu.memory_space<hbm>> -> memref<80xi32, #tpu.memory_space<hbm>>
        tpu.wait_dma2 semaphore(%arg18 : memref<!tpu.dma_semaphore, #tpu.memory_space<semaphore_mem>>) src(%dma_wait3A_475 : memref<80xi32, #tpu.memory_space<hbm>>) dst(%dma_wait3A_473 : memref<80xi32, #tpu.memory_space<vmem>>)
        %dma_start3A_476 = arith.constant 3 : i32
        %dma_start3A_477 = arith.constant 3 : i32
        %dma_start3A_478 = arith.constant 0 : i32
        %dma_start3A_479 = arith.constant 0 : i32
        %dma_start3A_480 = tpu.memref_slice %arg9[%dma_start3A_477, %dma_start3A_478, %dma_start3A_479] : memref<4x80x128xf32, #tpu.memory_space<vmem>> -> memref<1x80x128xf32, #tpu.memory_space<vmem>>
        %dma_start3A_481 = tpu.memref_squeeze %dma_start3A_480 : memref<1x80x128xf32, #tpu.memory_space<vmem>> -> memref<80x128xf32, #tpu.memory_space<vmem>>
        %dma_start3A_482 = arith.constant 0 : i32
        %dma_start3A_483 = tpu.memref_slice %arg7[%dma_start3A_476, %dma_start3A_482] : memref<4x80xi32, #tpu.memory_space<vmem>> -> memref<1x80xi32, #tpu.memory_space<vmem>>
        %dma_start3A_484 = tpu.memref_squeeze %dma_start3A_483 : memref<1x80xi32, #tpu.memory_space<vmem>> -> memref<80xi32, #tpu.memory_space<vmem>>
        %dma_start3A_485 = arith.constant 0 : i32
        %dma_start3A_486 = arith.constant 0 : i32
        %dma_start3A_487 = tpu.memref_slice %arg2[%dma_start3A_485, %dma_start3A_486] : memref<10000x128xf32, #tpu.memory_space<hbm>> -> memref<10000x128xf32, #tpu.memory_space<hbm>>
        tpu.enqueue_indirect_dma source(%dma_start3A_487 : memref<10000x128xf32, #tpu.memory_space<hbm>>) target(%dma_start3A_481 : memref<80x128xf32, #tpu.memory_space<vmem>>) offsets(%dma_start3A_484 : memref<80xi32, #tpu.memory_space<vmem>>) semaphore(%arg14 : memref<!tpu.dma_semaphore, #tpu.memory_space<semaphore_mem>>)
      } else {
      }
      %add3A_357 = arith.constant 4 : i32
      %add3A_358 = arith.addi %add3A_315, %add3A_357 : i32
      %lt3A_359 = arith.cmpi slt, %add3A_358, %add3A_4 : i32
      %convert_element_type3A_360 = arith.extui %lt3A_359 : i1 to i32
      %cond3A_361 = arith.constant 0 : i32
      %cond3A_362 = arith.cmpi ne, %convert_element_type3A_360, %cond3A_361 : i32
      scf.if %cond3A_362 {
        %add3A_461 = arith.constant 4 : i32
        %add3A_462 = arith.addi %add3A_315, %add3A_461 : i32
        %add3A_463 = arith.addi %add3A_8, %add3A_462 : i32
        %mul3A_464 = arith.constant 80 : i32
        %mul3A_465 = arith.muli %add3A_463, %mul3A_464 : i32
        %dma_start3A_466 = arith.constant 1 : i32
        %dma_start3A_467 = arith.constant 0 : i32
        %dma_start3A_468 = tpu.memref_slice %arg7[%dma_start3A_466, %dma_start3A_467] : memref<4x80xi32, #tpu.memory_space<vmem>> -> memref<1x80xi32, #tpu.memory_space<vmem>>
        %dma_start3A_469 = tpu.memref_squeeze %dma_start3A_468 : memref<1x80xi32, #tpu.memory_space<vmem>> -> memref<80xi32, #tpu.memory_space<vmem>>
        %dma_start3A_470 = tpu.memref_slice %arg3[%mul3A_465] : memref<320000xi32, #tpu.memory_space<hbm>> -> memref<80xi32, #tpu.memory_space<hbm>>
        %dma_start3A_471 = arith.constant 0 : i32
        %dma_start3A_472 = tpu.memref_slice %arg7[%dma_start3A_466, %dma_start3A_471] : memref<4x80xi32, #tpu.memory_space<vmem>> -> memref<1x80xi32, #tpu.memory_space<vmem>>
        %dma_start3A_473 = tpu.memref_squeeze %dma_start3A_472 : memref<1x80xi32, #tpu.memory_space<vmem>> -> memref<80xi32, #tpu.memory_space<vmem>>
        %dma_start3A_474 = tpu.memref_slice %arg3[%mul3A_465] : memref<320000xi32, #tpu.memory_space<hbm>> -> memref<80xi32, #tpu.memory_space<hbm>>
        tpu.enqueue_dma source(%dma_start3A_474 : memref<80xi32, #tpu.memory_space<hbm>>) target(%dma_start3A_473 : memref<80xi32, #tpu.memory_space<vmem>>) target_semaphore(%arg16 : memref<!tpu.dma_semaphore, #tpu.memory_space<semaphore_mem>>)
      } else {
      }
      %add3A_363 = arith.constant 2 : i32
      %add3A_364 = arith.addi %mul3A_266, %add3A_363 : i32
      %dma_wait3A_365 = arith.constant 2 : i32
      %dma_wait3A_366 = arith.constant 2 : i32
      %dma_wait3A_367 = arith.constant 0 : i32
      %dma_wait3A_368 = arith.constant 0 : i32
      %dma_wait3A_369 = tpu.memref_slice %arg9[%dma_wait3A_366, %dma_wait3A_367, %dma_wait3A_368] : memref<4x80x128xf32, #tpu.memory_space<vmem>> -> memref<1x80x128xf32, #tpu.memory_space<vmem>>
      %dma_wait3A_370 = tpu.memref_squeeze %dma_wait3A_369 : memref<1x80x128xf32, #tpu.memory_space<vmem>> -> memref<80x128xf32, #tpu.memory_space<vmem>>
      %dma_wait3A_371 = arith.constant 0 : i32
      %dma_wait3A_372 = tpu.memref_slice %arg7[%dma_wait3A_365, %dma_wait3A_371] : memref<4x80xi32, #tpu.memory_space<vmem>> -> memref<1x80xi32, #tpu.memory_space<vmem>>
      %dma_wait3A_373 = tpu.memref_squeeze %dma_wait3A_372 : memref<1x80xi32, #tpu.memory_space<vmem>> -> memref<80xi32, #tpu.memory_space<vmem>>
      %dma_wait3A_374 = arith.constant 0 : i32
      %dma_wait3A_375 = arith.constant 0 : i32
      %dma_wait3A_376 = tpu.memref_slice %arg2[%dma_wait3A_374, %dma_wait3A_375] : memref<10000x128xf32, #tpu.memory_space<hbm>> -> memref<10000x128xf32, #tpu.memory_space<hbm>>
      tpu.wait_indirect_dma semaphore(%arg13 : memref<!tpu.dma_semaphore, #tpu.memory_space<semaphore_mem>>) src(%dma_wait3A_376 : memref<10000x128xf32, #tpu.memory_space<hbm>>) dst(%dma_wait3A_370 : memref<80x128xf32, #tpu.memory_space<vmem>>)
      %dma_wait3A_377 = arith.constant 2 : i32
      %dma_wait3A_378 = arith.constant 0 : i32
      %dma_wait3A_379 = tpu.memref_slice %arg8[%dma_wait3A_377, %dma_wait3A_378] : memref<4x80xi32, #tpu.memory_space<vmem>> -> memref<1x80xi32, #tpu.memory_space<vmem>>
      %dma_wait3A_380 = tpu.memref_squeeze %dma_wait3A_379 : memref<1x80xi32, #tpu.memory_space<vmem>> -> memref<80xi32, #tpu.memory_space<vmem>>
      %dma_wait3A_381 = arith.constant 0 : i32
      %dma_wait3A_382 = tpu.memref_slice %arg4[%dma_wait3A_381] : memref<320000xi32, #tpu.memory_space<hbm>> -> memref<80xi32, #tpu.memory_space<hbm>>
      %dma_wait3A_383 = arith.constant 0 : i32
      %dma_wait3A_384 = tpu.memref_slice %arg8[%dma_wait3A_377, %dma_wait3A_383] : memref<4x80xi32, #tpu.memory_space<vmem>> -> memref<1x80xi32, #tpu.memory_space<vmem>>
      %dma_wait3A_385 = tpu.memref_squeeze %dma_wait3A_384 : memref<1x80xi32, #tpu.memory_space<vmem>> -> memref<80xi32, #tpu.memory_space<vmem>>
      %dma_wait3A_386 = arith.constant 0 : i32
      %dma_wait3A_387 = tpu.memref_slice %arg4[%dma_wait3A_386] : memref<320000xi32, #tpu.memory_space<hbm>> -> memref<80xi32, #tpu.memory_space<hbm>>
      tpu.wait_dma2 semaphore(%arg21 : memref<!tpu.dma_semaphore, #tpu.memory_space<semaphore_mem>>) src(%dma_wait3A_387 : memref<80xi32, #tpu.memory_space<hbm>>) dst(%dma_wait3A_385 : memref<80xi32, #tpu.memory_space<vmem>>)
      %dma_start3A_388 = arith.constant 2 : i32
      %dma_start3A_389 = arith.constant 2 : i32
      %dma_start3A_390 = arith.constant 0 : i32
      %dma_start3A_391 = arith.constant 0 : i32
      %dma_start3A_392 = tpu.memref_slice %arg9[%dma_start3A_388, %dma_start3A_390, %dma_start3A_391] : memref<4x80x128xf32, #tpu.memory_space<vmem>> -> memref<1x80x128xf32, #tpu.memory_space<vmem>>
      %dma_start3A_393 = tpu.memref_squeeze %dma_start3A_392 : memref<1x80x128xf32, #tpu.memory_space<vmem>> -> memref<80x128xf32, #tpu.memory_space<vmem>>
      %dma_start3A_394 = arith.constant 0 : i32
      %dma_start3A_395 = tpu.memref_slice %arg8[%dma_start3A_389, %dma_start3A_394] : memref<4x80xi32, #tpu.memory_space<vmem>> -> memref<1x80xi32, #tpu.memory_space<vmem>>
      %dma_start3A_396 = tpu.memref_squeeze %dma_start3A_395 : memref<1x80xi32, #tpu.memory_space<vmem>> -> memref<80xi32, #tpu.memory_space<vmem>>
      %dma_start3A_397 = arith.constant 0 : i32
      %dma_start3A_398 = arith.constant 0 : i32
      %dma_start3A_399 = tpu.memref_slice %arg10[%dma_start3A_397, %dma_start3A_398] : memref<10112x128xf32, #tpu.memory_space<vmem_shared>> -> memref<10112x128xf32, #tpu.memory_space<vmem_shared>>
      tpu.enqueue_indirect_dma source(%dma_start3A_393 : memref<80x128xf32, #tpu.memory_space<vmem>>) target(%dma_start3A_399 : memref<10112x128xf32, #tpu.memory_space<vmem_shared>>) offsets(%dma_start3A_396 : memref<80xi32, #tpu.memory_space<vmem>>) semaphore(%arg25 : memref<!tpu.dma_semaphore, #tpu.memory_space<semaphore_mem>>) {add = true}
      %add3A_400 = arith.constant 2 : i32
      %add3A_401 = arith.addi %add3A_364, %add3A_400 : i32
      %lt3A_402 = arith.cmpi slt, %add3A_401, %add3A_4 : i32
      %convert_element_type3A_403 = arith.extui %lt3A_402 : i1 to i32
      %cond3A_404 = arith.constant 0 : i32
      %cond3A_405 = arith.cmpi ne, %convert_element_type3A_403, %cond3A_404 : i32
      scf.if %cond3A_405 {
        %ge3A = arith.constant 2 : i32
        %ge3A_461 = arith.cmpi sge, %add3A_364, %ge3A : i32
        %convert_element_type3A_462 = arith.extui %ge3A_461 : i1 to i32
        %cond3A_463 = arith.constant 0 : i32
        %cond3A_464 = arith.cmpi ne, %convert_element_type3A_462, %cond3A_463 : i32
        scf.if %cond3A_464 {
          %dma_wait3A_488 = arith.constant 0 : i32
          %dma_wait3A_489 = arith.constant 0 : i32
          %dma_wait3A_490 = arith.constant 0 : i32
          %dma_wait3A_491 = arith.constant 0 : i32
          %dma_wait3A_492 = tpu.memref_slice %arg9[%dma_wait3A_488, %dma_wait3A_490, %dma_wait3A_491] : memref<4x80x128xf32, #tpu.memory_space<vmem>> -> memref<1x80x128xf32, #tpu.memory_space<vmem>>
          %dma_wait3A_493 = tpu.memref_squeeze %dma_wait3A_492 : memref<1x80x128xf32, #tpu.memory_space<vmem>> -> memref<80x128xf32, #tpu.memory_space<vmem>>
          %dma_wait3A_494 = arith.constant 0 : i32
          %dma_wait3A_495 = tpu.memref_slice %arg8[%dma_wait3A_489, %dma_wait3A_494] : memref<4x80xi32, #tpu.memory_space<vmem>> -> memref<1x80xi32, #tpu.memory_space<vmem>>
          %dma_wait3A_496 = tpu.memref_squeeze %dma_wait3A_495 : memref<1x80xi32, #tpu.memory_space<vmem>> -> memref<80xi32, #tpu.memory_space<vmem>>
          %dma_wait3A_497 = arith.constant 0 : i32
          %dma_wait3A_498 = arith.constant 0 : i32
          %dma_wait3A_499 = tpu.memref_slice %arg10[%dma_wait3A_497, %dma_wait3A_498] : memref<10112x128xf32, #tpu.memory_space<vmem_shared>> -> memref<10112x128xf32, #tpu.memory_space<vmem_shared>>
          tpu.wait_indirect_dma semaphore(%arg23 : memref<!tpu.dma_semaphore, #tpu.memory_space<semaphore_mem>>) src(%dma_wait3A_493 : memref<80x128xf32, #tpu.memory_space<vmem>>) dst(%dma_wait3A_499 : memref<10112x128xf32, #tpu.memory_space<vmem_shared>>)
          %add3A_500 = arith.constant 2 : i32
          %add3A_501 = arith.addi %add3A_364, %add3A_500 : i32
          %add3A_502 = arith.addi %add3A_8, %add3A_501 : i32
          %mul3A_503 = arith.constant 80 : i32
          %mul3A_504 = arith.muli %add3A_502, %mul3A_503 : i32
          %dma_start3A_505 = arith.constant 0 : i32
          %dma_start3A_506 = arith.constant 0 : i32
          %dma_start3A_507 = tpu.memref_slice %arg8[%dma_start3A_505, %dma_start3A_506] : memref<4x80xi32, #tpu.memory_space<vmem>> -> memref<1x80xi32, #tpu.memory_space<vmem>>
          %dma_start3A_508 = tpu.memref_squeeze %dma_start3A_507 : memref<1x80xi32, #tpu.memory_space<vmem>> -> memref<80xi32, #tpu.memory_space<vmem>>
          %dma_start3A_509 = tpu.memref_slice %arg4[%mul3A_504] : memref<320000xi32, #tpu.memory_space<hbm>> -> memref<80xi32, #tpu.memory_space<hbm>>
          %dma_start3A_510 = arith.constant 0 : i32
          %dma_start3A_511 = tpu.memref_slice %arg8[%dma_start3A_505, %dma_start3A_510] : memref<4x80xi32, #tpu.memory_space<vmem>> -> memref<1x80xi32, #tpu.memory_space<vmem>>
          %dma_start3A_512 = tpu.memref_squeeze %dma_start3A_511 : memref<1x80xi32, #tpu.memory_space<vmem>> -> memref<80xi32, #tpu.memory_space<vmem>>
          %dma_start3A_513 = tpu.memref_slice %arg4[%mul3A_504] : memref<320000xi32, #tpu.memory_space<hbm>> -> memref<80xi32, #tpu.memory_space<hbm>>
          tpu.enqueue_dma source(%dma_start3A_513 : memref<80xi32, #tpu.memory_space<hbm>>) target(%dma_start3A_512 : memref<80xi32, #tpu.memory_space<vmem>>) target_semaphore(%arg19 : memref<!tpu.dma_semaphore, #tpu.memory_space<semaphore_mem>>)
        } else {
        }
        %dma_wait3A_465 = arith.constant 0 : i32
        %dma_wait3A_466 = arith.constant 0 : i32
        %dma_wait3A_467 = tpu.memref_slice %arg7[%dma_wait3A_465, %dma_wait3A_466] : memref<4x80xi32, #tpu.memory_space<vmem>> -> memref<1x80xi32, #tpu.memory_space<vmem>>
        %dma_wait3A_468 = tpu.memref_squeeze %dma_wait3A_467 : memref<1x80xi32, #tpu.memory_space<vmem>> -> memref<80xi32, #tpu.memory_space<vmem>>
        %dma_wait3A_469 = arith.constant 0 : i32
        %dma_wait3A_470 = tpu.memref_slice %arg3[%dma_wait3A_469] : memref<320000xi32, #tpu.memory_space<hbm>> -> memref<80xi32, #tpu.memory_space<hbm>>
        %dma_wait3A_471 = arith.constant 0 : i32
        %dma_wait3A_472 = tpu.memref_slice %arg7[%dma_wait3A_465, %dma_wait3A_471] : memref<4x80xi32, #tpu.memory_space<vmem>> -> memref<1x80xi32, #tpu.memory_space<vmem>>
        %dma_wait3A_473 = tpu.memref_squeeze %dma_wait3A_472 : memref<1x80xi32, #tpu.memory_space<vmem>> -> memref<80xi32, #tpu.memory_space<vmem>>
        %dma_wait3A_474 = arith.constant 0 : i32
        %dma_wait3A_475 = tpu.memref_slice %arg3[%dma_wait3A_474] : memref<320000xi32, #tpu.memory_space<hbm>> -> memref<80xi32, #tpu.memory_space<hbm>>
        tpu.wait_dma2 semaphore(%arg15 : memref<!tpu.dma_semaphore, #tpu.memory_space<semaphore_mem>>) src(%dma_wait3A_475 : memref<80xi32, #tpu.memory_space<hbm>>) dst(%dma_wait3A_473 : memref<80xi32, #tpu.memory_space<vmem>>)
        %dma_start3A_476 = arith.constant 0 : i32
        %dma_start3A_477 = arith.constant 0 : i32
        %dma_start3A_478 = arith.constant 0 : i32
        %dma_start3A_479 = arith.constant 0 : i32
        %dma_start3A_480 = tpu.memref_slice %arg9[%dma_start3A_477, %dma_start3A_478, %dma_start3A_479] : memref<4x80x128xf32, #tpu.memory_space<vmem>> -> memref<1x80x128xf32, #tpu.memory_space<vmem>>
        %dma_start3A_481 = tpu.memref_squeeze %dma_start3A_480 : memref<1x80x128xf32, #tpu.memory_space<vmem>> -> memref<80x128xf32, #tpu.memory_space<vmem>>
        %dma_start3A_482 = arith.constant 0 : i32
        %dma_start3A_483 = tpu.memref_slice %arg7[%dma_start3A_476, %dma_start3A_482] : memref<4x80xi32, #tpu.memory_space<vmem>> -> memref<1x80xi32, #tpu.memory_space<vmem>>
        %dma_start3A_484 = tpu.memref_squeeze %dma_start3A_483 : memref<1x80xi32, #tpu.memory_space<vmem>> -> memref<80xi32, #tpu.memory_space<vmem>>
        %dma_start3A_485 = arith.constant 0 : i32
        %dma_start3A_486 = arith.constant 0 : i32
        %dma_start3A_487 = tpu.memref_slice %arg2[%dma_start3A_485, %dma_start3A_486] : memref<10000x128xf32, #tpu.memory_space<hbm>> -> memref<10000x128xf32, #tpu.memory_space<hbm>>
        tpu.enqueue_indirect_dma source(%dma_start3A_487 : memref<10000x128xf32, #tpu.memory_space<hbm>>) target(%dma_start3A_481 : memref<80x128xf32, #tpu.memory_space<vmem>>) offsets(%dma_start3A_484 : memref<80xi32, #tpu.memory_space<vmem>>) semaphore(%arg11 : memref<!tpu.dma_semaphore, #tpu.memory_space<semaphore_mem>>)
      } else {
      }
      %add3A_406 = arith.constant 4 : i32
      %add3A_407 = arith.addi %add3A_364, %add3A_406 : i32
      %lt3A_408 = arith.cmpi slt, %add3A_407, %add3A_4 : i32
      %convert_element_type3A_409 = arith.extui %lt3A_408 : i1 to i32
      %cond3A_410 = arith.constant 0 : i32
      %cond3A_411 = arith.cmpi ne, %convert_element_type3A_409, %cond3A_410 : i32
      scf.if %cond3A_411 {
        %add3A_461 = arith.constant 4 : i32
        %add3A_462 = arith.addi %add3A_364, %add3A_461 : i32
        %add3A_463 = arith.addi %add3A_8, %add3A_462 : i32
        %mul3A_464 = arith.constant 80 : i32
        %mul3A_465 = arith.muli %add3A_463, %mul3A_464 : i32
        %dma_start3A_466 = arith.constant 2 : i32
        %dma_start3A_467 = arith.constant 0 : i32
        %dma_start3A_468 = tpu.memref_slice %arg7[%dma_start3A_466, %dma_start3A_467] : memref<4x80xi32, #tpu.memory_space<vmem>> -> memref<1x80xi32, #tpu.memory_space<vmem>>
        %dma_start3A_469 = tpu.memref_squeeze %dma_start3A_468 : memref<1x80xi32, #tpu.memory_space<vmem>> -> memref<80xi32, #tpu.memory_space<vmem>>
        %dma_start3A_470 = tpu.memref_slice %arg3[%mul3A_465] : memref<320000xi32, #tpu.memory_space<hbm>> -> memref<80xi32, #tpu.memory_space<hbm>>
        %dma_start3A_471 = arith.constant 0 : i32
        %dma_start3A_472 = tpu.memref_slice %arg7[%dma_start3A_466, %dma_start3A_471] : memref<4x80xi32, #tpu.memory_space<vmem>> -> memref<1x80xi32, #tpu.memory_space<vmem>>
        %dma_start3A_473 = tpu.memref_squeeze %dma_start3A_472 : memref<1x80xi32, #tpu.memory_space<vmem>> -> memref<80xi32, #tpu.memory_space<vmem>>
        %dma_start3A_474 = tpu.memref_slice %arg3[%mul3A_465] : memref<320000xi32, #tpu.memory_space<hbm>> -> memref<80xi32, #tpu.memory_space<hbm>>
        tpu.enqueue_dma source(%dma_start3A_474 : memref<80xi32, #tpu.memory_space<hbm>>) target(%dma_start3A_473 : memref<80xi32, #tpu.memory_space<vmem>>) target_semaphore(%arg17 : memref<!tpu.dma_semaphore, #tpu.memory_space<semaphore_mem>>)
      } else {
      }
      %add3A_412 = arith.constant 3 : i32
      %add3A_413 = arith.addi %mul3A_266, %add3A_412 : i32
      %dma_wait3A_414 = arith.constant 3 : i32
      %dma_wait3A_415 = arith.constant 3 : i32
      %dma_wait3A_416 = arith.constant 0 : i32
      %dma_wait3A_417 = arith.constant 0 : i32
      %dma_wait3A_418 = tpu.memref_slice %arg9[%dma_wait3A_415, %dma_wait3A_416, %dma_wait3A_417] : memref<4x80x128xf32, #tpu.memory_space<vmem>> -> memref<1x80x128xf32, #tpu.memory_space<vmem>>
      %dma_wait3A_419 = tpu.memref_squeeze %dma_wait3A_418 : memref<1x80x128xf32, #tpu.memory_space<vmem>> -> memref<80x128xf32, #tpu.memory_space<vmem>>
      %dma_wait3A_420 = arith.constant 0 : i32
      %dma_wait3A_421 = tpu.memref_slice %arg7[%dma_wait3A_414, %dma_wait3A_420] : memref<4x80xi32, #tpu.memory_space<vmem>> -> memref<1x80xi32, #tpu.memory_space<vmem>>
      %dma_wait3A_422 = tpu.memref_squeeze %dma_wait3A_421 : memref<1x80xi32, #tpu.memory_space<vmem>> -> memref<80xi32, #tpu.memory_space<vmem>>
      %dma_wait3A_423 = arith.constant 0 : i32
      %dma_wait3A_424 = arith.constant 0 : i32
      %dma_wait3A_425 = tpu.memref_slice %arg2[%dma_wait3A_423, %dma_wait3A_424] : memref<10000x128xf32, #tpu.memory_space<hbm>> -> memref<10000x128xf32, #tpu.memory_space<hbm>>
      tpu.wait_indirect_dma semaphore(%arg14 : memref<!tpu.dma_semaphore, #tpu.memory_space<semaphore_mem>>) src(%dma_wait3A_425 : memref<10000x128xf32, #tpu.memory_space<hbm>>) dst(%dma_wait3A_419 : memref<80x128xf32, #tpu.memory_space<vmem>>)
      %dma_wait3A_426 = arith.constant 3 : i32
      %dma_wait3A_427 = arith.constant 0 : i32
      %dma_wait3A_428 = tpu.memref_slice %arg8[%dma_wait3A_426, %dma_wait3A_427] : memref<4x80xi32, #tpu.memory_space<vmem>> -> memref<1x80xi32, #tpu.memory_space<vmem>>
      %dma_wait3A_429 = tpu.memref_squeeze %dma_wait3A_428 : memref<1x80xi32, #tpu.memory_space<vmem>> -> memref<80xi32, #tpu.memory_space<vmem>>
      %dma_wait3A_430 = arith.constant 0 : i32
      %dma_wait3A_431 = tpu.memref_slice %arg4[%dma_wait3A_430] : memref<320000xi32, #tpu.memory_space<hbm>> -> memref<80xi32, #tpu.memory_space<hbm>>
      %dma_wait3A_432 = arith.constant 0 : i32
      %dma_wait3A_433 = tpu.memref_slice %arg8[%dma_wait3A_426, %dma_wait3A_432] : memref<4x80xi32, #tpu.memory_space<vmem>> -> memref<1x80xi32, #tpu.memory_space<vmem>>
      %dma_wait3A_434 = tpu.memref_squeeze %dma_wait3A_433 : memref<1x80xi32, #tpu.memory_space<vmem>> -> memref<80xi32, #tpu.memory_space<vmem>>
      %dma_wait3A_435 = arith.constant 0 : i32
      %dma_wait3A_436 = tpu.memref_slice %arg4[%dma_wait3A_435] : memref<320000xi32, #tpu.memory_space<hbm>> -> memref<80xi32, #tpu.memory_space<hbm>>
      tpu.wait_dma2 semaphore(%arg22 : memref<!tpu.dma_semaphore, #tpu.memory_space<semaphore_mem>>) src(%dma_wait3A_436 : memref<80xi32, #tpu.memory_space<hbm>>) dst(%dma_wait3A_434 : memref<80xi32, #tpu.memory_space<vmem>>)
      %dma_start3A_437 = arith.constant 3 : i32
      %dma_start3A_438 = arith.constant 3 : i32
      %dma_start3A_439 = arith.constant 0 : i32
      %dma_start3A_440 = arith.constant 0 : i32
      %dma_start3A_441 = tpu.memref_slice %arg9[%dma_start3A_437, %dma_start3A_439, %dma_start3A_440] : memref<4x80x128xf32, #tpu.memory_space<vmem>> -> memref<1x80x128xf32, #tpu.memory_space<vmem>>
      %dma_start3A_442 = tpu.memref_squeeze %dma_start3A_441 : memref<1x80x128xf32, #tpu.memory_space<vmem>> -> memref<80x128xf32, #tpu.memory_space<vmem>>
      %dma_start3A_443 = arith.constant 0 : i32
      %dma_start3A_444 = tpu.memref_slice %arg8[%dma_start3A_438, %dma_start3A_443] : memref<4x80xi32, #tpu.memory_space<vmem>> -> memref<1x80xi32, #tpu.memory_space<vmem>>
      %dma_start3A_445 = tpu.memref_squeeze %dma_start3A_444 : memref<1x80xi32, #tpu.memory_space<vmem>> -> memref<80xi32, #tpu.memory_space<vmem>>
      %dma_start3A_446 = arith.constant 0 : i32
      %dma_start3A_447 = arith.constant 0 : i32
      %dma_start3A_448 = tpu.memref_slice %arg10[%dma_start3A_446, %dma_start3A_447] : memref<10112x128xf32, #tpu.memory_space<vmem_shared>> -> memref<10112x128xf32, #tpu.memory_space<vmem_shared>>
      tpu.enqueue_indirect_dma source(%dma_start3A_442 : memref<80x128xf32, #tpu.memory_space<vmem>>) target(%dma_start3A_448 : memref<10112x128xf32, #tpu.memory_space<vmem_shared>>) offsets(%dma_start3A_445 : memref<80xi32, #tpu.memory_space<vmem>>) semaphore(%arg26 : memref<!tpu.dma_semaphore, #tpu.memory_space<semaphore_mem>>) {add = true}
      %add3A_449 = arith.constant 2 : i32
      %add3A_450 = arith.addi %add3A_413, %add3A_449 : i32
      %lt3A_451 = arith.cmpi slt, %add3A_450, %add3A_4 : i32
      %convert_element_type3A_452 = arith.extui %lt3A_451 : i1 to i32
      %cond3A_453 = arith.constant 0 : i32
      %cond3A_454 = arith.cmpi ne, %convert_element_type3A_452, %cond3A_453 : i32
      scf.if %cond3A_454 {
        %ge3A = arith.constant 2 : i32
        %ge3A_461 = arith.cmpi sge, %add3A_413, %ge3A : i32
        %convert_element_type3A_462 = arith.extui %ge3A_461 : i1 to i32
        %cond3A_463 = arith.constant 0 : i32
        %cond3A_464 = arith.cmpi ne, %convert_element_type3A_462, %cond3A_463 : i32
        scf.if %cond3A_464 {
          %dma_wait3A_488 = arith.constant 1 : i32
          %dma_wait3A_489 = arith.constant 1 : i32
          %dma_wait3A_490 = arith.constant 0 : i32
          %dma_wait3A_491 = arith.constant 0 : i32
          %dma_wait3A_492 = tpu.memref_slice %arg9[%dma_wait3A_488, %dma_wait3A_490, %dma_wait3A_491] : memref<4x80x128xf32, #tpu.memory_space<vmem>> -> memref<1x80x128xf32, #tpu.memory_space<vmem>>
          %dma_wait3A_493 = tpu.memref_squeeze %dma_wait3A_492 : memref<1x80x128xf32, #tpu.memory_space<vmem>> -> memref<80x128xf32, #tpu.memory_space<vmem>>
          %dma_wait3A_494 = arith.constant 0 : i32
          %dma_wait3A_495 = tpu.memref_slice %arg8[%dma_wait3A_489, %dma_wait3A_494] : memref<4x80xi32, #tpu.memory_space<vmem>> -> memref<1x80xi32, #tpu.memory_space<vmem>>
          %dma_wait3A_496 = tpu.memref_squeeze %dma_wait3A_495 : memref<1x80xi32, #tpu.memory_space<vmem>> -> memref<80xi32, #tpu.memory_space<vmem>>
          %dma_wait3A_497 = arith.constant 0 : i32
          %dma_wait3A_498 = arith.constant 0 : i32
          %dma_wait3A_499 = tpu.memref_slice %arg10[%dma_wait3A_497, %dma_wait3A_498] : memref<10112x128xf32, #tpu.memory_space<vmem_shared>> -> memref<10112x128xf32, #tpu.memory_space<vmem_shared>>
          tpu.wait_indirect_dma semaphore(%arg24 : memref<!tpu.dma_semaphore, #tpu.memory_space<semaphore_mem>>) src(%dma_wait3A_493 : memref<80x128xf32, #tpu.memory_space<vmem>>) dst(%dma_wait3A_499 : memref<10112x128xf32, #tpu.memory_space<vmem_shared>>)
          %add3A_500 = arith.constant 2 : i32
          %add3A_501 = arith.addi %add3A_413, %add3A_500 : i32
          %add3A_502 = arith.addi %add3A_8, %add3A_501 : i32
          %mul3A_503 = arith.constant 80 : i32
          %mul3A_504 = arith.muli %add3A_502, %mul3A_503 : i32
          %dma_start3A_505 = arith.constant 1 : i32
          %dma_start3A_506 = arith.constant 0 : i32
          %dma_start3A_507 = tpu.memref_slice %arg8[%dma_start3A_505, %dma_start3A_506] : memref<4x80xi32, #tpu.memory_space<vmem>> -> memref<1x80xi32, #tpu.memory_space<vmem>>
          %dma_start3A_508 = tpu.memref_squeeze %dma_start3A_507 : memref<1x80xi32, #tpu.memory_space<vmem>> -> memref<80xi32, #tpu.memory_space<vmem>>
          %dma_start3A_509 = tpu.memref_slice %arg4[%mul3A_504] : memref<320000xi32, #tpu.memory_space<hbm>> -> memref<80xi32, #tpu.memory_space<hbm>>
          %dma_start3A_510 = arith.constant 0 : i32
          %dma_start3A_511 = tpu.memref_slice %arg8[%dma_start3A_505, %dma_start3A_510] : memref<4x80xi32, #tpu.memory_space<vmem>> -> memref<1x80xi32, #tpu.memory_space<vmem>>
          %dma_start3A_512 = tpu.memref_squeeze %dma_start3A_511 : memref<1x80xi32, #tpu.memory_space<vmem>> -> memref<80xi32, #tpu.memory_space<vmem>>
          %dma_start3A_513 = tpu.memref_slice %arg4[%mul3A_504] : memref<320000xi32, #tpu.memory_space<hbm>> -> memref<80xi32, #tpu.memory_space<hbm>>
          tpu.enqueue_dma source(%dma_start3A_513 : memref<80xi32, #tpu.memory_space<hbm>>) target(%dma_start3A_512 : memref<80xi32, #tpu.memory_space<vmem>>) target_semaphore(%arg20 : memref<!tpu.dma_semaphore, #tpu.memory_space<semaphore_mem>>)
        } else {
        }
        %dma_wait3A_465 = arith.constant 1 : i32
        %dma_wait3A_466 = arith.constant 0 : i32
        %dma_wait3A_467 = tpu.memref_slice %arg7[%dma_wait3A_465, %dma_wait3A_466] : memref<4x80xi32, #tpu.memory_space<vmem>> -> memref<1x80xi32, #tpu.memory_space<vmem>>
        %dma_wait3A_468 = tpu.memref_squeeze %dma_wait3A_467 : memref<1x80xi32, #tpu.memory_space<vmem>> -> memref<80xi32, #tpu.memory_space<vmem>>
        %dma_wait3A_469 = arith.constant 0 : i32
        %dma_wait3A_470 = tpu.memref_slice %arg3[%dma_wait3A_469] : memref<320000xi32, #tpu.memory_space<hbm>> -> memref<80xi32, #tpu.memory_space<hbm>>
        %dma_wait3A_471 = arith.constant 0 : i32
        %dma_wait3A_472 = tpu.memref_slice %arg7[%dma_wait3A_465, %dma_wait3A_471] : memref<4x80xi32, #tpu.memory_space<vmem>> -> memref<1x80xi32, #tpu.memory_space<vmem>>
        %dma_wait3A_473 = tpu.memref_squeeze %dma_wait3A_472 : memref<1x80xi32, #tpu.memory_space<vmem>> -> memref<80xi32, #tpu.memory_space<vmem>>
        %dma_wait3A_474 = arith.constant 0 : i32
        %dma_wait3A_475 = tpu.memref_slice %arg3[%dma_wait3A_474] : memref<320000xi32, #tpu.memory_space<hbm>> -> memref<80xi32, #tpu.memory_space<hbm>>
        tpu.wait_dma2 semaphore(%arg16 : memref<!tpu.dma_semaphore, #tpu.memory_space<semaphore_mem>>) src(%dma_wait3A_475 : memref<80xi32, #tpu.memory_space<hbm>>) dst(%dma_wait3A_473 : memref<80xi32, #tpu.memory_space<vmem>>)
        %dma_start3A_476 = arith.constant 1 : i32
        %dma_start3A_477 = arith.constant 1 : i32
        %dma_start3A_478 = arith.constant 0 : i32
        %dma_start3A_479 = arith.constant 0 : i32
        %dma_start3A_480 = tpu.memref_slice %arg9[%dma_start3A_477, %dma_start3A_478, %dma_start3A_479] : memref<4x80x128xf32, #tpu.memory_space<vmem>> -> memref<1x80x128xf32, #tpu.memory_space<vmem>>
        %dma_start3A_481 = tpu.memref_squeeze %dma_start3A_480 : memref<1x80x128xf32, #tpu.memory_space<vmem>> -> memref<80x128xf32, #tpu.memory_space<vmem>>
        %dma_start3A_482 = arith.constant 0 : i32
        %dma_start3A_483 = tpu.memref_slice %arg7[%dma_start3A_476, %dma_start3A_482] : memref<4x80xi32, #tpu.memory_space<vmem>> -> memref<1x80xi32, #tpu.memory_space<vmem>>
        %dma_start3A_484 = tpu.memref_squeeze %dma_start3A_483 : memref<1x80xi32, #tpu.memory_space<vmem>> -> memref<80xi32, #tpu.memory_space<vmem>>
        %dma_start3A_485 = arith.constant 0 : i32
        %dma_start3A_486 = arith.constant 0 : i32
        %dma_start3A_487 = tpu.memref_slice %arg2[%dma_start3A_485, %dma_start3A_486] : memref<10000x128xf32, #tpu.memory_space<hbm>> -> memref<10000x128xf32, #tpu.memory_space<hbm>>
        tpu.enqueue_indirect_dma source(%dma_start3A_487 : memref<10000x128xf32, #tpu.memory_space<hbm>>) target(%dma_start3A_481 : memref<80x128xf32, #tpu.memory_space<vmem>>) offsets(%dma_start3A_484 : memref<80xi32, #tpu.memory_space<vmem>>) semaphore(%arg12 : memref<!tpu.dma_semaphore, #tpu.memory_space<semaphore_mem>>)
      } else {
      }
      %add3A_455 = arith.constant 4 : i32
      %add3A_456 = arith.addi %add3A_413, %add3A_455 : i32
      %lt3A_457 = arith.cmpi slt, %add3A_456, %add3A_4 : i32
      %convert_element_type3A_458 = arith.extui %lt3A_457 : i1 to i32
      %cond3A_459 = arith.constant 0 : i32
      %cond3A_460 = arith.cmpi ne, %convert_element_type3A_458, %cond3A_459 : i32
      scf.if %cond3A_460 {
        %add3A_461 = arith.constant 4 : i32
        %add3A_462 = arith.addi %add3A_413, %add3A_461 : i32
        %add3A_463 = arith.addi %add3A_8, %add3A_462 : i32
        %mul3A_464 = arith.constant 80 : i32
        %mul3A_465 = arith.muli %add3A_463, %mul3A_464 : i32
        %dma_start3A_466 = arith.constant 3 : i32
        %dma_start3A_467 = arith.constant 0 : i32
        %dma_start3A_468 = tpu.memref_slice %arg7[%dma_start3A_466, %dma_start3A_467] : memref<4x80xi32, #tpu.memory_space<vmem>> -> memref<1x80xi32, #tpu.memory_space<vmem>>
        %dma_start3A_469 = tpu.memref_squeeze %dma_start3A_468 : memref<1x80xi32, #tpu.memory_space<vmem>> -> memref<80xi32, #tpu.memory_space<vmem>>
        %dma_start3A_470 = tpu.memref_slice %arg3[%mul3A_465] : memref<320000xi32, #tpu.memory_space<hbm>> -> memref<80xi32, #tpu.memory_space<hbm>>
        %dma_start3A_471 = arith.constant 0 : i32
        %dma_start3A_472 = tpu.memref_slice %arg7[%dma_start3A_466, %dma_start3A_471] : memref<4x80xi32, #tpu.memory_space<vmem>> -> memref<1x80xi32, #tpu.memory_space<vmem>>
        %dma_start3A_473 = tpu.memref_squeeze %dma_start3A_472 : memref<1x80xi32, #tpu.memory_space<vmem>> -> memref<80xi32, #tpu.memory_space<vmem>>
        %dma_start3A_474 = tpu.memref_slice %arg3[%mul3A_465] : memref<320000xi32, #tpu.memory_space<hbm>> -> memref<80xi32, #tpu.memory_space<hbm>>
        tpu.enqueue_dma source(%dma_start3A_474 : memref<80xi32, #tpu.memory_space<hbm>>) target(%dma_start3A_473 : memref<80xi32, #tpu.memory_space<vmem>>) target_semaphore(%arg18 : memref<!tpu.dma_semaphore, #tpu.memory_space<semaphore_mem>>)
      } else {
      }
    }
    %scan3A_165 = arith.constant 31 : i32
    %dma_wait3A_166 = arith.constant 0 : i32
    %dma_wait3A_167 = arith.constant 0 : i32
    %dma_wait3A_168 = arith.constant 0 : i32
    %dma_wait3A_169 = arith.constant 0 : i32
    %dma_wait3A_170 = tpu.memref_slice %arg9[%dma_wait3A_167, %dma_wait3A_168, %dma_wait3A_169] : memref<4x80x128xf32, #tpu.memory_space<vmem>> -> memref<1x80x128xf32, #tpu.memory_space<vmem>>
    %dma_wait3A_171 = tpu.memref_squeeze %dma_wait3A_170 : memref<1x80x128xf32, #tpu.memory_space<vmem>> -> memref<80x128xf32, #tpu.memory_space<vmem>>
    %dma_wait3A_172 = arith.constant 0 : i32
    %dma_wait3A_173 = tpu.memref_slice %arg7[%dma_wait3A_166, %dma_wait3A_172] : memref<4x80xi32, #tpu.memory_space<vmem>> -> memref<1x80xi32, #tpu.memory_space<vmem>>
    %dma_wait3A_174 = tpu.memref_squeeze %dma_wait3A_173 : memref<1x80xi32, #tpu.memory_space<vmem>> -> memref<80xi32, #tpu.memory_space<vmem>>
    %dma_wait3A_175 = arith.constant 0 : i32
    %dma_wait3A_176 = arith.constant 0 : i32
    %dma_wait3A_177 = tpu.memref_slice %arg2[%dma_wait3A_175, %dma_wait3A_176] : memref<10000x128xf32, #tpu.memory_space<hbm>> -> memref<10000x128xf32, #tpu.memory_space<hbm>>
    tpu.wait_indirect_dma semaphore(%arg11 : memref<!tpu.dma_semaphore, #tpu.memory_space<semaphore_mem>>) src(%dma_wait3A_177 : memref<10000x128xf32, #tpu.memory_space<hbm>>) dst(%dma_wait3A_171 : memref<80x128xf32, #tpu.memory_space<vmem>>)
    %dma_wait3A_178 = arith.constant 0 : i32
    %dma_wait3A_179 = arith.constant 0 : i32
    %dma_wait3A_180 = tpu.memref_slice %arg8[%dma_wait3A_178, %dma_wait3A_179] : memref<4x80xi32, #tpu.memory_space<vmem>> -> memref<1x80xi32, #tpu.memory_space<vmem>>
    %dma_wait3A_181 = tpu.memref_squeeze %dma_wait3A_180 : memref<1x80xi32, #tpu.memory_space<vmem>> -> memref<80xi32, #tpu.memory_space<vmem>>
    %dma_wait3A_182 = arith.constant 0 : i32
    %dma_wait3A_183 = tpu.memref_slice %arg4[%dma_wait3A_182] : memref<320000xi32, #tpu.memory_space<hbm>> -> memref<80xi32, #tpu.memory_space<hbm>>
    %dma_wait3A_184 = arith.constant 0 : i32
    %dma_wait3A_185 = tpu.memref_slice %arg8[%dma_wait3A_178, %dma_wait3A_184] : memref<4x80xi32, #tpu.memory_space<vmem>> -> memref<1x80xi32, #tpu.memory_space<vmem>>
    %dma_wait3A_186 = tpu.memref_squeeze %dma_wait3A_185 : memref<1x80xi32, #tpu.memory_space<vmem>> -> memref<80xi32, #tpu.memory_space<vmem>>
    %dma_wait3A_187 = arith.constant 0 : i32
    %dma_wait3A_188 = tpu.memref_slice %arg4[%dma_wait3A_187] : memref<320000xi32, #tpu.memory_space<hbm>> -> memref<80xi32, #tpu.memory_space<hbm>>
    tpu.wait_dma2 semaphore(%arg19 : memref<!tpu.dma_semaphore, #tpu.memory_space<semaphore_mem>>) src(%dma_wait3A_188 : memref<80xi32, #tpu.memory_space<hbm>>) dst(%dma_wait3A_186 : memref<80xi32, #tpu.memory_space<vmem>>)
    %dma_start3A_189 = arith.constant 0 : i32
    %dma_start3A_190 = arith.constant 0 : i32
    %dma_start3A_191 = arith.constant 0 : i32
    %dma_start3A_192 = arith.constant 0 : i32
    %dma_start3A_193 = tpu.memref_slice %arg9[%dma_start3A_189, %dma_start3A_191, %dma_start3A_192] : memref<4x80x128xf32, #tpu.memory_space<vmem>> -> memref<1x80x128xf32, #tpu.memory_space<vmem>>
    %dma_start3A_194 = tpu.memref_squeeze %dma_start3A_193 : memref<1x80x128xf32, #tpu.memory_space<vmem>> -> memref<80x128xf32, #tpu.memory_space<vmem>>
    %dma_start3A_195 = arith.constant 0 : i32
    %dma_start3A_196 = tpu.memref_slice %arg8[%dma_start3A_190, %dma_start3A_195] : memref<4x80xi32, #tpu.memory_space<vmem>> -> memref<1x80xi32, #tpu.memory_space<vmem>>
    %dma_start3A_197 = tpu.memref_squeeze %dma_start3A_196 : memref<1x80xi32, #tpu.memory_space<vmem>> -> memref<80xi32, #tpu.memory_space<vmem>>
    %dma_start3A_198 = arith.constant 0 : i32
    %dma_start3A_199 = arith.constant 0 : i32
    %dma_start3A_200 = tpu.memref_slice %arg10[%dma_start3A_198, %dma_start3A_199] : memref<10112x128xf32, #tpu.memory_space<vmem_shared>> -> memref<10112x128xf32, #tpu.memory_space<vmem_shared>>
    tpu.enqueue_indirect_dma source(%dma_start3A_194 : memref<80x128xf32, #tpu.memory_space<vmem>>) target(%dma_start3A_200 : memref<10112x128xf32, #tpu.memory_space<vmem_shared>>) offsets(%dma_start3A_197 : memref<80xi32, #tpu.memory_space<vmem>>) semaphore(%arg23 : memref<!tpu.dma_semaphore, #tpu.memory_space<semaphore_mem>>) {add = true}
    %gt3A = arith.constant 126 : i32
    %gt3A_201 = arith.cmpi sgt, %add3A_4, %gt3A : i32
    %convert_element_type3A = arith.extui %gt3A_201 : i1 to i32
    %cond3A = arith.constant 0 : i32
    %cond3A_202 = arith.cmpi ne, %convert_element_type3A, %cond3A : i32
    scf.if %cond3A_202 {
      %dma_wait3A_264 = arith.constant 2 : i32
      %dma_wait3A_265 = arith.constant 2 : i32
      %dma_wait3A_266 = arith.constant 0 : i32
      %dma_wait3A_267 = arith.constant 0 : i32
      %dma_wait3A_268 = tpu.memref_slice %arg9[%dma_wait3A_264, %dma_wait3A_266, %dma_wait3A_267] : memref<4x80x128xf32, #tpu.memory_space<vmem>> -> memref<1x80x128xf32, #tpu.memory_space<vmem>>
      %dma_wait3A_269 = tpu.memref_squeeze %dma_wait3A_268 : memref<1x80x128xf32, #tpu.memory_space<vmem>> -> memref<80x128xf32, #tpu.memory_space<vmem>>
      %dma_wait3A_270 = arith.constant 0 : i32
      %dma_wait3A_271 = tpu.memref_slice %arg8[%dma_wait3A_265, %dma_wait3A_270] : memref<4x80xi32, #tpu.memory_space<vmem>> -> memref<1x80xi32, #tpu.memory_space<vmem>>
      %dma_wait3A_272 = tpu.memref_squeeze %dma_wait3A_271 : memref<1x80xi32, #tpu.memory_space<vmem>> -> memref<80xi32, #tpu.memory_space<vmem>>
      %dma_wait3A_273 = arith.constant 0 : i32
      %dma_wait3A_274 = arith.constant 0 : i32
      %dma_wait3A_275 = tpu.memref_slice %arg10[%dma_wait3A_273, %dma_wait3A_274] : memref<10112x128xf32, #tpu.memory_space<vmem_shared>> -> memref<10112x128xf32, #tpu.memory_space<vmem_shared>>
      tpu.wait_indirect_dma semaphore(%arg25 : memref<!tpu.dma_semaphore, #tpu.memory_space<semaphore_mem>>) src(%dma_wait3A_269 : memref<80x128xf32, #tpu.memory_space<vmem>>) dst(%dma_wait3A_275 : memref<10112x128xf32, #tpu.memory_space<vmem_shared>>)
      %add3A_276 = arith.constant 126 : i32
      %add3A_277 = arith.addi %add3A_8, %add3A_276 : i32
      %mul3A_278 = arith.constant 80 : i32
      %mul3A_279 = arith.muli %add3A_277, %mul3A_278 : i32
      %dma_start3A_280 = arith.constant 2 : i32
      %dma_start3A_281 = arith.constant 0 : i32
      %dma_start3A_282 = tpu.memref_slice %arg8[%dma_start3A_280, %dma_start3A_281] : memref<4x80xi32, #tpu.memory_space<vmem>> -> memref<1x80xi32, #tpu.memory_space<vmem>>
      %dma_start3A_283 = tpu.memref_squeeze %dma_start3A_282 : memref<1x80xi32, #tpu.memory_space<vmem>> -> memref<80xi32, #tpu.memory_space<vmem>>
      %dma_start3A_284 = tpu.memref_slice %arg4[%mul3A_279] : memref<320000xi32, #tpu.memory_space<hbm>> -> memref<80xi32, #tpu.memory_space<hbm>>
      %dma_start3A_285 = arith.constant 0 : i32
      %dma_start3A_286 = tpu.memref_slice %arg8[%dma_start3A_280, %dma_start3A_285] : memref<4x80xi32, #tpu.memory_space<vmem>> -> memref<1x80xi32, #tpu.memory_space<vmem>>
      %dma_start3A_287 = tpu.memref_squeeze %dma_start3A_286 : memref<1x80xi32, #tpu.memory_space<vmem>> -> memref<80xi32, #tpu.memory_space<vmem>>
      %dma_start3A_288 = tpu.memref_slice %arg4[%mul3A_279] : memref<320000xi32, #tpu.memory_space<hbm>> -> memref<80xi32, #tpu.memory_space<hbm>>
      tpu.enqueue_dma source(%dma_start3A_288 : memref<80xi32, #tpu.memory_space<hbm>>) target(%dma_start3A_287 : memref<80xi32, #tpu.memory_space<vmem>>) target_semaphore(%arg21 : memref<!tpu.dma_semaphore, #tpu.memory_space<semaphore_mem>>)
      %dma_wait3A_289 = arith.constant 2 : i32
      %dma_wait3A_290 = arith.constant 0 : i32
      %dma_wait3A_291 = tpu.memref_slice %arg7[%dma_wait3A_289, %dma_wait3A_290] : memref<4x80xi32, #tpu.memory_space<vmem>> -> memref<1x80xi32, #tpu.memory_space<vmem>>
      %dma_wait3A_292 = tpu.memref_squeeze %dma_wait3A_291 : memref<1x80xi32, #tpu.memory_space<vmem>> -> memref<80xi32, #tpu.memory_space<vmem>>
      %dma_wait3A_293 = arith.constant 0 : i32
      %dma_wait3A_294 = tpu.memref_slice %arg3[%dma_wait3A_293] : memref<320000xi32, #tpu.memory_space<hbm>> -> memref<80xi32, #tpu.memory_space<hbm>>
      %dma_wait3A_295 = arith.constant 0 : i32
      %dma_wait3A_296 = tpu.memref_slice %arg7[%dma_wait3A_289, %dma_wait3A_295] : memref<4x80xi32, #tpu.memory_space<vmem>> -> memref<1x80xi32, #tpu.memory_space<vmem>>
      %dma_wait3A_297 = tpu.memref_squeeze %dma_wait3A_296 : memref<1x80xi32, #tpu.memory_space<vmem>> -> memref<80xi32, #tpu.memory_space<vmem>>
      %dma_wait3A_298 = arith.constant 0 : i32
      %dma_wait3A_299 = tpu.memref_slice %arg3[%dma_wait3A_298] : memref<320000xi32, #tpu.memory_space<hbm>> -> memref<80xi32, #tpu.memory_space<hbm>>
      tpu.wait_dma2 semaphore(%arg17 : memref<!tpu.dma_semaphore, #tpu.memory_space<semaphore_mem>>) src(%dma_wait3A_299 : memref<80xi32, #tpu.memory_space<hbm>>) dst(%dma_wait3A_297 : memref<80xi32, #tpu.memory_space<vmem>>)
      %dma_start3A_300 = arith.constant 2 : i32
      %dma_start3A_301 = arith.constant 2 : i32
      %dma_start3A_302 = arith.constant 0 : i32
      %dma_start3A_303 = arith.constant 0 : i32
      %dma_start3A_304 = tpu.memref_slice %arg9[%dma_start3A_301, %dma_start3A_302, %dma_start3A_303] : memref<4x80x128xf32, #tpu.memory_space<vmem>> -> memref<1x80x128xf32, #tpu.memory_space<vmem>>
      %dma_start3A_305 = tpu.memref_squeeze %dma_start3A_304 : memref<1x80x128xf32, #tpu.memory_space<vmem>> -> memref<80x128xf32, #tpu.memory_space<vmem>>
      %dma_start3A_306 = arith.constant 0 : i32
      %dma_start3A_307 = tpu.memref_slice %arg7[%dma_start3A_300, %dma_start3A_306] : memref<4x80xi32, #tpu.memory_space<vmem>> -> memref<1x80xi32, #tpu.memory_space<vmem>>
      %dma_start3A_308 = tpu.memref_squeeze %dma_start3A_307 : memref<1x80xi32, #tpu.memory_space<vmem>> -> memref<80xi32, #tpu.memory_space<vmem>>
      %dma_start3A_309 = arith.constant 0 : i32
      %dma_start3A_310 = arith.constant 0 : i32
      %dma_start3A_311 = tpu.memref_slice %arg2[%dma_start3A_309, %dma_start3A_310] : memref<10000x128xf32, #tpu.memory_space<hbm>> -> memref<10000x128xf32, #tpu.memory_space<hbm>>
      tpu.enqueue_indirect_dma source(%dma_start3A_311 : memref<10000x128xf32, #tpu.memory_space<hbm>>) target(%dma_start3A_305 : memref<80x128xf32, #tpu.memory_space<vmem>>) offsets(%dma_start3A_308 : memref<80xi32, #tpu.memory_space<vmem>>) semaphore(%arg13 : memref<!tpu.dma_semaphore, #tpu.memory_space<semaphore_mem>>)
    } else {
    }
    %gt3A_203 = arith.constant 128 : i32
    %gt3A_204 = arith.cmpi sgt, %add3A_4, %gt3A_203 : i32
    %convert_element_type3A_205 = arith.extui %gt3A_204 : i1 to i32
    %cond3A_206 = arith.constant 0 : i32
    %cond3A_207 = arith.cmpi ne, %convert_element_type3A_205, %cond3A_206 : i32
    scf.if %cond3A_207 {
      %add3A_264 = arith.constant 128 : i32
      %add3A_265 = arith.addi %add3A_8, %add3A_264 : i32
      %mul3A_266 = arith.constant 80 : i32
      %mul3A_267 = arith.muli %add3A_265, %mul3A_266 : i32
      %dma_start3A_268 = arith.constant 0 : i32
      %dma_start3A_269 = arith.constant 0 : i32
      %dma_start3A_270 = tpu.memref_slice %arg7[%dma_start3A_268, %dma_start3A_269] : memref<4x80xi32, #tpu.memory_space<vmem>> -> memref<1x80xi32, #tpu.memory_space<vmem>>
      %dma_start3A_271 = tpu.memref_squeeze %dma_start3A_270 : memref<1x80xi32, #tpu.memory_space<vmem>> -> memref<80xi32, #tpu.memory_space<vmem>>
      %dma_start3A_272 = tpu.memref_slice %arg3[%mul3A_267] : memref<320000xi32, #tpu.memory_space<hbm>> -> memref<80xi32, #tpu.memory_space<hbm>>
      %dma_start3A_273 = arith.constant 0 : i32
      %dma_start3A_274 = tpu.memref_slice %arg7[%dma_start3A_268, %dma_start3A_273] : memref<4x80xi32, #tpu.memory_space<vmem>> -> memref<1x80xi32, #tpu.memory_space<vmem>>
      %dma_start3A_275 = tpu.memref_squeeze %dma_start3A_274 : memref<1x80xi32, #tpu.memory_space<vmem>> -> memref<80xi32, #tpu.memory_space<vmem>>
      %dma_start3A_276 = tpu.memref_slice %arg3[%mul3A_267] : memref<320000xi32, #tpu.memory_space<hbm>> -> memref<80xi32, #tpu.memory_space<hbm>>
      tpu.enqueue_dma source(%dma_start3A_276 : memref<80xi32, #tpu.memory_space<hbm>>) target(%dma_start3A_275 : memref<80xi32, #tpu.memory_space<vmem>>) target_semaphore(%arg15 : memref<!tpu.dma_semaphore, #tpu.memory_space<semaphore_mem>>)
    } else {
    }
    %dma_wait3A_208 = arith.constant 0 : i32
    %dma_wait3A_209 = arith.constant 0 : i32
    %dma_wait3A_210 = arith.constant 0 : i32
    %dma_wait3A_211 = arith.constant 0 : i32
    %dma_wait3A_212 = tpu.memref_slice %arg9[%dma_wait3A_208, %dma_wait3A_210, %dma_wait3A_211] : memref<4x80x128xf32, #tpu.memory_space<vmem>> -> memref<1x80x128xf32, #tpu.memory_space<vmem>>
    %dma_wait3A_213 = tpu.memref_squeeze %dma_wait3A_212 : memref<1x80x128xf32, #tpu.memory_space<vmem>> -> memref<80x128xf32, #tpu.memory_space<vmem>>
    %dma_wait3A_214 = arith.constant 0 : i32
    %dma_wait3A_215 = tpu.memref_slice %arg8[%dma_wait3A_209, %dma_wait3A_214] : memref<4x80xi32, #tpu.memory_space<vmem>> -> memref<1x80xi32, #tpu.memory_space<vmem>>
    %dma_wait3A_216 = tpu.memref_squeeze %dma_wait3A_215 : memref<1x80xi32, #tpu.memory_space<vmem>> -> memref<80xi32, #tpu.memory_space<vmem>>
    %dma_wait3A_217 = arith.constant 0 : i32
    %dma_wait3A_218 = arith.constant 0 : i32
    %dma_wait3A_219 = tpu.memref_slice %arg10[%dma_wait3A_217, %dma_wait3A_218] : memref<10112x128xf32, #tpu.memory_space<vmem_shared>> -> memref<10112x128xf32, #tpu.memory_space<vmem_shared>>
    tpu.wait_indirect_dma semaphore(%arg23 : memref<!tpu.dma_semaphore, #tpu.memory_space<semaphore_mem>>) src(%dma_wait3A_213 : memref<80x128xf32, #tpu.memory_space<vmem>>) dst(%dma_wait3A_219 : memref<10112x128xf32, #tpu.memory_space<vmem_shared>>)
    %dma_wait3A_220 = arith.constant 1 : i32
    %dma_wait3A_221 = arith.constant 1 : i32
    %dma_wait3A_222 = arith.constant 0 : i32
    %dma_wait3A_223 = arith.constant 0 : i32
    %dma_wait3A_224 = tpu.memref_slice %arg9[%dma_wait3A_220, %dma_wait3A_222, %dma_wait3A_223] : memref<4x80x128xf32, #tpu.memory_space<vmem>> -> memref<1x80x128xf32, #tpu.memory_space<vmem>>
    %dma_wait3A_225 = tpu.memref_squeeze %dma_wait3A_224 : memref<1x80x128xf32, #tpu.memory_space<vmem>> -> memref<80x128xf32, #tpu.memory_space<vmem>>
    %dma_wait3A_226 = arith.constant 0 : i32
    %dma_wait3A_227 = tpu.memref_slice %arg8[%dma_wait3A_221, %dma_wait3A_226] : memref<4x80xi32, #tpu.memory_space<vmem>> -> memref<1x80xi32, #tpu.memory_space<vmem>>
    %dma_wait3A_228 = tpu.memref_squeeze %dma_wait3A_227 : memref<1x80xi32, #tpu.memory_space<vmem>> -> memref<80xi32, #tpu.memory_space<vmem>>
    %dma_wait3A_229 = arith.constant 0 : i32
    %dma_wait3A_230 = arith.constant 0 : i32
    %dma_wait3A_231 = tpu.memref_slice %arg10[%dma_wait3A_229, %dma_wait3A_230] : memref<10112x128xf32, #tpu.memory_space<vmem_shared>> -> memref<10112x128xf32, #tpu.memory_space<vmem_shared>>
    tpu.wait_indirect_dma semaphore(%arg24 : memref<!tpu.dma_semaphore, #tpu.memory_space<semaphore_mem>>) src(%dma_wait3A_225 : memref<80x128xf32, #tpu.memory_space<vmem>>) dst(%dma_wait3A_231 : memref<10112x128xf32, #tpu.memory_space<vmem_shared>>)
    %dma_wait3A_232 = arith.constant 2 : i32
    %dma_wait3A_233 = arith.constant 2 : i32
    %dma_wait3A_234 = arith.constant 0 : i32
    %dma_wait3A_235 = arith.constant 0 : i32
    %dma_wait3A_236 = tpu.memref_slice %arg9[%dma_wait3A_232, %dma_wait3A_234, %dma_wait3A_235] : memref<4x80x128xf32, #tpu.memory_space<vmem>> -> memref<1x80x128xf32, #tpu.memory_space<vmem>>
    %dma_wait3A_237 = tpu.memref_squeeze %dma_wait3A_236 : memref<1x80x128xf32, #tpu.memory_space<vmem>> -> memref<80x128xf32, #tpu.memory_space<vmem>>
    %dma_wait3A_238 = arith.constant 0 : i32
    %dma_wait3A_239 = tpu.memref_slice %arg8[%dma_wait3A_233, %dma_wait3A_238] : memref<4x80xi32, #tpu.memory_space<vmem>> -> memref<1x80xi32, #tpu.memory_space<vmem>>
    %dma_wait3A_240 = tpu.memref_squeeze %dma_wait3A_239 : memref<1x80xi32, #tpu.memory_space<vmem>> -> memref<80xi32, #tpu.memory_space<vmem>>
    %dma_wait3A_241 = arith.constant 0 : i32
    %dma_wait3A_242 = arith.constant 0 : i32
    %dma_wait3A_243 = tpu.memref_slice %arg10[%dma_wait3A_241, %dma_wait3A_242] : memref<10112x128xf32, #tpu.memory_space<vmem_shared>> -> memref<10112x128xf32, #tpu.memory_space<vmem_shared>>
    tpu.wait_indirect_dma semaphore(%arg25 : memref<!tpu.dma_semaphore, #tpu.memory_space<semaphore_mem>>) src(%dma_wait3A_237 : memref<80x128xf32, #tpu.memory_space<vmem>>) dst(%dma_wait3A_243 : memref<10112x128xf32, #tpu.memory_space<vmem_shared>>)
    %dma_wait3A_244 = arith.constant 3 : i32
    %dma_wait3A_245 = arith.constant 3 : i32
    %dma_wait3A_246 = arith.constant 0 : i32
    %dma_wait3A_247 = arith.constant 0 : i32
    %dma_wait3A_248 = tpu.memref_slice %arg9[%dma_wait3A_244, %dma_wait3A_246, %dma_wait3A_247] : memref<4x80x128xf32, #tpu.memory_space<vmem>> -> memref<1x80x128xf32, #tpu.memory_space<vmem>>
    %dma_wait3A_249 = tpu.memref_squeeze %dma_wait3A_248 : memref<1x80x128xf32, #tpu.memory_space<vmem>> -> memref<80x128xf32, #tpu.memory_space<vmem>>
    %dma_wait3A_250 = arith.constant 0 : i32
    %dma_wait3A_251 = tpu.memref_slice %arg8[%dma_wait3A_245, %dma_wait3A_250] : memref<4x80xi32, #tpu.memory_space<vmem>> -> memref<1x80xi32, #tpu.memory_space<vmem>>
    %dma_wait3A_252 = tpu.memref_squeeze %dma_wait3A_251 : memref<1x80xi32, #tpu.memory_space<vmem>> -> memref<80xi32, #tpu.memory_space<vmem>>
    %dma_wait3A_253 = arith.constant 0 : i32
    %dma_wait3A_254 = arith.constant 0 : i32
    %dma_wait3A_255 = tpu.memref_slice %arg10[%dma_wait3A_253, %dma_wait3A_254] : memref<10112x128xf32, #tpu.memory_space<vmem_shared>> -> memref<10112x128xf32, #tpu.memory_space<vmem_shared>>
    tpu.wait_indirect_dma semaphore(%arg26 : memref<!tpu.dma_semaphore, #tpu.memory_space<semaphore_mem>>) src(%dma_wait3A_249 : memref<80x128xf32, #tpu.memory_space<vmem>>) dst(%dma_wait3A_255 : memref<10112x128xf32, #tpu.memory_space<vmem_shared>>)
    %barrier3A_256 = arith.constant 0 : index
    tpu.barrier barrier_id(%barrier3A_256)
    %mul3A_257 = arith.constant 632 : i32
    %mul3A_258 = arith.muli %arg1, %mul3A_257 : i32
    %mul3A_259 = arith.constant 10112 : i32
    %mul3A_260 = arith.muli %arg0, %mul3A_259 : i32
    %mul3A_261 = arith.constant 632 : i32
    %mul3A_262 = arith.muli %arg1, %mul3A_261 : i32
    %add3A_263 = arith.addi %mul3A_260, %mul3A_262 : i32
    "tpu.region"() ({
      %run_scoped3A = tpu.sem_alloc : memref<!tpu.dma_semaphore, #tpu.memory_space<semaphore_mem>>
      %dma_start3A_264 = arith.constant 0 : i32
      %dma_start3A_265 = tpu.memref_slice %arg6[%add3A_263, %dma_start3A_264] : memref<20224x128xf32, #tpu.memory_space<hbm>> -> memref<632x128xf32, #tpu.memory_space<hbm>>
      %dma_start3A_266 = arith.constant 0 : i32
      %dma_start3A_267 = tpu.memref_slice %arg10[%mul3A_258, %dma_start3A_266] : memref<10112x128xf32, #tpu.memory_space<vmem_shared>> -> memref<632x128xf32, #tpu.memory_space<vmem_shared>>
      tpu.enqueue_dma source(%dma_start3A_267 : memref<632x128xf32, #tpu.memory_space<vmem_shared>>) target(%dma_start3A_265 : memref<632x128xf32, #tpu.memory_space<hbm>>) target_semaphore(%run_scoped3A : memref<!tpu.dma_semaphore, #tpu.memory_space<semaphore_mem>>)
      %dma_wait3A_268 = arith.constant 0 : i32
      %dma_wait3A_269 = tpu.memref_slice %arg6[%add3A_263, %dma_wait3A_268] : memref<20224x128xf32, #tpu.memory_space<hbm>> -> memref<632x128xf32, #tpu.memory_space<hbm>>
      %dma_wait3A_270 = arith.constant 0 : i32
      %dma_wait3A_271 = tpu.memref_slice %arg10[%mul3A_258, %dma_wait3A_270] : memref<10112x128xf32, #tpu.memory_space<vmem_shared>> -> memref<632x128xf32, #tpu.memory_space<vmem_shared>>
      tpu.wait_dma2 semaphore(%run_scoped3A : memref<!tpu.dma_semaphore, #tpu.memory_space<semaphore_mem>>) src(%dma_wait3A_271 : memref<632x128xf32, #tpu.memory_space<vmem_shared>>) dst(%dma_wait3A_269 : memref<632x128xf32, #tpu.memory_space<hbm>>)
      tpu.yield
    }) : () -> ()
    return
  }
}

#map = affine_map<(d0, d1) -> (0)>
module attributes {stable_mosaic.version = 14 : i64} {
  func.func @hist_kernel(%arg0: i32, %arg1: i32, %arg2: memref<320000xi32, #tpu.memory_space<hbm>>, %arg3: memref<10240xf32, #tpu.memory_space<hbm>>, %arg4: memref<327680xf32, #tpu.memory_space<hbm>>, %arg5: memref<2x80xi32, #tpu.memory_space<vmem>>, %arg6: memref<10240xf32, #tpu.memory_space<vmem>>, %arg7: memref<!tpu.dma_semaphore, #tpu.memory_space<semaphore_mem>>, %arg8: memref<!tpu.dma_semaphore, #tpu.memory_space<semaphore_mem>>) attributes {dimension_semantics = [#tpu.dimension_semantics<core_parallel>, #tpu.dimension_semantics<subcore_parallel>], iteration_bounds = array<i64: 2, 16>, scalar_prefetch = 0 : i64, scratch_operands = 4 : i64, tpu.core_type = #tpu.core_type<sc_vector_subcore>, window_params = [{transform_indices = #map}, {transform_indices = #map}, {transform_indices = #map}]} {
    %mul3A = arith.constant 16 : i32
    %mul3A_0 = arith.muli %arg0, %mul3A : i32
    %add3A = arith.addi %mul3A_0, %arg1 : i32
    %lt3A = arith.constant 0 : i32
    %lt3A_1 = arith.cmpi slt, %add3A, %lt3A : i32
    %jit3A = arith.constant 1 : i32
    %jit3A_2 = arith.constant 0 : i32
    %select_n3A = arith.select %lt3A_1, %jit3A, %jit3A_2 : i32
    %add3A_3 = arith.constant 125 : i32
    %add3A_4 = arith.addi %add3A_3, %select_n3A : i32
    %mul3A_5 = arith.constant 125 : i32
    %mul3A_6 = arith.muli %add3A, %mul3A_5 : i32
    %min3A = arith.constant 0 : i32
    %min3A_7 = arith.minsi %add3A, %min3A : i32
    %add3A_8 = arith.addi %mul3A_6, %min3A_7 : i32
    "tpu.region"() ({
      %run_scoped3A = tpu.sem_alloc : memref<!tpu.dma_semaphore, #tpu.memory_space<semaphore_mem>>
      tpu.enqueue_dma source(%arg3 : memref<10240xf32, #tpu.memory_space<hbm>>) target(%arg6 : memref<10240xf32, #tpu.memory_space<vmem>>) target_semaphore(%run_scoped3A : memref<!tpu.dma_semaphore, #tpu.memory_space<semaphore_mem>>)
      tpu.wait_dma2 semaphore(%run_scoped3A : memref<!tpu.dma_semaphore, #tpu.memory_space<semaphore_mem>>) src(%arg3 : memref<10240xf32, #tpu.memory_space<hbm>>) dst(%arg6 : memref<10240xf32, #tpu.memory_space<vmem>>)
      tpu.yield
    }) : () -> ()
    %iota3A = tpu.iota {dimensions = array<i32: 0>} : vector<16xi32>
    %broadcast_in_dim3A = arith.constant 1.000000e+00 : f32
    %broadcast_in_dim3A_9 = vector.broadcast %broadcast_in_dim3A : f32 to vector<16xf32>
    %add3A_10 = arith.constant 0 : i32
    %add3A_11 = arith.addi %add3A_8, %add3A_10 : i32
    %mul3A_12 = arith.constant 80 : i32
    %mul3A_13 = arith.muli %add3A_11, %mul3A_12 : i32
    %dma_start3A = arith.constant 0 : i32
    %dma_start3A_14 = arith.constant 0 : i32
    %dma_start3A_15 = tpu.memref_slice %arg5[%dma_start3A, %dma_start3A_14] : memref<2x80xi32, #tpu.memory_space<vmem>> -> memref<1x80xi32, #tpu.memory_space<vmem>>
    %dma_start3A_16 = tpu.memref_squeeze %dma_start3A_15 : memref<1x80xi32, #tpu.memory_space<vmem>> -> memref<80xi32, #tpu.memory_space<vmem>>
    %dma_start3A_17 = tpu.memref_slice %arg2[%mul3A_13] : memref<320000xi32, #tpu.memory_space<hbm>> -> memref<80xi32, #tpu.memory_space<hbm>>
    %dma_start3A_18 = arith.constant 0 : i32
    %dma_start3A_19 = tpu.memref_slice %arg5[%dma_start3A, %dma_start3A_18] : memref<2x80xi32, #tpu.memory_space<vmem>> -> memref<1x80xi32, #tpu.memory_space<vmem>>
    %dma_start3A_20 = tpu.memref_squeeze %dma_start3A_19 : memref<1x80xi32, #tpu.memory_space<vmem>> -> memref<80xi32, #tpu.memory_space<vmem>>
    %dma_start3A_21 = tpu.memref_slice %arg2[%mul3A_13] : memref<320000xi32, #tpu.memory_space<hbm>> -> memref<80xi32, #tpu.memory_space<hbm>>
    tpu.enqueue_dma source(%dma_start3A_21 : memref<80xi32, #tpu.memory_space<hbm>>) target(%dma_start3A_20 : memref<80xi32, #tpu.memory_space<vmem>>) target_semaphore(%arg7 : memref<!tpu.dma_semaphore, #tpu.memory_space<semaphore_mem>>)
    %add3A_22 = arith.constant 1 : i32
    %add3A_23 = arith.addi %add3A_8, %add3A_22 : i32
    %mul3A_24 = arith.constant 80 : i32
    %mul3A_25 = arith.muli %add3A_23, %mul3A_24 : i32
    %dma_start3A_26 = arith.constant 1 : i32
    %dma_start3A_27 = arith.constant 0 : i32
    %dma_start3A_28 = tpu.memref_slice %arg5[%dma_start3A_26, %dma_start3A_27] : memref<2x80xi32, #tpu.memory_space<vmem>> -> memref<1x80xi32, #tpu.memory_space<vmem>>
    %dma_start3A_29 = tpu.memref_squeeze %dma_start3A_28 : memref<1x80xi32, #tpu.memory_space<vmem>> -> memref<80xi32, #tpu.memory_space<vmem>>
    %dma_start3A_30 = tpu.memref_slice %arg2[%mul3A_25] : memref<320000xi32, #tpu.memory_space<hbm>> -> memref<80xi32, #tpu.memory_space<hbm>>
    %dma_start3A_31 = arith.constant 0 : i32
    %dma_start3A_32 = tpu.memref_slice %arg5[%dma_start3A_26, %dma_start3A_31] : memref<2x80xi32, #tpu.memory_space<vmem>> -> memref<1x80xi32, #tpu.memory_space<vmem>>
    %dma_start3A_33 = tpu.memref_squeeze %dma_start3A_32 : memref<1x80xi32, #tpu.memory_space<vmem>> -> memref<80xi32, #tpu.memory_space<vmem>>
    %dma_start3A_34 = tpu.memref_slice %arg2[%mul3A_25] : memref<320000xi32, #tpu.memory_space<hbm>> -> memref<80xi32, #tpu.memory_space<hbm>>
    tpu.enqueue_dma source(%dma_start3A_34 : memref<80xi32, #tpu.memory_space<hbm>>) target(%dma_start3A_33 : memref<80xi32, #tpu.memory_space<vmem>>) target_semaphore(%arg8 : memref<!tpu.dma_semaphore, #tpu.memory_space<semaphore_mem>>)
    %scan3A = arith.constant 0 : i32
    %scan3A_35 = arith.constant 0 : i32
    %scan3A_36 = arith.constant 62 : i32
    %scan3A_37 = arith.addi %scan3A_35, %scan3A_36 : i32
    %scan3A_38 = arith.constant 1 : i32
    scf.for %scan3A_312 = %scan3A_35 to %scan3A_37 step %scan3A_38  : i32 {
      %mul3A_313 = arith.constant 2 : i32
      %mul3A_314 = arith.muli %mul3A_313, %scan3A_312 : i32
      %dma_wait3A_315 = arith.constant 0 : i32
      %dma_wait3A_316 = arith.constant 0 : i32
      %dma_wait3A_317 = tpu.memref_slice %arg5[%dma_wait3A_315, %dma_wait3A_316] : memref<2x80xi32, #tpu.memory_space<vmem>> -> memref<1x80xi32, #tpu.memory_space<vmem>>
      %dma_wait3A_318 = tpu.memref_squeeze %dma_wait3A_317 : memref<1x80xi32, #tpu.memory_space<vmem>> -> memref<80xi32, #tpu.memory_space<vmem>>
      %dma_wait3A_319 = arith.constant 0 : i32
      %dma_wait3A_320 = tpu.memref_slice %arg2[%dma_wait3A_319] : memref<320000xi32, #tpu.memory_space<hbm>> -> memref<80xi32, #tpu.memory_space<hbm>>
      %dma_wait3A_321 = arith.constant 0 : i32
      %dma_wait3A_322 = tpu.memref_slice %arg5[%dma_wait3A_315, %dma_wait3A_321] : memref<2x80xi32, #tpu.memory_space<vmem>> -> memref<1x80xi32, #tpu.memory_space<vmem>>
      %dma_wait3A_323 = tpu.memref_squeeze %dma_wait3A_322 : memref<1x80xi32, #tpu.memory_space<vmem>> -> memref<80xi32, #tpu.memory_space<vmem>>
      %dma_wait3A_324 = arith.constant 0 : i32
      %dma_wait3A_325 = tpu.memref_slice %arg2[%dma_wait3A_324] : memref<320000xi32, #tpu.memory_space<hbm>> -> memref<80xi32, #tpu.memory_space<hbm>>
      tpu.wait_dma2 semaphore(%arg7 : memref<!tpu.dma_semaphore, #tpu.memory_space<semaphore_mem>>) src(%dma_wait3A_325 : memref<80xi32, #tpu.memory_space<hbm>>) dst(%dma_wait3A_323 : memref<80xi32, #tpu.memory_space<vmem>>)
      %get3A_326 = arith.constant 0 : i32
      %get3A_327 = arith.index_cast %get3A_326 : i32 to index
      %get3A_328 = arith.constant 0 : index
      %get3A_329 = tpu.vector_load %arg5[%get3A_327, %get3A_328] {strides = array<i32>} : memref<2x80xi32, #tpu.memory_space<vmem>>, vector<16xi32>,
      %eq3A_330 = arith.constant 0 : i32
      %eq3A_331 = vector.broadcast %eq3A_330 : i32 to vector<16xi32>
      %eq3A_332 = arith.cmpi eq, %iota3A, %eq3A_331 : vector<16xi32>
      tpu.vector_store_idx %arg6[%get3A_329], %broadcast_in_dim3A_9 masked %eq3A_332 {add = true} : memref<10240xf32, #tpu.memory_space<vmem>>[vector<16xi32>], vector<16xf32>, vector<16xi1>
      %eq3A_333 = arith.constant 1 : i32
      %eq3A_334 = vector.broadcast %eq3A_333 : i32 to vector<16xi32>
      %eq3A_335 = arith.cmpi eq, %iota3A, %eq3A_334 : vector<16xi32>
      tpu.vector_store_idx %arg6[%get3A_329], %broadcast_in_dim3A_9 masked %eq3A_335 {add = true} : memref<10240xf32, #tpu.memory_space<vmem>>[vector<16xi32>], vector<16xf32>, vector<16xi1>
      %eq3A_336 = arith.constant 2 : i32
      %eq3A_337 = vector.broadcast %eq3A_336 : i32 to vector<16xi32>
      %eq3A_338 = arith.cmpi eq, %iota3A, %eq3A_337 : vector<16xi32>
      tpu.vector_store_idx %arg6[%get3A_329], %broadcast_in_dim3A_9 masked %eq3A_338 {add = true} : memref<10240xf32, #tpu.memory_space<vmem>>[vector<16xi32>], vector<16xf32>, vector<16xi1>
      %eq3A_339 = arith.constant 3 : i32
      %eq3A_340 = vector.broadcast %eq3A_339 : i32 to vector<16xi32>
      %eq3A_341 = arith.cmpi eq, %iota3A, %eq3A_340 : vector<16xi32>
      tpu.vector_store_idx %arg6[%get3A_329], %broadcast_in_dim3A_9 masked %eq3A_341 {add = true} : memref<10240xf32, #tpu.memory_space<vmem>>[vector<16xi32>], vector<16xf32>, vector<16xi1>
      %eq3A_342 = arith.constant 4 : i32
      %eq3A_343 = vector.broadcast %eq3A_342 : i32 to vector<16xi32>
      %eq3A_344 = arith.cmpi eq, %iota3A, %eq3A_343 : vector<16xi32>
      tpu.vector_store_idx %arg6[%get3A_329], %broadcast_in_dim3A_9 masked %eq3A_344 {add = true} : memref<10240xf32, #tpu.memory_space<vmem>>[vector<16xi32>], vector<16xf32>, vector<16xi1>
      %eq3A_345 = arith.constant 5 : i32
      %eq3A_346 = vector.broadcast %eq3A_345 : i32 to vector<16xi32>
      %eq3A_347 = arith.cmpi eq, %iota3A, %eq3A_346 : vector<16xi32>
      tpu.vector_store_idx %arg6[%get3A_329], %broadcast_in_dim3A_9 masked %eq3A_347 {add = true} : memref<10240xf32, #tpu.memory_space<vmem>>[vector<16xi32>], vector<16xf32>, vector<16xi1>
      %eq3A_348 = arith.constant 6 : i32
      %eq3A_349 = vector.broadcast %eq3A_348 : i32 to vector<16xi32>
      %eq3A_350 = arith.cmpi eq, %iota3A, %eq3A_349 : vector<16xi32>
      tpu.vector_store_idx %arg6[%get3A_329], %broadcast_in_dim3A_9 masked %eq3A_350 {add = true} : memref<10240xf32, #tpu.memory_space<vmem>>[vector<16xi32>], vector<16xf32>, vector<16xi1>
      %eq3A_351 = arith.constant 7 : i32
      %eq3A_352 = vector.broadcast %eq3A_351 : i32 to vector<16xi32>
      %eq3A_353 = arith.cmpi eq, %iota3A, %eq3A_352 : vector<16xi32>
      tpu.vector_store_idx %arg6[%get3A_329], %broadcast_in_dim3A_9 masked %eq3A_353 {add = true} : memref<10240xf32, #tpu.memory_space<vmem>>[vector<16xi32>], vector<16xf32>, vector<16xi1>
      %eq3A_354 = arith.constant 8 : i32
      %eq3A_355 = vector.broadcast %eq3A_354 : i32 to vector<16xi32>
      %eq3A_356 = arith.cmpi eq, %iota3A, %eq3A_355 : vector<16xi32>
      tpu.vector_store_idx %arg6[%get3A_329], %broadcast_in_dim3A_9 masked %eq3A_356 {add = true} : memref<10240xf32, #tpu.memory_space<vmem>>[vector<16xi32>], vector<16xf32>, vector<16xi1>
      %eq3A_357 = arith.constant 9 : i32
      %eq3A_358 = vector.broadcast %eq3A_357 : i32 to vector<16xi32>
      %eq3A_359 = arith.cmpi eq, %iota3A, %eq3A_358 : vector<16xi32>
      tpu.vector_store_idx %arg6[%get3A_329], %broadcast_in_dim3A_9 masked %eq3A_359 {add = true} : memref<10240xf32, #tpu.memory_space<vmem>>[vector<16xi32>], vector<16xf32>, vector<16xi1>
      %eq3A_360 = arith.constant 10 : i32
      %eq3A_361 = vector.broadcast %eq3A_360 : i32 to vector<16xi32>
      %eq3A_362 = arith.cmpi eq, %iota3A, %eq3A_361 : vector<16xi32>
      tpu.vector_store_idx %arg6[%get3A_329], %broadcast_in_dim3A_9 masked %eq3A_362 {add = true} : memref<10240xf32, #tpu.memory_space<vmem>>[vector<16xi32>], vector<16xf32>, vector<16xi1>
      %eq3A_363 = arith.constant 11 : i32
      %eq3A_364 = vector.broadcast %eq3A_363 : i32 to vector<16xi32>
      %eq3A_365 = arith.cmpi eq, %iota3A, %eq3A_364 : vector<16xi32>
      tpu.vector_store_idx %arg6[%get3A_329], %broadcast_in_dim3A_9 masked %eq3A_365 {add = true} : memref<10240xf32, #tpu.memory_space<vmem>>[vector<16xi32>], vector<16xf32>, vector<16xi1>
      %eq3A_366 = arith.constant 12 : i32
      %eq3A_367 = vector.broadcast %eq3A_366 : i32 to vector<16xi32>
      %eq3A_368 = arith.cmpi eq, %iota3A, %eq3A_367 : vector<16xi32>
      tpu.vector_store_idx %arg6[%get3A_329], %broadcast_in_dim3A_9 masked %eq3A_368 {add = true} : memref<10240xf32, #tpu.memory_space<vmem>>[vector<16xi32>], vector<16xf32>, vector<16xi1>
      %eq3A_369 = arith.constant 13 : i32
      %eq3A_370 = vector.broadcast %eq3A_369 : i32 to vector<16xi32>
      %eq3A_371 = arith.cmpi eq, %iota3A, %eq3A_370 : vector<16xi32>
      tpu.vector_store_idx %arg6[%get3A_329], %broadcast_in_dim3A_9 masked %eq3A_371 {add = true} : memref<10240xf32, #tpu.memory_space<vmem>>[vector<16xi32>], vector<16xf32>, vector<16xi1>
      %eq3A_372 = arith.constant 14 : i32
      %eq3A_373 = vector.broadcast %eq3A_372 : i32 to vector<16xi32>
      %eq3A_374 = arith.cmpi eq, %iota3A, %eq3A_373 : vector<16xi32>
      tpu.vector_store_idx %arg6[%get3A_329], %broadcast_in_dim3A_9 masked %eq3A_374 {add = true} : memref<10240xf32, #tpu.memory_space<vmem>>[vector<16xi32>], vector<16xf32>, vector<16xi1>
      %eq3A_375 = arith.constant 15 : i32
      %eq3A_376 = vector.broadcast %eq3A_375 : i32 to vector<16xi32>
      %eq3A_377 = arith.cmpi eq, %iota3A, %eq3A_376 : vector<16xi32>
      tpu.vector_store_idx %arg6[%get3A_329], %broadcast_in_dim3A_9 masked %eq3A_377 {add = true} : memref<10240xf32, #tpu.memory_space<vmem>>[vector<16xi32>], vector<16xf32>, vector<16xi1>
      %get3A_378 = arith.constant 0 : i32
      %get3A_379 = arith.index_cast %get3A_378 : i32 to index
      %get3A_380 = arith.constant 16 : index
      %get3A_381 = tpu.vector_load %arg5[%get3A_379, %get3A_380] {strides = array<i32>} : memref<2x80xi32, #tpu.memory_space<vmem>>, vector<16xi32>,
      %eq3A_382 = arith.constant 0 : i32
      %eq3A_383 = vector.broadcast %eq3A_382 : i32 to vector<16xi32>
      %eq3A_384 = arith.cmpi eq, %iota3A, %eq3A_383 : vector<16xi32>
      tpu.vector_store_idx %arg6[%get3A_381], %broadcast_in_dim3A_9 masked %eq3A_384 {add = true} : memref<10240xf32, #tpu.memory_space<vmem>>[vector<16xi32>], vector<16xf32>, vector<16xi1>
      %eq3A_385 = arith.constant 1 : i32
      %eq3A_386 = vector.broadcast %eq3A_385 : i32 to vector<16xi32>
      %eq3A_387 = arith.cmpi eq, %iota3A, %eq3A_386 : vector<16xi32>
      tpu.vector_store_idx %arg6[%get3A_381], %broadcast_in_dim3A_9 masked %eq3A_387 {add = true} : memref<10240xf32, #tpu.memory_space<vmem>>[vector<16xi32>], vector<16xf32>, vector<16xi1>
      %eq3A_388 = arith.constant 2 : i32
      %eq3A_389 = vector.broadcast %eq3A_388 : i32 to vector<16xi32>
      %eq3A_390 = arith.cmpi eq, %iota3A, %eq3A_389 : vector<16xi32>
      tpu.vector_store_idx %arg6[%get3A_381], %broadcast_in_dim3A_9 masked %eq3A_390 {add = true} : memref<10240xf32, #tpu.memory_space<vmem>>[vector<16xi32>], vector<16xf32>, vector<16xi1>
      %eq3A_391 = arith.constant 3 : i32
      %eq3A_392 = vector.broadcast %eq3A_391 : i32 to vector<16xi32>
      %eq3A_393 = arith.cmpi eq, %iota3A, %eq3A_392 : vector<16xi32>
      tpu.vector_store_idx %arg6[%get3A_381], %broadcast_in_dim3A_9 masked %eq3A_393 {add = true} : memref<10240xf32, #tpu.memory_space<vmem>>[vector<16xi32>], vector<16xf32>, vector<16xi1>
      %eq3A_394 = arith.constant 4 : i32
      %eq3A_395 = vector.broadcast %eq3A_394 : i32 to vector<16xi32>
      %eq3A_396 = arith.cmpi eq, %iota3A, %eq3A_395 : vector<16xi32>
      tpu.vector_store_idx %arg6[%get3A_381], %broadcast_in_dim3A_9 masked %eq3A_396 {add = true} : memref<10240xf32, #tpu.memory_space<vmem>>[vector<16xi32>], vector<16xf32>, vector<16xi1>
      %eq3A_397 = arith.constant 5 : i32
      %eq3A_398 = vector.broadcast %eq3A_397 : i32 to vector<16xi32>
      %eq3A_399 = arith.cmpi eq, %iota3A, %eq3A_398 : vector<16xi32>
      tpu.vector_store_idx %arg6[%get3A_381], %broadcast_in_dim3A_9 masked %eq3A_399 {add = true} : memref<10240xf32, #tpu.memory_space<vmem>>[vector<16xi32>], vector<16xf32>, vector<16xi1>
      %eq3A_400 = arith.constant 6 : i32
      %eq3A_401 = vector.broadcast %eq3A_400 : i32 to vector<16xi32>
      %eq3A_402 = arith.cmpi eq, %iota3A, %eq3A_401 : vector<16xi32>
      tpu.vector_store_idx %arg6[%get3A_381], %broadcast_in_dim3A_9 masked %eq3A_402 {add = true} : memref<10240xf32, #tpu.memory_space<vmem>>[vector<16xi32>], vector<16xf32>, vector<16xi1>
      %eq3A_403 = arith.constant 7 : i32
      %eq3A_404 = vector.broadcast %eq3A_403 : i32 to vector<16xi32>
      %eq3A_405 = arith.cmpi eq, %iota3A, %eq3A_404 : vector<16xi32>
      tpu.vector_store_idx %arg6[%get3A_381], %broadcast_in_dim3A_9 masked %eq3A_405 {add = true} : memref<10240xf32, #tpu.memory_space<vmem>>[vector<16xi32>], vector<16xf32>, vector<16xi1>
      %eq3A_406 = arith.constant 8 : i32
      %eq3A_407 = vector.broadcast %eq3A_406 : i32 to vector<16xi32>
      %eq3A_408 = arith.cmpi eq, %iota3A, %eq3A_407 : vector<16xi32>
      tpu.vector_store_idx %arg6[%get3A_381], %broadcast_in_dim3A_9 masked %eq3A_408 {add = true} : memref<10240xf32, #tpu.memory_space<vmem>>[vector<16xi32>], vector<16xf32>, vector<16xi1>
      %eq3A_409 = arith.constant 9 : i32
      %eq3A_410 = vector.broadcast %eq3A_409 : i32 to vector<16xi32>
      %eq3A_411 = arith.cmpi eq, %iota3A, %eq3A_410 : vector<16xi32>
      tpu.vector_store_idx %arg6[%get3A_381], %broadcast_in_dim3A_9 masked %eq3A_411 {add = true} : memref<10240xf32, #tpu.memory_space<vmem>>[vector<16xi32>], vector<16xf32>, vector<16xi1>
      %eq3A_412 = arith.constant 10 : i32
      %eq3A_413 = vector.broadcast %eq3A_412 : i32 to vector<16xi32>
      %eq3A_414 = arith.cmpi eq, %iota3A, %eq3A_413 : vector<16xi32>
      tpu.vector_store_idx %arg6[%get3A_381], %broadcast_in_dim3A_9 masked %eq3A_414 {add = true} : memref<10240xf32, #tpu.memory_space<vmem>>[vector<16xi32>], vector<16xf32>, vector<16xi1>
      %eq3A_415 = arith.constant 11 : i32
      %eq3A_416 = vector.broadcast %eq3A_415 : i32 to vector<16xi32>
      %eq3A_417 = arith.cmpi eq, %iota3A, %eq3A_416 : vector<16xi32>
      tpu.vector_store_idx %arg6[%get3A_381], %broadcast_in_dim3A_9 masked %eq3A_417 {add = true} : memref<10240xf32, #tpu.memory_space<vmem>>[vector<16xi32>], vector<16xf32>, vector<16xi1>
      %eq3A_418 = arith.constant 12 : i32
      %eq3A_419 = vector.broadcast %eq3A_418 : i32 to vector<16xi32>
      %eq3A_420 = arith.cmpi eq, %iota3A, %eq3A_419 : vector<16xi32>
      tpu.vector_store_idx %arg6[%get3A_381], %broadcast_in_dim3A_9 masked %eq3A_420 {add = true} : memref<10240xf32, #tpu.memory_space<vmem>>[vector<16xi32>], vector<16xf32>, vector<16xi1>
      %eq3A_421 = arith.constant 13 : i32
      %eq3A_422 = vector.broadcast %eq3A_421 : i32 to vector<16xi32>
      %eq3A_423 = arith.cmpi eq, %iota3A, %eq3A_422 : vector<16xi32>
      tpu.vector_store_idx %arg6[%get3A_381], %broadcast_in_dim3A_9 masked %eq3A_423 {add = true} : memref<10240xf32, #tpu.memory_space<vmem>>[vector<16xi32>], vector<16xf32>, vector<16xi1>
      %eq3A_424 = arith.constant 14 : i32
      %eq3A_425 = vector.broadcast %eq3A_424 : i32 to vector<16xi32>
      %eq3A_426 = arith.cmpi eq, %iota3A, %eq3A_425 : vector<16xi32>
      tpu.vector_store_idx %arg6[%get3A_381], %broadcast_in_dim3A_9 masked %eq3A_426 {add = true} : memref<10240xf32, #tpu.memory_space<vmem>>[vector<16xi32>], vector<16xf32>, vector<16xi1>
      %eq3A_427 = arith.constant 15 : i32
      %eq3A_428 = vector.broadcast %eq3A_427 : i32 to vector<16xi32>
      %eq3A_429 = arith.cmpi eq, %iota3A, %eq3A_428 : vector<16xi32>
      tpu.vector_store_idx %arg6[%get3A_381], %broadcast_in_dim3A_9 masked %eq3A_429 {add = true} : memref<10240xf32, #tpu.memory_space<vmem>>[vector<16xi32>], vector<16xf32>, vector<16xi1>
      %get3A_430 = arith.constant 0 : i32
      %get3A_431 = arith.index_cast %get3A_430 : i32 to index
      %get3A_432 = arith.constant 32 : index
      %get3A_433 = tpu.vector_load %arg5[%get3A_431, %get3A_432] {strides = array<i32>} : memref<2x80xi32, #tpu.memory_space<vmem>>, vector<16xi32>,
      %eq3A_434 = arith.constant 0 : i32
      %eq3A_435 = vector.broadcast %eq3A_434 : i32 to vector<16xi32>
      %eq3A_436 = arith.cmpi eq, %iota3A, %eq3A_435 : vector<16xi32>
      tpu.vector_store_idx %arg6[%get3A_433], %broadcast_in_dim3A_9 masked %eq3A_436 {add = true} : memref<10240xf32, #tpu.memory_space<vmem>>[vector<16xi32>], vector<16xf32>, vector<16xi1>
      %eq3A_437 = arith.constant 1 : i32
      %eq3A_438 = vector.broadcast %eq3A_437 : i32 to vector<16xi32>
      %eq3A_439 = arith.cmpi eq, %iota3A, %eq3A_438 : vector<16xi32>
      tpu.vector_store_idx %arg6[%get3A_433], %broadcast_in_dim3A_9 masked %eq3A_439 {add = true} : memref<10240xf32, #tpu.memory_space<vmem>>[vector<16xi32>], vector<16xf32>, vector<16xi1>
      %eq3A_440 = arith.constant 2 : i32
      %eq3A_441 = vector.broadcast %eq3A_440 : i32 to vector<16xi32>
      %eq3A_442 = arith.cmpi eq, %iota3A, %eq3A_441 : vector<16xi32>
      tpu.vector_store_idx %arg6[%get3A_433], %broadcast_in_dim3A_9 masked %eq3A_442 {add = true} : memref<10240xf32, #tpu.memory_space<vmem>>[vector<16xi32>], vector<16xf32>, vector<16xi1>
      %eq3A_443 = arith.constant 3 : i32
      %eq3A_444 = vector.broadcast %eq3A_443 : i32 to vector<16xi32>
      %eq3A_445 = arith.cmpi eq, %iota3A, %eq3A_444 : vector<16xi32>
      tpu.vector_store_idx %arg6[%get3A_433], %broadcast_in_dim3A_9 masked %eq3A_445 {add = true} : memref<10240xf32, #tpu.memory_space<vmem>>[vector<16xi32>], vector<16xf32>, vector<16xi1>
      %eq3A_446 = arith.constant 4 : i32
      %eq3A_447 = vector.broadcast %eq3A_446 : i32 to vector<16xi32>
      %eq3A_448 = arith.cmpi eq, %iota3A, %eq3A_447 : vector<16xi32>
      tpu.vector_store_idx %arg6[%get3A_433], %broadcast_in_dim3A_9 masked %eq3A_448 {add = true} : memref<10240xf32, #tpu.memory_space<vmem>>[vector<16xi32>], vector<16xf32>, vector<16xi1>
      %eq3A_449 = arith.constant 5 : i32
      %eq3A_450 = vector.broadcast %eq3A_449 : i32 to vector<16xi32>
      %eq3A_451 = arith.cmpi eq, %iota3A, %eq3A_450 : vector<16xi32>
      tpu.vector_store_idx %arg6[%get3A_433], %broadcast_in_dim3A_9 masked %eq3A_451 {add = true} : memref<10240xf32, #tpu.memory_space<vmem>>[vector<16xi32>], vector<16xf32>, vector<16xi1>
      %eq3A_452 = arith.constant 6 : i32
      %eq3A_453 = vector.broadcast %eq3A_452 : i32 to vector<16xi32>
      %eq3A_454 = arith.cmpi eq, %iota3A, %eq3A_453 : vector<16xi32>
      tpu.vector_store_idx %arg6[%get3A_433], %broadcast_in_dim3A_9 masked %eq3A_454 {add = true} : memref<10240xf32, #tpu.memory_space<vmem>>[vector<16xi32>], vector<16xf32>, vector<16xi1>
      %eq3A_455 = arith.constant 7 : i32
      %eq3A_456 = vector.broadcast %eq3A_455 : i32 to vector<16xi32>
      %eq3A_457 = arith.cmpi eq, %iota3A, %eq3A_456 : vector<16xi32>
      tpu.vector_store_idx %arg6[%get3A_433], %broadcast_in_dim3A_9 masked %eq3A_457 {add = true} : memref<10240xf32, #tpu.memory_space<vmem>>[vector<16xi32>], vector<16xf32>, vector<16xi1>
      %eq3A_458 = arith.constant 8 : i32
      %eq3A_459 = vector.broadcast %eq3A_458 : i32 to vector<16xi32>
      %eq3A_460 = arith.cmpi eq, %iota3A, %eq3A_459 : vector<16xi32>
      tpu.vector_store_idx %arg6[%get3A_433], %broadcast_in_dim3A_9 masked %eq3A_460 {add = true} : memref<10240xf32, #tpu.memory_space<vmem>>[vector<16xi32>], vector<16xf32>, vector<16xi1>
      %eq3A_461 = arith.constant 9 : i32
      %eq3A_462 = vector.broadcast %eq3A_461 : i32 to vector<16xi32>
      %eq3A_463 = arith.cmpi eq, %iota3A, %eq3A_462 : vector<16xi32>
      tpu.vector_store_idx %arg6[%get3A_433], %broadcast_in_dim3A_9 masked %eq3A_463 {add = true} : memref<10240xf32, #tpu.memory_space<vmem>>[vector<16xi32>], vector<16xf32>, vector<16xi1>
      %eq3A_464 = arith.constant 10 : i32
      %eq3A_465 = vector.broadcast %eq3A_464 : i32 to vector<16xi32>
      %eq3A_466 = arith.cmpi eq, %iota3A, %eq3A_465 : vector<16xi32>
      tpu.vector_store_idx %arg6[%get3A_433], %broadcast_in_dim3A_9 masked %eq3A_466 {add = true} : memref<10240xf32, #tpu.memory_space<vmem>>[vector<16xi32>], vector<16xf32>, vector<16xi1>
      %eq3A_467 = arith.constant 11 : i32
      %eq3A_468 = vector.broadcast %eq3A_467 : i32 to vector<16xi32>
      %eq3A_469 = arith.cmpi eq, %iota3A, %eq3A_468 : vector<16xi32>
      tpu.vector_store_idx %arg6[%get3A_433], %broadcast_in_dim3A_9 masked %eq3A_469 {add = true} : memref<10240xf32, #tpu.memory_space<vmem>>[vector<16xi32>], vector<16xf32>, vector<16xi1>
      %eq3A_470 = arith.constant 12 : i32
      %eq3A_471 = vector.broadcast %eq3A_470 : i32 to vector<16xi32>
      %eq3A_472 = arith.cmpi eq, %iota3A, %eq3A_471 : vector<16xi32>
      tpu.vector_store_idx %arg6[%get3A_433], %broadcast_in_dim3A_9 masked %eq3A_472 {add = true} : memref<10240xf32, #tpu.memory_space<vmem>>[vector<16xi32>], vector<16xf32>, vector<16xi1>
      %eq3A_473 = arith.constant 13 : i32
      %eq3A_474 = vector.broadcast %eq3A_473 : i32 to vector<16xi32>
      %eq3A_475 = arith.cmpi eq, %iota3A, %eq3A_474 : vector<16xi32>
      tpu.vector_store_idx %arg6[%get3A_433], %broadcast_in_dim3A_9 masked %eq3A_475 {add = true} : memref<10240xf32, #tpu.memory_space<vmem>>[vector<16xi32>], vector<16xf32>, vector<16xi1>
      %eq3A_476 = arith.constant 14 : i32
      %eq3A_477 = vector.broadcast %eq3A_476 : i32 to vector<16xi32>
      %eq3A_478 = arith.cmpi eq, %iota3A, %eq3A_477 : vector<16xi32>
      tpu.vector_store_idx %arg6[%get3A_433], %broadcast_in_dim3A_9 masked %eq3A_478 {add = true} : memref<10240xf32, #tpu.memory_space<vmem>>[vector<16xi32>], vector<16xf32>, vector<16xi1>
      %eq3A_479 = arith.constant 15 : i32
      %eq3A_480 = vector.broadcast %eq3A_479 : i32 to vector<16xi32>
      %eq3A_481 = arith.cmpi eq, %iota3A, %eq3A_480 : vector<16xi32>
      tpu.vector_store_idx %arg6[%get3A_433], %broadcast_in_dim3A_9 masked %eq3A_481 {add = true} : memref<10240xf32, #tpu.memory_space<vmem>>[vector<16xi32>], vector<16xf32>, vector<16xi1>
      %get3A_482 = arith.constant 0 : i32
      %get3A_483 = arith.index_cast %get3A_482 : i32 to index
      %get3A_484 = arith.constant 48 : index
      %get3A_485 = tpu.vector_load %arg5[%get3A_483, %get3A_484] {strides = array<i32>} : memref<2x80xi32, #tpu.memory_space<vmem>>, vector<16xi32>,
      %eq3A_486 = arith.constant 0 : i32
      %eq3A_487 = vector.broadcast %eq3A_486 : i32 to vector<16xi32>
      %eq3A_488 = arith.cmpi eq, %iota3A, %eq3A_487 : vector<16xi32>
      tpu.vector_store_idx %arg6[%get3A_485], %broadcast_in_dim3A_9 masked %eq3A_488 {add = true} : memref<10240xf32, #tpu.memory_space<vmem>>[vector<16xi32>], vector<16xf32>, vector<16xi1>
      %eq3A_489 = arith.constant 1 : i32
      %eq3A_490 = vector.broadcast %eq3A_489 : i32 to vector<16xi32>
      %eq3A_491 = arith.cmpi eq, %iota3A, %eq3A_490 : vector<16xi32>
      tpu.vector_store_idx %arg6[%get3A_485], %broadcast_in_dim3A_9 masked %eq3A_491 {add = true} : memref<10240xf32, #tpu.memory_space<vmem>>[vector<16xi32>], vector<16xf32>, vector<16xi1>
      %eq3A_492 = arith.constant 2 : i32
      %eq3A_493 = vector.broadcast %eq3A_492 : i32 to vector<16xi32>
      %eq3A_494 = arith.cmpi eq, %iota3A, %eq3A_493 : vector<16xi32>
      tpu.vector_store_idx %arg6[%get3A_485], %broadcast_in_dim3A_9 masked %eq3A_494 {add = true} : memref<10240xf32, #tpu.memory_space<vmem>>[vector<16xi32>], vector<16xf32>, vector<16xi1>
      %eq3A_495 = arith.constant 3 : i32
      %eq3A_496 = vector.broadcast %eq3A_495 : i32 to vector<16xi32>
      %eq3A_497 = arith.cmpi eq, %iota3A, %eq3A_496 : vector<16xi32>
      tpu.vector_store_idx %arg6[%get3A_485], %broadcast_in_dim3A_9 masked %eq3A_497 {add = true} : memref<10240xf32, #tpu.memory_space<vmem>>[vector<16xi32>], vector<16xf32>, vector<16xi1>
      %eq3A_498 = arith.constant 4 : i32
      %eq3A_499 = vector.broadcast %eq3A_498 : i32 to vector<16xi32>
      %eq3A_500 = arith.cmpi eq, %iota3A, %eq3A_499 : vector<16xi32>
      tpu.vector_store_idx %arg6[%get3A_485], %broadcast_in_dim3A_9 masked %eq3A_500 {add = true} : memref<10240xf32, #tpu.memory_space<vmem>>[vector<16xi32>], vector<16xf32>, vector<16xi1>
      %eq3A_501 = arith.constant 5 : i32
      %eq3A_502 = vector.broadcast %eq3A_501 : i32 to vector<16xi32>
      %eq3A_503 = arith.cmpi eq, %iota3A, %eq3A_502 : vector<16xi32>
      tpu.vector_store_idx %arg6[%get3A_485], %broadcast_in_dim3A_9 masked %eq3A_503 {add = true} : memref<10240xf32, #tpu.memory_space<vmem>>[vector<16xi32>], vector<16xf32>, vector<16xi1>
      %eq3A_504 = arith.constant 6 : i32
      %eq3A_505 = vector.broadcast %eq3A_504 : i32 to vector<16xi32>
      %eq3A_506 = arith.cmpi eq, %iota3A, %eq3A_505 : vector<16xi32>
      tpu.vector_store_idx %arg6[%get3A_485], %broadcast_in_dim3A_9 masked %eq3A_506 {add = true} : memref<10240xf32, #tpu.memory_space<vmem>>[vector<16xi32>], vector<16xf32>, vector<16xi1>
      %eq3A_507 = arith.constant 7 : i32
      %eq3A_508 = vector.broadcast %eq3A_507 : i32 to vector<16xi32>
      %eq3A_509 = arith.cmpi eq, %iota3A, %eq3A_508 : vector<16xi32>
      tpu.vector_store_idx %arg6[%get3A_485], %broadcast_in_dim3A_9 masked %eq3A_509 {add = true} : memref<10240xf32, #tpu.memory_space<vmem>>[vector<16xi32>], vector<16xf32>, vector<16xi1>
      %eq3A_510 = arith.constant 8 : i32
      %eq3A_511 = vector.broadcast %eq3A_510 : i32 to vector<16xi32>
      %eq3A_512 = arith.cmpi eq, %iota3A, %eq3A_511 : vector<16xi32>
      tpu.vector_store_idx %arg6[%get3A_485], %broadcast_in_dim3A_9 masked %eq3A_512 {add = true} : memref<10240xf32, #tpu.memory_space<vmem>>[vector<16xi32>], vector<16xf32>, vector<16xi1>
      %eq3A_513 = arith.constant 9 : i32
      %eq3A_514 = vector.broadcast %eq3A_513 : i32 to vector<16xi32>
      %eq3A_515 = arith.cmpi eq, %iota3A, %eq3A_514 : vector<16xi32>
      tpu.vector_store_idx %arg6[%get3A_485], %broadcast_in_dim3A_9 masked %eq3A_515 {add = true} : memref<10240xf32, #tpu.memory_space<vmem>>[vector<16xi32>], vector<16xf32>, vector<16xi1>
      %eq3A_516 = arith.constant 10 : i32
      %eq3A_517 = vector.broadcast %eq3A_516 : i32 to vector<16xi32>
      %eq3A_518 = arith.cmpi eq, %iota3A, %eq3A_517 : vector<16xi32>
      tpu.vector_store_idx %arg6[%get3A_485], %broadcast_in_dim3A_9 masked %eq3A_518 {add = true} : memref<10240xf32, #tpu.memory_space<vmem>>[vector<16xi32>], vector<16xf32>, vector<16xi1>
      %eq3A_519 = arith.constant 11 : i32
      %eq3A_520 = vector.broadcast %eq3A_519 : i32 to vector<16xi32>
      %eq3A_521 = arith.cmpi eq, %iota3A, %eq3A_520 : vector<16xi32>
      tpu.vector_store_idx %arg6[%get3A_485], %broadcast_in_dim3A_9 masked %eq3A_521 {add = true} : memref<10240xf32, #tpu.memory_space<vmem>>[vector<16xi32>], vector<16xf32>, vector<16xi1>
      %eq3A_522 = arith.constant 12 : i32
      %eq3A_523 = vector.broadcast %eq3A_522 : i32 to vector<16xi32>
      %eq3A_524 = arith.cmpi eq, %iota3A, %eq3A_523 : vector<16xi32>
      tpu.vector_store_idx %arg6[%get3A_485], %broadcast_in_dim3A_9 masked %eq3A_524 {add = true} : memref<10240xf32, #tpu.memory_space<vmem>>[vector<16xi32>], vector<16xf32>, vector<16xi1>
      %eq3A_525 = arith.constant 13 : i32
      %eq3A_526 = vector.broadcast %eq3A_525 : i32 to vector<16xi32>
      %eq3A_527 = arith.cmpi eq, %iota3A, %eq3A_526 : vector<16xi32>
      tpu.vector_store_idx %arg6[%get3A_485], %broadcast_in_dim3A_9 masked %eq3A_527 {add = true} : memref<10240xf32, #tpu.memory_space<vmem>>[vector<16xi32>], vector<16xf32>, vector<16xi1>
      %eq3A_528 = arith.constant 14 : i32
      %eq3A_529 = vector.broadcast %eq3A_528 : i32 to vector<16xi32>
      %eq3A_530 = arith.cmpi eq, %iota3A, %eq3A_529 : vector<16xi32>
      tpu.vector_store_idx %arg6[%get3A_485], %broadcast_in_dim3A_9 masked %eq3A_530 {add = true} : memref<10240xf32, #tpu.memory_space<vmem>>[vector<16xi32>], vector<16xf32>, vector<16xi1>
      %eq3A_531 = arith.constant 15 : i32
      %eq3A_532 = vector.broadcast %eq3A_531 : i32 to vector<16xi32>
      %eq3A_533 = arith.cmpi eq, %iota3A, %eq3A_532 : vector<16xi32>
      tpu.vector_store_idx %arg6[%get3A_485], %broadcast_in_dim3A_9 masked %eq3A_533 {add = true} : memref<10240xf32, #tpu.memory_space<vmem>>[vector<16xi32>], vector<16xf32>, vector<16xi1>
      %get3A_534 = arith.constant 0 : i32
      %get3A_535 = arith.index_cast %get3A_534 : i32 to index
      %get3A_536 = arith.constant 64 : index
      %get3A_537 = tpu.vector_load %arg5[%get3A_535, %get3A_536] {strides = array<i32>} : memref<2x80xi32, #tpu.memory_space<vmem>>, vector<16xi32>,
      %eq3A_538 = arith.constant 0 : i32
      %eq3A_539 = vector.broadcast %eq3A_538 : i32 to vector<16xi32>
      %eq3A_540 = arith.cmpi eq, %iota3A, %eq3A_539 : vector<16xi32>
      tpu.vector_store_idx %arg6[%get3A_537], %broadcast_in_dim3A_9 masked %eq3A_540 {add = true} : memref<10240xf32, #tpu.memory_space<vmem>>[vector<16xi32>], vector<16xf32>, vector<16xi1>
      %eq3A_541 = arith.constant 1 : i32
      %eq3A_542 = vector.broadcast %eq3A_541 : i32 to vector<16xi32>
      %eq3A_543 = arith.cmpi eq, %iota3A, %eq3A_542 : vector<16xi32>
      tpu.vector_store_idx %arg6[%get3A_537], %broadcast_in_dim3A_9 masked %eq3A_543 {add = true} : memref<10240xf32, #tpu.memory_space<vmem>>[vector<16xi32>], vector<16xf32>, vector<16xi1>
      %eq3A_544 = arith.constant 2 : i32
      %eq3A_545 = vector.broadcast %eq3A_544 : i32 to vector<16xi32>
      %eq3A_546 = arith.cmpi eq, %iota3A, %eq3A_545 : vector<16xi32>
      tpu.vector_store_idx %arg6[%get3A_537], %broadcast_in_dim3A_9 masked %eq3A_546 {add = true} : memref<10240xf32, #tpu.memory_space<vmem>>[vector<16xi32>], vector<16xf32>, vector<16xi1>
      %eq3A_547 = arith.constant 3 : i32
      %eq3A_548 = vector.broadcast %eq3A_547 : i32 to vector<16xi32>
      %eq3A_549 = arith.cmpi eq, %iota3A, %eq3A_548 : vector<16xi32>
      tpu.vector_store_idx %arg6[%get3A_537], %broadcast_in_dim3A_9 masked %eq3A_549 {add = true} : memref<10240xf32, #tpu.memory_space<vmem>>[vector<16xi32>], vector<16xf32>, vector<16xi1>
      %eq3A_550 = arith.constant 4 : i32
      %eq3A_551 = vector.broadcast %eq3A_550 : i32 to vector<16xi32>
      %eq3A_552 = arith.cmpi eq, %iota3A, %eq3A_551 : vector<16xi32>
      tpu.vector_store_idx %arg6[%get3A_537], %broadcast_in_dim3A_9 masked %eq3A_552 {add = true} : memref<10240xf32, #tpu.memory_space<vmem>>[vector<16xi32>], vector<16xf32>, vector<16xi1>
      %eq3A_553 = arith.constant 5 : i32
      %eq3A_554 = vector.broadcast %eq3A_553 : i32 to vector<16xi32>
      %eq3A_555 = arith.cmpi eq, %iota3A, %eq3A_554 : vector<16xi32>
      tpu.vector_store_idx %arg6[%get3A_537], %broadcast_in_dim3A_9 masked %eq3A_555 {add = true} : memref<10240xf32, #tpu.memory_space<vmem>>[vector<16xi32>], vector<16xf32>, vector<16xi1>
      %eq3A_556 = arith.constant 6 : i32
      %eq3A_557 = vector.broadcast %eq3A_556 : i32 to vector<16xi32>
      %eq3A_558 = arith.cmpi eq, %iota3A, %eq3A_557 : vector<16xi32>
      tpu.vector_store_idx %arg6[%get3A_537], %broadcast_in_dim3A_9 masked %eq3A_558 {add = true} : memref<10240xf32, #tpu.memory_space<vmem>>[vector<16xi32>], vector<16xf32>, vector<16xi1>
      %eq3A_559 = arith.constant 7 : i32
      %eq3A_560 = vector.broadcast %eq3A_559 : i32 to vector<16xi32>
      %eq3A_561 = arith.cmpi eq, %iota3A, %eq3A_560 : vector<16xi32>
      tpu.vector_store_idx %arg6[%get3A_537], %broadcast_in_dim3A_9 masked %eq3A_561 {add = true} : memref<10240xf32, #tpu.memory_space<vmem>>[vector<16xi32>], vector<16xf32>, vector<16xi1>
      %eq3A_562 = arith.constant 8 : i32
      %eq3A_563 = vector.broadcast %eq3A_562 : i32 to vector<16xi32>
      %eq3A_564 = arith.cmpi eq, %iota3A, %eq3A_563 : vector<16xi32>
      tpu.vector_store_idx %arg6[%get3A_537], %broadcast_in_dim3A_9 masked %eq3A_564 {add = true} : memref<10240xf32, #tpu.memory_space<vmem>>[vector<16xi32>], vector<16xf32>, vector<16xi1>
      %eq3A_565 = arith.constant 9 : i32
      %eq3A_566 = vector.broadcast %eq3A_565 : i32 to vector<16xi32>
      %eq3A_567 = arith.cmpi eq, %iota3A, %eq3A_566 : vector<16xi32>
      tpu.vector_store_idx %arg6[%get3A_537], %broadcast_in_dim3A_9 masked %eq3A_567 {add = true} : memref<10240xf32, #tpu.memory_space<vmem>>[vector<16xi32>], vector<16xf32>, vector<16xi1>
      %eq3A_568 = arith.constant 10 : i32
      %eq3A_569 = vector.broadcast %eq3A_568 : i32 to vector<16xi32>
      %eq3A_570 = arith.cmpi eq, %iota3A, %eq3A_569 : vector<16xi32>
      tpu.vector_store_idx %arg6[%get3A_537], %broadcast_in_dim3A_9 masked %eq3A_570 {add = true} : memref<10240xf32, #tpu.memory_space<vmem>>[vector<16xi32>], vector<16xf32>, vector<16xi1>
      %eq3A_571 = arith.constant 11 : i32
      %eq3A_572 = vector.broadcast %eq3A_571 : i32 to vector<16xi32>
      %eq3A_573 = arith.cmpi eq, %iota3A, %eq3A_572 : vector<16xi32>
      tpu.vector_store_idx %arg6[%get3A_537], %broadcast_in_dim3A_9 masked %eq3A_573 {add = true} : memref<10240xf32, #tpu.memory_space<vmem>>[vector<16xi32>], vector<16xf32>, vector<16xi1>
      %eq3A_574 = arith.constant 12 : i32
      %eq3A_575 = vector.broadcast %eq3A_574 : i32 to vector<16xi32>
      %eq3A_576 = arith.cmpi eq, %iota3A, %eq3A_575 : vector<16xi32>
      tpu.vector_store_idx %arg6[%get3A_537], %broadcast_in_dim3A_9 masked %eq3A_576 {add = true} : memref<10240xf32, #tpu.memory_space<vmem>>[vector<16xi32>], vector<16xf32>, vector<16xi1>
      %eq3A_577 = arith.constant 13 : i32
      %eq3A_578 = vector.broadcast %eq3A_577 : i32 to vector<16xi32>
      %eq3A_579 = arith.cmpi eq, %iota3A, %eq3A_578 : vector<16xi32>
      tpu.vector_store_idx %arg6[%get3A_537], %broadcast_in_dim3A_9 masked %eq3A_579 {add = true} : memref<10240xf32, #tpu.memory_space<vmem>>[vector<16xi32>], vector<16xf32>, vector<16xi1>
      %eq3A_580 = arith.constant 14 : i32
      %eq3A_581 = vector.broadcast %eq3A_580 : i32 to vector<16xi32>
      %eq3A_582 = arith.cmpi eq, %iota3A, %eq3A_581 : vector<16xi32>
      tpu.vector_store_idx %arg6[%get3A_537], %broadcast_in_dim3A_9 masked %eq3A_582 {add = true} : memref<10240xf32, #tpu.memory_space<vmem>>[vector<16xi32>], vector<16xf32>, vector<16xi1>
      %eq3A_583 = arith.constant 15 : i32
      %eq3A_584 = vector.broadcast %eq3A_583 : i32 to vector<16xi32>
      %eq3A_585 = arith.cmpi eq, %iota3A, %eq3A_584 : vector<16xi32>
      tpu.vector_store_idx %arg6[%get3A_537], %broadcast_in_dim3A_9 masked %eq3A_585 {add = true} : memref<10240xf32, #tpu.memory_space<vmem>>[vector<16xi32>], vector<16xf32>, vector<16xi1>
      %add3A_586 = arith.constant 2 : i32
      %add3A_587 = arith.addi %mul3A_314, %add3A_586 : i32
      %lt3A_588 = arith.cmpi slt, %add3A_587, %add3A_4 : i32
      %convert_element_type3A_589 = arith.extui %lt3A_588 : i1 to i32
      %cond3A_590 = arith.constant 0 : i32
      %cond3A_591 = arith.cmpi ne, %convert_element_type3A_589, %cond3A_590 : i32
      scf.if %cond3A_591 {
        %add3A_873 = arith.constant 2 : i32
        %add3A_874 = arith.addi %mul3A_314, %add3A_873 : i32
        %add3A_875 = arith.addi %add3A_8, %add3A_874 : i32
        %mul3A_876 = arith.constant 80 : i32
        %mul3A_877 = arith.muli %add3A_875, %mul3A_876 : i32
        %dma_start3A_878 = arith.constant 0 : i32
        %dma_start3A_879 = arith.constant 0 : i32
        %dma_start3A_880 = tpu.memref_slice %arg5[%dma_start3A_878, %dma_start3A_879] : memref<2x80xi32, #tpu.memory_space<vmem>> -> memref<1x80xi32, #tpu.memory_space<vmem>>
        %dma_start3A_881 = tpu.memref_squeeze %dma_start3A_880 : memref<1x80xi32, #tpu.memory_space<vmem>> -> memref<80xi32, #tpu.memory_space<vmem>>
        %dma_start3A_882 = tpu.memref_slice %arg2[%mul3A_877] : memref<320000xi32, #tpu.memory_space<hbm>> -> memref<80xi32, #tpu.memory_space<hbm>>
        %dma_start3A_883 = arith.constant 0 : i32
        %dma_start3A_884 = tpu.memref_slice %arg5[%dma_start3A_878, %dma_start3A_883] : memref<2x80xi32, #tpu.memory_space<vmem>> -> memref<1x80xi32, #tpu.memory_space<vmem>>
        %dma_start3A_885 = tpu.memref_squeeze %dma_start3A_884 : memref<1x80xi32, #tpu.memory_space<vmem>> -> memref<80xi32, #tpu.memory_space<vmem>>
        %dma_start3A_886 = tpu.memref_slice %arg2[%mul3A_877] : memref<320000xi32, #tpu.memory_space<hbm>> -> memref<80xi32, #tpu.memory_space<hbm>>
        tpu.enqueue_dma source(%dma_start3A_886 : memref<80xi32, #tpu.memory_space<hbm>>) target(%dma_start3A_885 : memref<80xi32, #tpu.memory_space<vmem>>) target_semaphore(%arg7 : memref<!tpu.dma_semaphore, #tpu.memory_space<semaphore_mem>>)
      } else {
      }
      %mul3A_592 = arith.constant 2 : i32
      %mul3A_593 = arith.muli %mul3A_592, %scan3A_312 : i32
      %add3A_594 = arith.constant 1 : i32
      %add3A_595 = arith.addi %mul3A_593, %add3A_594 : i32
      %dma_wait3A_596 = arith.constant 1 : i32
      %dma_wait3A_597 = arith.constant 0 : i32
      %dma_wait3A_598 = tpu.memref_slice %arg5[%dma_wait3A_596, %dma_wait3A_597] : memref<2x80xi32, #tpu.memory_space<vmem>> -> memref<1x80xi32, #tpu.memory_space<vmem>>
      %dma_wait3A_599 = tpu.memref_squeeze %dma_wait3A_598 : memref<1x80xi32, #tpu.memory_space<vmem>> -> memref<80xi32, #tpu.memory_space<vmem>>
      %dma_wait3A_600 = arith.constant 0 : i32
      %dma_wait3A_601 = tpu.memref_slice %arg2[%dma_wait3A_600] : memref<320000xi32, #tpu.memory_space<hbm>> -> memref<80xi32, #tpu.memory_space<hbm>>
      %dma_wait3A_602 = arith.constant 0 : i32
      %dma_wait3A_603 = tpu.memref_slice %arg5[%dma_wait3A_596, %dma_wait3A_602] : memref<2x80xi32, #tpu.memory_space<vmem>> -> memref<1x80xi32, #tpu.memory_space<vmem>>
      %dma_wait3A_604 = tpu.memref_squeeze %dma_wait3A_603 : memref<1x80xi32, #tpu.memory_space<vmem>> -> memref<80xi32, #tpu.memory_space<vmem>>
      %dma_wait3A_605 = arith.constant 0 : i32
      %dma_wait3A_606 = tpu.memref_slice %arg2[%dma_wait3A_605] : memref<320000xi32, #tpu.memory_space<hbm>> -> memref<80xi32, #tpu.memory_space<hbm>>
      tpu.wait_dma2 semaphore(%arg8 : memref<!tpu.dma_semaphore, #tpu.memory_space<semaphore_mem>>) src(%dma_wait3A_606 : memref<80xi32, #tpu.memory_space<hbm>>) dst(%dma_wait3A_604 : memref<80xi32, #tpu.memory_space<vmem>>)
      %get3A_607 = arith.constant 1 : i32
      %get3A_608 = arith.index_cast %get3A_607 : i32 to index
      %get3A_609 = arith.constant 0 : index
      %get3A_610 = tpu.vector_load %arg5[%get3A_608, %get3A_609] {strides = array<i32>} : memref<2x80xi32, #tpu.memory_space<vmem>>, vector<16xi32>,
      %eq3A_611 = arith.constant 0 : i32
      %eq3A_612 = vector.broadcast %eq3A_611 : i32 to vector<16xi32>
      %eq3A_613 = arith.cmpi eq, %iota3A, %eq3A_612 : vector<16xi32>
      tpu.vector_store_idx %arg6[%get3A_610], %broadcast_in_dim3A_9 masked %eq3A_613 {add = true} : memref<10240xf32, #tpu.memory_space<vmem>>[vector<16xi32>], vector<16xf32>, vector<16xi1>
      %eq3A_614 = arith.constant 1 : i32
      %eq3A_615 = vector.broadcast %eq3A_614 : i32 to vector<16xi32>
      %eq3A_616 = arith.cmpi eq, %iota3A, %eq3A_615 : vector<16xi32>
      tpu.vector_store_idx %arg6[%get3A_610], %broadcast_in_dim3A_9 masked %eq3A_616 {add = true} : memref<10240xf32, #tpu.memory_space<vmem>>[vector<16xi32>], vector<16xf32>, vector<16xi1>
      %eq3A_617 = arith.constant 2 : i32
      %eq3A_618 = vector.broadcast %eq3A_617 : i32 to vector<16xi32>
      %eq3A_619 = arith.cmpi eq, %iota3A, %eq3A_618 : vector<16xi32>
      tpu.vector_store_idx %arg6[%get3A_610], %broadcast_in_dim3A_9 masked %eq3A_619 {add = true} : memref<10240xf32, #tpu.memory_space<vmem>>[vector<16xi32>], vector<16xf32>, vector<16xi1>
      %eq3A_620 = arith.constant 3 : i32
      %eq3A_621 = vector.broadcast %eq3A_620 : i32 to vector<16xi32>
      %eq3A_622 = arith.cmpi eq, %iota3A, %eq3A_621 : vector<16xi32>
      tpu.vector_store_idx %arg6[%get3A_610], %broadcast_in_dim3A_9 masked %eq3A_622 {add = true} : memref<10240xf32, #tpu.memory_space<vmem>>[vector<16xi32>], vector<16xf32>, vector<16xi1>
      %eq3A_623 = arith.constant 4 : i32
      %eq3A_624 = vector.broadcast %eq3A_623 : i32 to vector<16xi32>
      %eq3A_625 = arith.cmpi eq, %iota3A, %eq3A_624 : vector<16xi32>
      tpu.vector_store_idx %arg6[%get3A_610], %broadcast_in_dim3A_9 masked %eq3A_625 {add = true} : memref<10240xf32, #tpu.memory_space<vmem>>[vector<16xi32>], vector<16xf32>, vector<16xi1>
      %eq3A_626 = arith.constant 5 : i32
      %eq3A_627 = vector.broadcast %eq3A_626 : i32 to vector<16xi32>
      %eq3A_628 = arith.cmpi eq, %iota3A, %eq3A_627 : vector<16xi32>
      tpu.vector_store_idx %arg6[%get3A_610], %broadcast_in_dim3A_9 masked %eq3A_628 {add = true} : memref<10240xf32, #tpu.memory_space<vmem>>[vector<16xi32>], vector<16xf32>, vector<16xi1>
      %eq3A_629 = arith.constant 6 : i32
      %eq3A_630 = vector.broadcast %eq3A_629 : i32 to vector<16xi32>
      %eq3A_631 = arith.cmpi eq, %iota3A, %eq3A_630 : vector<16xi32>
      tpu.vector_store_idx %arg6[%get3A_610], %broadcast_in_dim3A_9 masked %eq3A_631 {add = true} : memref<10240xf32, #tpu.memory_space<vmem>>[vector<16xi32>], vector<16xf32>, vector<16xi1>
      %eq3A_632 = arith.constant 7 : i32
      %eq3A_633 = vector.broadcast %eq3A_632 : i32 to vector<16xi32>
      %eq3A_634 = arith.cmpi eq, %iota3A, %eq3A_633 : vector<16xi32>
      tpu.vector_store_idx %arg6[%get3A_610], %broadcast_in_dim3A_9 masked %eq3A_634 {add = true} : memref<10240xf32, #tpu.memory_space<vmem>>[vector<16xi32>], vector<16xf32>, vector<16xi1>
      %eq3A_635 = arith.constant 8 : i32
      %eq3A_636 = vector.broadcast %eq3A_635 : i32 to vector<16xi32>
      %eq3A_637 = arith.cmpi eq, %iota3A, %eq3A_636 : vector<16xi32>
      tpu.vector_store_idx %arg6[%get3A_610], %broadcast_in_dim3A_9 masked %eq3A_637 {add = true} : memref<10240xf32, #tpu.memory_space<vmem>>[vector<16xi32>], vector<16xf32>, vector<16xi1>
      %eq3A_638 = arith.constant 9 : i32
      %eq3A_639 = vector.broadcast %eq3A_638 : i32 to vector<16xi32>
      %eq3A_640 = arith.cmpi eq, %iota3A, %eq3A_639 : vector<16xi32>
      tpu.vector_store_idx %arg6[%get3A_610], %broadcast_in_dim3A_9 masked %eq3A_640 {add = true} : memref<10240xf32, #tpu.memory_space<vmem>>[vector<16xi32>], vector<16xf32>, vector<16xi1>
      %eq3A_641 = arith.constant 10 : i32
      %eq3A_642 = vector.broadcast %eq3A_641 : i32 to vector<16xi32>
      %eq3A_643 = arith.cmpi eq, %iota3A, %eq3A_642 : vector<16xi32>
      tpu.vector_store_idx %arg6[%get3A_610], %broadcast_in_dim3A_9 masked %eq3A_643 {add = true} : memref<10240xf32, #tpu.memory_space<vmem>>[vector<16xi32>], vector<16xf32>, vector<16xi1>
      %eq3A_644 = arith.constant 11 : i32
      %eq3A_645 = vector.broadcast %eq3A_644 : i32 to vector<16xi32>
      %eq3A_646 = arith.cmpi eq, %iota3A, %eq3A_645 : vector<16xi32>
      tpu.vector_store_idx %arg6[%get3A_610], %broadcast_in_dim3A_9 masked %eq3A_646 {add = true} : memref<10240xf32, #tpu.memory_space<vmem>>[vector<16xi32>], vector<16xf32>, vector<16xi1>
      %eq3A_647 = arith.constant 12 : i32
      %eq3A_648 = vector.broadcast %eq3A_647 : i32 to vector<16xi32>
      %eq3A_649 = arith.cmpi eq, %iota3A, %eq3A_648 : vector<16xi32>
      tpu.vector_store_idx %arg6[%get3A_610], %broadcast_in_dim3A_9 masked %eq3A_649 {add = true} : memref<10240xf32, #tpu.memory_space<vmem>>[vector<16xi32>], vector<16xf32>, vector<16xi1>
      %eq3A_650 = arith.constant 13 : i32
      %eq3A_651 = vector.broadcast %eq3A_650 : i32 to vector<16xi32>
      %eq3A_652 = arith.cmpi eq, %iota3A, %eq3A_651 : vector<16xi32>
      tpu.vector_store_idx %arg6[%get3A_610], %broadcast_in_dim3A_9 masked %eq3A_652 {add = true} : memref<10240xf32, #tpu.memory_space<vmem>>[vector<16xi32>], vector<16xf32>, vector<16xi1>
      %eq3A_653 = arith.constant 14 : i32
      %eq3A_654 = vector.broadcast %eq3A_653 : i32 to vector<16xi32>
      %eq3A_655 = arith.cmpi eq, %iota3A, %eq3A_654 : vector<16xi32>
      tpu.vector_store_idx %arg6[%get3A_610], %broadcast_in_dim3A_9 masked %eq3A_655 {add = true} : memref<10240xf32, #tpu.memory_space<vmem>>[vector<16xi32>], vector<16xf32>, vector<16xi1>
      %eq3A_656 = arith.constant 15 : i32
      %eq3A_657 = vector.broadcast %eq3A_656 : i32 to vector<16xi32>
      %eq3A_658 = arith.cmpi eq, %iota3A, %eq3A_657 : vector<16xi32>
      tpu.vector_store_idx %arg6[%get3A_610], %broadcast_in_dim3A_9 masked %eq3A_658 {add = true} : memref<10240xf32, #tpu.memory_space<vmem>>[vector<16xi32>], vector<16xf32>, vector<16xi1>
      %get3A_659 = arith.constant 1 : i32
      %get3A_660 = arith.index_cast %get3A_659 : i32 to index
      %get3A_661 = arith.constant 16 : index
      %get3A_662 = tpu.vector_load %arg5[%get3A_660, %get3A_661] {strides = array<i32>} : memref<2x80xi32, #tpu.memory_space<vmem>>, vector<16xi32>,
      %eq3A_663 = arith.constant 0 : i32
      %eq3A_664 = vector.broadcast %eq3A_663 : i32 to vector<16xi32>
      %eq3A_665 = arith.cmpi eq, %iota3A, %eq3A_664 : vector<16xi32>
      tpu.vector_store_idx %arg6[%get3A_662], %broadcast_in_dim3A_9 masked %eq3A_665 {add = true} : memref<10240xf32, #tpu.memory_space<vmem>>[vector<16xi32>], vector<16xf32>, vector<16xi1>
      %eq3A_666 = arith.constant 1 : i32
      %eq3A_667 = vector.broadcast %eq3A_666 : i32 to vector<16xi32>
      %eq3A_668 = arith.cmpi eq, %iota3A, %eq3A_667 : vector<16xi32>
      tpu.vector_store_idx %arg6[%get3A_662], %broadcast_in_dim3A_9 masked %eq3A_668 {add = true} : memref<10240xf32, #tpu.memory_space<vmem>>[vector<16xi32>], vector<16xf32>, vector<16xi1>
      %eq3A_669 = arith.constant 2 : i32
      %eq3A_670 = vector.broadcast %eq3A_669 : i32 to vector<16xi32>
      %eq3A_671 = arith.cmpi eq, %iota3A, %eq3A_670 : vector<16xi32>
      tpu.vector_store_idx %arg6[%get3A_662], %broadcast_in_dim3A_9 masked %eq3A_671 {add = true} : memref<10240xf32, #tpu.memory_space<vmem>>[vector<16xi32>], vector<16xf32>, vector<16xi1>
      %eq3A_672 = arith.constant 3 : i32
      %eq3A_673 = vector.broadcast %eq3A_672 : i32 to vector<16xi32>
      %eq3A_674 = arith.cmpi eq, %iota3A, %eq3A_673 : vector<16xi32>
      tpu.vector_store_idx %arg6[%get3A_662], %broadcast_in_dim3A_9 masked %eq3A_674 {add = true} : memref<10240xf32, #tpu.memory_space<vmem>>[vector<16xi32>], vector<16xf32>, vector<16xi1>
      %eq3A_675 = arith.constant 4 : i32
      %eq3A_676 = vector.broadcast %eq3A_675 : i32 to vector<16xi32>
      %eq3A_677 = arith.cmpi eq, %iota3A, %eq3A_676 : vector<16xi32>
      tpu.vector_store_idx %arg6[%get3A_662], %broadcast_in_dim3A_9 masked %eq3A_677 {add = true} : memref<10240xf32, #tpu.memory_space<vmem>>[vector<16xi32>], vector<16xf32>, vector<16xi1>
      %eq3A_678 = arith.constant 5 : i32
      %eq3A_679 = vector.broadcast %eq3A_678 : i32 to vector<16xi32>
      %eq3A_680 = arith.cmpi eq, %iota3A, %eq3A_679 : vector<16xi32>
      tpu.vector_store_idx %arg6[%get3A_662], %broadcast_in_dim3A_9 masked %eq3A_680 {add = true} : memref<10240xf32, #tpu.memory_space<vmem>>[vector<16xi32>], vector<16xf32>, vector<16xi1>
      %eq3A_681 = arith.constant 6 : i32
      %eq3A_682 = vector.broadcast %eq3A_681 : i32 to vector<16xi32>
      %eq3A_683 = arith.cmpi eq, %iota3A, %eq3A_682 : vector<16xi32>
      tpu.vector_store_idx %arg6[%get3A_662], %broadcast_in_dim3A_9 masked %eq3A_683 {add = true} : memref<10240xf32, #tpu.memory_space<vmem>>[vector<16xi32>], vector<16xf32>, vector<16xi1>
      %eq3A_684 = arith.constant 7 : i32
      %eq3A_685 = vector.broadcast %eq3A_684 : i32 to vector<16xi32>
      %eq3A_686 = arith.cmpi eq, %iota3A, %eq3A_685 : vector<16xi32>
      tpu.vector_store_idx %arg6[%get3A_662], %broadcast_in_dim3A_9 masked %eq3A_686 {add = true} : memref<10240xf32, #tpu.memory_space<vmem>>[vector<16xi32>], vector<16xf32>, vector<16xi1>
      %eq3A_687 = arith.constant 8 : i32
      %eq3A_688 = vector.broadcast %eq3A_687 : i32 to vector<16xi32>
      %eq3A_689 = arith.cmpi eq, %iota3A, %eq3A_688 : vector<16xi32>
      tpu.vector_store_idx %arg6[%get3A_662], %broadcast_in_dim3A_9 masked %eq3A_689 {add = true} : memref<10240xf32, #tpu.memory_space<vmem>>[vector<16xi32>], vector<16xf32>, vector<16xi1>
      %eq3A_690 = arith.constant 9 : i32
      %eq3A_691 = vector.broadcast %eq3A_690 : i32 to vector<16xi32>
      %eq3A_692 = arith.cmpi eq, %iota3A, %eq3A_691 : vector<16xi32>
      tpu.vector_store_idx %arg6[%get3A_662], %broadcast_in_dim3A_9 masked %eq3A_692 {add = true} : memref<10240xf32, #tpu.memory_space<vmem>>[vector<16xi32>], vector<16xf32>, vector<16xi1>
      %eq3A_693 = arith.constant 10 : i32
      %eq3A_694 = vector.broadcast %eq3A_693 : i32 to vector<16xi32>
      %eq3A_695 = arith.cmpi eq, %iota3A, %eq3A_694 : vector<16xi32>
      tpu.vector_store_idx %arg6[%get3A_662], %broadcast_in_dim3A_9 masked %eq3A_695 {add = true} : memref<10240xf32, #tpu.memory_space<vmem>>[vector<16xi32>], vector<16xf32>, vector<16xi1>
      %eq3A_696 = arith.constant 11 : i32
      %eq3A_697 = vector.broadcast %eq3A_696 : i32 to vector<16xi32>
      %eq3A_698 = arith.cmpi eq, %iota3A, %eq3A_697 : vector<16xi32>
      tpu.vector_store_idx %arg6[%get3A_662], %broadcast_in_dim3A_9 masked %eq3A_698 {add = true} : memref<10240xf32, #tpu.memory_space<vmem>>[vector<16xi32>], vector<16xf32>, vector<16xi1>
      %eq3A_699 = arith.constant 12 : i32
      %eq3A_700 = vector.broadcast %eq3A_699 : i32 to vector<16xi32>
      %eq3A_701 = arith.cmpi eq, %iota3A, %eq3A_700 : vector<16xi32>
      tpu.vector_store_idx %arg6[%get3A_662], %broadcast_in_dim3A_9 masked %eq3A_701 {add = true} : memref<10240xf32, #tpu.memory_space<vmem>>[vector<16xi32>], vector<16xf32>, vector<16xi1>
      %eq3A_702 = arith.constant 13 : i32
      %eq3A_703 = vector.broadcast %eq3A_702 : i32 to vector<16xi32>
      %eq3A_704 = arith.cmpi eq, %iota3A, %eq3A_703 : vector<16xi32>
      tpu.vector_store_idx %arg6[%get3A_662], %broadcast_in_dim3A_9 masked %eq3A_704 {add = true} : memref<10240xf32, #tpu.memory_space<vmem>>[vector<16xi32>], vector<16xf32>, vector<16xi1>
      %eq3A_705 = arith.constant 14 : i32
      %eq3A_706 = vector.broadcast %eq3A_705 : i32 to vector<16xi32>
      %eq3A_707 = arith.cmpi eq, %iota3A, %eq3A_706 : vector<16xi32>
      tpu.vector_store_idx %arg6[%get3A_662], %broadcast_in_dim3A_9 masked %eq3A_707 {add = true} : memref<10240xf32, #tpu.memory_space<vmem>>[vector<16xi32>], vector<16xf32>, vector<16xi1>
      %eq3A_708 = arith.constant 15 : i32
      %eq3A_709 = vector.broadcast %eq3A_708 : i32 to vector<16xi32>
      %eq3A_710 = arith.cmpi eq, %iota3A, %eq3A_709 : vector<16xi32>
      tpu.vector_store_idx %arg6[%get3A_662], %broadcast_in_dim3A_9 masked %eq3A_710 {add = true} : memref<10240xf32, #tpu.memory_space<vmem>>[vector<16xi32>], vector<16xf32>, vector<16xi1>
      %get3A_711 = arith.constant 1 : i32
      %get3A_712 = arith.index_cast %get3A_711 : i32 to index
      %get3A_713 = arith.constant 32 : index
      %get3A_714 = tpu.vector_load %arg5[%get3A_712, %get3A_713] {strides = array<i32>} : memref<2x80xi32, #tpu.memory_space<vmem>>, vector<16xi32>,
      %eq3A_715 = arith.constant 0 : i32
      %eq3A_716 = vector.broadcast %eq3A_715 : i32 to vector<16xi32>
      %eq3A_717 = arith.cmpi eq, %iota3A, %eq3A_716 : vector<16xi32>
      tpu.vector_store_idx %arg6[%get3A_714], %broadcast_in_dim3A_9 masked %eq3A_717 {add = true} : memref<10240xf32, #tpu.memory_space<vmem>>[vector<16xi32>], vector<16xf32>, vector<16xi1>
      %eq3A_718 = arith.constant 1 : i32
      %eq3A_719 = vector.broadcast %eq3A_718 : i32 to vector<16xi32>
      %eq3A_720 = arith.cmpi eq, %iota3A, %eq3A_719 : vector<16xi32>
      tpu.vector_store_idx %arg6[%get3A_714], %broadcast_in_dim3A_9 masked %eq3A_720 {add = true} : memref<10240xf32, #tpu.memory_space<vmem>>[vector<16xi32>], vector<16xf32>, vector<16xi1>
      %eq3A_721 = arith.constant 2 : i32
      %eq3A_722 = vector.broadcast %eq3A_721 : i32 to vector<16xi32>
      %eq3A_723 = arith.cmpi eq, %iota3A, %eq3A_722 : vector<16xi32>
      tpu.vector_store_idx %arg6[%get3A_714], %broadcast_in_dim3A_9 masked %eq3A_723 {add = true} : memref<10240xf32, #tpu.memory_space<vmem>>[vector<16xi32>], vector<16xf32>, vector<16xi1>
      %eq3A_724 = arith.constant 3 : i32
      %eq3A_725 = vector.broadcast %eq3A_724 : i32 to vector<16xi32>
      %eq3A_726 = arith.cmpi eq, %iota3A, %eq3A_725 : vector<16xi32>
      tpu.vector_store_idx %arg6[%get3A_714], %broadcast_in_dim3A_9 masked %eq3A_726 {add = true} : memref<10240xf32, #tpu.memory_space<vmem>>[vector<16xi32>], vector<16xf32>, vector<16xi1>
      %eq3A_727 = arith.constant 4 : i32
      %eq3A_728 = vector.broadcast %eq3A_727 : i32 to vector<16xi32>
      %eq3A_729 = arith.cmpi eq, %iota3A, %eq3A_728 : vector<16xi32>
      tpu.vector_store_idx %arg6[%get3A_714], %broadcast_in_dim3A_9 masked %eq3A_729 {add = true} : memref<10240xf32, #tpu.memory_space<vmem>>[vector<16xi32>], vector<16xf32>, vector<16xi1>
      %eq3A_730 = arith.constant 5 : i32
      %eq3A_731 = vector.broadcast %eq3A_730 : i32 to vector<16xi32>
      %eq3A_732 = arith.cmpi eq, %iota3A, %eq3A_731 : vector<16xi32>
      tpu.vector_store_idx %arg6[%get3A_714], %broadcast_in_dim3A_9 masked %eq3A_732 {add = true} : memref<10240xf32, #tpu.memory_space<vmem>>[vector<16xi32>], vector<16xf32>, vector<16xi1>
      %eq3A_733 = arith.constant 6 : i32
      %eq3A_734 = vector.broadcast %eq3A_733 : i32 to vector<16xi32>
      %eq3A_735 = arith.cmpi eq, %iota3A, %eq3A_734 : vector<16xi32>
      tpu.vector_store_idx %arg6[%get3A_714], %broadcast_in_dim3A_9 masked %eq3A_735 {add = true} : memref<10240xf32, #tpu.memory_space<vmem>>[vector<16xi32>], vector<16xf32>, vector<16xi1>
      %eq3A_736 = arith.constant 7 : i32
      %eq3A_737 = vector.broadcast %eq3A_736 : i32 to vector<16xi32>
      %eq3A_738 = arith.cmpi eq, %iota3A, %eq3A_737 : vector<16xi32>
      tpu.vector_store_idx %arg6[%get3A_714], %broadcast_in_dim3A_9 masked %eq3A_738 {add = true} : memref<10240xf32, #tpu.memory_space<vmem>>[vector<16xi32>], vector<16xf32>, vector<16xi1>
      %eq3A_739 = arith.constant 8 : i32
      %eq3A_740 = vector.broadcast %eq3A_739 : i32 to vector<16xi32>
      %eq3A_741 = arith.cmpi eq, %iota3A, %eq3A_740 : vector<16xi32>
      tpu.vector_store_idx %arg6[%get3A_714], %broadcast_in_dim3A_9 masked %eq3A_741 {add = true} : memref<10240xf32, #tpu.memory_space<vmem>>[vector<16xi32>], vector<16xf32>, vector<16xi1>
      %eq3A_742 = arith.constant 9 : i32
      %eq3A_743 = vector.broadcast %eq3A_742 : i32 to vector<16xi32>
      %eq3A_744 = arith.cmpi eq, %iota3A, %eq3A_743 : vector<16xi32>
      tpu.vector_store_idx %arg6[%get3A_714], %broadcast_in_dim3A_9 masked %eq3A_744 {add = true} : memref<10240xf32, #tpu.memory_space<vmem>>[vector<16xi32>], vector<16xf32>, vector<16xi1>
      %eq3A_745 = arith.constant 10 : i32
      %eq3A_746 = vector.broadcast %eq3A_745 : i32 to vector<16xi32>
      %eq3A_747 = arith.cmpi eq, %iota3A, %eq3A_746 : vector<16xi32>
      tpu.vector_store_idx %arg6[%get3A_714], %broadcast_in_dim3A_9 masked %eq3A_747 {add = true} : memref<10240xf32, #tpu.memory_space<vmem>>[vector<16xi32>], vector<16xf32>, vector<16xi1>
      %eq3A_748 = arith.constant 11 : i32
      %eq3A_749 = vector.broadcast %eq3A_748 : i32 to vector<16xi32>
      %eq3A_750 = arith.cmpi eq, %iota3A, %eq3A_749 : vector<16xi32>
      tpu.vector_store_idx %arg6[%get3A_714], %broadcast_in_dim3A_9 masked %eq3A_750 {add = true} : memref<10240xf32, #tpu.memory_space<vmem>>[vector<16xi32>], vector<16xf32>, vector<16xi1>
      %eq3A_751 = arith.constant 12 : i32
      %eq3A_752 = vector.broadcast %eq3A_751 : i32 to vector<16xi32>
      %eq3A_753 = arith.cmpi eq, %iota3A, %eq3A_752 : vector<16xi32>
      tpu.vector_store_idx %arg6[%get3A_714], %broadcast_in_dim3A_9 masked %eq3A_753 {add = true} : memref<10240xf32, #tpu.memory_space<vmem>>[vector<16xi32>], vector<16xf32>, vector<16xi1>
      %eq3A_754 = arith.constant 13 : i32
      %eq3A_755 = vector.broadcast %eq3A_754 : i32 to vector<16xi32>
      %eq3A_756 = arith.cmpi eq, %iota3A, %eq3A_755 : vector<16xi32>
      tpu.vector_store_idx %arg6[%get3A_714], %broadcast_in_dim3A_9 masked %eq3A_756 {add = true} : memref<10240xf32, #tpu.memory_space<vmem>>[vector<16xi32>], vector<16xf32>, vector<16xi1>
      %eq3A_757 = arith.constant 14 : i32
      %eq3A_758 = vector.broadcast %eq3A_757 : i32 to vector<16xi32>
      %eq3A_759 = arith.cmpi eq, %iota3A, %eq3A_758 : vector<16xi32>
      tpu.vector_store_idx %arg6[%get3A_714], %broadcast_in_dim3A_9 masked %eq3A_759 {add = true} : memref<10240xf32, #tpu.memory_space<vmem>>[vector<16xi32>], vector<16xf32>, vector<16xi1>
      %eq3A_760 = arith.constant 15 : i32
      %eq3A_761 = vector.broadcast %eq3A_760 : i32 to vector<16xi32>
      %eq3A_762 = arith.cmpi eq, %iota3A, %eq3A_761 : vector<16xi32>
      tpu.vector_store_idx %arg6[%get3A_714], %broadcast_in_dim3A_9 masked %eq3A_762 {add = true} : memref<10240xf32, #tpu.memory_space<vmem>>[vector<16xi32>], vector<16xf32>, vector<16xi1>
      %get3A_763 = arith.constant 1 : i32
      %get3A_764 = arith.index_cast %get3A_763 : i32 to index
      %get3A_765 = arith.constant 48 : index
      %get3A_766 = tpu.vector_load %arg5[%get3A_764, %get3A_765] {strides = array<i32>} : memref<2x80xi32, #tpu.memory_space<vmem>>, vector<16xi32>,
      %eq3A_767 = arith.constant 0 : i32
      %eq3A_768 = vector.broadcast %eq3A_767 : i32 to vector<16xi32>
      %eq3A_769 = arith.cmpi eq, %iota3A, %eq3A_768 : vector<16xi32>
      tpu.vector_store_idx %arg6[%get3A_766], %broadcast_in_dim3A_9 masked %eq3A_769 {add = true} : memref<10240xf32, #tpu.memory_space<vmem>>[vector<16xi32>], vector<16xf32>, vector<16xi1>
      %eq3A_770 = arith.constant 1 : i32
      %eq3A_771 = vector.broadcast %eq3A_770 : i32 to vector<16xi32>
      %eq3A_772 = arith.cmpi eq, %iota3A, %eq3A_771 : vector<16xi32>
      tpu.vector_store_idx %arg6[%get3A_766], %broadcast_in_dim3A_9 masked %eq3A_772 {add = true} : memref<10240xf32, #tpu.memory_space<vmem>>[vector<16xi32>], vector<16xf32>, vector<16xi1>
      %eq3A_773 = arith.constant 2 : i32
      %eq3A_774 = vector.broadcast %eq3A_773 : i32 to vector<16xi32>
      %eq3A_775 = arith.cmpi eq, %iota3A, %eq3A_774 : vector<16xi32>
      tpu.vector_store_idx %arg6[%get3A_766], %broadcast_in_dim3A_9 masked %eq3A_775 {add = true} : memref<10240xf32, #tpu.memory_space<vmem>>[vector<16xi32>], vector<16xf32>, vector<16xi1>
      %eq3A_776 = arith.constant 3 : i32
      %eq3A_777 = vector.broadcast %eq3A_776 : i32 to vector<16xi32>
      %eq3A_778 = arith.cmpi eq, %iota3A, %eq3A_777 : vector<16xi32>
      tpu.vector_store_idx %arg6[%get3A_766], %broadcast_in_dim3A_9 masked %eq3A_778 {add = true} : memref<10240xf32, #tpu.memory_space<vmem>>[vector<16xi32>], vector<16xf32>, vector<16xi1>
      %eq3A_779 = arith.constant 4 : i32
      %eq3A_780 = vector.broadcast %eq3A_779 : i32 to vector<16xi32>
      %eq3A_781 = arith.cmpi eq, %iota3A, %eq3A_780 : vector<16xi32>
      tpu.vector_store_idx %arg6[%get3A_766], %broadcast_in_dim3A_9 masked %eq3A_781 {add = true} : memref<10240xf32, #tpu.memory_space<vmem>>[vector<16xi32>], vector<16xf32>, vector<16xi1>
      %eq3A_782 = arith.constant 5 : i32
      %eq3A_783 = vector.broadcast %eq3A_782 : i32 to vector<16xi32>
      %eq3A_784 = arith.cmpi eq, %iota3A, %eq3A_783 : vector<16xi32>
      tpu.vector_store_idx %arg6[%get3A_766], %broadcast_in_dim3A_9 masked %eq3A_784 {add = true} : memref<10240xf32, #tpu.memory_space<vmem>>[vector<16xi32>], vector<16xf32>, vector<16xi1>
      %eq3A_785 = arith.constant 6 : i32
      %eq3A_786 = vector.broadcast %eq3A_785 : i32 to vector<16xi32>
      %eq3A_787 = arith.cmpi eq, %iota3A, %eq3A_786 : vector<16xi32>
      tpu.vector_store_idx %arg6[%get3A_766], %broadcast_in_dim3A_9 masked %eq3A_787 {add = true} : memref<10240xf32, #tpu.memory_space<vmem>>[vector<16xi32>], vector<16xf32>, vector<16xi1>
      %eq3A_788 = arith.constant 7 : i32
      %eq3A_789 = vector.broadcast %eq3A_788 : i32 to vector<16xi32>
      %eq3A_790 = arith.cmpi eq, %iota3A, %eq3A_789 : vector<16xi32>
      tpu.vector_store_idx %arg6[%get3A_766], %broadcast_in_dim3A_9 masked %eq3A_790 {add = true} : memref<10240xf32, #tpu.memory_space<vmem>>[vector<16xi32>], vector<16xf32>, vector<16xi1>
      %eq3A_791 = arith.constant 8 : i32
      %eq3A_792 = vector.broadcast %eq3A_791 : i32 to vector<16xi32>
      %eq3A_793 = arith.cmpi eq, %iota3A, %eq3A_792 : vector<16xi32>
      tpu.vector_store_idx %arg6[%get3A_766], %broadcast_in_dim3A_9 masked %eq3A_793 {add = true} : memref<10240xf32, #tpu.memory_space<vmem>>[vector<16xi32>], vector<16xf32>, vector<16xi1>
      %eq3A_794 = arith.constant 9 : i32
      %eq3A_795 = vector.broadcast %eq3A_794 : i32 to vector<16xi32>
      %eq3A_796 = arith.cmpi eq, %iota3A, %eq3A_795 : vector<16xi32>
      tpu.vector_store_idx %arg6[%get3A_766], %broadcast_in_dim3A_9 masked %eq3A_796 {add = true} : memref<10240xf32, #tpu.memory_space<vmem>>[vector<16xi32>], vector<16xf32>, vector<16xi1>
      %eq3A_797 = arith.constant 10 : i32
      %eq3A_798 = vector.broadcast %eq3A_797 : i32 to vector<16xi32>
      %eq3A_799 = arith.cmpi eq, %iota3A, %eq3A_798 : vector<16xi32>
      tpu.vector_store_idx %arg6[%get3A_766], %broadcast_in_dim3A_9 masked %eq3A_799 {add = true} : memref<10240xf32, #tpu.memory_space<vmem>>[vector<16xi32>], vector<16xf32>, vector<16xi1>
      %eq3A_800 = arith.constant 11 : i32
      %eq3A_801 = vector.broadcast %eq3A_800 : i32 to vector<16xi32>
      %eq3A_802 = arith.cmpi eq, %iota3A, %eq3A_801 : vector<16xi32>
      tpu.vector_store_idx %arg6[%get3A_766], %broadcast_in_dim3A_9 masked %eq3A_802 {add = true} : memref<10240xf32, #tpu.memory_space<vmem>>[vector<16xi32>], vector<16xf32>, vector<16xi1>
      %eq3A_803 = arith.constant 12 : i32
      %eq3A_804 = vector.broadcast %eq3A_803 : i32 to vector<16xi32>
      %eq3A_805 = arith.cmpi eq, %iota3A, %eq3A_804 : vector<16xi32>
      tpu.vector_store_idx %arg6[%get3A_766], %broadcast_in_dim3A_9 masked %eq3A_805 {add = true} : memref<10240xf32, #tpu.memory_space<vmem>>[vector<16xi32>], vector<16xf32>, vector<16xi1>
      %eq3A_806 = arith.constant 13 : i32
      %eq3A_807 = vector.broadcast %eq3A_806 : i32 to vector<16xi32>
      %eq3A_808 = arith.cmpi eq, %iota3A, %eq3A_807 : vector<16xi32>
      tpu.vector_store_idx %arg6[%get3A_766], %broadcast_in_dim3A_9 masked %eq3A_808 {add = true} : memref<10240xf32, #tpu.memory_space<vmem>>[vector<16xi32>], vector<16xf32>, vector<16xi1>
      %eq3A_809 = arith.constant 14 : i32
      %eq3A_810 = vector.broadcast %eq3A_809 : i32 to vector<16xi32>
      %eq3A_811 = arith.cmpi eq, %iota3A, %eq3A_810 : vector<16xi32>
      tpu.vector_store_idx %arg6[%get3A_766], %broadcast_in_dim3A_9 masked %eq3A_811 {add = true} : memref<10240xf32, #tpu.memory_space<vmem>>[vector<16xi32>], vector<16xf32>, vector<16xi1>
      %eq3A_812 = arith.constant 15 : i32
      %eq3A_813 = vector.broadcast %eq3A_812 : i32 to vector<16xi32>
      %eq3A_814 = arith.cmpi eq, %iota3A, %eq3A_813 : vector<16xi32>
      tpu.vector_store_idx %arg6[%get3A_766], %broadcast_in_dim3A_9 masked %eq3A_814 {add = true} : memref<10240xf32, #tpu.memory_space<vmem>>[vector<16xi32>], vector<16xf32>, vector<16xi1>
      %get3A_815 = arith.constant 1 : i32
      %get3A_816 = arith.index_cast %get3A_815 : i32 to index
      %get3A_817 = arith.constant 64 : index
      %get3A_818 = tpu.vector_load %arg5[%get3A_816, %get3A_817] {strides = array<i32>} : memref<2x80xi32, #tpu.memory_space<vmem>>, vector<16xi32>,
      %eq3A_819 = arith.constant 0 : i32
      %eq3A_820 = vector.broadcast %eq3A_819 : i32 to vector<16xi32>
      %eq3A_821 = arith.cmpi eq, %iota3A, %eq3A_820 : vector<16xi32>
      tpu.vector_store_idx %arg6[%get3A_818], %broadcast_in_dim3A_9 masked %eq3A_821 {add = true} : memref<10240xf32, #tpu.memory_space<vmem>>[vector<16xi32>], vector<16xf32>, vector<16xi1>
      %eq3A_822 = arith.constant 1 : i32
      %eq3A_823 = vector.broadcast %eq3A_822 : i32 to vector<16xi32>
      %eq3A_824 = arith.cmpi eq, %iota3A, %eq3A_823 : vector<16xi32>
      tpu.vector_store_idx %arg6[%get3A_818], %broadcast_in_dim3A_9 masked %eq3A_824 {add = true} : memref<10240xf32, #tpu.memory_space<vmem>>[vector<16xi32>], vector<16xf32>, vector<16xi1>
      %eq3A_825 = arith.constant 2 : i32
      %eq3A_826 = vector.broadcast %eq3A_825 : i32 to vector<16xi32>
      %eq3A_827 = arith.cmpi eq, %iota3A, %eq3A_826 : vector<16xi32>
      tpu.vector_store_idx %arg6[%get3A_818], %broadcast_in_dim3A_9 masked %eq3A_827 {add = true} : memref<10240xf32, #tpu.memory_space<vmem>>[vector<16xi32>], vector<16xf32>, vector<16xi1>
      %eq3A_828 = arith.constant 3 : i32
      %eq3A_829 = vector.broadcast %eq3A_828 : i32 to vector<16xi32>
      %eq3A_830 = arith.cmpi eq, %iota3A, %eq3A_829 : vector<16xi32>
      tpu.vector_store_idx %arg6[%get3A_818], %broadcast_in_dim3A_9 masked %eq3A_830 {add = true} : memref<10240xf32, #tpu.memory_space<vmem>>[vector<16xi32>], vector<16xf32>, vector<16xi1>
      %eq3A_831 = arith.constant 4 : i32
      %eq3A_832 = vector.broadcast %eq3A_831 : i32 to vector<16xi32>
      %eq3A_833 = arith.cmpi eq, %iota3A, %eq3A_832 : vector<16xi32>
      tpu.vector_store_idx %arg6[%get3A_818], %broadcast_in_dim3A_9 masked %eq3A_833 {add = true} : memref<10240xf32, #tpu.memory_space<vmem>>[vector<16xi32>], vector<16xf32>, vector<16xi1>
      %eq3A_834 = arith.constant 5 : i32
      %eq3A_835 = vector.broadcast %eq3A_834 : i32 to vector<16xi32>
      %eq3A_836 = arith.cmpi eq, %iota3A, %eq3A_835 : vector<16xi32>
      tpu.vector_store_idx %arg6[%get3A_818], %broadcast_in_dim3A_9 masked %eq3A_836 {add = true} : memref<10240xf32, #tpu.memory_space<vmem>>[vector<16xi32>], vector<16xf32>, vector<16xi1>
      %eq3A_837 = arith.constant 6 : i32
      %eq3A_838 = vector.broadcast %eq3A_837 : i32 to vector<16xi32>
      %eq3A_839 = arith.cmpi eq, %iota3A, %eq3A_838 : vector<16xi32>
      tpu.vector_store_idx %arg6[%get3A_818], %broadcast_in_dim3A_9 masked %eq3A_839 {add = true} : memref<10240xf32, #tpu.memory_space<vmem>>[vector<16xi32>], vector<16xf32>, vector<16xi1>
      %eq3A_840 = arith.constant 7 : i32
      %eq3A_841 = vector.broadcast %eq3A_840 : i32 to vector<16xi32>
      %eq3A_842 = arith.cmpi eq, %iota3A, %eq3A_841 : vector<16xi32>
      tpu.vector_store_idx %arg6[%get3A_818], %broadcast_in_dim3A_9 masked %eq3A_842 {add = true} : memref<10240xf32, #tpu.memory_space<vmem>>[vector<16xi32>], vector<16xf32>, vector<16xi1>
      %eq3A_843 = arith.constant 8 : i32
      %eq3A_844 = vector.broadcast %eq3A_843 : i32 to vector<16xi32>
      %eq3A_845 = arith.cmpi eq, %iota3A, %eq3A_844 : vector<16xi32>
      tpu.vector_store_idx %arg6[%get3A_818], %broadcast_in_dim3A_9 masked %eq3A_845 {add = true} : memref<10240xf32, #tpu.memory_space<vmem>>[vector<16xi32>], vector<16xf32>, vector<16xi1>
      %eq3A_846 = arith.constant 9 : i32
      %eq3A_847 = vector.broadcast %eq3A_846 : i32 to vector<16xi32>
      %eq3A_848 = arith.cmpi eq, %iota3A, %eq3A_847 : vector<16xi32>
      tpu.vector_store_idx %arg6[%get3A_818], %broadcast_in_dim3A_9 masked %eq3A_848 {add = true} : memref<10240xf32, #tpu.memory_space<vmem>>[vector<16xi32>], vector<16xf32>, vector<16xi1>
      %eq3A_849 = arith.constant 10 : i32
      %eq3A_850 = vector.broadcast %eq3A_849 : i32 to vector<16xi32>
      %eq3A_851 = arith.cmpi eq, %iota3A, %eq3A_850 : vector<16xi32>
      tpu.vector_store_idx %arg6[%get3A_818], %broadcast_in_dim3A_9 masked %eq3A_851 {add = true} : memref<10240xf32, #tpu.memory_space<vmem>>[vector<16xi32>], vector<16xf32>, vector<16xi1>
      %eq3A_852 = arith.constant 11 : i32
      %eq3A_853 = vector.broadcast %eq3A_852 : i32 to vector<16xi32>
      %eq3A_854 = arith.cmpi eq, %iota3A, %eq3A_853 : vector<16xi32>
      tpu.vector_store_idx %arg6[%get3A_818], %broadcast_in_dim3A_9 masked %eq3A_854 {add = true} : memref<10240xf32, #tpu.memory_space<vmem>>[vector<16xi32>], vector<16xf32>, vector<16xi1>
      %eq3A_855 = arith.constant 12 : i32
      %eq3A_856 = vector.broadcast %eq3A_855 : i32 to vector<16xi32>
      %eq3A_857 = arith.cmpi eq, %iota3A, %eq3A_856 : vector<16xi32>
      tpu.vector_store_idx %arg6[%get3A_818], %broadcast_in_dim3A_9 masked %eq3A_857 {add = true} : memref<10240xf32, #tpu.memory_space<vmem>>[vector<16xi32>], vector<16xf32>, vector<16xi1>
      %eq3A_858 = arith.constant 13 : i32
      %eq3A_859 = vector.broadcast %eq3A_858 : i32 to vector<16xi32>
      %eq3A_860 = arith.cmpi eq, %iota3A, %eq3A_859 : vector<16xi32>
      tpu.vector_store_idx %arg6[%get3A_818], %broadcast_in_dim3A_9 masked %eq3A_860 {add = true} : memref<10240xf32, #tpu.memory_space<vmem>>[vector<16xi32>], vector<16xf32>, vector<16xi1>
      %eq3A_861 = arith.constant 14 : i32
      %eq3A_862 = vector.broadcast %eq3A_861 : i32 to vector<16xi32>
      %eq3A_863 = arith.cmpi eq, %iota3A, %eq3A_862 : vector<16xi32>
      tpu.vector_store_idx %arg6[%get3A_818], %broadcast_in_dim3A_9 masked %eq3A_863 {add = true} : memref<10240xf32, #tpu.memory_space<vmem>>[vector<16xi32>], vector<16xf32>, vector<16xi1>
      %eq3A_864 = arith.constant 15 : i32
      %eq3A_865 = vector.broadcast %eq3A_864 : i32 to vector<16xi32>
      %eq3A_866 = arith.cmpi eq, %iota3A, %eq3A_865 : vector<16xi32>
      tpu.vector_store_idx %arg6[%get3A_818], %broadcast_in_dim3A_9 masked %eq3A_866 {add = true} : memref<10240xf32, #tpu.memory_space<vmem>>[vector<16xi32>], vector<16xf32>, vector<16xi1>
      %add3A_867 = arith.constant 2 : i32
      %add3A_868 = arith.addi %add3A_595, %add3A_867 : i32
      %lt3A_869 = arith.cmpi slt, %add3A_868, %add3A_4 : i32
      %convert_element_type3A_870 = arith.extui %lt3A_869 : i1 to i32
      %cond3A_871 = arith.constant 0 : i32
      %cond3A_872 = arith.cmpi ne, %convert_element_type3A_870, %cond3A_871 : i32
      scf.if %cond3A_872 {
        %add3A_873 = arith.constant 2 : i32
        %add3A_874 = arith.addi %add3A_595, %add3A_873 : i32
        %add3A_875 = arith.addi %add3A_8, %add3A_874 : i32
        %mul3A_876 = arith.constant 80 : i32
        %mul3A_877 = arith.muli %add3A_875, %mul3A_876 : i32
        %dma_start3A_878 = arith.constant 1 : i32
        %dma_start3A_879 = arith.constant 0 : i32
        %dma_start3A_880 = tpu.memref_slice %arg5[%dma_start3A_878, %dma_start3A_879] : memref<2x80xi32, #tpu.memory_space<vmem>> -> memref<1x80xi32, #tpu.memory_space<vmem>>
        %dma_start3A_881 = tpu.memref_squeeze %dma_start3A_880 : memref<1x80xi32, #tpu.memory_space<vmem>> -> memref<80xi32, #tpu.memory_space<vmem>>
        %dma_start3A_882 = tpu.memref_slice %arg2[%mul3A_877] : memref<320000xi32, #tpu.memory_space<hbm>> -> memref<80xi32, #tpu.memory_space<hbm>>
        %dma_start3A_883 = arith.constant 0 : i32
        %dma_start3A_884 = tpu.memref_slice %arg5[%dma_start3A_878, %dma_start3A_883] : memref<2x80xi32, #tpu.memory_space<vmem>> -> memref<1x80xi32, #tpu.memory_space<vmem>>
        %dma_start3A_885 = tpu.memref_squeeze %dma_start3A_884 : memref<1x80xi32, #tpu.memory_space<vmem>> -> memref<80xi32, #tpu.memory_space<vmem>>
        %dma_start3A_886 = tpu.memref_slice %arg2[%mul3A_877] : memref<320000xi32, #tpu.memory_space<hbm>> -> memref<80xi32, #tpu.memory_space<hbm>>
        tpu.enqueue_dma source(%dma_start3A_886 : memref<80xi32, #tpu.memory_space<hbm>>) target(%dma_start3A_885 : memref<80xi32, #tpu.memory_space<vmem>>) target_semaphore(%arg8 : memref<!tpu.dma_semaphore, #tpu.memory_space<semaphore_mem>>)
      } else {
      }
    }
    %scan3A_39 = arith.constant 62 : i32
    %dma_wait3A = arith.constant 0 : i32
    %dma_wait3A_40 = arith.constant 0 : i32
    %dma_wait3A_41 = tpu.memref_slice %arg5[%dma_wait3A, %dma_wait3A_40] : memref<2x80xi32, #tpu.memory_space<vmem>> -> memref<1x80xi32, #tpu.memory_space<vmem>>
    %dma_wait3A_42 = tpu.memref_squeeze %dma_wait3A_41 : memref<1x80xi32, #tpu.memory_space<vmem>> -> memref<80xi32, #tpu.memory_space<vmem>>
    %dma_wait3A_43 = arith.constant 0 : i32
    %dma_wait3A_44 = tpu.memref_slice %arg2[%dma_wait3A_43] : memref<320000xi32, #tpu.memory_space<hbm>> -> memref<80xi32, #tpu.memory_space<hbm>>
    %dma_wait3A_45 = arith.constant 0 : i32
    %dma_wait3A_46 = tpu.memref_slice %arg5[%dma_wait3A, %dma_wait3A_45] : memref<2x80xi32, #tpu.memory_space<vmem>> -> memref<1x80xi32, #tpu.memory_space<vmem>>
    %dma_wait3A_47 = tpu.memref_squeeze %dma_wait3A_46 : memref<1x80xi32, #tpu.memory_space<vmem>> -> memref<80xi32, #tpu.memory_space<vmem>>
    %dma_wait3A_48 = arith.constant 0 : i32
    %dma_wait3A_49 = tpu.memref_slice %arg2[%dma_wait3A_48] : memref<320000xi32, #tpu.memory_space<hbm>> -> memref<80xi32, #tpu.memory_space<hbm>>
    tpu.wait_dma2 semaphore(%arg7 : memref<!tpu.dma_semaphore, #tpu.memory_space<semaphore_mem>>) src(%dma_wait3A_49 : memref<80xi32, #tpu.memory_space<hbm>>) dst(%dma_wait3A_47 : memref<80xi32, #tpu.memory_space<vmem>>)
    %get3A = arith.constant 0 : i32
    %get3A_50 = arith.index_cast %get3A : i32 to index
    %get3A_51 = arith.constant 0 : index
    %get3A_52 = tpu.vector_load %arg5[%get3A_50, %get3A_51] {strides = array<i32>} : memref<2x80xi32, #tpu.memory_space<vmem>>, vector<16xi32>,
    %eq3A = arith.constant 0 : i32
    %eq3A_53 = vector.broadcast %eq3A : i32 to vector<16xi32>
    %eq3A_54 = arith.cmpi eq, %iota3A, %eq3A_53 : vector<16xi32>
    tpu.vector_store_idx %arg6[%get3A_52], %broadcast_in_dim3A_9 masked %eq3A_54 {add = true} : memref<10240xf32, #tpu.memory_space<vmem>>[vector<16xi32>], vector<16xf32>, vector<16xi1>
    %eq3A_55 = arith.constant 1 : i32
    %eq3A_56 = vector.broadcast %eq3A_55 : i32 to vector<16xi32>
    %eq3A_57 = arith.cmpi eq, %iota3A, %eq3A_56 : vector<16xi32>
    tpu.vector_store_idx %arg6[%get3A_52], %broadcast_in_dim3A_9 masked %eq3A_57 {add = true} : memref<10240xf32, #tpu.memory_space<vmem>>[vector<16xi32>], vector<16xf32>, vector<16xi1>
    %eq3A_58 = arith.constant 2 : i32
    %eq3A_59 = vector.broadcast %eq3A_58 : i32 to vector<16xi32>
    %eq3A_60 = arith.cmpi eq, %iota3A, %eq3A_59 : vector<16xi32>
    tpu.vector_store_idx %arg6[%get3A_52], %broadcast_in_dim3A_9 masked %eq3A_60 {add = true} : memref<10240xf32, #tpu.memory_space<vmem>>[vector<16xi32>], vector<16xf32>, vector<16xi1>
    %eq3A_61 = arith.constant 3 : i32
    %eq3A_62 = vector.broadcast %eq3A_61 : i32 to vector<16xi32>
    %eq3A_63 = arith.cmpi eq, %iota3A, %eq3A_62 : vector<16xi32>
    tpu.vector_store_idx %arg6[%get3A_52], %broadcast_in_dim3A_9 masked %eq3A_63 {add = true} : memref<10240xf32, #tpu.memory_space<vmem>>[vector<16xi32>], vector<16xf32>, vector<16xi1>
    %eq3A_64 = arith.constant 4 : i32
    %eq3A_65 = vector.broadcast %eq3A_64 : i32 to vector<16xi32>
    %eq3A_66 = arith.cmpi eq, %iota3A, %eq3A_65 : vector<16xi32>
    tpu.vector_store_idx %arg6[%get3A_52], %broadcast_in_dim3A_9 masked %eq3A_66 {add = true} : memref<10240xf32, #tpu.memory_space<vmem>>[vector<16xi32>], vector<16xf32>, vector<16xi1>
    %eq3A_67 = arith.constant 5 : i32
    %eq3A_68 = vector.broadcast %eq3A_67 : i32 to vector<16xi32>
    %eq3A_69 = arith.cmpi eq, %iota3A, %eq3A_68 : vector<16xi32>
    tpu.vector_store_idx %arg6[%get3A_52], %broadcast_in_dim3A_9 masked %eq3A_69 {add = true} : memref<10240xf32, #tpu.memory_space<vmem>>[vector<16xi32>], vector<16xf32>, vector<16xi1>
    %eq3A_70 = arith.constant 6 : i32
    %eq3A_71 = vector.broadcast %eq3A_70 : i32 to vector<16xi32>
    %eq3A_72 = arith.cmpi eq, %iota3A, %eq3A_71 : vector<16xi32>
    tpu.vector_store_idx %arg6[%get3A_52], %broadcast_in_dim3A_9 masked %eq3A_72 {add = true} : memref<10240xf32, #tpu.memory_space<vmem>>[vector<16xi32>], vector<16xf32>, vector<16xi1>
    %eq3A_73 = arith.constant 7 : i32
    %eq3A_74 = vector.broadcast %eq3A_73 : i32 to vector<16xi32>
    %eq3A_75 = arith.cmpi eq, %iota3A, %eq3A_74 : vector<16xi32>
    tpu.vector_store_idx %arg6[%get3A_52], %broadcast_in_dim3A_9 masked %eq3A_75 {add = true} : memref<10240xf32, #tpu.memory_space<vmem>>[vector<16xi32>], vector<16xf32>, vector<16xi1>
    %eq3A_76 = arith.constant 8 : i32
    %eq3A_77 = vector.broadcast %eq3A_76 : i32 to vector<16xi32>
    %eq3A_78 = arith.cmpi eq, %iota3A, %eq3A_77 : vector<16xi32>
    tpu.vector_store_idx %arg6[%get3A_52], %broadcast_in_dim3A_9 masked %eq3A_78 {add = true} : memref<10240xf32, #tpu.memory_space<vmem>>[vector<16xi32>], vector<16xf32>, vector<16xi1>
    %eq3A_79 = arith.constant 9 : i32
    %eq3A_80 = vector.broadcast %eq3A_79 : i32 to vector<16xi32>
    %eq3A_81 = arith.cmpi eq, %iota3A, %eq3A_80 : vector<16xi32>
    tpu.vector_store_idx %arg6[%get3A_52], %broadcast_in_dim3A_9 masked %eq3A_81 {add = true} : memref<10240xf32, #tpu.memory_space<vmem>>[vector<16xi32>], vector<16xf32>, vector<16xi1>
    %eq3A_82 = arith.constant 10 : i32
    %eq3A_83 = vector.broadcast %eq3A_82 : i32 to vector<16xi32>
    %eq3A_84 = arith.cmpi eq, %iota3A, %eq3A_83 : vector<16xi32>
    tpu.vector_store_idx %arg6[%get3A_52], %broadcast_in_dim3A_9 masked %eq3A_84 {add = true} : memref<10240xf32, #tpu.memory_space<vmem>>[vector<16xi32>], vector<16xf32>, vector<16xi1>
    %eq3A_85 = arith.constant 11 : i32
    %eq3A_86 = vector.broadcast %eq3A_85 : i32 to vector<16xi32>
    %eq3A_87 = arith.cmpi eq, %iota3A, %eq3A_86 : vector<16xi32>
    tpu.vector_store_idx %arg6[%get3A_52], %broadcast_in_dim3A_9 masked %eq3A_87 {add = true} : memref<10240xf32, #tpu.memory_space<vmem>>[vector<16xi32>], vector<16xf32>, vector<16xi1>
    %eq3A_88 = arith.constant 12 : i32
    %eq3A_89 = vector.broadcast %eq3A_88 : i32 to vector<16xi32>
    %eq3A_90 = arith.cmpi eq, %iota3A, %eq3A_89 : vector<16xi32>
    tpu.vector_store_idx %arg6[%get3A_52], %broadcast_in_dim3A_9 masked %eq3A_90 {add = true} : memref<10240xf32, #tpu.memory_space<vmem>>[vector<16xi32>], vector<16xf32>, vector<16xi1>
    %eq3A_91 = arith.constant 13 : i32
    %eq3A_92 = vector.broadcast %eq3A_91 : i32 to vector<16xi32>
    %eq3A_93 = arith.cmpi eq, %iota3A, %eq3A_92 : vector<16xi32>
    tpu.vector_store_idx %arg6[%get3A_52], %broadcast_in_dim3A_9 masked %eq3A_93 {add = true} : memref<10240xf32, #tpu.memory_space<vmem>>[vector<16xi32>], vector<16xf32>, vector<16xi1>
    %eq3A_94 = arith.constant 14 : i32
    %eq3A_95 = vector.broadcast %eq3A_94 : i32 to vector<16xi32>
    %eq3A_96 = arith.cmpi eq, %iota3A, %eq3A_95 : vector<16xi32>
    tpu.vector_store_idx %arg6[%get3A_52], %broadcast_in_dim3A_9 masked %eq3A_96 {add = true} : memref<10240xf32, #tpu.memory_space<vmem>>[vector<16xi32>], vector<16xf32>, vector<16xi1>
    %eq3A_97 = arith.constant 15 : i32
    %eq3A_98 = vector.broadcast %eq3A_97 : i32 to vector<16xi32>
    %eq3A_99 = arith.cmpi eq, %iota3A, %eq3A_98 : vector<16xi32>
    tpu.vector_store_idx %arg6[%get3A_52], %broadcast_in_dim3A_9 masked %eq3A_99 {add = true} : memref<10240xf32, #tpu.memory_space<vmem>>[vector<16xi32>], vector<16xf32>, vector<16xi1>
    %get3A_100 = arith.constant 0 : i32
    %get3A_101 = arith.index_cast %get3A_100 : i32 to index
    %get3A_102 = arith.constant 16 : index
    %get3A_103 = tpu.vector_load %arg5[%get3A_101, %get3A_102] {strides = array<i32>} : memref<2x80xi32, #tpu.memory_space<vmem>>, vector<16xi32>,
    %eq3A_104 = arith.constant 0 : i32
    %eq3A_105 = vector.broadcast %eq3A_104 : i32 to vector<16xi32>
    %eq3A_106 = arith.cmpi eq, %iota3A, %eq3A_105 : vector<16xi32>
    tpu.vector_store_idx %arg6[%get3A_103], %broadcast_in_dim3A_9 masked %eq3A_106 {add = true} : memref<10240xf32, #tpu.memory_space<vmem>>[vector<16xi32>], vector<16xf32>, vector<16xi1>
    %eq3A_107 = arith.constant 1 : i32
    %eq3A_108 = vector.broadcast %eq3A_107 : i32 to vector<16xi32>
    %eq3A_109 = arith.cmpi eq, %iota3A, %eq3A_108 : vector<16xi32>
    tpu.vector_store_idx %arg6[%get3A_103], %broadcast_in_dim3A_9 masked %eq3A_109 {add = true} : memref<10240xf32, #tpu.memory_space<vmem>>[vector<16xi32>], vector<16xf32>, vector<16xi1>
    %eq3A_110 = arith.constant 2 : i32
    %eq3A_111 = vector.broadcast %eq3A_110 : i32 to vector<16xi32>
    %eq3A_112 = arith.cmpi eq, %iota3A, %eq3A_111 : vector<16xi32>
    tpu.vector_store_idx %arg6[%get3A_103], %broadcast_in_dim3A_9 masked %eq3A_112 {add = true} : memref<10240xf32, #tpu.memory_space<vmem>>[vector<16xi32>], vector<16xf32>, vector<16xi1>
    %eq3A_113 = arith.constant 3 : i32
    %eq3A_114 = vector.broadcast %eq3A_113 : i32 to vector<16xi32>
    %eq3A_115 = arith.cmpi eq, %iota3A, %eq3A_114 : vector<16xi32>
    tpu.vector_store_idx %arg6[%get3A_103], %broadcast_in_dim3A_9 masked %eq3A_115 {add = true} : memref<10240xf32, #tpu.memory_space<vmem>>[vector<16xi32>], vector<16xf32>, vector<16xi1>
    %eq3A_116 = arith.constant 4 : i32
    %eq3A_117 = vector.broadcast %eq3A_116 : i32 to vector<16xi32>
    %eq3A_118 = arith.cmpi eq, %iota3A, %eq3A_117 : vector<16xi32>
    tpu.vector_store_idx %arg6[%get3A_103], %broadcast_in_dim3A_9 masked %eq3A_118 {add = true} : memref<10240xf32, #tpu.memory_space<vmem>>[vector<16xi32>], vector<16xf32>, vector<16xi1>
    %eq3A_119 = arith.constant 5 : i32
    %eq3A_120 = vector.broadcast %eq3A_119 : i32 to vector<16xi32>
    %eq3A_121 = arith.cmpi eq, %iota3A, %eq3A_120 : vector<16xi32>
    tpu.vector_store_idx %arg6[%get3A_103], %broadcast_in_dim3A_9 masked %eq3A_121 {add = true} : memref<10240xf32, #tpu.memory_space<vmem>>[vector<16xi32>], vector<16xf32>, vector<16xi1>
    %eq3A_122 = arith.constant 6 : i32
    %eq3A_123 = vector.broadcast %eq3A_122 : i32 to vector<16xi32>
    %eq3A_124 = arith.cmpi eq, %iota3A, %eq3A_123 : vector<16xi32>
    tpu.vector_store_idx %arg6[%get3A_103], %broadcast_in_dim3A_9 masked %eq3A_124 {add = true} : memref<10240xf32, #tpu.memory_space<vmem>>[vector<16xi32>], vector<16xf32>, vector<16xi1>
    %eq3A_125 = arith.constant 7 : i32
    %eq3A_126 = vector.broadcast %eq3A_125 : i32 to vector<16xi32>
    %eq3A_127 = arith.cmpi eq, %iota3A, %eq3A_126 : vector<16xi32>
    tpu.vector_store_idx %arg6[%get3A_103], %broadcast_in_dim3A_9 masked %eq3A_127 {add = true} : memref<10240xf32, #tpu.memory_space<vmem>>[vector<16xi32>], vector<16xf32>, vector<16xi1>
    %eq3A_128 = arith.constant 8 : i32
    %eq3A_129 = vector.broadcast %eq3A_128 : i32 to vector<16xi32>
    %eq3A_130 = arith.cmpi eq, %iota3A, %eq3A_129 : vector<16xi32>
    tpu.vector_store_idx %arg6[%get3A_103], %broadcast_in_dim3A_9 masked %eq3A_130 {add = true} : memref<10240xf32, #tpu.memory_space<vmem>>[vector<16xi32>], vector<16xf32>, vector<16xi1>
    %eq3A_131 = arith.constant 9 : i32
    %eq3A_132 = vector.broadcast %eq3A_131 : i32 to vector<16xi32>
    %eq3A_133 = arith.cmpi eq, %iota3A, %eq3A_132 : vector<16xi32>
    tpu.vector_store_idx %arg6[%get3A_103], %broadcast_in_dim3A_9 masked %eq3A_133 {add = true} : memref<10240xf32, #tpu.memory_space<vmem>>[vector<16xi32>], vector<16xf32>, vector<16xi1>
    %eq3A_134 = arith.constant 10 : i32
    %eq3A_135 = vector.broadcast %eq3A_134 : i32 to vector<16xi32>
    %eq3A_136 = arith.cmpi eq, %iota3A, %eq3A_135 : vector<16xi32>
    tpu.vector_store_idx %arg6[%get3A_103], %broadcast_in_dim3A_9 masked %eq3A_136 {add = true} : memref<10240xf32, #tpu.memory_space<vmem>>[vector<16xi32>], vector<16xf32>, vector<16xi1>
    %eq3A_137 = arith.constant 11 : i32
    %eq3A_138 = vector.broadcast %eq3A_137 : i32 to vector<16xi32>
    %eq3A_139 = arith.cmpi eq, %iota3A, %eq3A_138 : vector<16xi32>
    tpu.vector_store_idx %arg6[%get3A_103], %broadcast_in_dim3A_9 masked %eq3A_139 {add = true} : memref<10240xf32, #tpu.memory_space<vmem>>[vector<16xi32>], vector<16xf32>, vector<16xi1>
    %eq3A_140 = arith.constant 12 : i32
    %eq3A_141 = vector.broadcast %eq3A_140 : i32 to vector<16xi32>
    %eq3A_142 = arith.cmpi eq, %iota3A, %eq3A_141 : vector<16xi32>
    tpu.vector_store_idx %arg6[%get3A_103], %broadcast_in_dim3A_9 masked %eq3A_142 {add = true} : memref<10240xf32, #tpu.memory_space<vmem>>[vector<16xi32>], vector<16xf32>, vector<16xi1>
    %eq3A_143 = arith.constant 13 : i32
    %eq3A_144 = vector.broadcast %eq3A_143 : i32 to vector<16xi32>
    %eq3A_145 = arith.cmpi eq, %iota3A, %eq3A_144 : vector<16xi32>
    tpu.vector_store_idx %arg6[%get3A_103], %broadcast_in_dim3A_9 masked %eq3A_145 {add = true} : memref<10240xf32, #tpu.memory_space<vmem>>[vector<16xi32>], vector<16xf32>, vector<16xi1>
    %eq3A_146 = arith.constant 14 : i32
    %eq3A_147 = vector.broadcast %eq3A_146 : i32 to vector<16xi32>
    %eq3A_148 = arith.cmpi eq, %iota3A, %eq3A_147 : vector<16xi32>
    tpu.vector_store_idx %arg6[%get3A_103], %broadcast_in_dim3A_9 masked %eq3A_148 {add = true} : memref<10240xf32, #tpu.memory_space<vmem>>[vector<16xi32>], vector<16xf32>, vector<16xi1>
    %eq3A_149 = arith.constant 15 : i32
    %eq3A_150 = vector.broadcast %eq3A_149 : i32 to vector<16xi32>
    %eq3A_151 = arith.cmpi eq, %iota3A, %eq3A_150 : vector<16xi32>
    tpu.vector_store_idx %arg6[%get3A_103], %broadcast_in_dim3A_9 masked %eq3A_151 {add = true} : memref<10240xf32, #tpu.memory_space<vmem>>[vector<16xi32>], vector<16xf32>, vector<16xi1>
    %get3A_152 = arith.constant 0 : i32
    %get3A_153 = arith.index_cast %get3A_152 : i32 to index
    %get3A_154 = arith.constant 32 : index
    %get3A_155 = tpu.vector_load %arg5[%get3A_153, %get3A_154] {strides = array<i32>} : memref<2x80xi32, #tpu.memory_space<vmem>>, vector<16xi32>,
    %eq3A_156 = arith.constant 0 : i32
    %eq3A_157 = vector.broadcast %eq3A_156 : i32 to vector<16xi32>
    %eq3A_158 = arith.cmpi eq, %iota3A, %eq3A_157 : vector<16xi32>
    tpu.vector_store_idx %arg6[%get3A_155], %broadcast_in_dim3A_9 masked %eq3A_158 {add = true} : memref<10240xf32, #tpu.memory_space<vmem>>[vector<16xi32>], vector<16xf32>, vector<16xi1>
    %eq3A_159 = arith.constant 1 : i32
    %eq3A_160 = vector.broadcast %eq3A_159 : i32 to vector<16xi32>
    %eq3A_161 = arith.cmpi eq, %iota3A, %eq3A_160 : vector<16xi32>
    tpu.vector_store_idx %arg6[%get3A_155], %broadcast_in_dim3A_9 masked %eq3A_161 {add = true} : memref<10240xf32, #tpu.memory_space<vmem>>[vector<16xi32>], vector<16xf32>, vector<16xi1>
    %eq3A_162 = arith.constant 2 : i32
    %eq3A_163 = vector.broadcast %eq3A_162 : i32 to vector<16xi32>
    %eq3A_164 = arith.cmpi eq, %iota3A, %eq3A_163 : vector<16xi32>
    tpu.vector_store_idx %arg6[%get3A_155], %broadcast_in_dim3A_9 masked %eq3A_164 {add = true} : memref<10240xf32, #tpu.memory_space<vmem>>[vector<16xi32>], vector<16xf32>, vector<16xi1>
    %eq3A_165 = arith.constant 3 : i32
    %eq3A_166 = vector.broadcast %eq3A_165 : i32 to vector<16xi32>
    %eq3A_167 = arith.cmpi eq, %iota3A, %eq3A_166 : vector<16xi32>
    tpu.vector_store_idx %arg6[%get3A_155], %broadcast_in_dim3A_9 masked %eq3A_167 {add = true} : memref<10240xf32, #tpu.memory_space<vmem>>[vector<16xi32>], vector<16xf32>, vector<16xi1>
    %eq3A_168 = arith.constant 4 : i32
    %eq3A_169 = vector.broadcast %eq3A_168 : i32 to vector<16xi32>
    %eq3A_170 = arith.cmpi eq, %iota3A, %eq3A_169 : vector<16xi32>
    tpu.vector_store_idx %arg6[%get3A_155], %broadcast_in_dim3A_9 masked %eq3A_170 {add = true} : memref<10240xf32, #tpu.memory_space<vmem>>[vector<16xi32>], vector<16xf32>, vector<16xi1>
    %eq3A_171 = arith.constant 5 : i32
    %eq3A_172 = vector.broadcast %eq3A_171 : i32 to vector<16xi32>
    %eq3A_173 = arith.cmpi eq, %iota3A, %eq3A_172 : vector<16xi32>
    tpu.vector_store_idx %arg6[%get3A_155], %broadcast_in_dim3A_9 masked %eq3A_173 {add = true} : memref<10240xf32, #tpu.memory_space<vmem>>[vector<16xi32>], vector<16xf32>, vector<16xi1>
    %eq3A_174 = arith.constant 6 : i32
    %eq3A_175 = vector.broadcast %eq3A_174 : i32 to vector<16xi32>
    %eq3A_176 = arith.cmpi eq, %iota3A, %eq3A_175 : vector<16xi32>
    tpu.vector_store_idx %arg6[%get3A_155], %broadcast_in_dim3A_9 masked %eq3A_176 {add = true} : memref<10240xf32, #tpu.memory_space<vmem>>[vector<16xi32>], vector<16xf32>, vector<16xi1>
    %eq3A_177 = arith.constant 7 : i32
    %eq3A_178 = vector.broadcast %eq3A_177 : i32 to vector<16xi32>
    %eq3A_179 = arith.cmpi eq, %iota3A, %eq3A_178 : vector<16xi32>
    tpu.vector_store_idx %arg6[%get3A_155], %broadcast_in_dim3A_9 masked %eq3A_179 {add = true} : memref<10240xf32, #tpu.memory_space<vmem>>[vector<16xi32>], vector<16xf32>, vector<16xi1>
    %eq3A_180 = arith.constant 8 : i32
    %eq3A_181 = vector.broadcast %eq3A_180 : i32 to vector<16xi32>
    %eq3A_182 = arith.cmpi eq, %iota3A, %eq3A_181 : vector<16xi32>
    tpu.vector_store_idx %arg6[%get3A_155], %broadcast_in_dim3A_9 masked %eq3A_182 {add = true} : memref<10240xf32, #tpu.memory_space<vmem>>[vector<16xi32>], vector<16xf32>, vector<16xi1>
    %eq3A_183 = arith.constant 9 : i32
    %eq3A_184 = vector.broadcast %eq3A_183 : i32 to vector<16xi32>
    %eq3A_185 = arith.cmpi eq, %iota3A, %eq3A_184 : vector<16xi32>
    tpu.vector_store_idx %arg6[%get3A_155], %broadcast_in_dim3A_9 masked %eq3A_185 {add = true} : memref<10240xf32, #tpu.memory_space<vmem>>[vector<16xi32>], vector<16xf32>, vector<16xi1>
    %eq3A_186 = arith.constant 10 : i32
    %eq3A_187 = vector.broadcast %eq3A_186 : i32 to vector<16xi32>
    %eq3A_188 = arith.cmpi eq, %iota3A, %eq3A_187 : vector<16xi32>
    tpu.vector_store_idx %arg6[%get3A_155], %broadcast_in_dim3A_9 masked %eq3A_188 {add = true} : memref<10240xf32, #tpu.memory_space<vmem>>[vector<16xi32>], vector<16xf32>, vector<16xi1>
    %eq3A_189 = arith.constant 11 : i32
    %eq3A_190 = vector.broadcast %eq3A_189 : i32 to vector<16xi32>
    %eq3A_191 = arith.cmpi eq, %iota3A, %eq3A_190 : vector<16xi32>
    tpu.vector_store_idx %arg6[%get3A_155], %broadcast_in_dim3A_9 masked %eq3A_191 {add = true} : memref<10240xf32, #tpu.memory_space<vmem>>[vector<16xi32>], vector<16xf32>, vector<16xi1>
    %eq3A_192 = arith.constant 12 : i32
    %eq3A_193 = vector.broadcast %eq3A_192 : i32 to vector<16xi32>
    %eq3A_194 = arith.cmpi eq, %iota3A, %eq3A_193 : vector<16xi32>
    tpu.vector_store_idx %arg6[%get3A_155], %broadcast_in_dim3A_9 masked %eq3A_194 {add = true} : memref<10240xf32, #tpu.memory_space<vmem>>[vector<16xi32>], vector<16xf32>, vector<16xi1>
    %eq3A_195 = arith.constant 13 : i32
    %eq3A_196 = vector.broadcast %eq3A_195 : i32 to vector<16xi32>
    %eq3A_197 = arith.cmpi eq, %iota3A, %eq3A_196 : vector<16xi32>
    tpu.vector_store_idx %arg6[%get3A_155], %broadcast_in_dim3A_9 masked %eq3A_197 {add = true} : memref<10240xf32, #tpu.memory_space<vmem>>[vector<16xi32>], vector<16xf32>, vector<16xi1>
    %eq3A_198 = arith.constant 14 : i32
    %eq3A_199 = vector.broadcast %eq3A_198 : i32 to vector<16xi32>
    %eq3A_200 = arith.cmpi eq, %iota3A, %eq3A_199 : vector<16xi32>
    tpu.vector_store_idx %arg6[%get3A_155], %broadcast_in_dim3A_9 masked %eq3A_200 {add = true} : memref<10240xf32, #tpu.memory_space<vmem>>[vector<16xi32>], vector<16xf32>, vector<16xi1>
    %eq3A_201 = arith.constant 15 : i32
    %eq3A_202 = vector.broadcast %eq3A_201 : i32 to vector<16xi32>
    %eq3A_203 = arith.cmpi eq, %iota3A, %eq3A_202 : vector<16xi32>
    tpu.vector_store_idx %arg6[%get3A_155], %broadcast_in_dim3A_9 masked %eq3A_203 {add = true} : memref<10240xf32, #tpu.memory_space<vmem>>[vector<16xi32>], vector<16xf32>, vector<16xi1>
    %get3A_204 = arith.constant 0 : i32
    %get3A_205 = arith.index_cast %get3A_204 : i32 to index
    %get3A_206 = arith.constant 48 : index
    %get3A_207 = tpu.vector_load %arg5[%get3A_205, %get3A_206] {strides = array<i32>} : memref<2x80xi32, #tpu.memory_space<vmem>>, vector<16xi32>,
    %eq3A_208 = arith.constant 0 : i32
    %eq3A_209 = vector.broadcast %eq3A_208 : i32 to vector<16xi32>
    %eq3A_210 = arith.cmpi eq, %iota3A, %eq3A_209 : vector<16xi32>
    tpu.vector_store_idx %arg6[%get3A_207], %broadcast_in_dim3A_9 masked %eq3A_210 {add = true} : memref<10240xf32, #tpu.memory_space<vmem>>[vector<16xi32>], vector<16xf32>, vector<16xi1>
    %eq3A_211 = arith.constant 1 : i32
    %eq3A_212 = vector.broadcast %eq3A_211 : i32 to vector<16xi32>
    %eq3A_213 = arith.cmpi eq, %iota3A, %eq3A_212 : vector<16xi32>
    tpu.vector_store_idx %arg6[%get3A_207], %broadcast_in_dim3A_9 masked %eq3A_213 {add = true} : memref<10240xf32, #tpu.memory_space<vmem>>[vector<16xi32>], vector<16xf32>, vector<16xi1>
    %eq3A_214 = arith.constant 2 : i32
    %eq3A_215 = vector.broadcast %eq3A_214 : i32 to vector<16xi32>
    %eq3A_216 = arith.cmpi eq, %iota3A, %eq3A_215 : vector<16xi32>
    tpu.vector_store_idx %arg6[%get3A_207], %broadcast_in_dim3A_9 masked %eq3A_216 {add = true} : memref<10240xf32, #tpu.memory_space<vmem>>[vector<16xi32>], vector<16xf32>, vector<16xi1>
    %eq3A_217 = arith.constant 3 : i32
    %eq3A_218 = vector.broadcast %eq3A_217 : i32 to vector<16xi32>
    %eq3A_219 = arith.cmpi eq, %iota3A, %eq3A_218 : vector<16xi32>
    tpu.vector_store_idx %arg6[%get3A_207], %broadcast_in_dim3A_9 masked %eq3A_219 {add = true} : memref<10240xf32, #tpu.memory_space<vmem>>[vector<16xi32>], vector<16xf32>, vector<16xi1>
    %eq3A_220 = arith.constant 4 : i32
    %eq3A_221 = vector.broadcast %eq3A_220 : i32 to vector<16xi32>
    %eq3A_222 = arith.cmpi eq, %iota3A, %eq3A_221 : vector<16xi32>
    tpu.vector_store_idx %arg6[%get3A_207], %broadcast_in_dim3A_9 masked %eq3A_222 {add = true} : memref<10240xf32, #tpu.memory_space<vmem>>[vector<16xi32>], vector<16xf32>, vector<16xi1>
    %eq3A_223 = arith.constant 5 : i32
    %eq3A_224 = vector.broadcast %eq3A_223 : i32 to vector<16xi32>
    %eq3A_225 = arith.cmpi eq, %iota3A, %eq3A_224 : vector<16xi32>
    tpu.vector_store_idx %arg6[%get3A_207], %broadcast_in_dim3A_9 masked %eq3A_225 {add = true} : memref<10240xf32, #tpu.memory_space<vmem>>[vector<16xi32>], vector<16xf32>, vector<16xi1>
    %eq3A_226 = arith.constant 6 : i32
    %eq3A_227 = vector.broadcast %eq3A_226 : i32 to vector<16xi32>
    %eq3A_228 = arith.cmpi eq, %iota3A, %eq3A_227 : vector<16xi32>
    tpu.vector_store_idx %arg6[%get3A_207], %broadcast_in_dim3A_9 masked %eq3A_228 {add = true} : memref<10240xf32, #tpu.memory_space<vmem>>[vector<16xi32>], vector<16xf32>, vector<16xi1>
    %eq3A_229 = arith.constant 7 : i32
    %eq3A_230 = vector.broadcast %eq3A_229 : i32 to vector<16xi32>
    %eq3A_231 = arith.cmpi eq, %iota3A, %eq3A_230 : vector<16xi32>
    tpu.vector_store_idx %arg6[%get3A_207], %broadcast_in_dim3A_9 masked %eq3A_231 {add = true} : memref<10240xf32, #tpu.memory_space<vmem>>[vector<16xi32>], vector<16xf32>, vector<16xi1>
    %eq3A_232 = arith.constant 8 : i32
    %eq3A_233 = vector.broadcast %eq3A_232 : i32 to vector<16xi32>
    %eq3A_234 = arith.cmpi eq, %iota3A, %eq3A_233 : vector<16xi32>
    tpu.vector_store_idx %arg6[%get3A_207], %broadcast_in_dim3A_9 masked %eq3A_234 {add = true} : memref<10240xf32, #tpu.memory_space<vmem>>[vector<16xi32>], vector<16xf32>, vector<16xi1>
    %eq3A_235 = arith.constant 9 : i32
    %eq3A_236 = vector.broadcast %eq3A_235 : i32 to vector<16xi32>
    %eq3A_237 = arith.cmpi eq, %iota3A, %eq3A_236 : vector<16xi32>
    tpu.vector_store_idx %arg6[%get3A_207], %broadcast_in_dim3A_9 masked %eq3A_237 {add = true} : memref<10240xf32, #tpu.memory_space<vmem>>[vector<16xi32>], vector<16xf32>, vector<16xi1>
    %eq3A_238 = arith.constant 10 : i32
    %eq3A_239 = vector.broadcast %eq3A_238 : i32 to vector<16xi32>
    %eq3A_240 = arith.cmpi eq, %iota3A, %eq3A_239 : vector<16xi32>
    tpu.vector_store_idx %arg6[%get3A_207], %broadcast_in_dim3A_9 masked %eq3A_240 {add = true} : memref<10240xf32, #tpu.memory_space<vmem>>[vector<16xi32>], vector<16xf32>, vector<16xi1>
    %eq3A_241 = arith.constant 11 : i32
    %eq3A_242 = vector.broadcast %eq3A_241 : i32 to vector<16xi32>
    %eq3A_243 = arith.cmpi eq, %iota3A, %eq3A_242 : vector<16xi32>
    tpu.vector_store_idx %arg6[%get3A_207], %broadcast_in_dim3A_9 masked %eq3A_243 {add = true} : memref<10240xf32, #tpu.memory_space<vmem>>[vector<16xi32>], vector<16xf32>, vector<16xi1>
    %eq3A_244 = arith.constant 12 : i32
    %eq3A_245 = vector.broadcast %eq3A_244 : i32 to vector<16xi32>
    %eq3A_246 = arith.cmpi eq, %iota3A, %eq3A_245 : vector<16xi32>
    tpu.vector_store_idx %arg6[%get3A_207], %broadcast_in_dim3A_9 masked %eq3A_246 {add = true} : memref<10240xf32, #tpu.memory_space<vmem>>[vector<16xi32>], vector<16xf32>, vector<16xi1>
    %eq3A_247 = arith.constant 13 : i32
    %eq3A_248 = vector.broadcast %eq3A_247 : i32 to vector<16xi32>
    %eq3A_249 = arith.cmpi eq, %iota3A, %eq3A_248 : vector<16xi32>
    tpu.vector_store_idx %arg6[%get3A_207], %broadcast_in_dim3A_9 masked %eq3A_249 {add = true} : memref<10240xf32, #tpu.memory_space<vmem>>[vector<16xi32>], vector<16xf32>, vector<16xi1>
    %eq3A_250 = arith.constant 14 : i32
    %eq3A_251 = vector.broadcast %eq3A_250 : i32 to vector<16xi32>
    %eq3A_252 = arith.cmpi eq, %iota3A, %eq3A_251 : vector<16xi32>
    tpu.vector_store_idx %arg6[%get3A_207], %broadcast_in_dim3A_9 masked %eq3A_252 {add = true} : memref<10240xf32, #tpu.memory_space<vmem>>[vector<16xi32>], vector<16xf32>, vector<16xi1>
    %eq3A_253 = arith.constant 15 : i32
    %eq3A_254 = vector.broadcast %eq3A_253 : i32 to vector<16xi32>
    %eq3A_255 = arith.cmpi eq, %iota3A, %eq3A_254 : vector<16xi32>
    tpu.vector_store_idx %arg6[%get3A_207], %broadcast_in_dim3A_9 masked %eq3A_255 {add = true} : memref<10240xf32, #tpu.memory_space<vmem>>[vector<16xi32>], vector<16xf32>, vector<16xi1>
    %get3A_256 = arith.constant 0 : i32
    %get3A_257 = arith.index_cast %get3A_256 : i32 to index
    %get3A_258 = arith.constant 64 : index
    %get3A_259 = tpu.vector_load %arg5[%get3A_257, %get3A_258] {strides = array<i32>} : memref<2x80xi32, #tpu.memory_space<vmem>>, vector<16xi32>,
    %eq3A_260 = arith.constant 0 : i32
    %eq3A_261 = vector.broadcast %eq3A_260 : i32 to vector<16xi32>
    %eq3A_262 = arith.cmpi eq, %iota3A, %eq3A_261 : vector<16xi32>
    tpu.vector_store_idx %arg6[%get3A_259], %broadcast_in_dim3A_9 masked %eq3A_262 {add = true} : memref<10240xf32, #tpu.memory_space<vmem>>[vector<16xi32>], vector<16xf32>, vector<16xi1>
    %eq3A_263 = arith.constant 1 : i32
    %eq3A_264 = vector.broadcast %eq3A_263 : i32 to vector<16xi32>
    %eq3A_265 = arith.cmpi eq, %iota3A, %eq3A_264 : vector<16xi32>
    tpu.vector_store_idx %arg6[%get3A_259], %broadcast_in_dim3A_9 masked %eq3A_265 {add = true} : memref<10240xf32, #tpu.memory_space<vmem>>[vector<16xi32>], vector<16xf32>, vector<16xi1>
    %eq3A_266 = arith.constant 2 : i32
    %eq3A_267 = vector.broadcast %eq3A_266 : i32 to vector<16xi32>
    %eq3A_268 = arith.cmpi eq, %iota3A, %eq3A_267 : vector<16xi32>
    tpu.vector_store_idx %arg6[%get3A_259], %broadcast_in_dim3A_9 masked %eq3A_268 {add = true} : memref<10240xf32, #tpu.memory_space<vmem>>[vector<16xi32>], vector<16xf32>, vector<16xi1>
    %eq3A_269 = arith.constant 3 : i32
    %eq3A_270 = vector.broadcast %eq3A_269 : i32 to vector<16xi32>
    %eq3A_271 = arith.cmpi eq, %iota3A, %eq3A_270 : vector<16xi32>
    tpu.vector_store_idx %arg6[%get3A_259], %broadcast_in_dim3A_9 masked %eq3A_271 {add = true} : memref<10240xf32, #tpu.memory_space<vmem>>[vector<16xi32>], vector<16xf32>, vector<16xi1>
    %eq3A_272 = arith.constant 4 : i32
    %eq3A_273 = vector.broadcast %eq3A_272 : i32 to vector<16xi32>
    %eq3A_274 = arith.cmpi eq, %iota3A, %eq3A_273 : vector<16xi32>
    tpu.vector_store_idx %arg6[%get3A_259], %broadcast_in_dim3A_9 masked %eq3A_274 {add = true} : memref<10240xf32, #tpu.memory_space<vmem>>[vector<16xi32>], vector<16xf32>, vector<16xi1>
    %eq3A_275 = arith.constant 5 : i32
    %eq3A_276 = vector.broadcast %eq3A_275 : i32 to vector<16xi32>
    %eq3A_277 = arith.cmpi eq, %iota3A, %eq3A_276 : vector<16xi32>
    tpu.vector_store_idx %arg6[%get3A_259], %broadcast_in_dim3A_9 masked %eq3A_277 {add = true} : memref<10240xf32, #tpu.memory_space<vmem>>[vector<16xi32>], vector<16xf32>, vector<16xi1>
    %eq3A_278 = arith.constant 6 : i32
    %eq3A_279 = vector.broadcast %eq3A_278 : i32 to vector<16xi32>
    %eq3A_280 = arith.cmpi eq, %iota3A, %eq3A_279 : vector<16xi32>
    tpu.vector_store_idx %arg6[%get3A_259], %broadcast_in_dim3A_9 masked %eq3A_280 {add = true} : memref<10240xf32, #tpu.memory_space<vmem>>[vector<16xi32>], vector<16xf32>, vector<16xi1>
    %eq3A_281 = arith.constant 7 : i32
    %eq3A_282 = vector.broadcast %eq3A_281 : i32 to vector<16xi32>
    %eq3A_283 = arith.cmpi eq, %iota3A, %eq3A_282 : vector<16xi32>
    tpu.vector_store_idx %arg6[%get3A_259], %broadcast_in_dim3A_9 masked %eq3A_283 {add = true} : memref<10240xf32, #tpu.memory_space<vmem>>[vector<16xi32>], vector<16xf32>, vector<16xi1>
    %eq3A_284 = arith.constant 8 : i32
    %eq3A_285 = vector.broadcast %eq3A_284 : i32 to vector<16xi32>
    %eq3A_286 = arith.cmpi eq, %iota3A, %eq3A_285 : vector<16xi32>
    tpu.vector_store_idx %arg6[%get3A_259], %broadcast_in_dim3A_9 masked %eq3A_286 {add = true} : memref<10240xf32, #tpu.memory_space<vmem>>[vector<16xi32>], vector<16xf32>, vector<16xi1>
    %eq3A_287 = arith.constant 9 : i32
    %eq3A_288 = vector.broadcast %eq3A_287 : i32 to vector<16xi32>
    %eq3A_289 = arith.cmpi eq, %iota3A, %eq3A_288 : vector<16xi32>
    tpu.vector_store_idx %arg6[%get3A_259], %broadcast_in_dim3A_9 masked %eq3A_289 {add = true} : memref<10240xf32, #tpu.memory_space<vmem>>[vector<16xi32>], vector<16xf32>, vector<16xi1>
    %eq3A_290 = arith.constant 10 : i32
    %eq3A_291 = vector.broadcast %eq3A_290 : i32 to vector<16xi32>
    %eq3A_292 = arith.cmpi eq, %iota3A, %eq3A_291 : vector<16xi32>
    tpu.vector_store_idx %arg6[%get3A_259], %broadcast_in_dim3A_9 masked %eq3A_292 {add = true} : memref<10240xf32, #tpu.memory_space<vmem>>[vector<16xi32>], vector<16xf32>, vector<16xi1>
    %eq3A_293 = arith.constant 11 : i32
    %eq3A_294 = vector.broadcast %eq3A_293 : i32 to vector<16xi32>
    %eq3A_295 = arith.cmpi eq, %iota3A, %eq3A_294 : vector<16xi32>
    tpu.vector_store_idx %arg6[%get3A_259], %broadcast_in_dim3A_9 masked %eq3A_295 {add = true} : memref<10240xf32, #tpu.memory_space<vmem>>[vector<16xi32>], vector<16xf32>, vector<16xi1>
    %eq3A_296 = arith.constant 12 : i32
    %eq3A_297 = vector.broadcast %eq3A_296 : i32 to vector<16xi32>
    %eq3A_298 = arith.cmpi eq, %iota3A, %eq3A_297 : vector<16xi32>
    tpu.vector_store_idx %arg6[%get3A_259], %broadcast_in_dim3A_9 masked %eq3A_298 {add = true} : memref<10240xf32, #tpu.memory_space<vmem>>[vector<16xi32>], vector<16xf32>, vector<16xi1>
    %eq3A_299 = arith.constant 13 : i32
    %eq3A_300 = vector.broadcast %eq3A_299 : i32 to vector<16xi32>
    %eq3A_301 = arith.cmpi eq, %iota3A, %eq3A_300 : vector<16xi32>
    tpu.vector_store_idx %arg6[%get3A_259], %broadcast_in_dim3A_9 masked %eq3A_301 {add = true} : memref<10240xf32, #tpu.memory_space<vmem>>[vector<16xi32>], vector<16xf32>, vector<16xi1>
    %eq3A_302 = arith.constant 14 : i32
    %eq3A_303 = vector.broadcast %eq3A_302 : i32 to vector<16xi32>
    %eq3A_304 = arith.cmpi eq, %iota3A, %eq3A_303 : vector<16xi32>
    tpu.vector_store_idx %arg6[%get3A_259], %broadcast_in_dim3A_9 masked %eq3A_304 {add = true} : memref<10240xf32, #tpu.memory_space<vmem>>[vector<16xi32>], vector<16xf32>, vector<16xi1>
    %eq3A_305 = arith.constant 15 : i32
    %eq3A_306 = vector.broadcast %eq3A_305 : i32 to vector<16xi32>
    %eq3A_307 = arith.cmpi eq, %iota3A, %eq3A_306 : vector<16xi32>
    tpu.vector_store_idx %arg6[%get3A_259], %broadcast_in_dim3A_9 masked %eq3A_307 {add = true} : memref<10240xf32, #tpu.memory_space<vmem>>[vector<16xi32>], vector<16xf32>, vector<16xi1>
    %gt3A = arith.constant 126 : i32
    %gt3A_308 = arith.cmpi sgt, %add3A_4, %gt3A : i32
    %convert_element_type3A = arith.extui %gt3A_308 : i1 to i32
    %cond3A = arith.constant 0 : i32
    %cond3A_309 = arith.cmpi ne, %convert_element_type3A, %cond3A : i32
    scf.if %cond3A_309 {
      %add3A_312 = arith.constant 126 : i32
      %add3A_313 = arith.addi %add3A_8, %add3A_312 : i32
      %mul3A_314 = arith.constant 80 : i32
      %mul3A_315 = arith.muli %add3A_313, %mul3A_314 : i32
      %dma_start3A_316 = arith.constant 0 : i32
      %dma_start3A_317 = arith.constant 0 : i32
      %dma_start3A_318 = tpu.memref_slice %arg5[%dma_start3A_316, %dma_start3A_317] : memref<2x80xi32, #tpu.memory_space<vmem>> -> memref<1x80xi32, #tpu.memory_space<vmem>>
      %dma_start3A_319 = tpu.memref_squeeze %dma_start3A_318 : memref<1x80xi32, #tpu.memory_space<vmem>> -> memref<80xi32, #tpu.memory_space<vmem>>
      %dma_start3A_320 = tpu.memref_slice %arg2[%mul3A_315] : memref<320000xi32, #tpu.memory_space<hbm>> -> memref<80xi32, #tpu.memory_space<hbm>>
      %dma_start3A_321 = arith.constant 0 : i32
      %dma_start3A_322 = tpu.memref_slice %arg5[%dma_start3A_316, %dma_start3A_321] : memref<2x80xi32, #tpu.memory_space<vmem>> -> memref<1x80xi32, #tpu.memory_space<vmem>>
      %dma_start3A_323 = tpu.memref_squeeze %dma_start3A_322 : memref<1x80xi32, #tpu.memory_space<vmem>> -> memref<80xi32, #tpu.memory_space<vmem>>
      %dma_start3A_324 = tpu.memref_slice %arg2[%mul3A_315] : memref<320000xi32, #tpu.memory_space<hbm>> -> memref<80xi32, #tpu.memory_space<hbm>>
      tpu.enqueue_dma source(%dma_start3A_324 : memref<80xi32, #tpu.memory_space<hbm>>) target(%dma_start3A_323 : memref<80xi32, #tpu.memory_space<vmem>>) target_semaphore(%arg7 : memref<!tpu.dma_semaphore, #tpu.memory_space<semaphore_mem>>)
    } else {
    }
    %mul3A_310 = arith.constant 10240 : i32
    %mul3A_311 = arith.muli %add3A, %mul3A_310 : i32
    "tpu.region"() ({
      %run_scoped3A = tpu.sem_alloc : memref<!tpu.dma_semaphore, #tpu.memory_space<semaphore_mem>>
      %dma_start3A_312 = tpu.memref_slice %arg4[%mul3A_311] : memref<327680xf32, #tpu.memory_space<hbm>> -> memref<10240xf32, #tpu.memory_space<hbm>>
      %dma_start3A_313 = tpu.memref_slice %arg4[%mul3A_311] : memref<327680xf32, #tpu.memory_space<hbm>> -> memref<10240xf32, #tpu.memory_space<hbm>>
      tpu.enqueue_dma source(%arg6 : memref<10240xf32, #tpu.memory_space<vmem>>) target(%dma_start3A_313 : memref<10240xf32, #tpu.memory_space<hbm>>) target_semaphore(%run_scoped3A : memref<!tpu.dma_semaphore, #tpu.memory_space<semaphore_mem>>)
      %dma_wait3A_314 = tpu.memref_slice %arg4[%mul3A_311] : memref<327680xf32, #tpu.memory_space<hbm>> -> memref<10240xf32, #tpu.memory_space<hbm>>
      %dma_wait3A_315 = tpu.memref_slice %arg4[%mul3A_311] : memref<327680xf32, #tpu.memory_space<hbm>> -> memref<10240xf32, #tpu.memory_space<hbm>>
      tpu.wait_dma2 semaphore(%run_scoped3A : memref<!tpu.dma_semaphore, #tpu.memory_space<semaphore_mem>>) src(%arg6 : memref<10240xf32, #tpu.memory_space<vmem>>) dst(%dma_wait3A_315 : memref<10240xf32, #tpu.memory_space<hbm>>)
      tpu.yield
    }) : () -> ()
    return
  }
}

#map = affine_map<(d0, d1) -> (0, 0)>
#map1 = affine_map<(d0, d1) -> (0)>
module attributes {stable_mosaic.version = 14 : i64} {
  func.func @agg_kernel(%arg0: i32, %arg1: i32, %arg2: memref<10000x128xf32, #tpu.memory_space<hbm>>, %arg3: memref<320000xi32, #tpu.memory_space<hbm>>, %arg4: memref<320000xi32, #tpu.memory_space<hbm>>, %arg5: memref<10112x128xf32, #tpu.memory_space<hbm>>, %arg6: memref<20224x128xf32, #tpu.memory_space<hbm>>, %arg7: memref<4x80xi32, #tpu.memory_space<vmem>>, %arg8: memref<4x80xi32, #tpu.memory_space<vmem>>, %arg9: memref<4x80x128xf32, #tpu.memory_space<vmem>>, %arg10: memref<10112x128xf32, #tpu.memory_space<vmem_shared>>, %arg11: memref<!tpu.dma_semaphore, #tpu.memory_space<semaphore_mem>>, %arg12: memref<!tpu.dma_semaphore, #tpu.memory_space<semaphore_mem>>, %arg13: memref<!tpu.dma_semaphore, #tpu.memory_space<semaphore_mem>>, %arg14: memref<!tpu.dma_semaphore, #tpu.memory_space<semaphore_mem>>, %arg15: memref<!tpu.dma_semaphore, #tpu.memory_space<semaphore_mem>>, %arg16: memref<!tpu.dma_semaphore, #tpu.memory_space<semaphore_mem>>, %arg17: memref<!tpu.dma_semaphore, #tpu.memory_space<semaphore_mem>>, %arg18: memref<!tpu.dma_semaphore, #tpu.memory_space<semaphore_mem>>, %arg19: memref<!tpu.dma_semaphore, #tpu.memory_space<semaphore_mem>>, %arg20: memref<!tpu.dma_semaphore, #tpu.memory_space<semaphore_mem>>, %arg21: memref<!tpu.dma_semaphore, #tpu.memory_space<semaphore_mem>>, %arg22: memref<!tpu.dma_semaphore, #tpu.memory_space<semaphore_mem>>, %arg23: memref<!tpu.dma_semaphore, #tpu.memory_space<semaphore_mem>>, %arg24: memref<!tpu.dma_semaphore, #tpu.memory_space<semaphore_mem>>, %arg25: memref<!tpu.dma_semaphore, #tpu.memory_space<semaphore_mem>>, %arg26: memref<!tpu.dma_semaphore, #tpu.memory_space<semaphore_mem>>) attributes {dimension_semantics = [#tpu.dimension_semantics<core_parallel>, #tpu.dimension_semantics<subcore_parallel>], iteration_bounds = array<i64: 2, 16>, scalar_prefetch = 0 : i64, scratch_operands = 20 : i64, tpu.core_type = #tpu.core_type<sc_vector_subcore>, window_params = [{transform_indices = #map}, {transform_indices = #map1}, {transform_indices = #map1}, {transform_indices = #map}, {transform_indices = #map}]} {
    %mul3A = arith.constant 16 : i32
    %mul3A_0 = arith.muli %arg0, %mul3A : i32
    %add3A = arith.addi %mul3A_0, %arg1 : i32
    %lt3A = arith.constant 0 : i32
    %lt3A_1 = arith.cmpi slt, %add3A, %lt3A : i32
    %jit3A = arith.constant 1 : i32
    %jit3A_2 = arith.constant 0 : i32
    %select_n3A = arith.select %lt3A_1, %jit3A, %jit3A_2 : i32
    %add3A_3 = arith.constant 125 : i32
    %add3A_4 = arith.addi %add3A_3, %select_n3A : i32
    %mul3A_5 = arith.constant 125 : i32
    %mul3A_6 = arith.muli %add3A, %mul3A_5 : i32
    %min3A = arith.constant 0 : i32
    %min3A_7 = arith.minsi %add3A, %min3A : i32
    %add3A_8 = arith.addi %mul3A_6, %min3A_7 : i32
    %add3A_9 = arith.constant 0 : i32
    %add3A_10 = arith.addi %add3A_8, %add3A_9 : i32
    %mul3A_11 = arith.constant 80 : i32
    %mul3A_12 = arith.muli %add3A_10, %mul3A_11 : i32
    %dma_start3A = arith.constant 0 : i32
    %dma_start3A_13 = arith.constant 0 : i32
    %dma_start3A_14 = tpu.memref_slice %arg7[%dma_start3A, %dma_start3A_13] : memref<4x80xi32, #tpu.memory_space<vmem>> -> memref<1x80xi32, #tpu.memory_space<vmem>>
    %dma_start3A_15 = tpu.memref_squeeze %dma_start3A_14 : memref<1x80xi32, #tpu.memory_space<vmem>> -> memref<80xi32, #tpu.memory_space<vmem>>
    %dma_start3A_16 = tpu.memref_slice %arg3[%mul3A_12] : memref<320000xi32, #tpu.memory_space<hbm>> -> memref<80xi32, #tpu.memory_space<hbm>>
    %dma_start3A_17 = arith.constant 0 : i32
    %dma_start3A_18 = tpu.memref_slice %arg7[%dma_start3A, %dma_start3A_17] : memref<4x80xi32, #tpu.memory_space<vmem>> -> memref<1x80xi32, #tpu.memory_space<vmem>>
    %dma_start3A_19 = tpu.memref_squeeze %dma_start3A_18 : memref<1x80xi32, #tpu.memory_space<vmem>> -> memref<80xi32, #tpu.memory_space<vmem>>
    %dma_start3A_20 = tpu.memref_slice %arg3[%mul3A_12] : memref<320000xi32, #tpu.memory_space<hbm>> -> memref<80xi32, #tpu.memory_space<hbm>>
    tpu.enqueue_dma source(%dma_start3A_20 : memref<80xi32, #tpu.memory_space<hbm>>) target(%dma_start3A_19 : memref<80xi32, #tpu.memory_space<vmem>>) target_semaphore(%arg15 : memref<!tpu.dma_semaphore, #tpu.memory_space<semaphore_mem>>)
    %add3A_21 = arith.constant 0 : i32
    %add3A_22 = arith.addi %add3A_8, %add3A_21 : i32
    %mul3A_23 = arith.constant 80 : i32
    %mul3A_24 = arith.muli %add3A_22, %mul3A_23 : i32
    %dma_start3A_25 = arith.constant 0 : i32
    %dma_start3A_26 = arith.constant 0 : i32
    %dma_start3A_27 = tpu.memref_slice %arg8[%dma_start3A_25, %dma_start3A_26] : memref<4x80xi32, #tpu.memory_space<vmem>> -> memref<1x80xi32, #tpu.memory_space<vmem>>
    %dma_start3A_28 = tpu.memref_squeeze %dma_start3A_27 : memref<1x80xi32, #tpu.memory_space<vmem>> -> memref<80xi32, #tpu.memory_space<vmem>>
    %dma_start3A_29 = tpu.memref_slice %arg4[%mul3A_24] : memref<320000xi32, #tpu.memory_space<hbm>> -> memref<80xi32, #tpu.memory_space<hbm>>
    %dma_start3A_30 = arith.constant 0 : i32
    %dma_start3A_31 = tpu.memref_slice %arg8[%dma_start3A_25, %dma_start3A_30] : memref<4x80xi32, #tpu.memory_space<vmem>> -> memref<1x80xi32, #tpu.memory_space<vmem>>
    %dma_start3A_32 = tpu.memref_squeeze %dma_start3A_31 : memref<1x80xi32, #tpu.memory_space<vmem>> -> memref<80xi32, #tpu.memory_space<vmem>>
    %dma_start3A_33 = tpu.memref_slice %arg4[%mul3A_24] : memref<320000xi32, #tpu.memory_space<hbm>> -> memref<80xi32, #tpu.memory_space<hbm>>
    tpu.enqueue_dma source(%dma_start3A_33 : memref<80xi32, #tpu.memory_space<hbm>>) target(%dma_start3A_32 : memref<80xi32, #tpu.memory_space<vmem>>) target_semaphore(%arg19 : memref<!tpu.dma_semaphore, #tpu.memory_space<semaphore_mem>>)
    %add3A_34 = arith.constant 1 : i32
    %add3A_35 = arith.addi %add3A_8, %add3A_34 : i32
    %mul3A_36 = arith.constant 80 : i32
    %mul3A_37 = arith.muli %add3A_35, %mul3A_36 : i32
    %dma_start3A_38 = arith.constant 1 : i32
    %dma_start3A_39 = arith.constant 0 : i32
    %dma_start3A_40 = tpu.memref_slice %arg7[%dma_start3A_38, %dma_start3A_39] : memref<4x80xi32, #tpu.memory_space<vmem>> -> memref<1x80xi32, #tpu.memory_space<vmem>>
    %dma_start3A_41 = tpu.memref_squeeze %dma_start3A_40 : memref<1x80xi32, #tpu.memory_space<vmem>> -> memref<80xi32, #tpu.memory_space<vmem>>
    %dma_start3A_42 = tpu.memref_slice %arg3[%mul3A_37] : memref<320000xi32, #tpu.memory_space<hbm>> -> memref<80xi32, #tpu.memory_space<hbm>>
    %dma_start3A_43 = arith.constant 0 : i32
    %dma_start3A_44 = tpu.memref_slice %arg7[%dma_start3A_38, %dma_start3A_43] : memref<4x80xi32, #tpu.memory_space<vmem>> -> memref<1x80xi32, #tpu.memory_space<vmem>>
    %dma_start3A_45 = tpu.memref_squeeze %dma_start3A_44 : memref<1x80xi32, #tpu.memory_space<vmem>> -> memref<80xi32, #tpu.memory_space<vmem>>
    %dma_start3A_46 = tpu.memref_slice %arg3[%mul3A_37] : memref<320000xi32, #tpu.memory_space<hbm>> -> memref<80xi32, #tpu.memory_space<hbm>>
    tpu.enqueue_dma source(%dma_start3A_46 : memref<80xi32, #tpu.memory_space<hbm>>) target(%dma_start3A_45 : memref<80xi32, #tpu.memory_space<vmem>>) target_semaphore(%arg16 : memref<!tpu.dma_semaphore, #tpu.memory_space<semaphore_mem>>)
    %add3A_47 = arith.constant 1 : i32
    %add3A_48 = arith.addi %add3A_8, %add3A_47 : i32
    %mul3A_49 = arith.constant 80 : i32
    %mul3A_50 = arith.muli %add3A_48, %mul3A_49 : i32
    %dma_start3A_51 = arith.constant 1 : i32
    %dma_start3A_52 = arith.constant 0 : i32
    %dma_start3A_53 = tpu.memref_slice %arg8[%dma_start3A_51, %dma_start3A_52] : memref<4x80xi32, #tpu.memory_space<vmem>> -> memref<1x80xi32, #tpu.memory_space<vmem>>
    %dma_start3A_54 = tpu.memref_squeeze %dma_start3A_53 : memref<1x80xi32, #tpu.memory_space<vmem>> -> memref<80xi32, #tpu.memory_space<vmem>>
    %dma_start3A_55 = tpu.memref_slice %arg4[%mul3A_50] : memref<320000xi32, #tpu.memory_space<hbm>> -> memref<80xi32, #tpu.memory_space<hbm>>
    %dma_start3A_56 = arith.constant 0 : i32
    %dma_start3A_57 = tpu.memref_slice %arg8[%dma_start3A_51, %dma_start3A_56] : memref<4x80xi32, #tpu.memory_space<vmem>> -> memref<1x80xi32, #tpu.memory_space<vmem>>
    %dma_start3A_58 = tpu.memref_squeeze %dma_start3A_57 : memref<1x80xi32, #tpu.memory_space<vmem>> -> memref<80xi32, #tpu.memory_space<vmem>>
    %dma_start3A_59 = tpu.memref_slice %arg4[%mul3A_50] : memref<320000xi32, #tpu.memory_space<hbm>> -> memref<80xi32, #tpu.memory_space<hbm>>
    tpu.enqueue_dma source(%dma_start3A_59 : memref<80xi32, #tpu.memory_space<hbm>>) target(%dma_start3A_58 : memref<80xi32, #tpu.memory_space<vmem>>) target_semaphore(%arg20 : memref<!tpu.dma_semaphore, #tpu.memory_space<semaphore_mem>>)
    %add3A_60 = arith.constant 2 : i32
    %add3A_61 = arith.addi %add3A_8, %add3A_60 : i32
    %mul3A_62 = arith.constant 80 : i32
    %mul3A_63 = arith.muli %add3A_61, %mul3A_62 : i32
    %dma_start3A_64 = arith.constant 2 : i32
    %dma_start3A_65 = arith.constant 0 : i32
    %dma_start3A_66 = tpu.memref_slice %arg7[%dma_start3A_64, %dma_start3A_65] : memref<4x80xi32, #tpu.memory_space<vmem>> -> memref<1x80xi32, #tpu.memory_space<vmem>>
    %dma_start3A_67 = tpu.memref_squeeze %dma_start3A_66 : memref<1x80xi32, #tpu.memory_space<vmem>> -> memref<80xi32, #tpu.memory_space<vmem>>
    %dma_start3A_68 = tpu.memref_slice %arg3[%mul3A_63] : memref<320000xi32, #tpu.memory_space<hbm>> -> memref<80xi32, #tpu.memory_space<hbm>>
    %dma_start3A_69 = arith.constant 0 : i32
    %dma_start3A_70 = tpu.memref_slice %arg7[%dma_start3A_64, %dma_start3A_69] : memref<4x80xi32, #tpu.memory_space<vmem>> -> memref<1x80xi32, #tpu.memory_space<vmem>>
    %dma_start3A_71 = tpu.memref_squeeze %dma_start3A_70 : memref<1x80xi32, #tpu.memory_space<vmem>> -> memref<80xi32, #tpu.memory_space<vmem>>
    %dma_start3A_72 = tpu.memref_slice %arg3[%mul3A_63] : memref<320000xi32, #tpu.memory_space<hbm>> -> memref<80xi32, #tpu.memory_space<hbm>>
    tpu.enqueue_dma source(%dma_start3A_72 : memref<80xi32, #tpu.memory_space<hbm>>) target(%dma_start3A_71 : memref<80xi32, #tpu.memory_space<vmem>>) target_semaphore(%arg17 : memref<!tpu.dma_semaphore, #tpu.memory_space<semaphore_mem>>)
    %add3A_73 = arith.constant 2 : i32
    %add3A_74 = arith.addi %add3A_8, %add3A_73 : i32
    %mul3A_75 = arith.constant 80 : i32
    %mul3A_76 = arith.muli %add3A_74, %mul3A_75 : i32
    %dma_start3A_77 = arith.constant 2 : i32
    %dma_start3A_78 = arith.constant 0 : i32
    %dma_start3A_79 = tpu.memref_slice %arg8[%dma_start3A_77, %dma_start3A_78] : memref<4x80xi32, #tpu.memory_space<vmem>> -> memref<1x80xi32, #tpu.memory_space<vmem>>
    %dma_start3A_80 = tpu.memref_squeeze %dma_start3A_79 : memref<1x80xi32, #tpu.memory_space<vmem>> -> memref<80xi32, #tpu.memory_space<vmem>>
    %dma_start3A_81 = tpu.memref_slice %arg4[%mul3A_76] : memref<320000xi32, #tpu.memory_space<hbm>> -> memref<80xi32, #tpu.memory_space<hbm>>
    %dma_start3A_82 = arith.constant 0 : i32
    %dma_start3A_83 = tpu.memref_slice %arg8[%dma_start3A_77, %dma_start3A_82] : memref<4x80xi32, #tpu.memory_space<vmem>> -> memref<1x80xi32, #tpu.memory_space<vmem>>
    %dma_start3A_84 = tpu.memref_squeeze %dma_start3A_83 : memref<1x80xi32, #tpu.memory_space<vmem>> -> memref<80xi32, #tpu.memory_space<vmem>>
    %dma_start3A_85 = tpu.memref_slice %arg4[%mul3A_76] : memref<320000xi32, #tpu.memory_space<hbm>> -> memref<80xi32, #tpu.memory_space<hbm>>
    tpu.enqueue_dma source(%dma_start3A_85 : memref<80xi32, #tpu.memory_space<hbm>>) target(%dma_start3A_84 : memref<80xi32, #tpu.memory_space<vmem>>) target_semaphore(%arg21 : memref<!tpu.dma_semaphore, #tpu.memory_space<semaphore_mem>>)
    %add3A_86 = arith.constant 3 : i32
    %add3A_87 = arith.addi %add3A_8, %add3A_86 : i32
    %mul3A_88 = arith.constant 80 : i32
    %mul3A_89 = arith.muli %add3A_87, %mul3A_88 : i32
    %dma_start3A_90 = arith.constant 3 : i32
    %dma_start3A_91 = arith.constant 0 : i32
    %dma_start3A_92 = tpu.memref_slice %arg7[%dma_start3A_90, %dma_start3A_91] : memref<4x80xi32, #tpu.memory_space<vmem>> -> memref<1x80xi32, #tpu.memory_space<vmem>>
    %dma_start3A_93 = tpu.memref_squeeze %dma_start3A_92 : memref<1x80xi32, #tpu.memory_space<vmem>> -> memref<80xi32, #tpu.memory_space<vmem>>
    %dma_start3A_94 = tpu.memref_slice %arg3[%mul3A_89] : memref<320000xi32, #tpu.memory_space<hbm>> -> memref<80xi32, #tpu.memory_space<hbm>>
    %dma_start3A_95 = arith.constant 0 : i32
    %dma_start3A_96 = tpu.memref_slice %arg7[%dma_start3A_90, %dma_start3A_95] : memref<4x80xi32, #tpu.memory_space<vmem>> -> memref<1x80xi32, #tpu.memory_space<vmem>>
    %dma_start3A_97 = tpu.memref_squeeze %dma_start3A_96 : memref<1x80xi32, #tpu.memory_space<vmem>> -> memref<80xi32, #tpu.memory_space<vmem>>
    %dma_start3A_98 = tpu.memref_slice %arg3[%mul3A_89] : memref<320000xi32, #tpu.memory_space<hbm>> -> memref<80xi32, #tpu.memory_space<hbm>>
    tpu.enqueue_dma source(%dma_start3A_98 : memref<80xi32, #tpu.memory_space<hbm>>) target(%dma_start3A_97 : memref<80xi32, #tpu.memory_space<vmem>>) target_semaphore(%arg18 : memref<!tpu.dma_semaphore, #tpu.memory_space<semaphore_mem>>)
    %add3A_99 = arith.constant 3 : i32
    %add3A_100 = arith.addi %add3A_8, %add3A_99 : i32
    %mul3A_101 = arith.constant 80 : i32
    %mul3A_102 = arith.muli %add3A_100, %mul3A_101 : i32
    %dma_start3A_103 = arith.constant 3 : i32
    %dma_start3A_104 = arith.constant 0 : i32
    %dma_start3A_105 = tpu.memref_slice %arg8[%dma_start3A_103, %dma_start3A_104] : memref<4x80xi32, #tpu.memory_space<vmem>> -> memref<1x80xi32, #tpu.memory_space<vmem>>
    %dma_start3A_106 = tpu.memref_squeeze %dma_start3A_105 : memref<1x80xi32, #tpu.memory_space<vmem>> -> memref<80xi32, #tpu.memory_space<vmem>>
    %dma_start3A_107 = tpu.memref_slice %arg4[%mul3A_102] : memref<320000xi32, #tpu.memory_space<hbm>> -> memref<80xi32, #tpu.memory_space<hbm>>
    %dma_start3A_108 = arith.constant 0 : i32
    %dma_start3A_109 = tpu.memref_slice %arg8[%dma_start3A_103, %dma_start3A_108] : memref<4x80xi32, #tpu.memory_space<vmem>> -> memref<1x80xi32, #tpu.memory_space<vmem>>
    %dma_start3A_110 = tpu.memref_squeeze %dma_start3A_109 : memref<1x80xi32, #tpu.memory_space<vmem>> -> memref<80xi32, #tpu.memory_space<vmem>>
    %dma_start3A_111 = tpu.memref_slice %arg4[%mul3A_102] : memref<320000xi32, #tpu.memory_space<hbm>> -> memref<80xi32, #tpu.memory_space<hbm>>
    tpu.enqueue_dma source(%dma_start3A_111 : memref<80xi32, #tpu.memory_space<hbm>>) target(%dma_start3A_110 : memref<80xi32, #tpu.memory_space<vmem>>) target_semaphore(%arg22 : memref<!tpu.dma_semaphore, #tpu.memory_space<semaphore_mem>>)
    %dma_wait3A = arith.constant 0 : i32
    %dma_wait3A_112 = arith.constant 0 : i32
    %dma_wait3A_113 = tpu.memref_slice %arg7[%dma_wait3A, %dma_wait3A_112] : memref<4x80xi32, #tpu.memory_space<vmem>> -> memref<1x80xi32, #tpu.memory_space<vmem>>
    %dma_wait3A_114 = tpu.memref_squeeze %dma_wait3A_113 : memref<1x80xi32, #tpu.memory_space<vmem>> -> memref<80xi32, #tpu.memory_space<vmem>>
    %dma_wait3A_115 = arith.constant 0 : i32
    %dma_wait3A_116 = tpu.memref_slice %arg3[%dma_wait3A_115] : memref<320000xi32, #tpu.memory_space<hbm>> -> memref<80xi32, #tpu.memory_space<hbm>>
    %dma_wait3A_117 = arith.constant 0 : i32
    %dma_wait3A_118 = tpu.memref_slice %arg7[%dma_wait3A, %dma_wait3A_117] : memref<4x80xi32, #tpu.memory_space<vmem>> -> memref<1x80xi32, #tpu.memory_space<vmem>>
    %dma_wait3A_119 = tpu.memref_squeeze %dma_wait3A_118 : memref<1x80xi32, #tpu.memory_space<vmem>> -> memref<80xi32, #tpu.memory_space<vmem>>
    %dma_wait3A_120 = arith.constant 0 : i32
    %dma_wait3A_121 = tpu.memref_slice %arg3[%dma_wait3A_120] : memref<320000xi32, #tpu.memory_space<hbm>> -> memref<80xi32, #tpu.memory_space<hbm>>
    tpu.wait_dma2 semaphore(%arg15 : memref<!tpu.dma_semaphore, #tpu.memory_space<semaphore_mem>>) src(%dma_wait3A_121 : memref<80xi32, #tpu.memory_space<hbm>>) dst(%dma_wait3A_119 : memref<80xi32, #tpu.memory_space<vmem>>)
    %dma_start3A_122 = arith.constant 0 : i32
    %dma_start3A_123 = arith.constant 0 : i32
    %dma_start3A_124 = arith.constant 0 : i32
    %dma_start3A_125 = arith.constant 0 : i32
    %dma_start3A_126 = tpu.memref_slice %arg9[%dma_start3A_123, %dma_start3A_124, %dma_start3A_125] : memref<4x80x128xf32, #tpu.memory_space<vmem>> -> memref<1x80x128xf32, #tpu.memory_space<vmem>>
    %dma_start3A_127 = tpu.memref_squeeze %dma_start3A_126 : memref<1x80x128xf32, #tpu.memory_space<vmem>> -> memref<80x128xf32, #tpu.memory_space<vmem>>
    %dma_start3A_128 = arith.constant 0 : i32
    %dma_start3A_129 = tpu.memref_slice %arg7[%dma_start3A_122, %dma_start3A_128] : memref<4x80xi32, #tpu.memory_space<vmem>> -> memref<1x80xi32, #tpu.memory_space<vmem>>
    %dma_start3A_130 = tpu.memref_squeeze %dma_start3A_129 : memref<1x80xi32, #tpu.memory_space<vmem>> -> memref<80xi32, #tpu.memory_space<vmem>>
    %dma_start3A_131 = arith.constant 0 : i32
    %dma_start3A_132 = arith.constant 0 : i32
    %dma_start3A_133 = tpu.memref_slice %arg2[%dma_start3A_131, %dma_start3A_132] : memref<10000x128xf32, #tpu.memory_space<hbm>> -> memref<10000x128xf32, #tpu.memory_space<hbm>>
    tpu.enqueue_indirect_dma source(%dma_start3A_133 : memref<10000x128xf32, #tpu.memory_space<hbm>>) target(%dma_start3A_127 : memref<80x128xf32, #tpu.memory_space<vmem>>) offsets(%dma_start3A_130 : memref<80xi32, #tpu.memory_space<vmem>>) semaphore(%arg11 : memref<!tpu.dma_semaphore, #tpu.memory_space<semaphore_mem>>)
    %dma_wait3A_134 = arith.constant 1 : i32
    %dma_wait3A_135 = arith.constant 0 : i32
    %dma_wait3A_136 = tpu.memref_slice %arg7[%dma_wait3A_134, %dma_wait3A_135] : memref<4x80xi32, #tpu.memory_space<vmem>> -> memref<1x80xi32, #tpu.memory_space<vmem>>
    %dma_wait3A_137 = tpu.memref_squeeze %dma_wait3A_136 : memref<1x80xi32, #tpu.memory_space<vmem>> -> memref<80xi32, #tpu.memory_space<vmem>>
    %dma_wait3A_138 = arith.constant 0 : i32
    %dma_wait3A_139 = tpu.memref_slice %arg3[%dma_wait3A_138] : memref<320000xi32, #tpu.memory_space<hbm>> -> memref<80xi32, #tpu.memory_space<hbm>>
    %dma_wait3A_140 = arith.constant 0 : i32
    %dma_wait3A_141 = tpu.memref_slice %arg7[%dma_wait3A_134, %dma_wait3A_140] : memref<4x80xi32, #tpu.memory_space<vmem>> -> memref<1x80xi32, #tpu.memory_space<vmem>>
    %dma_wait3A_142 = tpu.memref_squeeze %dma_wait3A_141 : memref<1x80xi32, #tpu.memory_space<vmem>> -> memref<80xi32, #tpu.memory_space<vmem>>
    %dma_wait3A_143 = arith.constant 0 : i32
    %dma_wait3A_144 = tpu.memref_slice %arg3[%dma_wait3A_143] : memref<320000xi32, #tpu.memory_space<hbm>> -> memref<80xi32, #tpu.memory_space<hbm>>
    tpu.wait_dma2 semaphore(%arg16 : memref<!tpu.dma_semaphore, #tpu.memory_space<semaphore_mem>>) src(%dma_wait3A_144 : memref<80xi32, #tpu.memory_space<hbm>>) dst(%dma_wait3A_142 : memref<80xi32, #tpu.memory_space<vmem>>)
    %dma_start3A_145 = arith.constant 1 : i32
    %dma_start3A_146 = arith.constant 1 : i32
    %dma_start3A_147 = arith.constant 0 : i32
    %dma_start3A_148 = arith.constant 0 : i32
    %dma_start3A_149 = tpu.memref_slice %arg9[%dma_start3A_146, %dma_start3A_147, %dma_start3A_148] : memref<4x80x128xf32, #tpu.memory_space<vmem>> -> memref<1x80x128xf32, #tpu.memory_space<vmem>>
    %dma_start3A_150 = tpu.memref_squeeze %dma_start3A_149 : memref<1x80x128xf32, #tpu.memory_space<vmem>> -> memref<80x128xf32, #tpu.memory_space<vmem>>
    %dma_start3A_151 = arith.constant 0 : i32
    %dma_start3A_152 = tpu.memref_slice %arg7[%dma_start3A_145, %dma_start3A_151] : memref<4x80xi32, #tpu.memory_space<vmem>> -> memref<1x80xi32, #tpu.memory_space<vmem>>
    %dma_start3A_153 = tpu.memref_squeeze %dma_start3A_152 : memref<1x80xi32, #tpu.memory_space<vmem>> -> memref<80xi32, #tpu.memory_space<vmem>>
    %dma_start3A_154 = arith.constant 0 : i32
    %dma_start3A_155 = arith.constant 0 : i32
    %dma_start3A_156 = tpu.memref_slice %arg2[%dma_start3A_154, %dma_start3A_155] : memref<10000x128xf32, #tpu.memory_space<hbm>> -> memref<10000x128xf32, #tpu.memory_space<hbm>>
    tpu.enqueue_indirect_dma source(%dma_start3A_156 : memref<10000x128xf32, #tpu.memory_space<hbm>>) target(%dma_start3A_150 : memref<80x128xf32, #tpu.memory_space<vmem>>) offsets(%dma_start3A_153 : memref<80xi32, #tpu.memory_space<vmem>>) semaphore(%arg12 : memref<!tpu.dma_semaphore, #tpu.memory_space<semaphore_mem>>)
    %mul3A_157 = arith.constant 632 : i32
    %mul3A_158 = arith.muli %arg1, %mul3A_157 : i32
    %mul3A_159 = arith.constant 632 : i32
    %mul3A_160 = arith.muli %arg1, %mul3A_159 : i32
    "tpu.region"() ({
      %run_scoped3A = tpu.sem_alloc : memref<!tpu.dma_semaphore, #tpu.memory_space<semaphore_mem>>
      %dma_start3A_264 = arith.constant 0 : i32
      %dma_start3A_265 = tpu.memref_slice %arg10[%mul3A_160, %dma_start3A_264] : memref<10112x128xf32, #tpu.memory_space<vmem_shared>> -> memref<632x128xf32, #tpu.memory_space<vmem_shared>>
      %dma_start3A_266 = arith.constant 0 : i32
      %dma_start3A_267 = tpu.memref_slice %arg5[%mul3A_158, %dma_start3A_266] : memref<10112x128xf32, #tpu.memory_space<hbm>> -> memref<632x128xf32, #tpu.memory_space<hbm>>
      tpu.enqueue_dma source(%dma_start3A_267 : memref<632x128xf32, #tpu.memory_space<hbm>>) target(%dma_start3A_265 : memref<632x128xf32, #tpu.memory_space<vmem_shared>>) target_semaphore(%run_scoped3A : memref<!tpu.dma_semaphore, #tpu.memory_space<semaphore_mem>>)
      %dma_wait3A_268 = arith.constant 0 : i32
      %dma_wait3A_269 = tpu.memref_slice %arg10[%mul3A_160, %dma_wait3A_268] : memref<10112x128xf32, #tpu.memory_space<vmem_shared>> -> memref<632x128xf32, #tpu.memory_space<vmem_shared>>
      %dma_wait3A_270 = arith.constant 0 : i32
      %dma_wait3A_271 = tpu.memref_slice %arg5[%mul3A_158, %dma_wait3A_270] : memref<10112x128xf32, #tpu.memory_space<hbm>> -> memref<632x128xf32, #tpu.memory_space<hbm>>
      tpu.wait_dma2 semaphore(%run_scoped3A : memref<!tpu.dma_semaphore, #tpu.memory_space<semaphore_mem>>) src(%dma_wait3A_271 : memref<632x128xf32, #tpu.memory_space<hbm>>) dst(%dma_wait3A_269 : memref<632x128xf32, #tpu.memory_space<vmem_shared>>)
      tpu.yield
    }) : () -> ()
    %barrier3A = arith.constant 0 : index
    tpu.barrier barrier_id(%barrier3A)
    %scan3A = arith.constant 0 : i32
    %scan3A_161 = arith.constant 0 : i32
    %scan3A_162 = arith.constant 31 : i32
    %scan3A_163 = arith.addi %scan3A_161, %scan3A_162 : i32
    %scan3A_164 = arith.constant 1 : i32
    scf.for %scan3A_264 = %scan3A_161 to %scan3A_163 step %scan3A_164  : i32 {
      %mul3A_265 = arith.constant 4 : i32
      %mul3A_266 = arith.muli %mul3A_265, %scan3A_264 : i32
      %dma_wait3A_267 = arith.constant 0 : i32
      %dma_wait3A_268 = arith.constant 0 : i32
      %dma_wait3A_269 = arith.constant 0 : i32
      %dma_wait3A_270 = arith.constant 0 : i32
      %dma_wait3A_271 = tpu.memref_slice %arg9[%dma_wait3A_268, %dma_wait3A_269, %dma_wait3A_270] : memref<4x80x128xf32, #tpu.memory_space<vmem>> -> memref<1x80x128xf32, #tpu.memory_space<vmem>>
      %dma_wait3A_272 = tpu.memref_squeeze %dma_wait3A_271 : memref<1x80x128xf32, #tpu.memory_space<vmem>> -> memref<80x128xf32, #tpu.memory_space<vmem>>
      %dma_wait3A_273 = arith.constant 0 : i32
      %dma_wait3A_274 = tpu.memref_slice %arg7[%dma_wait3A_267, %dma_wait3A_273] : memref<4x80xi32, #tpu.memory_space<vmem>> -> memref<1x80xi32, #tpu.memory_space<vmem>>
      %dma_wait3A_275 = tpu.memref_squeeze %dma_wait3A_274 : memref<1x80xi32, #tpu.memory_space<vmem>> -> memref<80xi32, #tpu.memory_space<vmem>>
      %dma_wait3A_276 = arith.constant 0 : i32
      %dma_wait3A_277 = arith.constant 0 : i32
      %dma_wait3A_278 = tpu.memref_slice %arg2[%dma_wait3A_276, %dma_wait3A_277] : memref<10000x128xf32, #tpu.memory_space<hbm>> -> memref<10000x128xf32, #tpu.memory_space<hbm>>
      tpu.wait_indirect_dma semaphore(%arg11 : memref<!tpu.dma_semaphore, #tpu.memory_space<semaphore_mem>>) src(%dma_wait3A_278 : memref<10000x128xf32, #tpu.memory_space<hbm>>) dst(%dma_wait3A_272 : memref<80x128xf32, #tpu.memory_space<vmem>>)
      %dma_wait3A_279 = arith.constant 0 : i32
      %dma_wait3A_280 = arith.constant 0 : i32
      %dma_wait3A_281 = tpu.memref_slice %arg8[%dma_wait3A_279, %dma_wait3A_280] : memref<4x80xi32, #tpu.memory_space<vmem>> -> memref<1x80xi32, #tpu.memory_space<vmem>>
      %dma_wait3A_282 = tpu.memref_squeeze %dma_wait3A_281 : memref<1x80xi32, #tpu.memory_space<vmem>> -> memref<80xi32, #tpu.memory_space<vmem>>
      %dma_wait3A_283 = arith.constant 0 : i32
      %dma_wait3A_284 = tpu.memref_slice %arg4[%dma_wait3A_283] : memref<320000xi32, #tpu.memory_space<hbm>> -> memref<80xi32, #tpu.memory_space<hbm>>
      %dma_wait3A_285 = arith.constant 0 : i32
      %dma_wait3A_286 = tpu.memref_slice %arg8[%dma_wait3A_279, %dma_wait3A_285] : memref<4x80xi32, #tpu.memory_space<vmem>> -> memref<1x80xi32, #tpu.memory_space<vmem>>
      %dma_wait3A_287 = tpu.memref_squeeze %dma_wait3A_286 : memref<1x80xi32, #tpu.memory_space<vmem>> -> memref<80xi32, #tpu.memory_space<vmem>>
      %dma_wait3A_288 = arith.constant 0 : i32
      %dma_wait3A_289 = tpu.memref_slice %arg4[%dma_wait3A_288] : memref<320000xi32, #tpu.memory_space<hbm>> -> memref<80xi32, #tpu.memory_space<hbm>>
      tpu.wait_dma2 semaphore(%arg19 : memref<!tpu.dma_semaphore, #tpu.memory_space<semaphore_mem>>) src(%dma_wait3A_289 : memref<80xi32, #tpu.memory_space<hbm>>) dst(%dma_wait3A_287 : memref<80xi32, #tpu.memory_space<vmem>>)
      %dma_start3A_290 = arith.constant 0 : i32
      %dma_start3A_291 = arith.constant 0 : i32
      %dma_start3A_292 = arith.constant 0 : i32
      %dma_start3A_293 = arith.constant 0 : i32
      %dma_start3A_294 = tpu.memref_slice %arg9[%dma_start3A_290, %dma_start3A_292, %dma_start3A_293] : memref<4x80x128xf32, #tpu.memory_space<vmem>> -> memref<1x80x128xf32, #tpu.memory_space<vmem>>
      %dma_start3A_295 = tpu.memref_squeeze %dma_start3A_294 : memref<1x80x128xf32, #tpu.memory_space<vmem>> -> memref<80x128xf32, #tpu.memory_space<vmem>>
      %dma_start3A_296 = arith.constant 0 : i32
      %dma_start3A_297 = tpu.memref_slice %arg8[%dma_start3A_291, %dma_start3A_296] : memref<4x80xi32, #tpu.memory_space<vmem>> -> memref<1x80xi32, #tpu.memory_space<vmem>>
      %dma_start3A_298 = tpu.memref_squeeze %dma_start3A_297 : memref<1x80xi32, #tpu.memory_space<vmem>> -> memref<80xi32, #tpu.memory_space<vmem>>
      %dma_start3A_299 = arith.constant 0 : i32
      %dma_start3A_300 = arith.constant 0 : i32
      %dma_start3A_301 = tpu.memref_slice %arg10[%dma_start3A_299, %dma_start3A_300] : memref<10112x128xf32, #tpu.memory_space<vmem_shared>> -> memref<10112x128xf32, #tpu.memory_space<vmem_shared>>
      tpu.enqueue_indirect_dma source(%dma_start3A_295 : memref<80x128xf32, #tpu.memory_space<vmem>>) target(%dma_start3A_301 : memref<10112x128xf32, #tpu.memory_space<vmem_shared>>) offsets(%dma_start3A_298 : memref<80xi32, #tpu.memory_space<vmem>>) semaphore(%arg23 : memref<!tpu.dma_semaphore, #tpu.memory_space<semaphore_mem>>) {add = true}
      %add3A_302 = arith.constant 2 : i32
      %add3A_303 = arith.addi %mul3A_266, %add3A_302 : i32
      %lt3A_304 = arith.cmpi slt, %add3A_303, %add3A_4 : i32
      %convert_element_type3A_305 = arith.extui %lt3A_304 : i1 to i32
      %cond3A_306 = arith.constant 0 : i32
      %cond3A_307 = arith.cmpi ne, %convert_element_type3A_305, %cond3A_306 : i32
      scf.if %cond3A_307 {
        %ge3A = arith.constant 2 : i32
        %ge3A_461 = arith.cmpi sge, %mul3A_266, %ge3A : i32
        %convert_element_type3A_462 = arith.extui %ge3A_461 : i1 to i32
        %cond3A_463 = arith.constant 0 : i32
        %cond3A_464 = arith.cmpi ne, %convert_element_type3A_462, %cond3A_463 : i32
        scf.if %cond3A_464 {
          %dma_wait3A_488 = arith.constant 2 : i32
          %dma_wait3A_489 = arith.constant 2 : i32
          %dma_wait3A_490 = arith.constant 0 : i32
          %dma_wait3A_491 = arith.constant 0 : i32
          %dma_wait3A_492 = tpu.memref_slice %arg9[%dma_wait3A_488, %dma_wait3A_490, %dma_wait3A_491] : memref<4x80x128xf32, #tpu.memory_space<vmem>> -> memref<1x80x128xf32, #tpu.memory_space<vmem>>
          %dma_wait3A_493 = tpu.memref_squeeze %dma_wait3A_492 : memref<1x80x128xf32, #tpu.memory_space<vmem>> -> memref<80x128xf32, #tpu.memory_space<vmem>>
          %dma_wait3A_494 = arith.constant 0 : i32
          %dma_wait3A_495 = tpu.memref_slice %arg8[%dma_wait3A_489, %dma_wait3A_494] : memref<4x80xi32, #tpu.memory_space<vmem>> -> memref<1x80xi32, #tpu.memory_space<vmem>>
          %dma_wait3A_496 = tpu.memref_squeeze %dma_wait3A_495 : memref<1x80xi32, #tpu.memory_space<vmem>> -> memref<80xi32, #tpu.memory_space<vmem>>
          %dma_wait3A_497 = arith.constant 0 : i32
          %dma_wait3A_498 = arith.constant 0 : i32
          %dma_wait3A_499 = tpu.memref_slice %arg10[%dma_wait3A_497, %dma_wait3A_498] : memref<10112x128xf32, #tpu.memory_space<vmem_shared>> -> memref<10112x128xf32, #tpu.memory_space<vmem_shared>>
          tpu.wait_indirect_dma semaphore(%arg25 : memref<!tpu.dma_semaphore, #tpu.memory_space<semaphore_mem>>) src(%dma_wait3A_493 : memref<80x128xf32, #tpu.memory_space<vmem>>) dst(%dma_wait3A_499 : memref<10112x128xf32, #tpu.memory_space<vmem_shared>>)
          %add3A_500 = arith.constant 2 : i32
          %add3A_501 = arith.addi %mul3A_266, %add3A_500 : i32
          %add3A_502 = arith.addi %add3A_8, %add3A_501 : i32
          %mul3A_503 = arith.constant 80 : i32
          %mul3A_504 = arith.muli %add3A_502, %mul3A_503 : i32
          %dma_start3A_505 = arith.constant 2 : i32
          %dma_start3A_506 = arith.constant 0 : i32
          %dma_start3A_507 = tpu.memref_slice %arg8[%dma_start3A_505, %dma_start3A_506] : memref<4x80xi32, #tpu.memory_space<vmem>> -> memref<1x80xi32, #tpu.memory_space<vmem>>
          %dma_start3A_508 = tpu.memref_squeeze %dma_start3A_507 : memref<1x80xi32, #tpu.memory_space<vmem>> -> memref<80xi32, #tpu.memory_space<vmem>>
          %dma_start3A_509 = tpu.memref_slice %arg4[%mul3A_504] : memref<320000xi32, #tpu.memory_space<hbm>> -> memref<80xi32, #tpu.memory_space<hbm>>
          %dma_start3A_510 = arith.constant 0 : i32
          %dma_start3A_511 = tpu.memref_slice %arg8[%dma_start3A_505, %dma_start3A_510] : memref<4x80xi32, #tpu.memory_space<vmem>> -> memref<1x80xi32, #tpu.memory_space<vmem>>
          %dma_start3A_512 = tpu.memref_squeeze %dma_start3A_511 : memref<1x80xi32, #tpu.memory_space<vmem>> -> memref<80xi32, #tpu.memory_space<vmem>>
          %dma_start3A_513 = tpu.memref_slice %arg4[%mul3A_504] : memref<320000xi32, #tpu.memory_space<hbm>> -> memref<80xi32, #tpu.memory_space<hbm>>
          tpu.enqueue_dma source(%dma_start3A_513 : memref<80xi32, #tpu.memory_space<hbm>>) target(%dma_start3A_512 : memref<80xi32, #tpu.memory_space<vmem>>) target_semaphore(%arg21 : memref<!tpu.dma_semaphore, #tpu.memory_space<semaphore_mem>>)
        } else {
        }
        %dma_wait3A_465 = arith.constant 2 : i32
        %dma_wait3A_466 = arith.constant 0 : i32
        %dma_wait3A_467 = tpu.memref_slice %arg7[%dma_wait3A_465, %dma_wait3A_466] : memref<4x80xi32, #tpu.memory_space<vmem>> -> memref<1x80xi32, #tpu.memory_space<vmem>>
        %dma_wait3A_468 = tpu.memref_squeeze %dma_wait3A_467 : memref<1x80xi32, #tpu.memory_space<vmem>> -> memref<80xi32, #tpu.memory_space<vmem>>
        %dma_wait3A_469 = arith.constant 0 : i32
        %dma_wait3A_470 = tpu.memref_slice %arg3[%dma_wait3A_469] : memref<320000xi32, #tpu.memory_space<hbm>> -> memref<80xi32, #tpu.memory_space<hbm>>
        %dma_wait3A_471 = arith.constant 0 : i32
        %dma_wait3A_472 = tpu.memref_slice %arg7[%dma_wait3A_465, %dma_wait3A_471] : memref<4x80xi32, #tpu.memory_space<vmem>> -> memref<1x80xi32, #tpu.memory_space<vmem>>
        %dma_wait3A_473 = tpu.memref_squeeze %dma_wait3A_472 : memref<1x80xi32, #tpu.memory_space<vmem>> -> memref<80xi32, #tpu.memory_space<vmem>>
        %dma_wait3A_474 = arith.constant 0 : i32
        %dma_wait3A_475 = tpu.memref_slice %arg3[%dma_wait3A_474] : memref<320000xi32, #tpu.memory_space<hbm>> -> memref<80xi32, #tpu.memory_space<hbm>>
        tpu.wait_dma2 semaphore(%arg17 : memref<!tpu.dma_semaphore, #tpu.memory_space<semaphore_mem>>) src(%dma_wait3A_475 : memref<80xi32, #tpu.memory_space<hbm>>) dst(%dma_wait3A_473 : memref<80xi32, #tpu.memory_space<vmem>>)
        %dma_start3A_476 = arith.constant 2 : i32
        %dma_start3A_477 = arith.constant 2 : i32
        %dma_start3A_478 = arith.constant 0 : i32
        %dma_start3A_479 = arith.constant 0 : i32
        %dma_start3A_480 = tpu.memref_slice %arg9[%dma_start3A_477, %dma_start3A_478, %dma_start3A_479] : memref<4x80x128xf32, #tpu.memory_space<vmem>> -> memref<1x80x128xf32, #tpu.memory_space<vmem>>
        %dma_start3A_481 = tpu.memref_squeeze %dma_start3A_480 : memref<1x80x128xf32, #tpu.memory_space<vmem>> -> memref<80x128xf32, #tpu.memory_space<vmem>>
        %dma_start3A_482 = arith.constant 0 : i32
        %dma_start3A_483 = tpu.memref_slice %arg7[%dma_start3A_476, %dma_start3A_482] : memref<4x80xi32, #tpu.memory_space<vmem>> -> memref<1x80xi32, #tpu.memory_space<vmem>>
        %dma_start3A_484 = tpu.memref_squeeze %dma_start3A_483 : memref<1x80xi32, #tpu.memory_space<vmem>> -> memref<80xi32, #tpu.memory_space<vmem>>
        %dma_start3A_485 = arith.constant 0 : i32
        %dma_start3A_486 = arith.constant 0 : i32
        %dma_start3A_487 = tpu.memref_slice %arg2[%dma_start3A_485, %dma_start3A_486] : memref<10000x128xf32, #tpu.memory_space<hbm>> -> memref<10000x128xf32, #tpu.memory_space<hbm>>
        tpu.enqueue_indirect_dma source(%dma_start3A_487 : memref<10000x128xf32, #tpu.memory_space<hbm>>) target(%dma_start3A_481 : memref<80x128xf32, #tpu.memory_space<vmem>>) offsets(%dma_start3A_484 : memref<80xi32, #tpu.memory_space<vmem>>) semaphore(%arg13 : memref<!tpu.dma_semaphore, #tpu.memory_space<semaphore_mem>>)
      } else {
      }
      %add3A_308 = arith.constant 4 : i32
      %add3A_309 = arith.addi %mul3A_266, %add3A_308 : i32
      %lt3A_310 = arith.cmpi slt, %add3A_309, %add3A_4 : i32
      %convert_element_type3A_311 = arith.extui %lt3A_310 : i1 to i32
      %cond3A_312 = arith.constant 0 : i32
      %cond3A_313 = arith.cmpi ne, %convert_element_type3A_311, %cond3A_312 : i32
      scf.if %cond3A_313 {
        %add3A_461 = arith.constant 4 : i32
        %add3A_462 = arith.addi %mul3A_266, %add3A_461 : i32
        %add3A_463 = arith.addi %add3A_8, %add3A_462 : i32
        %mul3A_464 = arith.constant 80 : i32
        %mul3A_465 = arith.muli %add3A_463, %mul3A_464 : i32
        %dma_start3A_466 = arith.constant 0 : i32
        %dma_start3A_467 = arith.constant 0 : i32
        %dma_start3A_468 = tpu.memref_slice %arg7[%dma_start3A_466, %dma_start3A_467] : memref<4x80xi32, #tpu.memory_space<vmem>> -> memref<1x80xi32, #tpu.memory_space<vmem>>
        %dma_start3A_469 = tpu.memref_squeeze %dma_start3A_468 : memref<1x80xi32, #tpu.memory_space<vmem>> -> memref<80xi32, #tpu.memory_space<vmem>>
        %dma_start3A_470 = tpu.memref_slice %arg3[%mul3A_465] : memref<320000xi32, #tpu.memory_space<hbm>> -> memref<80xi32, #tpu.memory_space<hbm>>
        %dma_start3A_471 = arith.constant 0 : i32
        %dma_start3A_472 = tpu.memref_slice %arg7[%dma_start3A_466, %dma_start3A_471] : memref<4x80xi32, #tpu.memory_space<vmem>> -> memref<1x80xi32, #tpu.memory_space<vmem>>
        %dma_start3A_473 = tpu.memref_squeeze %dma_start3A_472 : memref<1x80xi32, #tpu.memory_space<vmem>> -> memref<80xi32, #tpu.memory_space<vmem>>
        %dma_start3A_474 = tpu.memref_slice %arg3[%mul3A_465] : memref<320000xi32, #tpu.memory_space<hbm>> -> memref<80xi32, #tpu.memory_space<hbm>>
        tpu.enqueue_dma source(%dma_start3A_474 : memref<80xi32, #tpu.memory_space<hbm>>) target(%dma_start3A_473 : memref<80xi32, #tpu.memory_space<vmem>>) target_semaphore(%arg15 : memref<!tpu.dma_semaphore, #tpu.memory_space<semaphore_mem>>)
      } else {
      }
      %add3A_314 = arith.constant 1 : i32
      %add3A_315 = arith.addi %mul3A_266, %add3A_314 : i32
      %dma_wait3A_316 = arith.constant 1 : i32
      %dma_wait3A_317 = arith.constant 1 : i32
      %dma_wait3A_318 = arith.constant 0 : i32
      %dma_wait3A_319 = arith.constant 0 : i32
      %dma_wait3A_320 = tpu.memref_slice %arg9[%dma_wait3A_317, %dma_wait3A_318, %dma_wait3A_319] : memref<4x80x128xf32, #tpu.memory_space<vmem>> -> memref<1x80x128xf32, #tpu.memory_space<vmem>>
      %dma_wait3A_321 = tpu.memref_squeeze %dma_wait3A_320 : memref<1x80x128xf32, #tpu.memory_space<vmem>> -> memref<80x128xf32, #tpu.memory_space<vmem>>
      %dma_wait3A_322 = arith.constant 0 : i32
      %dma_wait3A_323 = tpu.memref_slice %arg7[%dma_wait3A_316, %dma_wait3A_322] : memref<4x80xi32, #tpu.memory_space<vmem>> -> memref<1x80xi32, #tpu.memory_space<vmem>>
      %dma_wait3A_324 = tpu.memref_squeeze %dma_wait3A_323 : memref<1x80xi32, #tpu.memory_space<vmem>> -> memref<80xi32, #tpu.memory_space<vmem>>
      %dma_wait3A_325 = arith.constant 0 : i32
      %dma_wait3A_326 = arith.constant 0 : i32
      %dma_wait3A_327 = tpu.memref_slice %arg2[%dma_wait3A_325, %dma_wait3A_326] : memref<10000x128xf32, #tpu.memory_space<hbm>> -> memref<10000x128xf32, #tpu.memory_space<hbm>>
      tpu.wait_indirect_dma semaphore(%arg12 : memref<!tpu.dma_semaphore, #tpu.memory_space<semaphore_mem>>) src(%dma_wait3A_327 : memref<10000x128xf32, #tpu.memory_space<hbm>>) dst(%dma_wait3A_321 : memref<80x128xf32, #tpu.memory_space<vmem>>)
      %dma_wait3A_328 = arith.constant 1 : i32
      %dma_wait3A_329 = arith.constant 0 : i32
      %dma_wait3A_330 = tpu.memref_slice %arg8[%dma_wait3A_328, %dma_wait3A_329] : memref<4x80xi32, #tpu.memory_space<vmem>> -> memref<1x80xi32, #tpu.memory_space<vmem>>
      %dma_wait3A_331 = tpu.memref_squeeze %dma_wait3A_330 : memref<1x80xi32, #tpu.memory_space<vmem>> -> memref<80xi32, #tpu.memory_space<vmem>>
      %dma_wait3A_332 = arith.constant 0 : i32
      %dma_wait3A_333 = tpu.memref_slice %arg4[%dma_wait3A_332] : memref<320000xi32, #tpu.memory_space<hbm>> -> memref<80xi32, #tpu.memory_space<hbm>>
      %dma_wait3A_334 = arith.constant 0 : i32
      %dma_wait3A_335 = tpu.memref_slice %arg8[%dma_wait3A_328, %dma_wait3A_334] : memref<4x80xi32, #tpu.memory_space<vmem>> -> memref<1x80xi32, #tpu.memory_space<vmem>>
      %dma_wait3A_336 = tpu.memref_squeeze %dma_wait3A_335 : memref<1x80xi32, #tpu.memory_space<vmem>> -> memref<80xi32, #tpu.memory_space<vmem>>
      %dma_wait3A_337 = arith.constant 0 : i32
      %dma_wait3A_338 = tpu.memref_slice %arg4[%dma_wait3A_337] : memref<320000xi32, #tpu.memory_space<hbm>> -> memref<80xi32, #tpu.memory_space<hbm>>
      tpu.wait_dma2 semaphore(%arg20 : memref<!tpu.dma_semaphore, #tpu.memory_space<semaphore_mem>>) src(%dma_wait3A_338 : memref<80xi32, #tpu.memory_space<hbm>>) dst(%dma_wait3A_336 : memref<80xi32, #tpu.memory_space<vmem>>)
      %dma_start3A_339 = arith.constant 1 : i32
      %dma_start3A_340 = arith.constant 1 : i32
      %dma_start3A_341 = arith.constant 0 : i32
      %dma_start3A_342 = arith.constant 0 : i32
      %dma_start3A_343 = tpu.memref_slice %arg9[%dma_start3A_339, %dma_start3A_341, %dma_start3A_342] : memref<4x80x128xf32, #tpu.memory_space<vmem>> -> memref<1x80x128xf32, #tpu.memory_space<vmem>>
      %dma_start3A_344 = tpu.memref_squeeze %dma_start3A_343 : memref<1x80x128xf32, #tpu.memory_space<vmem>> -> memref<80x128xf32, #tpu.memory_space<vmem>>
      %dma_start3A_345 = arith.constant 0 : i32
      %dma_start3A_346 = tpu.memref_slice %arg8[%dma_start3A_340, %dma_start3A_345] : memref<4x80xi32, #tpu.memory_space<vmem>> -> memref<1x80xi32, #tpu.memory_space<vmem>>
      %dma_start3A_347 = tpu.memref_squeeze %dma_start3A_346 : memref<1x80xi32, #tpu.memory_space<vmem>> -> memref<80xi32, #tpu.memory_space<vmem>>
      %dma_start3A_348 = arith.constant 0 : i32
      %dma_start3A_349 = arith.constant 0 : i32
      %dma_start3A_350 = tpu.memref_slice %arg10[%dma_start3A_348, %dma_start3A_349] : memref<10112x128xf32, #tpu.memory_space<vmem_shared>> -> memref<10112x128xf32, #tpu.memory_space<vmem_shared>>
      tpu.enqueue_indirect_dma source(%dma_start3A_344 : memref<80x128xf32, #tpu.memory_space<vmem>>) target(%dma_start3A_350 : memref<10112x128xf32, #tpu.memory_space<vmem_shared>>) offsets(%dma_start3A_347 : memref<80xi32, #tpu.memory_space<vmem>>) semaphore(%arg24 : memref<!tpu.dma_semaphore, #tpu.memory_space<semaphore_mem>>) {add = true}
      %add3A_351 = arith.constant 2 : i32
      %add3A_352 = arith.addi %add3A_315, %add3A_351 : i32
      %lt3A_353 = arith.cmpi slt, %add3A_352, %add3A_4 : i32
      %convert_element_type3A_354 = arith.extui %lt3A_353 : i1 to i32
      %cond3A_355 = arith.constant 0 : i32
      %cond3A_356 = arith.cmpi ne, %convert_element_type3A_354, %cond3A_355 : i32
      scf.if %cond3A_356 {
        %ge3A = arith.constant 2 : i32
        %ge3A_461 = arith.cmpi sge, %add3A_315, %ge3A : i32
        %convert_element_type3A_462 = arith.extui %ge3A_461 : i1 to i32
        %cond3A_463 = arith.constant 0 : i32
        %cond3A_464 = arith.cmpi ne, %convert_element_type3A_462, %cond3A_463 : i32
        scf.if %cond3A_464 {
          %dma_wait3A_488 = arith.constant 3 : i32
          %dma_wait3A_489 = arith.constant 3 : i32
          %dma_wait3A_490 = arith.constant 0 : i32
          %dma_wait3A_491 = arith.constant 0 : i32
          %dma_wait3A_492 = tpu.memref_slice %arg9[%dma_wait3A_488, %dma_wait3A_490, %dma_wait3A_491] : memref<4x80x128xf32, #tpu.memory_space<vmem>> -> memref<1x80x128xf32, #tpu.memory_space<vmem>>
          %dma_wait3A_493 = tpu.memref_squeeze %dma_wait3A_492 : memref<1x80x128xf32, #tpu.memory_space<vmem>> -> memref<80x128xf32, #tpu.memory_space<vmem>>
          %dma_wait3A_494 = arith.constant 0 : i32
          %dma_wait3A_495 = tpu.memref_slice %arg8[%dma_wait3A_489, %dma_wait3A_494] : memref<4x80xi32, #tpu.memory_space<vmem>> -> memref<1x80xi32, #tpu.memory_space<vmem>>
          %dma_wait3A_496 = tpu.memref_squeeze %dma_wait3A_495 : memref<1x80xi32, #tpu.memory_space<vmem>> -> memref<80xi32, #tpu.memory_space<vmem>>
          %dma_wait3A_497 = arith.constant 0 : i32
          %dma_wait3A_498 = arith.constant 0 : i32
          %dma_wait3A_499 = tpu.memref_slice %arg10[%dma_wait3A_497, %dma_wait3A_498] : memref<10112x128xf32, #tpu.memory_space<vmem_shared>> -> memref<10112x128xf32, #tpu.memory_space<vmem_shared>>
          tpu.wait_indirect_dma semaphore(%arg26 : memref<!tpu.dma_semaphore, #tpu.memory_space<semaphore_mem>>) src(%dma_wait3A_493 : memref<80x128xf32, #tpu.memory_space<vmem>>) dst(%dma_wait3A_499 : memref<10112x128xf32, #tpu.memory_space<vmem_shared>>)
          %add3A_500 = arith.constant 2 : i32
          %add3A_501 = arith.addi %add3A_315, %add3A_500 : i32
          %add3A_502 = arith.addi %add3A_8, %add3A_501 : i32
          %mul3A_503 = arith.constant 80 : i32
          %mul3A_504 = arith.muli %add3A_502, %mul3A_503 : i32
          %dma_start3A_505 = arith.constant 3 : i32
          %dma_start3A_506 = arith.constant 0 : i32
          %dma_start3A_507 = tpu.memref_slice %arg8[%dma_start3A_505, %dma_start3A_506] : memref<4x80xi32, #tpu.memory_space<vmem>> -> memref<1x80xi32, #tpu.memory_space<vmem>>
          %dma_start3A_508 = tpu.memref_squeeze %dma_start3A_507 : memref<1x80xi32, #tpu.memory_space<vmem>> -> memref<80xi32, #tpu.memory_space<vmem>>
          %dma_start3A_509 = tpu.memref_slice %arg4[%mul3A_504] : memref<320000xi32, #tpu.memory_space<hbm>> -> memref<80xi32, #tpu.memory_space<hbm>>
          %dma_start3A_510 = arith.constant 0 : i32
          %dma_start3A_511 = tpu.memref_slice %arg8[%dma_start3A_505, %dma_start3A_510] : memref<4x80xi32, #tpu.memory_space<vmem>> -> memref<1x80xi32, #tpu.memory_space<vmem>>
          %dma_start3A_512 = tpu.memref_squeeze %dma_start3A_511 : memref<1x80xi32, #tpu.memory_space<vmem>> -> memref<80xi32, #tpu.memory_space<vmem>>
          %dma_start3A_513 = tpu.memref_slice %arg4[%mul3A_504] : memref<320000xi32, #tpu.memory_space<hbm>> -> memref<80xi32, #tpu.memory_space<hbm>>
          tpu.enqueue_dma source(%dma_start3A_513 : memref<80xi32, #tpu.memory_space<hbm>>) target(%dma_start3A_512 : memref<80xi32, #tpu.memory_space<vmem>>) target_semaphore(%arg22 : memref<!tpu.dma_semaphore, #tpu.memory_space<semaphore_mem>>)
        } else {
        }
        %dma_wait3A_465 = arith.constant 3 : i32
        %dma_wait3A_466 = arith.constant 0 : i32
        %dma_wait3A_467 = tpu.memref_slice %arg7[%dma_wait3A_465, %dma_wait3A_466] : memref<4x80xi32, #tpu.memory_space<vmem>> -> memref<1x80xi32, #tpu.memory_space<vmem>>
        %dma_wait3A_468 = tpu.memref_squeeze %dma_wait3A_467 : memref<1x80xi32, #tpu.memory_space<vmem>> -> memref<80xi32, #tpu.memory_space<vmem>>
        %dma_wait3A_469 = arith.constant 0 : i32
        %dma_wait3A_470 = tpu.memref_slice %arg3[%dma_wait3A_469] : memref<320000xi32, #tpu.memory_space<hbm>> -> memref<80xi32, #tpu.memory_space<hbm>>
        %dma_wait3A_471 = arith.constant 0 : i32
        %dma_wait3A_472 = tpu.memref_slice %arg7[%dma_wait3A_465, %dma_wait3A_471] : memref<4x80xi32, #tpu.memory_space<vmem>> -> memref<1x80xi32, #tpu.memory_space<vmem>>
        %dma_wait3A_473 = tpu.memref_squeeze %dma_wait3A_472 : memref<1x80xi32, #tpu.memory_space<vmem>> -> memref<80xi32, #tpu.memory_space<vmem>>
        %dma_wait3A_474 = arith.constant 0 : i32
        %dma_wait3A_475 = tpu.memref_slice %arg3[%dma_wait3A_474] : memref<320000xi32, #tpu.memory_space<hbm>> -> memref<80xi32, #tpu.memory_space<hbm>>
        tpu.wait_dma2 semaphore(%arg18 : memref<!tpu.dma_semaphore, #tpu.memory_space<semaphore_mem>>) src(%dma_wait3A_475 : memref<80xi32, #tpu.memory_space<hbm>>) dst(%dma_wait3A_473 : memref<80xi32, #tpu.memory_space<vmem>>)
        %dma_start3A_476 = arith.constant 3 : i32
        %dma_start3A_477 = arith.constant 3 : i32
        %dma_start3A_478 = arith.constant 0 : i32
        %dma_start3A_479 = arith.constant 0 : i32
        %dma_start3A_480 = tpu.memref_slice %arg9[%dma_start3A_477, %dma_start3A_478, %dma_start3A_479] : memref<4x80x128xf32, #tpu.memory_space<vmem>> -> memref<1x80x128xf32, #tpu.memory_space<vmem>>
        %dma_start3A_481 = tpu.memref_squeeze %dma_start3A_480 : memref<1x80x128xf32, #tpu.memory_space<vmem>> -> memref<80x128xf32, #tpu.memory_space<vmem>>
        %dma_start3A_482 = arith.constant 0 : i32
        %dma_start3A_483 = tpu.memref_slice %arg7[%dma_start3A_476, %dma_start3A_482] : memref<4x80xi32, #tpu.memory_space<vmem>> -> memref<1x80xi32, #tpu.memory_space<vmem>>
        %dma_start3A_484 = tpu.memref_squeeze %dma_start3A_483 : memref<1x80xi32, #tpu.memory_space<vmem>> -> memref<80xi32, #tpu.memory_space<vmem>>
        %dma_start3A_485 = arith.constant 0 : i32
        %dma_start3A_486 = arith.constant 0 : i32
        %dma_start3A_487 = tpu.memref_slice %arg2[%dma_start3A_485, %dma_start3A_486] : memref<10000x128xf32, #tpu.memory_space<hbm>> -> memref<10000x128xf32, #tpu.memory_space<hbm>>
        tpu.enqueue_indirect_dma source(%dma_start3A_487 : memref<10000x128xf32, #tpu.memory_space<hbm>>) target(%dma_start3A_481 : memref<80x128xf32, #tpu.memory_space<vmem>>) offsets(%dma_start3A_484 : memref<80xi32, #tpu.memory_space<vmem>>) semaphore(%arg14 : memref<!tpu.dma_semaphore, #tpu.memory_space<semaphore_mem>>)
      } else {
      }
      %add3A_357 = arith.constant 4 : i32
      %add3A_358 = arith.addi %add3A_315, %add3A_357 : i32
      %lt3A_359 = arith.cmpi slt, %add3A_358, %add3A_4 : i32
      %convert_element_type3A_360 = arith.extui %lt3A_359 : i1 to i32
      %cond3A_361 = arith.constant 0 : i32
      %cond3A_362 = arith.cmpi ne, %convert_element_type3A_360, %cond3A_361 : i32
      scf.if %cond3A_362 {
        %add3A_461 = arith.constant 4 : i32
        %add3A_462 = arith.addi %add3A_315, %add3A_461 : i32
        %add3A_463 = arith.addi %add3A_8, %add3A_462 : i32
        %mul3A_464 = arith.constant 80 : i32
        %mul3A_465 = arith.muli %add3A_463, %mul3A_464 : i32
        %dma_start3A_466 = arith.constant 1 : i32
        %dma_start3A_467 = arith.constant 0 : i32
        %dma_start3A_468 = tpu.memref_slice %arg7[%dma_start3A_466, %dma_start3A_467] : memref<4x80xi32, #tpu.memory_space<vmem>> -> memref<1x80xi32, #tpu.memory_space<vmem>>
        %dma_start3A_469 = tpu.memref_squeeze %dma_start3A_468 : memref<1x80xi32, #tpu.memory_space<vmem>> -> memref<80xi32, #tpu.memory_space<vmem>>
        %dma_start3A_470 = tpu.memref_slice %arg3[%mul3A_465] : memref<320000xi32, #tpu.memory_space<hbm>> -> memref<80xi32, #tpu.memory_space<hbm>>
        %dma_start3A_471 = arith.constant 0 : i32
        %dma_start3A_472 = tpu.memref_slice %arg7[%dma_start3A_466, %dma_start3A_471] : memref<4x80xi32, #tpu.memory_space<vmem>> -> memref<1x80xi32, #tpu.memory_space<vmem>>
        %dma_start3A_473 = tpu.memref_squeeze %dma_start3A_472 : memref<1x80xi32, #tpu.memory_space<vmem>> -> memref<80xi32, #tpu.memory_space<vmem>>
        %dma_start3A_474 = tpu.memref_slice %arg3[%mul3A_465] : memref<320000xi32, #tpu.memory_space<hbm>> -> memref<80xi32, #tpu.memory_space<hbm>>
        tpu.enqueue_dma source(%dma_start3A_474 : memref<80xi32, #tpu.memory_space<hbm>>) target(%dma_start3A_473 : memref<80xi32, #tpu.memory_space<vmem>>) target_semaphore(%arg16 : memref<!tpu.dma_semaphore, #tpu.memory_space<semaphore_mem>>)
      } else {
      }
      %add3A_363 = arith.constant 2 : i32
      %add3A_364 = arith.addi %mul3A_266, %add3A_363 : i32
      %dma_wait3A_365 = arith.constant 2 : i32
      %dma_wait3A_366 = arith.constant 2 : i32
      %dma_wait3A_367 = arith.constant 0 : i32
      %dma_wait3A_368 = arith.constant 0 : i32
      %dma_wait3A_369 = tpu.memref_slice %arg9[%dma_wait3A_366, %dma_wait3A_367, %dma_wait3A_368] : memref<4x80x128xf32, #tpu.memory_space<vmem>> -> memref<1x80x128xf32, #tpu.memory_space<vmem>>
      %dma_wait3A_370 = tpu.memref_squeeze %dma_wait3A_369 : memref<1x80x128xf32, #tpu.memory_space<vmem>> -> memref<80x128xf32, #tpu.memory_space<vmem>>
      %dma_wait3A_371 = arith.constant 0 : i32
      %dma_wait3A_372 = tpu.memref_slice %arg7[%dma_wait3A_365, %dma_wait3A_371] : memref<4x80xi32, #tpu.memory_space<vmem>> -> memref<1x80xi32, #tpu.memory_space<vmem>>
      %dma_wait3A_373 = tpu.memref_squeeze %dma_wait3A_372 : memref<1x80xi32, #tpu.memory_space<vmem>> -> memref<80xi32, #tpu.memory_space<vmem>>
      %dma_wait3A_374 = arith.constant 0 : i32
      %dma_wait3A_375 = arith.constant 0 : i32
      %dma_wait3A_376 = tpu.memref_slice %arg2[%dma_wait3A_374, %dma_wait3A_375] : memref<10000x128xf32, #tpu.memory_space<hbm>> -> memref<10000x128xf32, #tpu.memory_space<hbm>>
      tpu.wait_indirect_dma semaphore(%arg13 : memref<!tpu.dma_semaphore, #tpu.memory_space<semaphore_mem>>) src(%dma_wait3A_376 : memref<10000x128xf32, #tpu.memory_space<hbm>>) dst(%dma_wait3A_370 : memref<80x128xf32, #tpu.memory_space<vmem>>)
      %dma_wait3A_377 = arith.constant 2 : i32
      %dma_wait3A_378 = arith.constant 0 : i32
      %dma_wait3A_379 = tpu.memref_slice %arg8[%dma_wait3A_377, %dma_wait3A_378] : memref<4x80xi32, #tpu.memory_space<vmem>> -> memref<1x80xi32, #tpu.memory_space<vmem>>
      %dma_wait3A_380 = tpu.memref_squeeze %dma_wait3A_379 : memref<1x80xi32, #tpu.memory_space<vmem>> -> memref<80xi32, #tpu.memory_space<vmem>>
      %dma_wait3A_381 = arith.constant 0 : i32
      %dma_wait3A_382 = tpu.memref_slice %arg4[%dma_wait3A_381] : memref<320000xi32, #tpu.memory_space<hbm>> -> memref<80xi32, #tpu.memory_space<hbm>>
      %dma_wait3A_383 = arith.constant 0 : i32
      %dma_wait3A_384 = tpu.memref_slice %arg8[%dma_wait3A_377, %dma_wait3A_383] : memref<4x80xi32, #tpu.memory_space<vmem>> -> memref<1x80xi32, #tpu.memory_space<vmem>>
      %dma_wait3A_385 = tpu.memref_squeeze %dma_wait3A_384 : memref<1x80xi32, #tpu.memory_space<vmem>> -> memref<80xi32, #tpu.memory_space<vmem>>
      %dma_wait3A_386 = arith.constant 0 : i32
      %dma_wait3A_387 = tpu.memref_slice %arg4[%dma_wait3A_386] : memref<320000xi32, #tpu.memory_space<hbm>> -> memref<80xi32, #tpu.memory_space<hbm>>
      tpu.wait_dma2 semaphore(%arg21 : memref<!tpu.dma_semaphore, #tpu.memory_space<semaphore_mem>>) src(%dma_wait3A_387 : memref<80xi32, #tpu.memory_space<hbm>>) dst(%dma_wait3A_385 : memref<80xi32, #tpu.memory_space<vmem>>)
      %dma_start3A_388 = arith.constant 2 : i32
      %dma_start3A_389 = arith.constant 2 : i32
      %dma_start3A_390 = arith.constant 0 : i32
      %dma_start3A_391 = arith.constant 0 : i32
      %dma_start3A_392 = tpu.memref_slice %arg9[%dma_start3A_388, %dma_start3A_390, %dma_start3A_391] : memref<4x80x128xf32, #tpu.memory_space<vmem>> -> memref<1x80x128xf32, #tpu.memory_space<vmem>>
      %dma_start3A_393 = tpu.memref_squeeze %dma_start3A_392 : memref<1x80x128xf32, #tpu.memory_space<vmem>> -> memref<80x128xf32, #tpu.memory_space<vmem>>
      %dma_start3A_394 = arith.constant 0 : i32
      %dma_start3A_395 = tpu.memref_slice %arg8[%dma_start3A_389, %dma_start3A_394] : memref<4x80xi32, #tpu.memory_space<vmem>> -> memref<1x80xi32, #tpu.memory_space<vmem>>
      %dma_start3A_396 = tpu.memref_squeeze %dma_start3A_395 : memref<1x80xi32, #tpu.memory_space<vmem>> -> memref<80xi32, #tpu.memory_space<vmem>>
      %dma_start3A_397 = arith.constant 0 : i32
      %dma_start3A_398 = arith.constant 0 : i32
      %dma_start3A_399 = tpu.memref_slice %arg10[%dma_start3A_397, %dma_start3A_398] : memref<10112x128xf32, #tpu.memory_space<vmem_shared>> -> memref<10112x128xf32, #tpu.memory_space<vmem_shared>>
      tpu.enqueue_indirect_dma source(%dma_start3A_393 : memref<80x128xf32, #tpu.memory_space<vmem>>) target(%dma_start3A_399 : memref<10112x128xf32, #tpu.memory_space<vmem_shared>>) offsets(%dma_start3A_396 : memref<80xi32, #tpu.memory_space<vmem>>) semaphore(%arg25 : memref<!tpu.dma_semaphore, #tpu.memory_space<semaphore_mem>>) {add = true}
      %add3A_400 = arith.constant 2 : i32
      %add3A_401 = arith.addi %add3A_364, %add3A_400 : i32
      %lt3A_402 = arith.cmpi slt, %add3A_401, %add3A_4 : i32
      %convert_element_type3A_403 = arith.extui %lt3A_402 : i1 to i32
      %cond3A_404 = arith.constant 0 : i32
      %cond3A_405 = arith.cmpi ne, %convert_element_type3A_403, %cond3A_404 : i32
      scf.if %cond3A_405 {
        %ge3A = arith.constant 2 : i32
        %ge3A_461 = arith.cmpi sge, %add3A_364, %ge3A : i32
        %convert_element_type3A_462 = arith.extui %ge3A_461 : i1 to i32
        %cond3A_463 = arith.constant 0 : i32
        %cond3A_464 = arith.cmpi ne, %convert_element_type3A_462, %cond3A_463 : i32
        scf.if %cond3A_464 {
          %dma_wait3A_488 = arith.constant 0 : i32
          %dma_wait3A_489 = arith.constant 0 : i32
          %dma_wait3A_490 = arith.constant 0 : i32
          %dma_wait3A_491 = arith.constant 0 : i32
          %dma_wait3A_492 = tpu.memref_slice %arg9[%dma_wait3A_488, %dma_wait3A_490, %dma_wait3A_491] : memref<4x80x128xf32, #tpu.memory_space<vmem>> -> memref<1x80x128xf32, #tpu.memory_space<vmem>>
          %dma_wait3A_493 = tpu.memref_squeeze %dma_wait3A_492 : memref<1x80x128xf32, #tpu.memory_space<vmem>> -> memref<80x128xf32, #tpu.memory_space<vmem>>
          %dma_wait3A_494 = arith.constant 0 : i32
          %dma_wait3A_495 = tpu.memref_slice %arg8[%dma_wait3A_489, %dma_wait3A_494] : memref<4x80xi32, #tpu.memory_space<vmem>> -> memref<1x80xi32, #tpu.memory_space<vmem>>
          %dma_wait3A_496 = tpu.memref_squeeze %dma_wait3A_495 : memref<1x80xi32, #tpu.memory_space<vmem>> -> memref<80xi32, #tpu.memory_space<vmem>>
          %dma_wait3A_497 = arith.constant 0 : i32
          %dma_wait3A_498 = arith.constant 0 : i32
          %dma_wait3A_499 = tpu.memref_slice %arg10[%dma_wait3A_497, %dma_wait3A_498] : memref<10112x128xf32, #tpu.memory_space<vmem_shared>> -> memref<10112x128xf32, #tpu.memory_space<vmem_shared>>
          tpu.wait_indirect_dma semaphore(%arg23 : memref<!tpu.dma_semaphore, #tpu.memory_space<semaphore_mem>>) src(%dma_wait3A_493 : memref<80x128xf32, #tpu.memory_space<vmem>>) dst(%dma_wait3A_499 : memref<10112x128xf32, #tpu.memory_space<vmem_shared>>)
          %add3A_500 = arith.constant 2 : i32
          %add3A_501 = arith.addi %add3A_364, %add3A_500 : i32
          %add3A_502 = arith.addi %add3A_8, %add3A_501 : i32
          %mul3A_503 = arith.constant 80 : i32
          %mul3A_504 = arith.muli %add3A_502, %mul3A_503 : i32
          %dma_start3A_505 = arith.constant 0 : i32
          %dma_start3A_506 = arith.constant 0 : i32
          %dma_start3A_507 = tpu.memref_slice %arg8[%dma_start3A_505, %dma_start3A_506] : memref<4x80xi32, #tpu.memory_space<vmem>> -> memref<1x80xi32, #tpu.memory_space<vmem>>
          %dma_start3A_508 = tpu.memref_squeeze %dma_start3A_507 : memref<1x80xi32, #tpu.memory_space<vmem>> -> memref<80xi32, #tpu.memory_space<vmem>>
          %dma_start3A_509 = tpu.memref_slice %arg4[%mul3A_504] : memref<320000xi32, #tpu.memory_space<hbm>> -> memref<80xi32, #tpu.memory_space<hbm>>
          %dma_start3A_510 = arith.constant 0 : i32
          %dma_start3A_511 = tpu.memref_slice %arg8[%dma_start3A_505, %dma_start3A_510] : memref<4x80xi32, #tpu.memory_space<vmem>> -> memref<1x80xi32, #tpu.memory_space<vmem>>
          %dma_start3A_512 = tpu.memref_squeeze %dma_start3A_511 : memref<1x80xi32, #tpu.memory_space<vmem>> -> memref<80xi32, #tpu.memory_space<vmem>>
          %dma_start3A_513 = tpu.memref_slice %arg4[%mul3A_504] : memref<320000xi32, #tpu.memory_space<hbm>> -> memref<80xi32, #tpu.memory_space<hbm>>
          tpu.enqueue_dma source(%dma_start3A_513 : memref<80xi32, #tpu.memory_space<hbm>>) target(%dma_start3A_512 : memref<80xi32, #tpu.memory_space<vmem>>) target_semaphore(%arg19 : memref<!tpu.dma_semaphore, #tpu.memory_space<semaphore_mem>>)
        } else {
        }
        %dma_wait3A_465 = arith.constant 0 : i32
        %dma_wait3A_466 = arith.constant 0 : i32
        %dma_wait3A_467 = tpu.memref_slice %arg7[%dma_wait3A_465, %dma_wait3A_466] : memref<4x80xi32, #tpu.memory_space<vmem>> -> memref<1x80xi32, #tpu.memory_space<vmem>>
        %dma_wait3A_468 = tpu.memref_squeeze %dma_wait3A_467 : memref<1x80xi32, #tpu.memory_space<vmem>> -> memref<80xi32, #tpu.memory_space<vmem>>
        %dma_wait3A_469 = arith.constant 0 : i32
        %dma_wait3A_470 = tpu.memref_slice %arg3[%dma_wait3A_469] : memref<320000xi32, #tpu.memory_space<hbm>> -> memref<80xi32, #tpu.memory_space<hbm>>
        %dma_wait3A_471 = arith.constant 0 : i32
        %dma_wait3A_472 = tpu.memref_slice %arg7[%dma_wait3A_465, %dma_wait3A_471] : memref<4x80xi32, #tpu.memory_space<vmem>> -> memref<1x80xi32, #tpu.memory_space<vmem>>
        %dma_wait3A_473 = tpu.memref_squeeze %dma_wait3A_472 : memref<1x80xi32, #tpu.memory_space<vmem>> -> memref<80xi32, #tpu.memory_space<vmem>>
        %dma_wait3A_474 = arith.constant 0 : i32
        %dma_wait3A_475 = tpu.memref_slice %arg3[%dma_wait3A_474] : memref<320000xi32, #tpu.memory_space<hbm>> -> memref<80xi32, #tpu.memory_space<hbm>>
        tpu.wait_dma2 semaphore(%arg15 : memref<!tpu.dma_semaphore, #tpu.memory_space<semaphore_mem>>) src(%dma_wait3A_475 : memref<80xi32, #tpu.memory_space<hbm>>) dst(%dma_wait3A_473 : memref<80xi32, #tpu.memory_space<vmem>>)
        %dma_start3A_476 = arith.constant 0 : i32
        %dma_start3A_477 = arith.constant 0 : i32
        %dma_start3A_478 = arith.constant 0 : i32
        %dma_start3A_479 = arith.constant 0 : i32
        %dma_start3A_480 = tpu.memref_slice %arg9[%dma_start3A_477, %dma_start3A_478, %dma_start3A_479] : memref<4x80x128xf32, #tpu.memory_space<vmem>> -> memref<1x80x128xf32, #tpu.memory_space<vmem>>
        %dma_start3A_481 = tpu.memref_squeeze %dma_start3A_480 : memref<1x80x128xf32, #tpu.memory_space<vmem>> -> memref<80x128xf32, #tpu.memory_space<vmem>>
        %dma_start3A_482 = arith.constant 0 : i32
        %dma_start3A_483 = tpu.memref_slice %arg7[%dma_start3A_476, %dma_start3A_482] : memref<4x80xi32, #tpu.memory_space<vmem>> -> memref<1x80xi32, #tpu.memory_space<vmem>>
        %dma_start3A_484 = tpu.memref_squeeze %dma_start3A_483 : memref<1x80xi32, #tpu.memory_space<vmem>> -> memref<80xi32, #tpu.memory_space<vmem>>
        %dma_start3A_485 = arith.constant 0 : i32
        %dma_start3A_486 = arith.constant 0 : i32
        %dma_start3A_487 = tpu.memref_slice %arg2[%dma_start3A_485, %dma_start3A_486] : memref<10000x128xf32, #tpu.memory_space<hbm>> -> memref<10000x128xf32, #tpu.memory_space<hbm>>
        tpu.enqueue_indirect_dma source(%dma_start3A_487 : memref<10000x128xf32, #tpu.memory_space<hbm>>) target(%dma_start3A_481 : memref<80x128xf32, #tpu.memory_space<vmem>>) offsets(%dma_start3A_484 : memref<80xi32, #tpu.memory_space<vmem>>) semaphore(%arg11 : memref<!tpu.dma_semaphore, #tpu.memory_space<semaphore_mem>>)
      } else {
      }
      %add3A_406 = arith.constant 4 : i32
      %add3A_407 = arith.addi %add3A_364, %add3A_406 : i32
      %lt3A_408 = arith.cmpi slt, %add3A_407, %add3A_4 : i32
      %convert_element_type3A_409 = arith.extui %lt3A_408 : i1 to i32
      %cond3A_410 = arith.constant 0 : i32
      %cond3A_411 = arith.cmpi ne, %convert_element_type3A_409, %cond3A_410 : i32
      scf.if %cond3A_411 {
        %add3A_461 = arith.constant 4 : i32
        %add3A_462 = arith.addi %add3A_364, %add3A_461 : i32
        %add3A_463 = arith.addi %add3A_8, %add3A_462 : i32
        %mul3A_464 = arith.constant 80 : i32
        %mul3A_465 = arith.muli %add3A_463, %mul3A_464 : i32
        %dma_start3A_466 = arith.constant 2 : i32
        %dma_start3A_467 = arith.constant 0 : i32
        %dma_start3A_468 = tpu.memref_slice %arg7[%dma_start3A_466, %dma_start3A_467] : memref<4x80xi32, #tpu.memory_space<vmem>> -> memref<1x80xi32, #tpu.memory_space<vmem>>
        %dma_start3A_469 = tpu.memref_squeeze %dma_start3A_468 : memref<1x80xi32, #tpu.memory_space<vmem>> -> memref<80xi32, #tpu.memory_space<vmem>>
        %dma_start3A_470 = tpu.memref_slice %arg3[%mul3A_465] : memref<320000xi32, #tpu.memory_space<hbm>> -> memref<80xi32, #tpu.memory_space<hbm>>
        %dma_start3A_471 = arith.constant 0 : i32
        %dma_start3A_472 = tpu.memref_slice %arg7[%dma_start3A_466, %dma_start3A_471] : memref<4x80xi32, #tpu.memory_space<vmem>> -> memref<1x80xi32, #tpu.memory_space<vmem>>
        %dma_start3A_473 = tpu.memref_squeeze %dma_start3A_472 : memref<1x80xi32, #tpu.memory_space<vmem>> -> memref<80xi32, #tpu.memory_space<vmem>>
        %dma_start3A_474 = tpu.memref_slice %arg3[%mul3A_465] : memref<320000xi32, #tpu.memory_space<hbm>> -> memref<80xi32, #tpu.memory_space<hbm>>
        tpu.enqueue_dma source(%dma_start3A_474 : memref<80xi32, #tpu.memory_space<hbm>>) target(%dma_start3A_473 : memref<80xi32, #tpu.memory_space<vmem>>) target_semaphore(%arg17 : memref<!tpu.dma_semaphore, #tpu.memory_space<semaphore_mem>>)
      } else {
      }
      %add3A_412 = arith.constant 3 : i32
      %add3A_413 = arith.addi %mul3A_266, %add3A_412 : i32
      %dma_wait3A_414 = arith.constant 3 : i32
      %dma_wait3A_415 = arith.constant 3 : i32
      %dma_wait3A_416 = arith.constant 0 : i32
      %dma_wait3A_417 = arith.constant 0 : i32
      %dma_wait3A_418 = tpu.memref_slice %arg9[%dma_wait3A_415, %dma_wait3A_416, %dma_wait3A_417] : memref<4x80x128xf32, #tpu.memory_space<vmem>> -> memref<1x80x128xf32, #tpu.memory_space<vmem>>
      %dma_wait3A_419 = tpu.memref_squeeze %dma_wait3A_418 : memref<1x80x128xf32, #tpu.memory_space<vmem>> -> memref<80x128xf32, #tpu.memory_space<vmem>>
      %dma_wait3A_420 = arith.constant 0 : i32
      %dma_wait3A_421 = tpu.memref_slice %arg7[%dma_wait3A_414, %dma_wait3A_420] : memref<4x80xi32, #tpu.memory_space<vmem>> -> memref<1x80xi32, #tpu.memory_space<vmem>>
      %dma_wait3A_422 = tpu.memref_squeeze %dma_wait3A_421 : memref<1x80xi32, #tpu.memory_space<vmem>> -> memref<80xi32, #tpu.memory_space<vmem>>
      %dma_wait3A_423 = arith.constant 0 : i32
      %dma_wait3A_424 = arith.constant 0 : i32
      %dma_wait3A_425 = tpu.memref_slice %arg2[%dma_wait3A_423, %dma_wait3A_424] : memref<10000x128xf32, #tpu.memory_space<hbm>> -> memref<10000x128xf32, #tpu.memory_space<hbm>>
      tpu.wait_indirect_dma semaphore(%arg14 : memref<!tpu.dma_semaphore, #tpu.memory_space<semaphore_mem>>) src(%dma_wait3A_425 : memref<10000x128xf32, #tpu.memory_space<hbm>>) dst(%dma_wait3A_419 : memref<80x128xf32, #tpu.memory_space<vmem>>)
      %dma_wait3A_426 = arith.constant 3 : i32
      %dma_wait3A_427 = arith.constant 0 : i32
      %dma_wait3A_428 = tpu.memref_slice %arg8[%dma_wait3A_426, %dma_wait3A_427] : memref<4x80xi32, #tpu.memory_space<vmem>> -> memref<1x80xi32, #tpu.memory_space<vmem>>
      %dma_wait3A_429 = tpu.memref_squeeze %dma_wait3A_428 : memref<1x80xi32, #tpu.memory_space<vmem>> -> memref<80xi32, #tpu.memory_space<vmem>>
      %dma_wait3A_430 = arith.constant 0 : i32
      %dma_wait3A_431 = tpu.memref_slice %arg4[%dma_wait3A_430] : memref<320000xi32, #tpu.memory_space<hbm>> -> memref<80xi32, #tpu.memory_space<hbm>>
      %dma_wait3A_432 = arith.constant 0 : i32
      %dma_wait3A_433 = tpu.memref_slice %arg8[%dma_wait3A_426, %dma_wait3A_432] : memref<4x80xi32, #tpu.memory_space<vmem>> -> memref<1x80xi32, #tpu.memory_space<vmem>>
      %dma_wait3A_434 = tpu.memref_squeeze %dma_wait3A_433 : memref<1x80xi32, #tpu.memory_space<vmem>> -> memref<80xi32, #tpu.memory_space<vmem>>
      %dma_wait3A_435 = arith.constant 0 : i32
      %dma_wait3A_436 = tpu.memref_slice %arg4[%dma_wait3A_435] : memref<320000xi32, #tpu.memory_space<hbm>> -> memref<80xi32, #tpu.memory_space<hbm>>
      tpu.wait_dma2 semaphore(%arg22 : memref<!tpu.dma_semaphore, #tpu.memory_space<semaphore_mem>>) src(%dma_wait3A_436 : memref<80xi32, #tpu.memory_space<hbm>>) dst(%dma_wait3A_434 : memref<80xi32, #tpu.memory_space<vmem>>)
      %dma_start3A_437 = arith.constant 3 : i32
      %dma_start3A_438 = arith.constant 3 : i32
      %dma_start3A_439 = arith.constant 0 : i32
      %dma_start3A_440 = arith.constant 0 : i32
      %dma_start3A_441 = tpu.memref_slice %arg9[%dma_start3A_437, %dma_start3A_439, %dma_start3A_440] : memref<4x80x128xf32, #tpu.memory_space<vmem>> -> memref<1x80x128xf32, #tpu.memory_space<vmem>>
      %dma_start3A_442 = tpu.memref_squeeze %dma_start3A_441 : memref<1x80x128xf32, #tpu.memory_space<vmem>> -> memref<80x128xf32, #tpu.memory_space<vmem>>
      %dma_start3A_443 = arith.constant 0 : i32
      %dma_start3A_444 = tpu.memref_slice %arg8[%dma_start3A_438, %dma_start3A_443] : memref<4x80xi32, #tpu.memory_space<vmem>> -> memref<1x80xi32, #tpu.memory_space<vmem>>
      %dma_start3A_445 = tpu.memref_squeeze %dma_start3A_444 : memref<1x80xi32, #tpu.memory_space<vmem>> -> memref<80xi32, #tpu.memory_space<vmem>>
      %dma_start3A_446 = arith.constant 0 : i32
      %dma_start3A_447 = arith.constant 0 : i32
      %dma_start3A_448 = tpu.memref_slice %arg10[%dma_start3A_446, %dma_start3A_447] : memref<10112x128xf32, #tpu.memory_space<vmem_shared>> -> memref<10112x128xf32, #tpu.memory_space<vmem_shared>>
      tpu.enqueue_indirect_dma source(%dma_start3A_442 : memref<80x128xf32, #tpu.memory_space<vmem>>) target(%dma_start3A_448 : memref<10112x128xf32, #tpu.memory_space<vmem_shared>>) offsets(%dma_start3A_445 : memref<80xi32, #tpu.memory_space<vmem>>) semaphore(%arg26 : memref<!tpu.dma_semaphore, #tpu.memory_space<semaphore_mem>>) {add = true}
      %add3A_449 = arith.constant 2 : i32
      %add3A_450 = arith.addi %add3A_413, %add3A_449 : i32
      %lt3A_451 = arith.cmpi slt, %add3A_450, %add3A_4 : i32
      %convert_element_type3A_452 = arith.extui %lt3A_451 : i1 to i32
      %cond3A_453 = arith.constant 0 : i32
      %cond3A_454 = arith.cmpi ne, %convert_element_type3A_452, %cond3A_453 : i32
      scf.if %cond3A_454 {
        %ge3A = arith.constant 2 : i32
        %ge3A_461 = arith.cmpi sge, %add3A_413, %ge3A : i32
        %convert_element_type3A_462 = arith.extui %ge3A_461 : i1 to i32
        %cond3A_463 = arith.constant 0 : i32
        %cond3A_464 = arith.cmpi ne, %convert_element_type3A_462, %cond3A_463 : i32
        scf.if %cond3A_464 {
          %dma_wait3A_488 = arith.constant 1 : i32
          %dma_wait3A_489 = arith.constant 1 : i32
          %dma_wait3A_490 = arith.constant 0 : i32
          %dma_wait3A_491 = arith.constant 0 : i32
          %dma_wait3A_492 = tpu.memref_slice %arg9[%dma_wait3A_488, %dma_wait3A_490, %dma_wait3A_491] : memref<4x80x128xf32, #tpu.memory_space<vmem>> -> memref<1x80x128xf32, #tpu.memory_space<vmem>>
          %dma_wait3A_493 = tpu.memref_squeeze %dma_wait3A_492 : memref<1x80x128xf32, #tpu.memory_space<vmem>> -> memref<80x128xf32, #tpu.memory_space<vmem>>
          %dma_wait3A_494 = arith.constant 0 : i32
          %dma_wait3A_495 = tpu.memref_slice %arg8[%dma_wait3A_489, %dma_wait3A_494] : memref<4x80xi32, #tpu.memory_space<vmem>> -> memref<1x80xi32, #tpu.memory_space<vmem>>
          %dma_wait3A_496 = tpu.memref_squeeze %dma_wait3A_495 : memref<1x80xi32, #tpu.memory_space<vmem>> -> memref<80xi32, #tpu.memory_space<vmem>>
          %dma_wait3A_497 = arith.constant 0 : i32
          %dma_wait3A_498 = arith.constant 0 : i32
          %dma_wait3A_499 = tpu.memref_slice %arg10[%dma_wait3A_497, %dma_wait3A_498] : memref<10112x128xf32, #tpu.memory_space<vmem_shared>> -> memref<10112x128xf32, #tpu.memory_space<vmem_shared>>
          tpu.wait_indirect_dma semaphore(%arg24 : memref<!tpu.dma_semaphore, #tpu.memory_space<semaphore_mem>>) src(%dma_wait3A_493 : memref<80x128xf32, #tpu.memory_space<vmem>>) dst(%dma_wait3A_499 : memref<10112x128xf32, #tpu.memory_space<vmem_shared>>)
          %add3A_500 = arith.constant 2 : i32
          %add3A_501 = arith.addi %add3A_413, %add3A_500 : i32
          %add3A_502 = arith.addi %add3A_8, %add3A_501 : i32
          %mul3A_503 = arith.constant 80 : i32
          %mul3A_504 = arith.muli %add3A_502, %mul3A_503 : i32
          %dma_start3A_505 = arith.constant 1 : i32
          %dma_start3A_506 = arith.constant 0 : i32
          %dma_start3A_507 = tpu.memref_slice %arg8[%dma_start3A_505, %dma_start3A_506] : memref<4x80xi32, #tpu.memory_space<vmem>> -> memref<1x80xi32, #tpu.memory_space<vmem>>
          %dma_start3A_508 = tpu.memref_squeeze %dma_start3A_507 : memref<1x80xi32, #tpu.memory_space<vmem>> -> memref<80xi32, #tpu.memory_space<vmem>>
          %dma_start3A_509 = tpu.memref_slice %arg4[%mul3A_504] : memref<320000xi32, #tpu.memory_space<hbm>> -> memref<80xi32, #tpu.memory_space<hbm>>
          %dma_start3A_510 = arith.constant 0 : i32
          %dma_start3A_511 = tpu.memref_slice %arg8[%dma_start3A_505, %dma_start3A_510] : memref<4x80xi32, #tpu.memory_space<vmem>> -> memref<1x80xi32, #tpu.memory_space<vmem>>
          %dma_start3A_512 = tpu.memref_squeeze %dma_start3A_511 : memref<1x80xi32, #tpu.memory_space<vmem>> -> memref<80xi32, #tpu.memory_space<vmem>>
          %dma_start3A_513 = tpu.memref_slice %arg4[%mul3A_504] : memref<320000xi32, #tpu.memory_space<hbm>> -> memref<80xi32, #tpu.memory_space<hbm>>
          tpu.enqueue_dma source(%dma_start3A_513 : memref<80xi32, #tpu.memory_space<hbm>>) target(%dma_start3A_512 : memref<80xi32, #tpu.memory_space<vmem>>) target_semaphore(%arg20 : memref<!tpu.dma_semaphore, #tpu.memory_space<semaphore_mem>>)
        } else {
        }
        %dma_wait3A_465 = arith.constant 1 : i32
        %dma_wait3A_466 = arith.constant 0 : i32
        %dma_wait3A_467 = tpu.memref_slice %arg7[%dma_wait3A_465, %dma_wait3A_466] : memref<4x80xi32, #tpu.memory_space<vmem>> -> memref<1x80xi32, #tpu.memory_space<vmem>>
        %dma_wait3A_468 = tpu.memref_squeeze %dma_wait3A_467 : memref<1x80xi32, #tpu.memory_space<vmem>> -> memref<80xi32, #tpu.memory_space<vmem>>
        %dma_wait3A_469 = arith.constant 0 : i32
        %dma_wait3A_470 = tpu.memref_slice %arg3[%dma_wait3A_469] : memref<320000xi32, #tpu.memory_space<hbm>> -> memref<80xi32, #tpu.memory_space<hbm>>
        %dma_wait3A_471 = arith.constant 0 : i32
        %dma_wait3A_472 = tpu.memref_slice %arg7[%dma_wait3A_465, %dma_wait3A_471] : memref<4x80xi32, #tpu.memory_space<vmem>> -> memref<1x80xi32, #tpu.memory_space<vmem>>
        %dma_wait3A_473 = tpu.memref_squeeze %dma_wait3A_472 : memref<1x80xi32, #tpu.memory_space<vmem>> -> memref<80xi32, #tpu.memory_space<vmem>>
        %dma_wait3A_474 = arith.constant 0 : i32
        %dma_wait3A_475 = tpu.memref_slice %arg3[%dma_wait3A_474] : memref<320000xi32, #tpu.memory_space<hbm>> -> memref<80xi32, #tpu.memory_space<hbm>>
        tpu.wait_dma2 semaphore(%arg16 : memref<!tpu.dma_semaphore, #tpu.memory_space<semaphore_mem>>) src(%dma_wait3A_475 : memref<80xi32, #tpu.memory_space<hbm>>) dst(%dma_wait3A_473 : memref<80xi32, #tpu.memory_space<vmem>>)
        %dma_start3A_476 = arith.constant 1 : i32
        %dma_start3A_477 = arith.constant 1 : i32
        %dma_start3A_478 = arith.constant 0 : i32
        %dma_start3A_479 = arith.constant 0 : i32
        %dma_start3A_480 = tpu.memref_slice %arg9[%dma_start3A_477, %dma_start3A_478, %dma_start3A_479] : memref<4x80x128xf32, #tpu.memory_space<vmem>> -> memref<1x80x128xf32, #tpu.memory_space<vmem>>
        %dma_start3A_481 = tpu.memref_squeeze %dma_start3A_480 : memref<1x80x128xf32, #tpu.memory_space<vmem>> -> memref<80x128xf32, #tpu.memory_space<vmem>>
        %dma_start3A_482 = arith.constant 0 : i32
        %dma_start3A_483 = tpu.memref_slice %arg7[%dma_start3A_476, %dma_start3A_482] : memref<4x80xi32, #tpu.memory_space<vmem>> -> memref<1x80xi32, #tpu.memory_space<vmem>>
        %dma_start3A_484 = tpu.memref_squeeze %dma_start3A_483 : memref<1x80xi32, #tpu.memory_space<vmem>> -> memref<80xi32, #tpu.memory_space<vmem>>
        %dma_start3A_485 = arith.constant 0 : i32
        %dma_start3A_486 = arith.constant 0 : i32
        %dma_start3A_487 = tpu.memref_slice %arg2[%dma_start3A_485, %dma_start3A_486] : memref<10000x128xf32, #tpu.memory_space<hbm>> -> memref<10000x128xf32, #tpu.memory_space<hbm>>
        tpu.enqueue_indirect_dma source(%dma_start3A_487 : memref<10000x128xf32, #tpu.memory_space<hbm>>) target(%dma_start3A_481 : memref<80x128xf32, #tpu.memory_space<vmem>>) offsets(%dma_start3A_484 : memref<80xi32, #tpu.memory_space<vmem>>) semaphore(%arg12 : memref<!tpu.dma_semaphore, #tpu.memory_space<semaphore_mem>>)
      } else {
      }
      %add3A_455 = arith.constant 4 : i32
      %add3A_456 = arith.addi %add3A_413, %add3A_455 : i32
      %lt3A_457 = arith.cmpi slt, %add3A_456, %add3A_4 : i32
      %convert_element_type3A_458 = arith.extui %lt3A_457 : i1 to i32
      %cond3A_459 = arith.constant 0 : i32
      %cond3A_460 = arith.cmpi ne, %convert_element_type3A_458, %cond3A_459 : i32
      scf.if %cond3A_460 {
        %add3A_461 = arith.constant 4 : i32
        %add3A_462 = arith.addi %add3A_413, %add3A_461 : i32
        %add3A_463 = arith.addi %add3A_8, %add3A_462 : i32
        %mul3A_464 = arith.constant 80 : i32
        %mul3A_465 = arith.muli %add3A_463, %mul3A_464 : i32
        %dma_start3A_466 = arith.constant 3 : i32
        %dma_start3A_467 = arith.constant 0 : i32
        %dma_start3A_468 = tpu.memref_slice %arg7[%dma_start3A_466, %dma_start3A_467] : memref<4x80xi32, #tpu.memory_space<vmem>> -> memref<1x80xi32, #tpu.memory_space<vmem>>
        %dma_start3A_469 = tpu.memref_squeeze %dma_start3A_468 : memref<1x80xi32, #tpu.memory_space<vmem>> -> memref<80xi32, #tpu.memory_space<vmem>>
        %dma_start3A_470 = tpu.memref_slice %arg3[%mul3A_465] : memref<320000xi32, #tpu.memory_space<hbm>> -> memref<80xi32, #tpu.memory_space<hbm>>
        %dma_start3A_471 = arith.constant 0 : i32
        %dma_start3A_472 = tpu.memref_slice %arg7[%dma_start3A_466, %dma_start3A_471] : memref<4x80xi32, #tpu.memory_space<vmem>> -> memref<1x80xi32, #tpu.memory_space<vmem>>
        %dma_start3A_473 = tpu.memref_squeeze %dma_start3A_472 : memref<1x80xi32, #tpu.memory_space<vmem>> -> memref<80xi32, #tpu.memory_space<vmem>>
        %dma_start3A_474 = tpu.memref_slice %arg3[%mul3A_465] : memref<320000xi32, #tpu.memory_space<hbm>> -> memref<80xi32, #tpu.memory_space<hbm>>
        tpu.enqueue_dma source(%dma_start3A_474 : memref<80xi32, #tpu.memory_space<hbm>>) target(%dma_start3A_473 : memref<80xi32, #tpu.memory_space<vmem>>) target_semaphore(%arg18 : memref<!tpu.dma_semaphore, #tpu.memory_space<semaphore_mem>>)
      } else {
      }
    }
    %scan3A_165 = arith.constant 31 : i32
    %dma_wait3A_166 = arith.constant 0 : i32
    %dma_wait3A_167 = arith.constant 0 : i32
    %dma_wait3A_168 = arith.constant 0 : i32
    %dma_wait3A_169 = arith.constant 0 : i32
    %dma_wait3A_170 = tpu.memref_slice %arg9[%dma_wait3A_167, %dma_wait3A_168, %dma_wait3A_169] : memref<4x80x128xf32, #tpu.memory_space<vmem>> -> memref<1x80x128xf32, #tpu.memory_space<vmem>>
    %dma_wait3A_171 = tpu.memref_squeeze %dma_wait3A_170 : memref<1x80x128xf32, #tpu.memory_space<vmem>> -> memref<80x128xf32, #tpu.memory_space<vmem>>
    %dma_wait3A_172 = arith.constant 0 : i32
    %dma_wait3A_173 = tpu.memref_slice %arg7[%dma_wait3A_166, %dma_wait3A_172] : memref<4x80xi32, #tpu.memory_space<vmem>> -> memref<1x80xi32, #tpu.memory_space<vmem>>
    %dma_wait3A_174 = tpu.memref_squeeze %dma_wait3A_173 : memref<1x80xi32, #tpu.memory_space<vmem>> -> memref<80xi32, #tpu.memory_space<vmem>>
    %dma_wait3A_175 = arith.constant 0 : i32
    %dma_wait3A_176 = arith.constant 0 : i32
    %dma_wait3A_177 = tpu.memref_slice %arg2[%dma_wait3A_175, %dma_wait3A_176] : memref<10000x128xf32, #tpu.memory_space<hbm>> -> memref<10000x128xf32, #tpu.memory_space<hbm>>
    tpu.wait_indirect_dma semaphore(%arg11 : memref<!tpu.dma_semaphore, #tpu.memory_space<semaphore_mem>>) src(%dma_wait3A_177 : memref<10000x128xf32, #tpu.memory_space<hbm>>) dst(%dma_wait3A_171 : memref<80x128xf32, #tpu.memory_space<vmem>>)
    %dma_wait3A_178 = arith.constant 0 : i32
    %dma_wait3A_179 = arith.constant 0 : i32
    %dma_wait3A_180 = tpu.memref_slice %arg8[%dma_wait3A_178, %dma_wait3A_179] : memref<4x80xi32, #tpu.memory_space<vmem>> -> memref<1x80xi32, #tpu.memory_space<vmem>>
    %dma_wait3A_181 = tpu.memref_squeeze %dma_wait3A_180 : memref<1x80xi32, #tpu.memory_space<vmem>> -> memref<80xi32, #tpu.memory_space<vmem>>
    %dma_wait3A_182 = arith.constant 0 : i32
    %dma_wait3A_183 = tpu.memref_slice %arg4[%dma_wait3A_182] : memref<320000xi32, #tpu.memory_space<hbm>> -> memref<80xi32, #tpu.memory_space<hbm>>
    %dma_wait3A_184 = arith.constant 0 : i32
    %dma_wait3A_185 = tpu.memref_slice %arg8[%dma_wait3A_178, %dma_wait3A_184] : memref<4x80xi32, #tpu.memory_space<vmem>> -> memref<1x80xi32, #tpu.memory_space<vmem>>
    %dma_wait3A_186 = tpu.memref_squeeze %dma_wait3A_185 : memref<1x80xi32, #tpu.memory_space<vmem>> -> memref<80xi32, #tpu.memory_space<vmem>>
    %dma_wait3A_187 = arith.constant 0 : i32
    %dma_wait3A_188 = tpu.memref_slice %arg4[%dma_wait3A_187] : memref<320000xi32, #tpu.memory_space<hbm>> -> memref<80xi32, #tpu.memory_space<hbm>>
    tpu.wait_dma2 semaphore(%arg19 : memref<!tpu.dma_semaphore, #tpu.memory_space<semaphore_mem>>) src(%dma_wait3A_188 : memref<80xi32, #tpu.memory_space<hbm>>) dst(%dma_wait3A_186 : memref<80xi32, #tpu.memory_space<vmem>>)
    %dma_start3A_189 = arith.constant 0 : i32
    %dma_start3A_190 = arith.constant 0 : i32
    %dma_start3A_191 = arith.constant 0 : i32
    %dma_start3A_192 = arith.constant 0 : i32
    %dma_start3A_193 = tpu.memref_slice %arg9[%dma_start3A_189, %dma_start3A_191, %dma_start3A_192] : memref<4x80x128xf32, #tpu.memory_space<vmem>> -> memref<1x80x128xf32, #tpu.memory_space<vmem>>
    %dma_start3A_194 = tpu.memref_squeeze %dma_start3A_193 : memref<1x80x128xf32, #tpu.memory_space<vmem>> -> memref<80x128xf32, #tpu.memory_space<vmem>>
    %dma_start3A_195 = arith.constant 0 : i32
    %dma_start3A_196 = tpu.memref_slice %arg8[%dma_start3A_190, %dma_start3A_195] : memref<4x80xi32, #tpu.memory_space<vmem>> -> memref<1x80xi32, #tpu.memory_space<vmem>>
    %dma_start3A_197 = tpu.memref_squeeze %dma_start3A_196 : memref<1x80xi32, #tpu.memory_space<vmem>> -> memref<80xi32, #tpu.memory_space<vmem>>
    %dma_start3A_198 = arith.constant 0 : i32
    %dma_start3A_199 = arith.constant 0 : i32
    %dma_start3A_200 = tpu.memref_slice %arg10[%dma_start3A_198, %dma_start3A_199] : memref<10112x128xf32, #tpu.memory_space<vmem_shared>> -> memref<10112x128xf32, #tpu.memory_space<vmem_shared>>
    tpu.enqueue_indirect_dma source(%dma_start3A_194 : memref<80x128xf32, #tpu.memory_space<vmem>>) target(%dma_start3A_200 : memref<10112x128xf32, #tpu.memory_space<vmem_shared>>) offsets(%dma_start3A_197 : memref<80xi32, #tpu.memory_space<vmem>>) semaphore(%arg23 : memref<!tpu.dma_semaphore, #tpu.memory_space<semaphore_mem>>) {add = true}
    %gt3A = arith.constant 126 : i32
    %gt3A_201 = arith.cmpi sgt, %add3A_4, %gt3A : i32
    %convert_element_type3A = arith.extui %gt3A_201 : i1 to i32
    %cond3A = arith.constant 0 : i32
    %cond3A_202 = arith.cmpi ne, %convert_element_type3A, %cond3A : i32
    scf.if %cond3A_202 {
      %dma_wait3A_264 = arith.constant 2 : i32
      %dma_wait3A_265 = arith.constant 2 : i32
      %dma_wait3A_266 = arith.constant 0 : i32
      %dma_wait3A_267 = arith.constant 0 : i32
      %dma_wait3A_268 = tpu.memref_slice %arg9[%dma_wait3A_264, %dma_wait3A_266, %dma_wait3A_267] : memref<4x80x128xf32, #tpu.memory_space<vmem>> -> memref<1x80x128xf32, #tpu.memory_space<vmem>>
      %dma_wait3A_269 = tpu.memref_squeeze %dma_wait3A_268 : memref<1x80x128xf32, #tpu.memory_space<vmem>> -> memref<80x128xf32, #tpu.memory_space<vmem>>
      %dma_wait3A_270 = arith.constant 0 : i32
      %dma_wait3A_271 = tpu.memref_slice %arg8[%dma_wait3A_265, %dma_wait3A_270] : memref<4x80xi32, #tpu.memory_space<vmem>> -> memref<1x80xi32, #tpu.memory_space<vmem>>
      %dma_wait3A_272 = tpu.memref_squeeze %dma_wait3A_271 : memref<1x80xi32, #tpu.memory_space<vmem>> -> memref<80xi32, #tpu.memory_space<vmem>>
      %dma_wait3A_273 = arith.constant 0 : i32
      %dma_wait3A_274 = arith.constant 0 : i32
      %dma_wait3A_275 = tpu.memref_slice %arg10[%dma_wait3A_273, %dma_wait3A_274] : memref<10112x128xf32, #tpu.memory_space<vmem_shared>> -> memref<10112x128xf32, #tpu.memory_space<vmem_shared>>
      tpu.wait_indirect_dma semaphore(%arg25 : memref<!tpu.dma_semaphore, #tpu.memory_space<semaphore_mem>>) src(%dma_wait3A_269 : memref<80x128xf32, #tpu.memory_space<vmem>>) dst(%dma_wait3A_275 : memref<10112x128xf32, #tpu.memory_space<vmem_shared>>)
      %add3A_276 = arith.constant 126 : i32
      %add3A_277 = arith.addi %add3A_8, %add3A_276 : i32
      %mul3A_278 = arith.constant 80 : i32
      %mul3A_279 = arith.muli %add3A_277, %mul3A_278 : i32
      %dma_start3A_280 = arith.constant 2 : i32
      %dma_start3A_281 = arith.constant 0 : i32
      %dma_start3A_282 = tpu.memref_slice %arg8[%dma_start3A_280, %dma_start3A_281] : memref<4x80xi32, #tpu.memory_space<vmem>> -> memref<1x80xi32, #tpu.memory_space<vmem>>
      %dma_start3A_283 = tpu.memref_squeeze %dma_start3A_282 : memref<1x80xi32, #tpu.memory_space<vmem>> -> memref<80xi32, #tpu.memory_space<vmem>>
      %dma_start3A_284 = tpu.memref_slice %arg4[%mul3A_279] : memref<320000xi32, #tpu.memory_space<hbm>> -> memref<80xi32, #tpu.memory_space<hbm>>
      %dma_start3A_285 = arith.constant 0 : i32
      %dma_start3A_286 = tpu.memref_slice %arg8[%dma_start3A_280, %dma_start3A_285] : memref<4x80xi32, #tpu.memory_space<vmem>> -> memref<1x80xi32, #tpu.memory_space<vmem>>
      %dma_start3A_287 = tpu.memref_squeeze %dma_start3A_286 : memref<1x80xi32, #tpu.memory_space<vmem>> -> memref<80xi32, #tpu.memory_space<vmem>>
      %dma_start3A_288 = tpu.memref_slice %arg4[%mul3A_279] : memref<320000xi32, #tpu.memory_space<hbm>> -> memref<80xi32, #tpu.memory_space<hbm>>
      tpu.enqueue_dma source(%dma_start3A_288 : memref<80xi32, #tpu.memory_space<hbm>>) target(%dma_start3A_287 : memref<80xi32, #tpu.memory_space<vmem>>) target_semaphore(%arg21 : memref<!tpu.dma_semaphore, #tpu.memory_space<semaphore_mem>>)
      %dma_wait3A_289 = arith.constant 2 : i32
      %dma_wait3A_290 = arith.constant 0 : i32
      %dma_wait3A_291 = tpu.memref_slice %arg7[%dma_wait3A_289, %dma_wait3A_290] : memref<4x80xi32, #tpu.memory_space<vmem>> -> memref<1x80xi32, #tpu.memory_space<vmem>>
      %dma_wait3A_292 = tpu.memref_squeeze %dma_wait3A_291 : memref<1x80xi32, #tpu.memory_space<vmem>> -> memref<80xi32, #tpu.memory_space<vmem>>
      %dma_wait3A_293 = arith.constant 0 : i32
      %dma_wait3A_294 = tpu.memref_slice %arg3[%dma_wait3A_293] : memref<320000xi32, #tpu.memory_space<hbm>> -> memref<80xi32, #tpu.memory_space<hbm>>
      %dma_wait3A_295 = arith.constant 0 : i32
      %dma_wait3A_296 = tpu.memref_slice %arg7[%dma_wait3A_289, %dma_wait3A_295] : memref<4x80xi32, #tpu.memory_space<vmem>> -> memref<1x80xi32, #tpu.memory_space<vmem>>
      %dma_wait3A_297 = tpu.memref_squeeze %dma_wait3A_296 : memref<1x80xi32, #tpu.memory_space<vmem>> -> memref<80xi32, #tpu.memory_space<vmem>>
      %dma_wait3A_298 = arith.constant 0 : i32
      %dma_wait3A_299 = tpu.memref_slice %arg3[%dma_wait3A_298] : memref<320000xi32, #tpu.memory_space<hbm>> -> memref<80xi32, #tpu.memory_space<hbm>>
      tpu.wait_dma2 semaphore(%arg17 : memref<!tpu.dma_semaphore, #tpu.memory_space<semaphore_mem>>) src(%dma_wait3A_299 : memref<80xi32, #tpu.memory_space<hbm>>) dst(%dma_wait3A_297 : memref<80xi32, #tpu.memory_space<vmem>>)
      %dma_start3A_300 = arith.constant 2 : i32
      %dma_start3A_301 = arith.constant 2 : i32
      %dma_start3A_302 = arith.constant 0 : i32
      %dma_start3A_303 = arith.constant 0 : i32
      %dma_start3A_304 = tpu.memref_slice %arg9[%dma_start3A_301, %dma_start3A_302, %dma_start3A_303] : memref<4x80x128xf32, #tpu.memory_space<vmem>> -> memref<1x80x128xf32, #tpu.memory_space<vmem>>
      %dma_start3A_305 = tpu.memref_squeeze %dma_start3A_304 : memref<1x80x128xf32, #tpu.memory_space<vmem>> -> memref<80x128xf32, #tpu.memory_space<vmem>>
      %dma_start3A_306 = arith.constant 0 : i32
      %dma_start3A_307 = tpu.memref_slice %arg7[%dma_start3A_300, %dma_start3A_306] : memref<4x80xi32, #tpu.memory_space<vmem>> -> memref<1x80xi32, #tpu.memory_space<vmem>>
      %dma_start3A_308 = tpu.memref_squeeze %dma_start3A_307 : memref<1x80xi32, #tpu.memory_space<vmem>> -> memref<80xi32, #tpu.memory_space<vmem>>
      %dma_start3A_309 = arith.constant 0 : i32
      %dma_start3A_310 = arith.constant 0 : i32
      %dma_start3A_311 = tpu.memref_slice %arg2[%dma_start3A_309, %dma_start3A_310] : memref<10000x128xf32, #tpu.memory_space<hbm>> -> memref<10000x128xf32, #tpu.memory_space<hbm>>
      tpu.enqueue_indirect_dma source(%dma_start3A_311 : memref<10000x128xf32, #tpu.memory_space<hbm>>) target(%dma_start3A_305 : memref<80x128xf32, #tpu.memory_space<vmem>>) offsets(%dma_start3A_308 : memref<80xi32, #tpu.memory_space<vmem>>) semaphore(%arg13 : memref<!tpu.dma_semaphore, #tpu.memory_space<semaphore_mem>>)
    } else {
    }
    %gt3A_203 = arith.constant 128 : i32
    %gt3A_204 = arith.cmpi sgt, %add3A_4, %gt3A_203 : i32
    %convert_element_type3A_205 = arith.extui %gt3A_204 : i1 to i32
    %cond3A_206 = arith.constant 0 : i32
    %cond3A_207 = arith.cmpi ne, %convert_element_type3A_205, %cond3A_206 : i32
    scf.if %cond3A_207 {
      %add3A_264 = arith.constant 128 : i32
      %add3A_265 = arith.addi %add3A_8, %add3A_264 : i32
      %mul3A_266 = arith.constant 80 : i32
      %mul3A_267 = arith.muli %add3A_265, %mul3A_266 : i32
      %dma_start3A_268 = arith.constant 0 : i32
      %dma_start3A_269 = arith.constant 0 : i32
      %dma_start3A_270 = tpu.memref_slice %arg7[%dma_start3A_268, %dma_start3A_269] : memref<4x80xi32, #tpu.memory_space<vmem>> -> memref<1x80xi32, #tpu.memory_space<vmem>>
      %dma_start3A_271 = tpu.memref_squeeze %dma_start3A_270 : memref<1x80xi32, #tpu.memory_space<vmem>> -> memref<80xi32, #tpu.memory_space<vmem>>
      %dma_start3A_272 = tpu.memref_slice %arg3[%mul3A_267] : memref<320000xi32, #tpu.memory_space<hbm>> -> memref<80xi32, #tpu.memory_space<hbm>>
      %dma_start3A_273 = arith.constant 0 : i32
      %dma_start3A_274 = tpu.memref_slice %arg7[%dma_start3A_268, %dma_start3A_273] : memref<4x80xi32, #tpu.memory_space<vmem>> -> memref<1x80xi32, #tpu.memory_space<vmem>>
      %dma_start3A_275 = tpu.memref_squeeze %dma_start3A_274 : memref<1x80xi32, #tpu.memory_space<vmem>> -> memref<80xi32, #tpu.memory_space<vmem>>
      %dma_start3A_276 = tpu.memref_slice %arg3[%mul3A_267] : memref<320000xi32, #tpu.memory_space<hbm>> -> memref<80xi32, #tpu.memory_space<hbm>>
      tpu.enqueue_dma source(%dma_start3A_276 : memref<80xi32, #tpu.memory_space<hbm>>) target(%dma_start3A_275 : memref<80xi32, #tpu.memory_space<vmem>>) target_semaphore(%arg15 : memref<!tpu.dma_semaphore, #tpu.memory_space<semaphore_mem>>)
    } else {
    }
    %dma_wait3A_208 = arith.constant 0 : i32
    %dma_wait3A_209 = arith.constant 0 : i32
    %dma_wait3A_210 = arith.constant 0 : i32
    %dma_wait3A_211 = arith.constant 0 : i32
    %dma_wait3A_212 = tpu.memref_slice %arg9[%dma_wait3A_208, %dma_wait3A_210, %dma_wait3A_211] : memref<4x80x128xf32, #tpu.memory_space<vmem>> -> memref<1x80x128xf32, #tpu.memory_space<vmem>>
    %dma_wait3A_213 = tpu.memref_squeeze %dma_wait3A_212 : memref<1x80x128xf32, #tpu.memory_space<vmem>> -> memref<80x128xf32, #tpu.memory_space<vmem>>
    %dma_wait3A_214 = arith.constant 0 : i32
    %dma_wait3A_215 = tpu.memref_slice %arg8[%dma_wait3A_209, %dma_wait3A_214] : memref<4x80xi32, #tpu.memory_space<vmem>> -> memref<1x80xi32, #tpu.memory_space<vmem>>
    %dma_wait3A_216 = tpu.memref_squeeze %dma_wait3A_215 : memref<1x80xi32, #tpu.memory_space<vmem>> -> memref<80xi32, #tpu.memory_space<vmem>>
    %dma_wait3A_217 = arith.constant 0 : i32
    %dma_wait3A_218 = arith.constant 0 : i32
    %dma_wait3A_219 = tpu.memref_slice %arg10[%dma_wait3A_217, %dma_wait3A_218] : memref<10112x128xf32, #tpu.memory_space<vmem_shared>> -> memref<10112x128xf32, #tpu.memory_space<vmem_shared>>
    tpu.wait_indirect_dma semaphore(%arg23 : memref<!tpu.dma_semaphore, #tpu.memory_space<semaphore_mem>>) src(%dma_wait3A_213 : memref<80x128xf32, #tpu.memory_space<vmem>>) dst(%dma_wait3A_219 : memref<10112x128xf32, #tpu.memory_space<vmem_shared>>)
    %dma_wait3A_220 = arith.constant 1 : i32
    %dma_wait3A_221 = arith.constant 1 : i32
    %dma_wait3A_222 = arith.constant 0 : i32
    %dma_wait3A_223 = arith.constant 0 : i32
    %dma_wait3A_224 = tpu.memref_slice %arg9[%dma_wait3A_220, %dma_wait3A_222, %dma_wait3A_223] : memref<4x80x128xf32, #tpu.memory_space<vmem>> -> memref<1x80x128xf32, #tpu.memory_space<vmem>>
    %dma_wait3A_225 = tpu.memref_squeeze %dma_wait3A_224 : memref<1x80x128xf32, #tpu.memory_space<vmem>> -> memref<80x128xf32, #tpu.memory_space<vmem>>
    %dma_wait3A_226 = arith.constant 0 : i32
    %dma_wait3A_227 = tpu.memref_slice %arg8[%dma_wait3A_221, %dma_wait3A_226] : memref<4x80xi32, #tpu.memory_space<vmem>> -> memref<1x80xi32, #tpu.memory_space<vmem>>
    %dma_wait3A_228 = tpu.memref_squeeze %dma_wait3A_227 : memref<1x80xi32, #tpu.memory_space<vmem>> -> memref<80xi32, #tpu.memory_space<vmem>>
    %dma_wait3A_229 = arith.constant 0 : i32
    %dma_wait3A_230 = arith.constant 0 : i32
    %dma_wait3A_231 = tpu.memref_slice %arg10[%dma_wait3A_229, %dma_wait3A_230] : memref<10112x128xf32, #tpu.memory_space<vmem_shared>> -> memref<10112x128xf32, #tpu.memory_space<vmem_shared>>
    tpu.wait_indirect_dma semaphore(%arg24 : memref<!tpu.dma_semaphore, #tpu.memory_space<semaphore_mem>>) src(%dma_wait3A_225 : memref<80x128xf32, #tpu.memory_space<vmem>>) dst(%dma_wait3A_231 : memref<10112x128xf32, #tpu.memory_space<vmem_shared>>)
    %dma_wait3A_232 = arith.constant 2 : i32
    %dma_wait3A_233 = arith.constant 2 : i32
    %dma_wait3A_234 = arith.constant 0 : i32
    %dma_wait3A_235 = arith.constant 0 : i32
    %dma_wait3A_236 = tpu.memref_slice %arg9[%dma_wait3A_232, %dma_wait3A_234, %dma_wait3A_235] : memref<4x80x128xf32, #tpu.memory_space<vmem>> -> memref<1x80x128xf32, #tpu.memory_space<vmem>>
    %dma_wait3A_237 = tpu.memref_squeeze %dma_wait3A_236 : memref<1x80x128xf32, #tpu.memory_space<vmem>> -> memref<80x128xf32, #tpu.memory_space<vmem>>
    %dma_wait3A_238 = arith.constant 0 : i32
    %dma_wait3A_239 = tpu.memref_slice %arg8[%dma_wait3A_233, %dma_wait3A_238] : memref<4x80xi32, #tpu.memory_space<vmem>> -> memref<1x80xi32, #tpu.memory_space<vmem>>
    %dma_wait3A_240 = tpu.memref_squeeze %dma_wait3A_239 : memref<1x80xi32, #tpu.memory_space<vmem>> -> memref<80xi32, #tpu.memory_space<vmem>>
    %dma_wait3A_241 = arith.constant 0 : i32
    %dma_wait3A_242 = arith.constant 0 : i32
    %dma_wait3A_243 = tpu.memref_slice %arg10[%dma_wait3A_241, %dma_wait3A_242] : memref<10112x128xf32, #tpu.memory_space<vmem_shared>> -> memref<10112x128xf32, #tpu.memory_space<vmem_shared>>
    tpu.wait_indirect_dma semaphore(%arg25 : memref<!tpu.dma_semaphore, #tpu.memory_space<semaphore_mem>>) src(%dma_wait3A_237 : memref<80x128xf32, #tpu.memory_space<vmem>>) dst(%dma_wait3A_243 : memref<10112x128xf32, #tpu.memory_space<vmem_shared>>)
    %dma_wait3A_244 = arith.constant 3 : i32
    %dma_wait3A_245 = arith.constant 3 : i32
    %dma_wait3A_246 = arith.constant 0 : i32
    %dma_wait3A_247 = arith.constant 0 : i32
    %dma_wait3A_248 = tpu.memref_slice %arg9[%dma_wait3A_244, %dma_wait3A_246, %dma_wait3A_247] : memref<4x80x128xf32, #tpu.memory_space<vmem>> -> memref<1x80x128xf32, #tpu.memory_space<vmem>>
    %dma_wait3A_249 = tpu.memref_squeeze %dma_wait3A_248 : memref<1x80x128xf32, #tpu.memory_space<vmem>> -> memref<80x128xf32, #tpu.memory_space<vmem>>
    %dma_wait3A_250 = arith.constant 0 : i32
    %dma_wait3A_251 = tpu.memref_slice %arg8[%dma_wait3A_245, %dma_wait3A_250] : memref<4x80xi32, #tpu.memory_space<vmem>> -> memref<1x80xi32, #tpu.memory_space<vmem>>
    %dma_wait3A_252 = tpu.memref_squeeze %dma_wait3A_251 : memref<1x80xi32, #tpu.memory_space<vmem>> -> memref<80xi32, #tpu.memory_space<vmem>>
    %dma_wait3A_253 = arith.constant 0 : i32
    %dma_wait3A_254 = arith.constant 0 : i32
    %dma_wait3A_255 = tpu.memref_slice %arg10[%dma_wait3A_253, %dma_wait3A_254] : memref<10112x128xf32, #tpu.memory_space<vmem_shared>> -> memref<10112x128xf32, #tpu.memory_space<vmem_shared>>
    tpu.wait_indirect_dma semaphore(%arg26 : memref<!tpu.dma_semaphore, #tpu.memory_space<semaphore_mem>>) src(%dma_wait3A_249 : memref<80x128xf32, #tpu.memory_space<vmem>>) dst(%dma_wait3A_255 : memref<10112x128xf32, #tpu.memory_space<vmem_shared>>)
    %barrier3A_256 = arith.constant 0 : index
    tpu.barrier barrier_id(%barrier3A_256)
    %mul3A_257 = arith.constant 632 : i32
    %mul3A_258 = arith.muli %arg1, %mul3A_257 : i32
    %mul3A_259 = arith.constant 10112 : i32
    %mul3A_260 = arith.muli %arg0, %mul3A_259 : i32
    %mul3A_261 = arith.constant 632 : i32
    %mul3A_262 = arith.muli %arg1, %mul3A_261 : i32
    %add3A_263 = arith.addi %mul3A_260, %mul3A_262 : i32
    "tpu.region"() ({
      %run_scoped3A = tpu.sem_alloc : memref<!tpu.dma_semaphore, #tpu.memory_space<semaphore_mem>>
      %dma_start3A_264 = arith.constant 0 : i32
      %dma_start3A_265 = tpu.memref_slice %arg6[%add3A_263, %dma_start3A_264] : memref<20224x128xf32, #tpu.memory_space<hbm>> -> memref<632x128xf32, #tpu.memory_space<hbm>>
      %dma_start3A_266 = arith.constant 0 : i32
      %dma_start3A_267 = tpu.memref_slice %arg10[%mul3A_258, %dma_start3A_266] : memref<10112x128xf32, #tpu.memory_space<vmem_shared>> -> memref<632x128xf32, #tpu.memory_space<vmem_shared>>
      tpu.enqueue_dma source(%dma_start3A_267 : memref<632x128xf32, #tpu.memory_space<vmem_shared>>) target(%dma_start3A_265 : memref<632x128xf32, #tpu.memory_space<hbm>>) target_semaphore(%run_scoped3A : memref<!tpu.dma_semaphore, #tpu.memory_space<semaphore_mem>>)
      %dma_wait3A_268 = arith.constant 0 : i32
      %dma_wait3A_269 = tpu.memref_slice %arg6[%add3A_263, %dma_wait3A_268] : memref<20224x128xf32, #tpu.memory_space<hbm>> -> memref<632x128xf32, #tpu.memory_space<hbm>>
      %dma_wait3A_270 = arith.constant 0 : i32
      %dma_wait3A_271 = tpu.memref_slice %arg10[%mul3A_258, %dma_wait3A_270] : memref<10112x128xf32, #tpu.memory_space<vmem_shared>> -> memref<632x128xf32, #tpu.memory_space<vmem_shared>>
      tpu.wait_dma2 semaphore(%run_scoped3A : memref<!tpu.dma_semaphore, #tpu.memory_space<semaphore_mem>>) src(%dma_wait3A_271 : memref<632x128xf32, #tpu.memory_space<vmem_shared>>) dst(%dma_wait3A_269 : memref<632x128xf32, #tpu.memory_space<hbm>>)
      tpu.yield
    }) : () -> ()
    return
  }
}

#map = affine_map<(d0, d1) -> (0, 0)>
#map1 = affine_map<(d0, d1) -> (0)>
module attributes {stable_mosaic.version = 14 : i64} {
  func.func @agg_kernel(%arg0: i32, %arg1: i32, %arg2: memref<10000x128xf32, #tpu.memory_space<hbm>>, %arg3: memref<320000xi32, #tpu.memory_space<hbm>>, %arg4: memref<320000xi32, #tpu.memory_space<hbm>>, %arg5: memref<10112x128xf32, #tpu.memory_space<hbm>>, %arg6: memref<20224x128xf32, #tpu.memory_space<hbm>>, %arg7: memref<4x80xi32, #tpu.memory_space<vmem>>, %arg8: memref<4x80xi32, #tpu.memory_space<vmem>>, %arg9: memref<4x80x128xf32, #tpu.memory_space<vmem>>, %arg10: memref<10112x128xf32, #tpu.memory_space<vmem_shared>>, %arg11: memref<!tpu.dma_semaphore, #tpu.memory_space<semaphore_mem>>, %arg12: memref<!tpu.dma_semaphore, #tpu.memory_space<semaphore_mem>>, %arg13: memref<!tpu.dma_semaphore, #tpu.memory_space<semaphore_mem>>, %arg14: memref<!tpu.dma_semaphore, #tpu.memory_space<semaphore_mem>>, %arg15: memref<!tpu.dma_semaphore, #tpu.memory_space<semaphore_mem>>, %arg16: memref<!tpu.dma_semaphore, #tpu.memory_space<semaphore_mem>>, %arg17: memref<!tpu.dma_semaphore, #tpu.memory_space<semaphore_mem>>, %arg18: memref<!tpu.dma_semaphore, #tpu.memory_space<semaphore_mem>>, %arg19: memref<!tpu.dma_semaphore, #tpu.memory_space<semaphore_mem>>, %arg20: memref<!tpu.dma_semaphore, #tpu.memory_space<semaphore_mem>>, %arg21: memref<!tpu.dma_semaphore, #tpu.memory_space<semaphore_mem>>, %arg22: memref<!tpu.dma_semaphore, #tpu.memory_space<semaphore_mem>>, %arg23: memref<!tpu.dma_semaphore, #tpu.memory_space<semaphore_mem>>, %arg24: memref<!tpu.dma_semaphore, #tpu.memory_space<semaphore_mem>>, %arg25: memref<!tpu.dma_semaphore, #tpu.memory_space<semaphore_mem>>, %arg26: memref<!tpu.dma_semaphore, #tpu.memory_space<semaphore_mem>>) attributes {dimension_semantics = [#tpu.dimension_semantics<core_parallel>, #tpu.dimension_semantics<subcore_parallel>], iteration_bounds = array<i64: 2, 16>, scalar_prefetch = 0 : i64, scratch_operands = 20 : i64, tpu.core_type = #tpu.core_type<sc_vector_subcore>, window_params = [{transform_indices = #map}, {transform_indices = #map1}, {transform_indices = #map1}, {transform_indices = #map}, {transform_indices = #map}]} {
    %mul3A = arith.constant 16 : i32
    %mul3A_0 = arith.muli %arg0, %mul3A : i32
    %add3A = arith.addi %mul3A_0, %arg1 : i32
    %lt3A = arith.constant 0 : i32
    %lt3A_1 = arith.cmpi slt, %add3A, %lt3A : i32
    %jit3A = arith.constant 1 : i32
    %jit3A_2 = arith.constant 0 : i32
    %select_n3A = arith.select %lt3A_1, %jit3A, %jit3A_2 : i32
    %add3A_3 = arith.constant 125 : i32
    %add3A_4 = arith.addi %add3A_3, %select_n3A : i32
    %mul3A_5 = arith.constant 125 : i32
    %mul3A_6 = arith.muli %add3A, %mul3A_5 : i32
    %min3A = arith.constant 0 : i32
    %min3A_7 = arith.minsi %add3A, %min3A : i32
    %add3A_8 = arith.addi %mul3A_6, %min3A_7 : i32
    %add3A_9 = arith.constant 0 : i32
    %add3A_10 = arith.addi %add3A_8, %add3A_9 : i32
    %mul3A_11 = arith.constant 80 : i32
    %mul3A_12 = arith.muli %add3A_10, %mul3A_11 : i32
    %dma_start3A = arith.constant 0 : i32
    %dma_start3A_13 = arith.constant 0 : i32
    %dma_start3A_14 = tpu.memref_slice %arg7[%dma_start3A, %dma_start3A_13] : memref<4x80xi32, #tpu.memory_space<vmem>> -> memref<1x80xi32, #tpu.memory_space<vmem>>
    %dma_start3A_15 = tpu.memref_squeeze %dma_start3A_14 : memref<1x80xi32, #tpu.memory_space<vmem>> -> memref<80xi32, #tpu.memory_space<vmem>>
    %dma_start3A_16 = tpu.memref_slice %arg3[%mul3A_12] : memref<320000xi32, #tpu.memory_space<hbm>> -> memref<80xi32, #tpu.memory_space<hbm>>
    %dma_start3A_17 = arith.constant 0 : i32
    %dma_start3A_18 = tpu.memref_slice %arg7[%dma_start3A, %dma_start3A_17] : memref<4x80xi32, #tpu.memory_space<vmem>> -> memref<1x80xi32, #tpu.memory_space<vmem>>
    %dma_start3A_19 = tpu.memref_squeeze %dma_start3A_18 : memref<1x80xi32, #tpu.memory_space<vmem>> -> memref<80xi32, #tpu.memory_space<vmem>>
    %dma_start3A_20 = tpu.memref_slice %arg3[%mul3A_12] : memref<320000xi32, #tpu.memory_space<hbm>> -> memref<80xi32, #tpu.memory_space<hbm>>
    tpu.enqueue_dma source(%dma_start3A_20 : memref<80xi32, #tpu.memory_space<hbm>>) target(%dma_start3A_19 : memref<80xi32, #tpu.memory_space<vmem>>) target_semaphore(%arg15 : memref<!tpu.dma_semaphore, #tpu.memory_space<semaphore_mem>>)
    %add3A_21 = arith.constant 0 : i32
    %add3A_22 = arith.addi %add3A_8, %add3A_21 : i32
    %mul3A_23 = arith.constant 80 : i32
    %mul3A_24 = arith.muli %add3A_22, %mul3A_23 : i32
    %dma_start3A_25 = arith.constant 0 : i32
    %dma_start3A_26 = arith.constant 0 : i32
    %dma_start3A_27 = tpu.memref_slice %arg8[%dma_start3A_25, %dma_start3A_26] : memref<4x80xi32, #tpu.memory_space<vmem>> -> memref<1x80xi32, #tpu.memory_space<vmem>>
    %dma_start3A_28 = tpu.memref_squeeze %dma_start3A_27 : memref<1x80xi32, #tpu.memory_space<vmem>> -> memref<80xi32, #tpu.memory_space<vmem>>
    %dma_start3A_29 = tpu.memref_slice %arg4[%mul3A_24] : memref<320000xi32, #tpu.memory_space<hbm>> -> memref<80xi32, #tpu.memory_space<hbm>>
    %dma_start3A_30 = arith.constant 0 : i32
    %dma_start3A_31 = tpu.memref_slice %arg8[%dma_start3A_25, %dma_start3A_30] : memref<4x80xi32, #tpu.memory_space<vmem>> -> memref<1x80xi32, #tpu.memory_space<vmem>>
    %dma_start3A_32 = tpu.memref_squeeze %dma_start3A_31 : memref<1x80xi32, #tpu.memory_space<vmem>> -> memref<80xi32, #tpu.memory_space<vmem>>
    %dma_start3A_33 = tpu.memref_slice %arg4[%mul3A_24] : memref<320000xi32, #tpu.memory_space<hbm>> -> memref<80xi32, #tpu.memory_space<hbm>>
    tpu.enqueue_dma source(%dma_start3A_33 : memref<80xi32, #tpu.memory_space<hbm>>) target(%dma_start3A_32 : memref<80xi32, #tpu.memory_space<vmem>>) target_semaphore(%arg19 : memref<!tpu.dma_semaphore, #tpu.memory_space<semaphore_mem>>)
    %add3A_34 = arith.constant 1 : i32
    %add3A_35 = arith.addi %add3A_8, %add3A_34 : i32
    %mul3A_36 = arith.constant 80 : i32
    %mul3A_37 = arith.muli %add3A_35, %mul3A_36 : i32
    %dma_start3A_38 = arith.constant 1 : i32
    %dma_start3A_39 = arith.constant 0 : i32
    %dma_start3A_40 = tpu.memref_slice %arg7[%dma_start3A_38, %dma_start3A_39] : memref<4x80xi32, #tpu.memory_space<vmem>> -> memref<1x80xi32, #tpu.memory_space<vmem>>
    %dma_start3A_41 = tpu.memref_squeeze %dma_start3A_40 : memref<1x80xi32, #tpu.memory_space<vmem>> -> memref<80xi32, #tpu.memory_space<vmem>>
    %dma_start3A_42 = tpu.memref_slice %arg3[%mul3A_37] : memref<320000xi32, #tpu.memory_space<hbm>> -> memref<80xi32, #tpu.memory_space<hbm>>
    %dma_start3A_43 = arith.constant 0 : i32
    %dma_start3A_44 = tpu.memref_slice %arg7[%dma_start3A_38, %dma_start3A_43] : memref<4x80xi32, #tpu.memory_space<vmem>> -> memref<1x80xi32, #tpu.memory_space<vmem>>
    %dma_start3A_45 = tpu.memref_squeeze %dma_start3A_44 : memref<1x80xi32, #tpu.memory_space<vmem>> -> memref<80xi32, #tpu.memory_space<vmem>>
    %dma_start3A_46 = tpu.memref_slice %arg3[%mul3A_37] : memref<320000xi32, #tpu.memory_space<hbm>> -> memref<80xi32, #tpu.memory_space<hbm>>
    tpu.enqueue_dma source(%dma_start3A_46 : memref<80xi32, #tpu.memory_space<hbm>>) target(%dma_start3A_45 : memref<80xi32, #tpu.memory_space<vmem>>) target_semaphore(%arg16 : memref<!tpu.dma_semaphore, #tpu.memory_space<semaphore_mem>>)
    %add3A_47 = arith.constant 1 : i32
    %add3A_48 = arith.addi %add3A_8, %add3A_47 : i32
    %mul3A_49 = arith.constant 80 : i32
    %mul3A_50 = arith.muli %add3A_48, %mul3A_49 : i32
    %dma_start3A_51 = arith.constant 1 : i32
    %dma_start3A_52 = arith.constant 0 : i32
    %dma_start3A_53 = tpu.memref_slice %arg8[%dma_start3A_51, %dma_start3A_52] : memref<4x80xi32, #tpu.memory_space<vmem>> -> memref<1x80xi32, #tpu.memory_space<vmem>>
    %dma_start3A_54 = tpu.memref_squeeze %dma_start3A_53 : memref<1x80xi32, #tpu.memory_space<vmem>> -> memref<80xi32, #tpu.memory_space<vmem>>
    %dma_start3A_55 = tpu.memref_slice %arg4[%mul3A_50] : memref<320000xi32, #tpu.memory_space<hbm>> -> memref<80xi32, #tpu.memory_space<hbm>>
    %dma_start3A_56 = arith.constant 0 : i32
    %dma_start3A_57 = tpu.memref_slice %arg8[%dma_start3A_51, %dma_start3A_56] : memref<4x80xi32, #tpu.memory_space<vmem>> -> memref<1x80xi32, #tpu.memory_space<vmem>>
    %dma_start3A_58 = tpu.memref_squeeze %dma_start3A_57 : memref<1x80xi32, #tpu.memory_space<vmem>> -> memref<80xi32, #tpu.memory_space<vmem>>
    %dma_start3A_59 = tpu.memref_slice %arg4[%mul3A_50] : memref<320000xi32, #tpu.memory_space<hbm>> -> memref<80xi32, #tpu.memory_space<hbm>>
    tpu.enqueue_dma source(%dma_start3A_59 : memref<80xi32, #tpu.memory_space<hbm>>) target(%dma_start3A_58 : memref<80xi32, #tpu.memory_space<vmem>>) target_semaphore(%arg20 : memref<!tpu.dma_semaphore, #tpu.memory_space<semaphore_mem>>)
    %add3A_60 = arith.constant 2 : i32
    %add3A_61 = arith.addi %add3A_8, %add3A_60 : i32
    %mul3A_62 = arith.constant 80 : i32
    %mul3A_63 = arith.muli %add3A_61, %mul3A_62 : i32
    %dma_start3A_64 = arith.constant 2 : i32
    %dma_start3A_65 = arith.constant 0 : i32
    %dma_start3A_66 = tpu.memref_slice %arg7[%dma_start3A_64, %dma_start3A_65] : memref<4x80xi32, #tpu.memory_space<vmem>> -> memref<1x80xi32, #tpu.memory_space<vmem>>
    %dma_start3A_67 = tpu.memref_squeeze %dma_start3A_66 : memref<1x80xi32, #tpu.memory_space<vmem>> -> memref<80xi32, #tpu.memory_space<vmem>>
    %dma_start3A_68 = tpu.memref_slice %arg3[%mul3A_63] : memref<320000xi32, #tpu.memory_space<hbm>> -> memref<80xi32, #tpu.memory_space<hbm>>
    %dma_start3A_69 = arith.constant 0 : i32
    %dma_start3A_70 = tpu.memref_slice %arg7[%dma_start3A_64, %dma_start3A_69] : memref<4x80xi32, #tpu.memory_space<vmem>> -> memref<1x80xi32, #tpu.memory_space<vmem>>
    %dma_start3A_71 = tpu.memref_squeeze %dma_start3A_70 : memref<1x80xi32, #tpu.memory_space<vmem>> -> memref<80xi32, #tpu.memory_space<vmem>>
    %dma_start3A_72 = tpu.memref_slice %arg3[%mul3A_63] : memref<320000xi32, #tpu.memory_space<hbm>> -> memref<80xi32, #tpu.memory_space<hbm>>
    tpu.enqueue_dma source(%dma_start3A_72 : memref<80xi32, #tpu.memory_space<hbm>>) target(%dma_start3A_71 : memref<80xi32, #tpu.memory_space<vmem>>) target_semaphore(%arg17 : memref<!tpu.dma_semaphore, #tpu.memory_space<semaphore_mem>>)
    %add3A_73 = arith.constant 2 : i32
    %add3A_74 = arith.addi %add3A_8, %add3A_73 : i32
    %mul3A_75 = arith.constant 80 : i32
    %mul3A_76 = arith.muli %add3A_74, %mul3A_75 : i32
    %dma_start3A_77 = arith.constant 2 : i32
    %dma_start3A_78 = arith.constant 0 : i32
    %dma_start3A_79 = tpu.memref_slice %arg8[%dma_start3A_77, %dma_start3A_78] : memref<4x80xi32, #tpu.memory_space<vmem>> -> memref<1x80xi32, #tpu.memory_space<vmem>>
    %dma_start3A_80 = tpu.memref_squeeze %dma_start3A_79 : memref<1x80xi32, #tpu.memory_space<vmem>> -> memref<80xi32, #tpu.memory_space<vmem>>
    %dma_start3A_81 = tpu.memref_slice %arg4[%mul3A_76] : memref<320000xi32, #tpu.memory_space<hbm>> -> memref<80xi32, #tpu.memory_space<hbm>>
    %dma_start3A_82 = arith.constant 0 : i32
    %dma_start3A_83 = tpu.memref_slice %arg8[%dma_start3A_77, %dma_start3A_82] : memref<4x80xi32, #tpu.memory_space<vmem>> -> memref<1x80xi32, #tpu.memory_space<vmem>>
    %dma_start3A_84 = tpu.memref_squeeze %dma_start3A_83 : memref<1x80xi32, #tpu.memory_space<vmem>> -> memref<80xi32, #tpu.memory_space<vmem>>
    %dma_start3A_85 = tpu.memref_slice %arg4[%mul3A_76] : memref<320000xi32, #tpu.memory_space<hbm>> -> memref<80xi32, #tpu.memory_space<hbm>>
    tpu.enqueue_dma source(%dma_start3A_85 : memref<80xi32, #tpu.memory_space<hbm>>) target(%dma_start3A_84 : memref<80xi32, #tpu.memory_space<vmem>>) target_semaphore(%arg21 : memref<!tpu.dma_semaphore, #tpu.memory_space<semaphore_mem>>)
    %add3A_86 = arith.constant 3 : i32
    %add3A_87 = arith.addi %add3A_8, %add3A_86 : i32
    %mul3A_88 = arith.constant 80 : i32
    %mul3A_89 = arith.muli %add3A_87, %mul3A_88 : i32
    %dma_start3A_90 = arith.constant 3 : i32
    %dma_start3A_91 = arith.constant 0 : i32
    %dma_start3A_92 = tpu.memref_slice %arg7[%dma_start3A_90, %dma_start3A_91] : memref<4x80xi32, #tpu.memory_space<vmem>> -> memref<1x80xi32, #tpu.memory_space<vmem>>
    %dma_start3A_93 = tpu.memref_squeeze %dma_start3A_92 : memref<1x80xi32, #tpu.memory_space<vmem>> -> memref<80xi32, #tpu.memory_space<vmem>>
    %dma_start3A_94 = tpu.memref_slice %arg3[%mul3A_89] : memref<320000xi32, #tpu.memory_space<hbm>> -> memref<80xi32, #tpu.memory_space<hbm>>
    %dma_start3A_95 = arith.constant 0 : i32
    %dma_start3A_96 = tpu.memref_slice %arg7[%dma_start3A_90, %dma_start3A_95] : memref<4x80xi32, #tpu.memory_space<vmem>> -> memref<1x80xi32, #tpu.memory_space<vmem>>
    %dma_start3A_97 = tpu.memref_squeeze %dma_start3A_96 : memref<1x80xi32, #tpu.memory_space<vmem>> -> memref<80xi32, #tpu.memory_space<vmem>>
    %dma_start3A_98 = tpu.memref_slice %arg3[%mul3A_89] : memref<320000xi32, #tpu.memory_space<hbm>> -> memref<80xi32, #tpu.memory_space<hbm>>
    tpu.enqueue_dma source(%dma_start3A_98 : memref<80xi32, #tpu.memory_space<hbm>>) target(%dma_start3A_97 : memref<80xi32, #tpu.memory_space<vmem>>) target_semaphore(%arg18 : memref<!tpu.dma_semaphore, #tpu.memory_space<semaphore_mem>>)
    %add3A_99 = arith.constant 3 : i32
    %add3A_100 = arith.addi %add3A_8, %add3A_99 : i32
    %mul3A_101 = arith.constant 80 : i32
    %mul3A_102 = arith.muli %add3A_100, %mul3A_101 : i32
    %dma_start3A_103 = arith.constant 3 : i32
    %dma_start3A_104 = arith.constant 0 : i32
    %dma_start3A_105 = tpu.memref_slice %arg8[%dma_start3A_103, %dma_start3A_104] : memref<4x80xi32, #tpu.memory_space<vmem>> -> memref<1x80xi32, #tpu.memory_space<vmem>>
    %dma_start3A_106 = tpu.memref_squeeze %dma_start3A_105 : memref<1x80xi32, #tpu.memory_space<vmem>> -> memref<80xi32, #tpu.memory_space<vmem>>
    %dma_start3A_107 = tpu.memref_slice %arg4[%mul3A_102] : memref<320000xi32, #tpu.memory_space<hbm>> -> memref<80xi32, #tpu.memory_space<hbm>>
    %dma_start3A_108 = arith.constant 0 : i32
    %dma_start3A_109 = tpu.memref_slice %arg8[%dma_start3A_103, %dma_start3A_108] : memref<4x80xi32, #tpu.memory_space<vmem>> -> memref<1x80xi32, #tpu.memory_space<vmem>>
    %dma_start3A_110 = tpu.memref_squeeze %dma_start3A_109 : memref<1x80xi32, #tpu.memory_space<vmem>> -> memref<80xi32, #tpu.memory_space<vmem>>
    %dma_start3A_111 = tpu.memref_slice %arg4[%mul3A_102] : memref<320000xi32, #tpu.memory_space<hbm>> -> memref<80xi32, #tpu.memory_space<hbm>>
    tpu.enqueue_dma source(%dma_start3A_111 : memref<80xi32, #tpu.memory_space<hbm>>) target(%dma_start3A_110 : memref<80xi32, #tpu.memory_space<vmem>>) target_semaphore(%arg22 : memref<!tpu.dma_semaphore, #tpu.memory_space<semaphore_mem>>)
    %dma_wait3A = arith.constant 0 : i32
    %dma_wait3A_112 = arith.constant 0 : i32
    %dma_wait3A_113 = tpu.memref_slice %arg7[%dma_wait3A, %dma_wait3A_112] : memref<4x80xi32, #tpu.memory_space<vmem>> -> memref<1x80xi32, #tpu.memory_space<vmem>>
    %dma_wait3A_114 = tpu.memref_squeeze %dma_wait3A_113 : memref<1x80xi32, #tpu.memory_space<vmem>> -> memref<80xi32, #tpu.memory_space<vmem>>
    %dma_wait3A_115 = arith.constant 0 : i32
    %dma_wait3A_116 = tpu.memref_slice %arg3[%dma_wait3A_115] : memref<320000xi32, #tpu.memory_space<hbm>> -> memref<80xi32, #tpu.memory_space<hbm>>
    %dma_wait3A_117 = arith.constant 0 : i32
    %dma_wait3A_118 = tpu.memref_slice %arg7[%dma_wait3A, %dma_wait3A_117] : memref<4x80xi32, #tpu.memory_space<vmem>> -> memref<1x80xi32, #tpu.memory_space<vmem>>
    %dma_wait3A_119 = tpu.memref_squeeze %dma_wait3A_118 : memref<1x80xi32, #tpu.memory_space<vmem>> -> memref<80xi32, #tpu.memory_space<vmem>>
    %dma_wait3A_120 = arith.constant 0 : i32
    %dma_wait3A_121 = tpu.memref_slice %arg3[%dma_wait3A_120] : memref<320000xi32, #tpu.memory_space<hbm>> -> memref<80xi32, #tpu.memory_space<hbm>>
    tpu.wait_dma2 semaphore(%arg15 : memref<!tpu.dma_semaphore, #tpu.memory_space<semaphore_mem>>) src(%dma_wait3A_121 : memref<80xi32, #tpu.memory_space<hbm>>) dst(%dma_wait3A_119 : memref<80xi32, #tpu.memory_space<vmem>>)
    %dma_start3A_122 = arith.constant 0 : i32
    %dma_start3A_123 = arith.constant 0 : i32
    %dma_start3A_124 = arith.constant 0 : i32
    %dma_start3A_125 = arith.constant 0 : i32
    %dma_start3A_126 = tpu.memref_slice %arg9[%dma_start3A_123, %dma_start3A_124, %dma_start3A_125] : memref<4x80x128xf32, #tpu.memory_space<vmem>> -> memref<1x80x128xf32, #tpu.memory_space<vmem>>
    %dma_start3A_127 = tpu.memref_squeeze %dma_start3A_126 : memref<1x80x128xf32, #tpu.memory_space<vmem>> -> memref<80x128xf32, #tpu.memory_space<vmem>>
    %dma_start3A_128 = arith.constant 0 : i32
    %dma_start3A_129 = tpu.memref_slice %arg7[%dma_start3A_122, %dma_start3A_128] : memref<4x80xi32, #tpu.memory_space<vmem>> -> memref<1x80xi32, #tpu.memory_space<vmem>>
    %dma_start3A_130 = tpu.memref_squeeze %dma_start3A_129 : memref<1x80xi32, #tpu.memory_space<vmem>> -> memref<80xi32, #tpu.memory_space<vmem>>
    %dma_start3A_131 = arith.constant 0 : i32
    %dma_start3A_132 = arith.constant 0 : i32
    %dma_start3A_133 = tpu.memref_slice %arg2[%dma_start3A_131, %dma_start3A_132] : memref<10000x128xf32, #tpu.memory_space<hbm>> -> memref<10000x128xf32, #tpu.memory_space<hbm>>
    tpu.enqueue_indirect_dma source(%dma_start3A_133 : memref<10000x128xf32, #tpu.memory_space<hbm>>) target(%dma_start3A_127 : memref<80x128xf32, #tpu.memory_space<vmem>>) offsets(%dma_start3A_130 : memref<80xi32, #tpu.memory_space<vmem>>) semaphore(%arg11 : memref<!tpu.dma_semaphore, #tpu.memory_space<semaphore_mem>>)
    %dma_wait3A_134 = arith.constant 1 : i32
    %dma_wait3A_135 = arith.constant 0 : i32
    %dma_wait3A_136 = tpu.memref_slice %arg7[%dma_wait3A_134, %dma_wait3A_135] : memref<4x80xi32, #tpu.memory_space<vmem>> -> memref<1x80xi32, #tpu.memory_space<vmem>>
    %dma_wait3A_137 = tpu.memref_squeeze %dma_wait3A_136 : memref<1x80xi32, #tpu.memory_space<vmem>> -> memref<80xi32, #tpu.memory_space<vmem>>
    %dma_wait3A_138 = arith.constant 0 : i32
    %dma_wait3A_139 = tpu.memref_slice %arg3[%dma_wait3A_138] : memref<320000xi32, #tpu.memory_space<hbm>> -> memref<80xi32, #tpu.memory_space<hbm>>
    %dma_wait3A_140 = arith.constant 0 : i32
    %dma_wait3A_141 = tpu.memref_slice %arg7[%dma_wait3A_134, %dma_wait3A_140] : memref<4x80xi32, #tpu.memory_space<vmem>> -> memref<1x80xi32, #tpu.memory_space<vmem>>
    %dma_wait3A_142 = tpu.memref_squeeze %dma_wait3A_141 : memref<1x80xi32, #tpu.memory_space<vmem>> -> memref<80xi32, #tpu.memory_space<vmem>>
    %dma_wait3A_143 = arith.constant 0 : i32
    %dma_wait3A_144 = tpu.memref_slice %arg3[%dma_wait3A_143] : memref<320000xi32, #tpu.memory_space<hbm>> -> memref<80xi32, #tpu.memory_space<hbm>>
    tpu.wait_dma2 semaphore(%arg16 : memref<!tpu.dma_semaphore, #tpu.memory_space<semaphore_mem>>) src(%dma_wait3A_144 : memref<80xi32, #tpu.memory_space<hbm>>) dst(%dma_wait3A_142 : memref<80xi32, #tpu.memory_space<vmem>>)
    %dma_start3A_145 = arith.constant 1 : i32
    %dma_start3A_146 = arith.constant 1 : i32
    %dma_start3A_147 = arith.constant 0 : i32
    %dma_start3A_148 = arith.constant 0 : i32
    %dma_start3A_149 = tpu.memref_slice %arg9[%dma_start3A_146, %dma_start3A_147, %dma_start3A_148] : memref<4x80x128xf32, #tpu.memory_space<vmem>> -> memref<1x80x128xf32, #tpu.memory_space<vmem>>
    %dma_start3A_150 = tpu.memref_squeeze %dma_start3A_149 : memref<1x80x128xf32, #tpu.memory_space<vmem>> -> memref<80x128xf32, #tpu.memory_space<vmem>>
    %dma_start3A_151 = arith.constant 0 : i32
    %dma_start3A_152 = tpu.memref_slice %arg7[%dma_start3A_145, %dma_start3A_151] : memref<4x80xi32, #tpu.memory_space<vmem>> -> memref<1x80xi32, #tpu.memory_space<vmem>>
    %dma_start3A_153 = tpu.memref_squeeze %dma_start3A_152 : memref<1x80xi32, #tpu.memory_space<vmem>> -> memref<80xi32, #tpu.memory_space<vmem>>
    %dma_start3A_154 = arith.constant 0 : i32
    %dma_start3A_155 = arith.constant 0 : i32
    %dma_start3A_156 = tpu.memref_slice %arg2[%dma_start3A_154, %dma_start3A_155] : memref<10000x128xf32, #tpu.memory_space<hbm>> -> memref<10000x128xf32, #tpu.memory_space<hbm>>
    tpu.enqueue_indirect_dma source(%dma_start3A_156 : memref<10000x128xf32, #tpu.memory_space<hbm>>) target(%dma_start3A_150 : memref<80x128xf32, #tpu.memory_space<vmem>>) offsets(%dma_start3A_153 : memref<80xi32, #tpu.memory_space<vmem>>) semaphore(%arg12 : memref<!tpu.dma_semaphore, #tpu.memory_space<semaphore_mem>>)
    %mul3A_157 = arith.constant 632 : i32
    %mul3A_158 = arith.muli %arg1, %mul3A_157 : i32
    %mul3A_159 = arith.constant 632 : i32
    %mul3A_160 = arith.muli %arg1, %mul3A_159 : i32
    "tpu.region"() ({
      %run_scoped3A = tpu.sem_alloc : memref<!tpu.dma_semaphore, #tpu.memory_space<semaphore_mem>>
      %dma_start3A_264 = arith.constant 0 : i32
      %dma_start3A_265 = tpu.memref_slice %arg10[%mul3A_160, %dma_start3A_264] : memref<10112x128xf32, #tpu.memory_space<vmem_shared>> -> memref<632x128xf32, #tpu.memory_space<vmem_shared>>
      %dma_start3A_266 = arith.constant 0 : i32
      %dma_start3A_267 = tpu.memref_slice %arg5[%mul3A_158, %dma_start3A_266] : memref<10112x128xf32, #tpu.memory_space<hbm>> -> memref<632x128xf32, #tpu.memory_space<hbm>>
      tpu.enqueue_dma source(%dma_start3A_267 : memref<632x128xf32, #tpu.memory_space<hbm>>) target(%dma_start3A_265 : memref<632x128xf32, #tpu.memory_space<vmem_shared>>) target_semaphore(%run_scoped3A : memref<!tpu.dma_semaphore, #tpu.memory_space<semaphore_mem>>)
      %dma_wait3A_268 = arith.constant 0 : i32
      %dma_wait3A_269 = tpu.memref_slice %arg10[%mul3A_160, %dma_wait3A_268] : memref<10112x128xf32, #tpu.memory_space<vmem_shared>> -> memref<632x128xf32, #tpu.memory_space<vmem_shared>>
      %dma_wait3A_270 = arith.constant 0 : i32
      %dma_wait3A_271 = tpu.memref_slice %arg5[%mul3A_158, %dma_wait3A_270] : memref<10112x128xf32, #tpu.memory_space<hbm>> -> memref<632x128xf32, #tpu.memory_space<hbm>>
      tpu.wait_dma2 semaphore(%run_scoped3A : memref<!tpu.dma_semaphore, #tpu.memory_space<semaphore_mem>>) src(%dma_wait3A_271 : memref<632x128xf32, #tpu.memory_space<hbm>>) dst(%dma_wait3A_269 : memref<632x128xf32, #tpu.memory_space<vmem_shared>>)
      tpu.yield
    }) : () -> ()
    %barrier3A = arith.constant 0 : index
    tpu.barrier barrier_id(%barrier3A)
    %scan3A = arith.constant 0 : i32
    %scan3A_161 = arith.constant 0 : i32
    %scan3A_162 = arith.constant 31 : i32
    %scan3A_163 = arith.addi %scan3A_161, %scan3A_162 : i32
    %scan3A_164 = arith.constant 1 : i32
    scf.for %scan3A_264 = %scan3A_161 to %scan3A_163 step %scan3A_164  : i32 {
      %mul3A_265 = arith.constant 4 : i32
      %mul3A_266 = arith.muli %mul3A_265, %scan3A_264 : i32
      %dma_wait3A_267 = arith.constant 0 : i32
      %dma_wait3A_268 = arith.constant 0 : i32
      %dma_wait3A_269 = arith.constant 0 : i32
      %dma_wait3A_270 = arith.constant 0 : i32
      %dma_wait3A_271 = tpu.memref_slice %arg9[%dma_wait3A_268, %dma_wait3A_269, %dma_wait3A_270] : memref<4x80x128xf32, #tpu.memory_space<vmem>> -> memref<1x80x128xf32, #tpu.memory_space<vmem>>
      %dma_wait3A_272 = tpu.memref_squeeze %dma_wait3A_271 : memref<1x80x128xf32, #tpu.memory_space<vmem>> -> memref<80x128xf32, #tpu.memory_space<vmem>>
      %dma_wait3A_273 = arith.constant 0 : i32
      %dma_wait3A_274 = tpu.memref_slice %arg7[%dma_wait3A_267, %dma_wait3A_273] : memref<4x80xi32, #tpu.memory_space<vmem>> -> memref<1x80xi32, #tpu.memory_space<vmem>>
      %dma_wait3A_275 = tpu.memref_squeeze %dma_wait3A_274 : memref<1x80xi32, #tpu.memory_space<vmem>> -> memref<80xi32, #tpu.memory_space<vmem>>
      %dma_wait3A_276 = arith.constant 0 : i32
      %dma_wait3A_277 = arith.constant 0 : i32
      %dma_wait3A_278 = tpu.memref_slice %arg2[%dma_wait3A_276, %dma_wait3A_277] : memref<10000x128xf32, #tpu.memory_space<hbm>> -> memref<10000x128xf32, #tpu.memory_space<hbm>>
      tpu.wait_indirect_dma semaphore(%arg11 : memref<!tpu.dma_semaphore, #tpu.memory_space<semaphore_mem>>) src(%dma_wait3A_278 : memref<10000x128xf32, #tpu.memory_space<hbm>>) dst(%dma_wait3A_272 : memref<80x128xf32, #tpu.memory_space<vmem>>)
      %dma_wait3A_279 = arith.constant 0 : i32
      %dma_wait3A_280 = arith.constant 0 : i32
      %dma_wait3A_281 = tpu.memref_slice %arg8[%dma_wait3A_279, %dma_wait3A_280] : memref<4x80xi32, #tpu.memory_space<vmem>> -> memref<1x80xi32, #tpu.memory_space<vmem>>
      %dma_wait3A_282 = tpu.memref_squeeze %dma_wait3A_281 : memref<1x80xi32, #tpu.memory_space<vmem>> -> memref<80xi32, #tpu.memory_space<vmem>>
      %dma_wait3A_283 = arith.constant 0 : i32
      %dma_wait3A_284 = tpu.memref_slice %arg4[%dma_wait3A_283] : memref<320000xi32, #tpu.memory_space<hbm>> -> memref<80xi32, #tpu.memory_space<hbm>>
      %dma_wait3A_285 = arith.constant 0 : i32
      %dma_wait3A_286 = tpu.memref_slice %arg8[%dma_wait3A_279, %dma_wait3A_285] : memref<4x80xi32, #tpu.memory_space<vmem>> -> memref<1x80xi32, #tpu.memory_space<vmem>>
      %dma_wait3A_287 = tpu.memref_squeeze %dma_wait3A_286 : memref<1x80xi32, #tpu.memory_space<vmem>> -> memref<80xi32, #tpu.memory_space<vmem>>
      %dma_wait3A_288 = arith.constant 0 : i32
      %dma_wait3A_289 = tpu.memref_slice %arg4[%dma_wait3A_288] : memref<320000xi32, #tpu.memory_space<hbm>> -> memref<80xi32, #tpu.memory_space<hbm>>
      tpu.wait_dma2 semaphore(%arg19 : memref<!tpu.dma_semaphore, #tpu.memory_space<semaphore_mem>>) src(%dma_wait3A_289 : memref<80xi32, #tpu.memory_space<hbm>>) dst(%dma_wait3A_287 : memref<80xi32, #tpu.memory_space<vmem>>)
      %dma_start3A_290 = arith.constant 0 : i32
      %dma_start3A_291 = arith.constant 0 : i32
      %dma_start3A_292 = arith.constant 0 : i32
      %dma_start3A_293 = arith.constant 0 : i32
      %dma_start3A_294 = tpu.memref_slice %arg9[%dma_start3A_290, %dma_start3A_292, %dma_start3A_293] : memref<4x80x128xf32, #tpu.memory_space<vmem>> -> memref<1x80x128xf32, #tpu.memory_space<vmem>>
      %dma_start3A_295 = tpu.memref_squeeze %dma_start3A_294 : memref<1x80x128xf32, #tpu.memory_space<vmem>> -> memref<80x128xf32, #tpu.memory_space<vmem>>
      %dma_start3A_296 = arith.constant 0 : i32
      %dma_start3A_297 = tpu.memref_slice %arg8[%dma_start3A_291, %dma_start3A_296] : memref<4x80xi32, #tpu.memory_space<vmem>> -> memref<1x80xi32, #tpu.memory_space<vmem>>
      %dma_start3A_298 = tpu.memref_squeeze %dma_start3A_297 : memref<1x80xi32, #tpu.memory_space<vmem>> -> memref<80xi32, #tpu.memory_space<vmem>>
      %dma_start3A_299 = arith.constant 0 : i32
      %dma_start3A_300 = arith.constant 0 : i32
      %dma_start3A_301 = tpu.memref_slice %arg10[%dma_start3A_299, %dma_start3A_300] : memref<10112x128xf32, #tpu.memory_space<vmem_shared>> -> memref<10112x128xf32, #tpu.memory_space<vmem_shared>>
      tpu.enqueue_indirect_dma source(%dma_start3A_295 : memref<80x128xf32, #tpu.memory_space<vmem>>) target(%dma_start3A_301 : memref<10112x128xf32, #tpu.memory_space<vmem_shared>>) offsets(%dma_start3A_298 : memref<80xi32, #tpu.memory_space<vmem>>) semaphore(%arg23 : memref<!tpu.dma_semaphore, #tpu.memory_space<semaphore_mem>>) {add = true}
      %add3A_302 = arith.constant 2 : i32
      %add3A_303 = arith.addi %mul3A_266, %add3A_302 : i32
      %lt3A_304 = arith.cmpi slt, %add3A_303, %add3A_4 : i32
      %convert_element_type3A_305 = arith.extui %lt3A_304 : i1 to i32
      %cond3A_306 = arith.constant 0 : i32
      %cond3A_307 = arith.cmpi ne, %convert_element_type3A_305, %cond3A_306 : i32
      scf.if %cond3A_307 {
        %ge3A = arith.constant 2 : i32
        %ge3A_461 = arith.cmpi sge, %mul3A_266, %ge3A : i32
        %convert_element_type3A_462 = arith.extui %ge3A_461 : i1 to i32
        %cond3A_463 = arith.constant 0 : i32
        %cond3A_464 = arith.cmpi ne, %convert_element_type3A_462, %cond3A_463 : i32
        scf.if %cond3A_464 {
          %dma_wait3A_488 = arith.constant 2 : i32
          %dma_wait3A_489 = arith.constant 2 : i32
          %dma_wait3A_490 = arith.constant 0 : i32
          %dma_wait3A_491 = arith.constant 0 : i32
          %dma_wait3A_492 = tpu.memref_slice %arg9[%dma_wait3A_488, %dma_wait3A_490, %dma_wait3A_491] : memref<4x80x128xf32, #tpu.memory_space<vmem>> -> memref<1x80x128xf32, #tpu.memory_space<vmem>>
          %dma_wait3A_493 = tpu.memref_squeeze %dma_wait3A_492 : memref<1x80x128xf32, #tpu.memory_space<vmem>> -> memref<80x128xf32, #tpu.memory_space<vmem>>
          %dma_wait3A_494 = arith.constant 0 : i32
          %dma_wait3A_495 = tpu.memref_slice %arg8[%dma_wait3A_489, %dma_wait3A_494] : memref<4x80xi32, #tpu.memory_space<vmem>> -> memref<1x80xi32, #tpu.memory_space<vmem>>
          %dma_wait3A_496 = tpu.memref_squeeze %dma_wait3A_495 : memref<1x80xi32, #tpu.memory_space<vmem>> -> memref<80xi32, #tpu.memory_space<vmem>>
          %dma_wait3A_497 = arith.constant 0 : i32
          %dma_wait3A_498 = arith.constant 0 : i32
          %dma_wait3A_499 = tpu.memref_slice %arg10[%dma_wait3A_497, %dma_wait3A_498] : memref<10112x128xf32, #tpu.memory_space<vmem_shared>> -> memref<10112x128xf32, #tpu.memory_space<vmem_shared>>
          tpu.wait_indirect_dma semaphore(%arg25 : memref<!tpu.dma_semaphore, #tpu.memory_space<semaphore_mem>>) src(%dma_wait3A_493 : memref<80x128xf32, #tpu.memory_space<vmem>>) dst(%dma_wait3A_499 : memref<10112x128xf32, #tpu.memory_space<vmem_shared>>)
          %add3A_500 = arith.constant 2 : i32
          %add3A_501 = arith.addi %mul3A_266, %add3A_500 : i32
          %add3A_502 = arith.addi %add3A_8, %add3A_501 : i32
          %mul3A_503 = arith.constant 80 : i32
          %mul3A_504 = arith.muli %add3A_502, %mul3A_503 : i32
          %dma_start3A_505 = arith.constant 2 : i32
          %dma_start3A_506 = arith.constant 0 : i32
          %dma_start3A_507 = tpu.memref_slice %arg8[%dma_start3A_505, %dma_start3A_506] : memref<4x80xi32, #tpu.memory_space<vmem>> -> memref<1x80xi32, #tpu.memory_space<vmem>>
          %dma_start3A_508 = tpu.memref_squeeze %dma_start3A_507 : memref<1x80xi32, #tpu.memory_space<vmem>> -> memref<80xi32, #tpu.memory_space<vmem>>
          %dma_start3A_509 = tpu.memref_slice %arg4[%mul3A_504] : memref<320000xi32, #tpu.memory_space<hbm>> -> memref<80xi32, #tpu.memory_space<hbm>>
          %dma_start3A_510 = arith.constant 0 : i32
          %dma_start3A_511 = tpu.memref_slice %arg8[%dma_start3A_505, %dma_start3A_510] : memref<4x80xi32, #tpu.memory_space<vmem>> -> memref<1x80xi32, #tpu.memory_space<vmem>>
          %dma_start3A_512 = tpu.memref_squeeze %dma_start3A_511 : memref<1x80xi32, #tpu.memory_space<vmem>> -> memref<80xi32, #tpu.memory_space<vmem>>
          %dma_start3A_513 = tpu.memref_slice %arg4[%mul3A_504] : memref<320000xi32, #tpu.memory_space<hbm>> -> memref<80xi32, #tpu.memory_space<hbm>>
          tpu.enqueue_dma source(%dma_start3A_513 : memref<80xi32, #tpu.memory_space<hbm>>) target(%dma_start3A_512 : memref<80xi32, #tpu.memory_space<vmem>>) target_semaphore(%arg21 : memref<!tpu.dma_semaphore, #tpu.memory_space<semaphore_mem>>)
        } else {
        }
        %dma_wait3A_465 = arith.constant 2 : i32
        %dma_wait3A_466 = arith.constant 0 : i32
        %dma_wait3A_467 = tpu.memref_slice %arg7[%dma_wait3A_465, %dma_wait3A_466] : memref<4x80xi32, #tpu.memory_space<vmem>> -> memref<1x80xi32, #tpu.memory_space<vmem>>
        %dma_wait3A_468 = tpu.memref_squeeze %dma_wait3A_467 : memref<1x80xi32, #tpu.memory_space<vmem>> -> memref<80xi32, #tpu.memory_space<vmem>>
        %dma_wait3A_469 = arith.constant 0 : i32
        %dma_wait3A_470 = tpu.memref_slice %arg3[%dma_wait3A_469] : memref<320000xi32, #tpu.memory_space<hbm>> -> memref<80xi32, #tpu.memory_space<hbm>>
        %dma_wait3A_471 = arith.constant 0 : i32
        %dma_wait3A_472 = tpu.memref_slice %arg7[%dma_wait3A_465, %dma_wait3A_471] : memref<4x80xi32, #tpu.memory_space<vmem>> -> memref<1x80xi32, #tpu.memory_space<vmem>>
        %dma_wait3A_473 = tpu.memref_squeeze %dma_wait3A_472 : memref<1x80xi32, #tpu.memory_space<vmem>> -> memref<80xi32, #tpu.memory_space<vmem>>
        %dma_wait3A_474 = arith.constant 0 : i32
        %dma_wait3A_475 = tpu.memref_slice %arg3[%dma_wait3A_474] : memref<320000xi32, #tpu.memory_space<hbm>> -> memref<80xi32, #tpu.memory_space<hbm>>
        tpu.wait_dma2 semaphore(%arg17 : memref<!tpu.dma_semaphore, #tpu.memory_space<semaphore_mem>>) src(%dma_wait3A_475 : memref<80xi32, #tpu.memory_space<hbm>>) dst(%dma_wait3A_473 : memref<80xi32, #tpu.memory_space<vmem>>)
        %dma_start3A_476 = arith.constant 2 : i32
        %dma_start3A_477 = arith.constant 2 : i32
        %dma_start3A_478 = arith.constant 0 : i32
        %dma_start3A_479 = arith.constant 0 : i32
        %dma_start3A_480 = tpu.memref_slice %arg9[%dma_start3A_477, %dma_start3A_478, %dma_start3A_479] : memref<4x80x128xf32, #tpu.memory_space<vmem>> -> memref<1x80x128xf32, #tpu.memory_space<vmem>>
        %dma_start3A_481 = tpu.memref_squeeze %dma_start3A_480 : memref<1x80x128xf32, #tpu.memory_space<vmem>> -> memref<80x128xf32, #tpu.memory_space<vmem>>
        %dma_start3A_482 = arith.constant 0 : i32
        %dma_start3A_483 = tpu.memref_slice %arg7[%dma_start3A_476, %dma_start3A_482] : memref<4x80xi32, #tpu.memory_space<vmem>> -> memref<1x80xi32, #tpu.memory_space<vmem>>
        %dma_start3A_484 = tpu.memref_squeeze %dma_start3A_483 : memref<1x80xi32, #tpu.memory_space<vmem>> -> memref<80xi32, #tpu.memory_space<vmem>>
        %dma_start3A_485 = arith.constant 0 : i32
        %dma_start3A_486 = arith.constant 0 : i32
        %dma_start3A_487 = tpu.memref_slice %arg2[%dma_start3A_485, %dma_start3A_486] : memref<10000x128xf32, #tpu.memory_space<hbm>> -> memref<10000x128xf32, #tpu.memory_space<hbm>>
        tpu.enqueue_indirect_dma source(%dma_start3A_487 : memref<10000x128xf32, #tpu.memory_space<hbm>>) target(%dma_start3A_481 : memref<80x128xf32, #tpu.memory_space<vmem>>) offsets(%dma_start3A_484 : memref<80xi32, #tpu.memory_space<vmem>>) semaphore(%arg13 : memref<!tpu.dma_semaphore, #tpu.memory_space<semaphore_mem>>)
      } else {
      }
      %add3A_308 = arith.constant 4 : i32
      %add3A_309 = arith.addi %mul3A_266, %add3A_308 : i32
      %lt3A_310 = arith.cmpi slt, %add3A_309, %add3A_4 : i32
      %convert_element_type3A_311 = arith.extui %lt3A_310 : i1 to i32
      %cond3A_312 = arith.constant 0 : i32
      %cond3A_313 = arith.cmpi ne, %convert_element_type3A_311, %cond3A_312 : i32
      scf.if %cond3A_313 {
        %add3A_461 = arith.constant 4 : i32
        %add3A_462 = arith.addi %mul3A_266, %add3A_461 : i32
        %add3A_463 = arith.addi %add3A_8, %add3A_462 : i32
        %mul3A_464 = arith.constant 80 : i32
        %mul3A_465 = arith.muli %add3A_463, %mul3A_464 : i32
        %dma_start3A_466 = arith.constant 0 : i32
        %dma_start3A_467 = arith.constant 0 : i32
        %dma_start3A_468 = tpu.memref_slice %arg7[%dma_start3A_466, %dma_start3A_467] : memref<4x80xi32, #tpu.memory_space<vmem>> -> memref<1x80xi32, #tpu.memory_space<vmem>>
        %dma_start3A_469 = tpu.memref_squeeze %dma_start3A_468 : memref<1x80xi32, #tpu.memory_space<vmem>> -> memref<80xi32, #tpu.memory_space<vmem>>
        %dma_start3A_470 = tpu.memref_slice %arg3[%mul3A_465] : memref<320000xi32, #tpu.memory_space<hbm>> -> memref<80xi32, #tpu.memory_space<hbm>>
        %dma_start3A_471 = arith.constant 0 : i32
        %dma_start3A_472 = tpu.memref_slice %arg7[%dma_start3A_466, %dma_start3A_471] : memref<4x80xi32, #tpu.memory_space<vmem>> -> memref<1x80xi32, #tpu.memory_space<vmem>>
        %dma_start3A_473 = tpu.memref_squeeze %dma_start3A_472 : memref<1x80xi32, #tpu.memory_space<vmem>> -> memref<80xi32, #tpu.memory_space<vmem>>
        %dma_start3A_474 = tpu.memref_slice %arg3[%mul3A_465] : memref<320000xi32, #tpu.memory_space<hbm>> -> memref<80xi32, #tpu.memory_space<hbm>>
        tpu.enqueue_dma source(%dma_start3A_474 : memref<80xi32, #tpu.memory_space<hbm>>) target(%dma_start3A_473 : memref<80xi32, #tpu.memory_space<vmem>>) target_semaphore(%arg15 : memref<!tpu.dma_semaphore, #tpu.memory_space<semaphore_mem>>)
      } else {
      }
      %add3A_314 = arith.constant 1 : i32
      %add3A_315 = arith.addi %mul3A_266, %add3A_314 : i32
      %dma_wait3A_316 = arith.constant 1 : i32
      %dma_wait3A_317 = arith.constant 1 : i32
      %dma_wait3A_318 = arith.constant 0 : i32
      %dma_wait3A_319 = arith.constant 0 : i32
      %dma_wait3A_320 = tpu.memref_slice %arg9[%dma_wait3A_317, %dma_wait3A_318, %dma_wait3A_319] : memref<4x80x128xf32, #tpu.memory_space<vmem>> -> memref<1x80x128xf32, #tpu.memory_space<vmem>>
      %dma_wait3A_321 = tpu.memref_squeeze %dma_wait3A_320 : memref<1x80x128xf32, #tpu.memory_space<vmem>> -> memref<80x128xf32, #tpu.memory_space<vmem>>
      %dma_wait3A_322 = arith.constant 0 : i32
      %dma_wait3A_323 = tpu.memref_slice %arg7[%dma_wait3A_316, %dma_wait3A_322] : memref<4x80xi32, #tpu.memory_space<vmem>> -> memref<1x80xi32, #tpu.memory_space<vmem>>
      %dma_wait3A_324 = tpu.memref_squeeze %dma_wait3A_323 : memref<1x80xi32, #tpu.memory_space<vmem>> -> memref<80xi32, #tpu.memory_space<vmem>>
      %dma_wait3A_325 = arith.constant 0 : i32
      %dma_wait3A_326 = arith.constant 0 : i32
      %dma_wait3A_327 = tpu.memref_slice %arg2[%dma_wait3A_325, %dma_wait3A_326] : memref<10000x128xf32, #tpu.memory_space<hbm>> -> memref<10000x128xf32, #tpu.memory_space<hbm>>
      tpu.wait_indirect_dma semaphore(%arg12 : memref<!tpu.dma_semaphore, #tpu.memory_space<semaphore_mem>>) src(%dma_wait3A_327 : memref<10000x128xf32, #tpu.memory_space<hbm>>) dst(%dma_wait3A_321 : memref<80x128xf32, #tpu.memory_space<vmem>>)
      %dma_wait3A_328 = arith.constant 1 : i32
      %dma_wait3A_329 = arith.constant 0 : i32
      %dma_wait3A_330 = tpu.memref_slice %arg8[%dma_wait3A_328, %dma_wait3A_329] : memref<4x80xi32, #tpu.memory_space<vmem>> -> memref<1x80xi32, #tpu.memory_space<vmem>>
      %dma_wait3A_331 = tpu.memref_squeeze %dma_wait3A_330 : memref<1x80xi32, #tpu.memory_space<vmem>> -> memref<80xi32, #tpu.memory_space<vmem>>
      %dma_wait3A_332 = arith.constant 0 : i32
      %dma_wait3A_333 = tpu.memref_slice %arg4[%dma_wait3A_332] : memref<320000xi32, #tpu.memory_space<hbm>> -> memref<80xi32, #tpu.memory_space<hbm>>
      %dma_wait3A_334 = arith.constant 0 : i32
      %dma_wait3A_335 = tpu.memref_slice %arg8[%dma_wait3A_328, %dma_wait3A_334] : memref<4x80xi32, #tpu.memory_space<vmem>> -> memref<1x80xi32, #tpu.memory_space<vmem>>
      %dma_wait3A_336 = tpu.memref_squeeze %dma_wait3A_335 : memref<1x80xi32, #tpu.memory_space<vmem>> -> memref<80xi32, #tpu.memory_space<vmem>>
      %dma_wait3A_337 = arith.constant 0 : i32
      %dma_wait3A_338 = tpu.memref_slice %arg4[%dma_wait3A_337] : memref<320000xi32, #tpu.memory_space<hbm>> -> memref<80xi32, #tpu.memory_space<hbm>>
      tpu.wait_dma2 semaphore(%arg20 : memref<!tpu.dma_semaphore, #tpu.memory_space<semaphore_mem>>) src(%dma_wait3A_338 : memref<80xi32, #tpu.memory_space<hbm>>) dst(%dma_wait3A_336 : memref<80xi32, #tpu.memory_space<vmem>>)
      %dma_start3A_339 = arith.constant 1 : i32
      %dma_start3A_340 = arith.constant 1 : i32
      %dma_start3A_341 = arith.constant 0 : i32
      %dma_start3A_342 = arith.constant 0 : i32
      %dma_start3A_343 = tpu.memref_slice %arg9[%dma_start3A_339, %dma_start3A_341, %dma_start3A_342] : memref<4x80x128xf32, #tpu.memory_space<vmem>> -> memref<1x80x128xf32, #tpu.memory_space<vmem>>
      %dma_start3A_344 = tpu.memref_squeeze %dma_start3A_343 : memref<1x80x128xf32, #tpu.memory_space<vmem>> -> memref<80x128xf32, #tpu.memory_space<vmem>>
      %dma_start3A_345 = arith.constant 0 : i32
      %dma_start3A_346 = tpu.memref_slice %arg8[%dma_start3A_340, %dma_start3A_345] : memref<4x80xi32, #tpu.memory_space<vmem>> -> memref<1x80xi32, #tpu.memory_space<vmem>>
      %dma_start3A_347 = tpu.memref_squeeze %dma_start3A_346 : memref<1x80xi32, #tpu.memory_space<vmem>> -> memref<80xi32, #tpu.memory_space<vmem>>
      %dma_start3A_348 = arith.constant 0 : i32
      %dma_start3A_349 = arith.constant 0 : i32
      %dma_start3A_350 = tpu.memref_slice %arg10[%dma_start3A_348, %dma_start3A_349] : memref<10112x128xf32, #tpu.memory_space<vmem_shared>> -> memref<10112x128xf32, #tpu.memory_space<vmem_shared>>
      tpu.enqueue_indirect_dma source(%dma_start3A_344 : memref<80x128xf32, #tpu.memory_space<vmem>>) target(%dma_start3A_350 : memref<10112x128xf32, #tpu.memory_space<vmem_shared>>) offsets(%dma_start3A_347 : memref<80xi32, #tpu.memory_space<vmem>>) semaphore(%arg24 : memref<!tpu.dma_semaphore, #tpu.memory_space<semaphore_mem>>) {add = true}
      %add3A_351 = arith.constant 2 : i32
      %add3A_352 = arith.addi %add3A_315, %add3A_351 : i32
      %lt3A_353 = arith.cmpi slt, %add3A_352, %add3A_4 : i32
      %convert_element_type3A_354 = arith.extui %lt3A_353 : i1 to i32
      %cond3A_355 = arith.constant 0 : i32
      %cond3A_356 = arith.cmpi ne, %convert_element_type3A_354, %cond3A_355 : i32
      scf.if %cond3A_356 {
        %ge3A = arith.constant 2 : i32
        %ge3A_461 = arith.cmpi sge, %add3A_315, %ge3A : i32
        %convert_element_type3A_462 = arith.extui %ge3A_461 : i1 to i32
        %cond3A_463 = arith.constant 0 : i32
        %cond3A_464 = arith.cmpi ne, %convert_element_type3A_462, %cond3A_463 : i32
        scf.if %cond3A_464 {
          %dma_wait3A_488 = arith.constant 3 : i32
          %dma_wait3A_489 = arith.constant 3 : i32
          %dma_wait3A_490 = arith.constant 0 : i32
          %dma_wait3A_491 = arith.constant 0 : i32
          %dma_wait3A_492 = tpu.memref_slice %arg9[%dma_wait3A_488, %dma_wait3A_490, %dma_wait3A_491] : memref<4x80x128xf32, #tpu.memory_space<vmem>> -> memref<1x80x128xf32, #tpu.memory_space<vmem>>
          %dma_wait3A_493 = tpu.memref_squeeze %dma_wait3A_492 : memref<1x80x128xf32, #tpu.memory_space<vmem>> -> memref<80x128xf32, #tpu.memory_space<vmem>>
          %dma_wait3A_494 = arith.constant 0 : i32
          %dma_wait3A_495 = tpu.memref_slice %arg8[%dma_wait3A_489, %dma_wait3A_494] : memref<4x80xi32, #tpu.memory_space<vmem>> -> memref<1x80xi32, #tpu.memory_space<vmem>>
          %dma_wait3A_496 = tpu.memref_squeeze %dma_wait3A_495 : memref<1x80xi32, #tpu.memory_space<vmem>> -> memref<80xi32, #tpu.memory_space<vmem>>
          %dma_wait3A_497 = arith.constant 0 : i32
          %dma_wait3A_498 = arith.constant 0 : i32
          %dma_wait3A_499 = tpu.memref_slice %arg10[%dma_wait3A_497, %dma_wait3A_498] : memref<10112x128xf32, #tpu.memory_space<vmem_shared>> -> memref<10112x128xf32, #tpu.memory_space<vmem_shared>>
          tpu.wait_indirect_dma semaphore(%arg26 : memref<!tpu.dma_semaphore, #tpu.memory_space<semaphore_mem>>) src(%dma_wait3A_493 : memref<80x128xf32, #tpu.memory_space<vmem>>) dst(%dma_wait3A_499 : memref<10112x128xf32, #tpu.memory_space<vmem_shared>>)
          %add3A_500 = arith.constant 2 : i32
          %add3A_501 = arith.addi %add3A_315, %add3A_500 : i32
          %add3A_502 = arith.addi %add3A_8, %add3A_501 : i32
          %mul3A_503 = arith.constant 80 : i32
          %mul3A_504 = arith.muli %add3A_502, %mul3A_503 : i32
          %dma_start3A_505 = arith.constant 3 : i32
          %dma_start3A_506 = arith.constant 0 : i32
          %dma_start3A_507 = tpu.memref_slice %arg8[%dma_start3A_505, %dma_start3A_506] : memref<4x80xi32, #tpu.memory_space<vmem>> -> memref<1x80xi32, #tpu.memory_space<vmem>>
          %dma_start3A_508 = tpu.memref_squeeze %dma_start3A_507 : memref<1x80xi32, #tpu.memory_space<vmem>> -> memref<80xi32, #tpu.memory_space<vmem>>
          %dma_start3A_509 = tpu.memref_slice %arg4[%mul3A_504] : memref<320000xi32, #tpu.memory_space<hbm>> -> memref<80xi32, #tpu.memory_space<hbm>>
          %dma_start3A_510 = arith.constant 0 : i32
          %dma_start3A_511 = tpu.memref_slice %arg8[%dma_start3A_505, %dma_start3A_510] : memref<4x80xi32, #tpu.memory_space<vmem>> -> memref<1x80xi32, #tpu.memory_space<vmem>>
          %dma_start3A_512 = tpu.memref_squeeze %dma_start3A_511 : memref<1x80xi32, #tpu.memory_space<vmem>> -> memref<80xi32, #tpu.memory_space<vmem>>
          %dma_start3A_513 = tpu.memref_slice %arg4[%mul3A_504] : memref<320000xi32, #tpu.memory_space<hbm>> -> memref<80xi32, #tpu.memory_space<hbm>>
          tpu.enqueue_dma source(%dma_start3A_513 : memref<80xi32, #tpu.memory_space<hbm>>) target(%dma_start3A_512 : memref<80xi32, #tpu.memory_space<vmem>>) target_semaphore(%arg22 : memref<!tpu.dma_semaphore, #tpu.memory_space<semaphore_mem>>)
        } else {
        }
        %dma_wait3A_465 = arith.constant 3 : i32
        %dma_wait3A_466 = arith.constant 0 : i32
        %dma_wait3A_467 = tpu.memref_slice %arg7[%dma_wait3A_465, %dma_wait3A_466] : memref<4x80xi32, #tpu.memory_space<vmem>> -> memref<1x80xi32, #tpu.memory_space<vmem>>
        %dma_wait3A_468 = tpu.memref_squeeze %dma_wait3A_467 : memref<1x80xi32, #tpu.memory_space<vmem>> -> memref<80xi32, #tpu.memory_space<vmem>>
        %dma_wait3A_469 = arith.constant 0 : i32
        %dma_wait3A_470 = tpu.memref_slice %arg3[%dma_wait3A_469] : memref<320000xi32, #tpu.memory_space<hbm>> -> memref<80xi32, #tpu.memory_space<hbm>>
        %dma_wait3A_471 = arith.constant 0 : i32
        %dma_wait3A_472 = tpu.memref_slice %arg7[%dma_wait3A_465, %dma_wait3A_471] : memref<4x80xi32, #tpu.memory_space<vmem>> -> memref<1x80xi32, #tpu.memory_space<vmem>>
        %dma_wait3A_473 = tpu.memref_squeeze %dma_wait3A_472 : memref<1x80xi32, #tpu.memory_space<vmem>> -> memref<80xi32, #tpu.memory_space<vmem>>
        %dma_wait3A_474 = arith.constant 0 : i32
        %dma_wait3A_475 = tpu.memref_slice %arg3[%dma_wait3A_474] : memref<320000xi32, #tpu.memory_space<hbm>> -> memref<80xi32, #tpu.memory_space<hbm>>
        tpu.wait_dma2 semaphore(%arg18 : memref<!tpu.dma_semaphore, #tpu.memory_space<semaphore_mem>>) src(%dma_wait3A_475 : memref<80xi32, #tpu.memory_space<hbm>>) dst(%dma_wait3A_473 : memref<80xi32, #tpu.memory_space<vmem>>)
        %dma_start3A_476 = arith.constant 3 : i32
        %dma_start3A_477 = arith.constant 3 : i32
        %dma_start3A_478 = arith.constant 0 : i32
        %dma_start3A_479 = arith.constant 0 : i32
        %dma_start3A_480 = tpu.memref_slice %arg9[%dma_start3A_477, %dma_start3A_478, %dma_start3A_479] : memref<4x80x128xf32, #tpu.memory_space<vmem>> -> memref<1x80x128xf32, #tpu.memory_space<vmem>>
        %dma_start3A_481 = tpu.memref_squeeze %dma_start3A_480 : memref<1x80x128xf32, #tpu.memory_space<vmem>> -> memref<80x128xf32, #tpu.memory_space<vmem>>
        %dma_start3A_482 = arith.constant 0 : i32
        %dma_start3A_483 = tpu.memref_slice %arg7[%dma_start3A_476, %dma_start3A_482] : memref<4x80xi32, #tpu.memory_space<vmem>> -> memref<1x80xi32, #tpu.memory_space<vmem>>
        %dma_start3A_484 = tpu.memref_squeeze %dma_start3A_483 : memref<1x80xi32, #tpu.memory_space<vmem>> -> memref<80xi32, #tpu.memory_space<vmem>>
        %dma_start3A_485 = arith.constant 0 : i32
        %dma_start3A_486 = arith.constant 0 : i32
        %dma_start3A_487 = tpu.memref_slice %arg2[%dma_start3A_485, %dma_start3A_486] : memref<10000x128xf32, #tpu.memory_space<hbm>> -> memref<10000x128xf32, #tpu.memory_space<hbm>>
        tpu.enqueue_indirect_dma source(%dma_start3A_487 : memref<10000x128xf32, #tpu.memory_space<hbm>>) target(%dma_start3A_481 : memref<80x128xf32, #tpu.memory_space<vmem>>) offsets(%dma_start3A_484 : memref<80xi32, #tpu.memory_space<vmem>>) semaphore(%arg14 : memref<!tpu.dma_semaphore, #tpu.memory_space<semaphore_mem>>)
      } else {
      }
      %add3A_357 = arith.constant 4 : i32
      %add3A_358 = arith.addi %add3A_315, %add3A_357 : i32
      %lt3A_359 = arith.cmpi slt, %add3A_358, %add3A_4 : i32
      %convert_element_type3A_360 = arith.extui %lt3A_359 : i1 to i32
      %cond3A_361 = arith.constant 0 : i32
      %cond3A_362 = arith.cmpi ne, %convert_element_type3A_360, %cond3A_361 : i32
      scf.if %cond3A_362 {
        %add3A_461 = arith.constant 4 : i32
        %add3A_462 = arith.addi %add3A_315, %add3A_461 : i32
        %add3A_463 = arith.addi %add3A_8, %add3A_462 : i32
        %mul3A_464 = arith.constant 80 : i32
        %mul3A_465 = arith.muli %add3A_463, %mul3A_464 : i32
        %dma_start3A_466 = arith.constant 1 : i32
        %dma_start3A_467 = arith.constant 0 : i32
        %dma_start3A_468 = tpu.memref_slice %arg7[%dma_start3A_466, %dma_start3A_467] : memref<4x80xi32, #tpu.memory_space<vmem>> -> memref<1x80xi32, #tpu.memory_space<vmem>>
        %dma_start3A_469 = tpu.memref_squeeze %dma_start3A_468 : memref<1x80xi32, #tpu.memory_space<vmem>> -> memref<80xi32, #tpu.memory_space<vmem>>
        %dma_start3A_470 = tpu.memref_slice %arg3[%mul3A_465] : memref<320000xi32, #tpu.memory_space<hbm>> -> memref<80xi32, #tpu.memory_space<hbm>>
        %dma_start3A_471 = arith.constant 0 : i32
        %dma_start3A_472 = tpu.memref_slice %arg7[%dma_start3A_466, %dma_start3A_471] : memref<4x80xi32, #tpu.memory_space<vmem>> -> memref<1x80xi32, #tpu.memory_space<vmem>>
        %dma_start3A_473 = tpu.memref_squeeze %dma_start3A_472 : memref<1x80xi32, #tpu.memory_space<vmem>> -> memref<80xi32, #tpu.memory_space<vmem>>
        %dma_start3A_474 = tpu.memref_slice %arg3[%mul3A_465] : memref<320000xi32, #tpu.memory_space<hbm>> -> memref<80xi32, #tpu.memory_space<hbm>>
        tpu.enqueue_dma source(%dma_start3A_474 : memref<80xi32, #tpu.memory_space<hbm>>) target(%dma_start3A_473 : memref<80xi32, #tpu.memory_space<vmem>>) target_semaphore(%arg16 : memref<!tpu.dma_semaphore, #tpu.memory_space<semaphore_mem>>)
      } else {
      }
      %add3A_363 = arith.constant 2 : i32
      %add3A_364 = arith.addi %mul3A_266, %add3A_363 : i32
      %dma_wait3A_365 = arith.constant 2 : i32
      %dma_wait3A_366 = arith.constant 2 : i32
      %dma_wait3A_367 = arith.constant 0 : i32
      %dma_wait3A_368 = arith.constant 0 : i32
      %dma_wait3A_369 = tpu.memref_slice %arg9[%dma_wait3A_366, %dma_wait3A_367, %dma_wait3A_368] : memref<4x80x128xf32, #tpu.memory_space<vmem>> -> memref<1x80x128xf32, #tpu.memory_space<vmem>>
      %dma_wait3A_370 = tpu.memref_squeeze %dma_wait3A_369 : memref<1x80x128xf32, #tpu.memory_space<vmem>> -> memref<80x128xf32, #tpu.memory_space<vmem>>
      %dma_wait3A_371 = arith.constant 0 : i32
      %dma_wait3A_372 = tpu.memref_slice %arg7[%dma_wait3A_365, %dma_wait3A_371] : memref<4x80xi32, #tpu.memory_space<vmem>> -> memref<1x80xi32, #tpu.memory_space<vmem>>
      %dma_wait3A_373 = tpu.memref_squeeze %dma_wait3A_372 : memref<1x80xi32, #tpu.memory_space<vmem>> -> memref<80xi32, #tpu.memory_space<vmem>>
      %dma_wait3A_374 = arith.constant 0 : i32
      %dma_wait3A_375 = arith.constant 0 : i32
      %dma_wait3A_376 = tpu.memref_slice %arg2[%dma_wait3A_374, %dma_wait3A_375] : memref<10000x128xf32, #tpu.memory_space<hbm>> -> memref<10000x128xf32, #tpu.memory_space<hbm>>
      tpu.wait_indirect_dma semaphore(%arg13 : memref<!tpu.dma_semaphore, #tpu.memory_space<semaphore_mem>>) src(%dma_wait3A_376 : memref<10000x128xf32, #tpu.memory_space<hbm>>) dst(%dma_wait3A_370 : memref<80x128xf32, #tpu.memory_space<vmem>>)
      %dma_wait3A_377 = arith.constant 2 : i32
      %dma_wait3A_378 = arith.constant 0 : i32
      %dma_wait3A_379 = tpu.memref_slice %arg8[%dma_wait3A_377, %dma_wait3A_378] : memref<4x80xi32, #tpu.memory_space<vmem>> -> memref<1x80xi32, #tpu.memory_space<vmem>>
      %dma_wait3A_380 = tpu.memref_squeeze %dma_wait3A_379 : memref<1x80xi32, #tpu.memory_space<vmem>> -> memref<80xi32, #tpu.memory_space<vmem>>
      %dma_wait3A_381 = arith.constant 0 : i32
      %dma_wait3A_382 = tpu.memref_slice %arg4[%dma_wait3A_381] : memref<320000xi32, #tpu.memory_space<hbm>> -> memref<80xi32, #tpu.memory_space<hbm>>
      %dma_wait3A_383 = arith.constant 0 : i32
      %dma_wait3A_384 = tpu.memref_slice %arg8[%dma_wait3A_377, %dma_wait3A_383] : memref<4x80xi32, #tpu.memory_space<vmem>> -> memref<1x80xi32, #tpu.memory_space<vmem>>
      %dma_wait3A_385 = tpu.memref_squeeze %dma_wait3A_384 : memref<1x80xi32, #tpu.memory_space<vmem>> -> memref<80xi32, #tpu.memory_space<vmem>>
      %dma_wait3A_386 = arith.constant 0 : i32
      %dma_wait3A_387 = tpu.memref_slice %arg4[%dma_wait3A_386] : memref<320000xi32, #tpu.memory_space<hbm>> -> memref<80xi32, #tpu.memory_space<hbm>>
      tpu.wait_dma2 semaphore(%arg21 : memref<!tpu.dma_semaphore, #tpu.memory_space<semaphore_mem>>) src(%dma_wait3A_387 : memref<80xi32, #tpu.memory_space<hbm>>) dst(%dma_wait3A_385 : memref<80xi32, #tpu.memory_space<vmem>>)
      %dma_start3A_388 = arith.constant 2 : i32
      %dma_start3A_389 = arith.constant 2 : i32
      %dma_start3A_390 = arith.constant 0 : i32
      %dma_start3A_391 = arith.constant 0 : i32
      %dma_start3A_392 = tpu.memref_slice %arg9[%dma_start3A_388, %dma_start3A_390, %dma_start3A_391] : memref<4x80x128xf32, #tpu.memory_space<vmem>> -> memref<1x80x128xf32, #tpu.memory_space<vmem>>
      %dma_start3A_393 = tpu.memref_squeeze %dma_start3A_392 : memref<1x80x128xf32, #tpu.memory_space<vmem>> -> memref<80x128xf32, #tpu.memory_space<vmem>>
      %dma_start3A_394 = arith.constant 0 : i32
      %dma_start3A_395 = tpu.memref_slice %arg8[%dma_start3A_389, %dma_start3A_394] : memref<4x80xi32, #tpu.memory_space<vmem>> -> memref<1x80xi32, #tpu.memory_space<vmem>>
      %dma_start3A_396 = tpu.memref_squeeze %dma_start3A_395 : memref<1x80xi32, #tpu.memory_space<vmem>> -> memref<80xi32, #tpu.memory_space<vmem>>
      %dma_start3A_397 = arith.constant 0 : i32
      %dma_start3A_398 = arith.constant 0 : i32
      %dma_start3A_399 = tpu.memref_slice %arg10[%dma_start3A_397, %dma_start3A_398] : memref<10112x128xf32, #tpu.memory_space<vmem_shared>> -> memref<10112x128xf32, #tpu.memory_space<vmem_shared>>
      tpu.enqueue_indirect_dma source(%dma_start3A_393 : memref<80x128xf32, #tpu.memory_space<vmem>>) target(%dma_start3A_399 : memref<10112x128xf32, #tpu.memory_space<vmem_shared>>) offsets(%dma_start3A_396 : memref<80xi32, #tpu.memory_space<vmem>>) semaphore(%arg25 : memref<!tpu.dma_semaphore, #tpu.memory_space<semaphore_mem>>) {add = true}
      %add3A_400 = arith.constant 2 : i32
      %add3A_401 = arith.addi %add3A_364, %add3A_400 : i32
      %lt3A_402 = arith.cmpi slt, %add3A_401, %add3A_4 : i32
      %convert_element_type3A_403 = arith.extui %lt3A_402 : i1 to i32
      %cond3A_404 = arith.constant 0 : i32
      %cond3A_405 = arith.cmpi ne, %convert_element_type3A_403, %cond3A_404 : i32
      scf.if %cond3A_405 {
        %ge3A = arith.constant 2 : i32
        %ge3A_461 = arith.cmpi sge, %add3A_364, %ge3A : i32
        %convert_element_type3A_462 = arith.extui %ge3A_461 : i1 to i32
        %cond3A_463 = arith.constant 0 : i32
        %cond3A_464 = arith.cmpi ne, %convert_element_type3A_462, %cond3A_463 : i32
        scf.if %cond3A_464 {
          %dma_wait3A_488 = arith.constant 0 : i32
          %dma_wait3A_489 = arith.constant 0 : i32
          %dma_wait3A_490 = arith.constant 0 : i32
          %dma_wait3A_491 = arith.constant 0 : i32
          %dma_wait3A_492 = tpu.memref_slice %arg9[%dma_wait3A_488, %dma_wait3A_490, %dma_wait3A_491] : memref<4x80x128xf32, #tpu.memory_space<vmem>> -> memref<1x80x128xf32, #tpu.memory_space<vmem>>
          %dma_wait3A_493 = tpu.memref_squeeze %dma_wait3A_492 : memref<1x80x128xf32, #tpu.memory_space<vmem>> -> memref<80x128xf32, #tpu.memory_space<vmem>>
          %dma_wait3A_494 = arith.constant 0 : i32
          %dma_wait3A_495 = tpu.memref_slice %arg8[%dma_wait3A_489, %dma_wait3A_494] : memref<4x80xi32, #tpu.memory_space<vmem>> -> memref<1x80xi32, #tpu.memory_space<vmem>>
          %dma_wait3A_496 = tpu.memref_squeeze %dma_wait3A_495 : memref<1x80xi32, #tpu.memory_space<vmem>> -> memref<80xi32, #tpu.memory_space<vmem>>
          %dma_wait3A_497 = arith.constant 0 : i32
          %dma_wait3A_498 = arith.constant 0 : i32
          %dma_wait3A_499 = tpu.memref_slice %arg10[%dma_wait3A_497, %dma_wait3A_498] : memref<10112x128xf32, #tpu.memory_space<vmem_shared>> -> memref<10112x128xf32, #tpu.memory_space<vmem_shared>>
          tpu.wait_indirect_dma semaphore(%arg23 : memref<!tpu.dma_semaphore, #tpu.memory_space<semaphore_mem>>) src(%dma_wait3A_493 : memref<80x128xf32, #tpu.memory_space<vmem>>) dst(%dma_wait3A_499 : memref<10112x128xf32, #tpu.memory_space<vmem_shared>>)
          %add3A_500 = arith.constant 2 : i32
          %add3A_501 = arith.addi %add3A_364, %add3A_500 : i32
          %add3A_502 = arith.addi %add3A_8, %add3A_501 : i32
          %mul3A_503 = arith.constant 80 : i32
          %mul3A_504 = arith.muli %add3A_502, %mul3A_503 : i32
          %dma_start3A_505 = arith.constant 0 : i32
          %dma_start3A_506 = arith.constant 0 : i32
          %dma_start3A_507 = tpu.memref_slice %arg8[%dma_start3A_505, %dma_start3A_506] : memref<4x80xi32, #tpu.memory_space<vmem>> -> memref<1x80xi32, #tpu.memory_space<vmem>>
          %dma_start3A_508 = tpu.memref_squeeze %dma_start3A_507 : memref<1x80xi32, #tpu.memory_space<vmem>> -> memref<80xi32, #tpu.memory_space<vmem>>
          %dma_start3A_509 = tpu.memref_slice %arg4[%mul3A_504] : memref<320000xi32, #tpu.memory_space<hbm>> -> memref<80xi32, #tpu.memory_space<hbm>>
          %dma_start3A_510 = arith.constant 0 : i32
          %dma_start3A_511 = tpu.memref_slice %arg8[%dma_start3A_505, %dma_start3A_510] : memref<4x80xi32, #tpu.memory_space<vmem>> -> memref<1x80xi32, #tpu.memory_space<vmem>>
          %dma_start3A_512 = tpu.memref_squeeze %dma_start3A_511 : memref<1x80xi32, #tpu.memory_space<vmem>> -> memref<80xi32, #tpu.memory_space<vmem>>
          %dma_start3A_513 = tpu.memref_slice %arg4[%mul3A_504] : memref<320000xi32, #tpu.memory_space<hbm>> -> memref<80xi32, #tpu.memory_space<hbm>>
          tpu.enqueue_dma source(%dma_start3A_513 : memref<80xi32, #tpu.memory_space<hbm>>) target(%dma_start3A_512 : memref<80xi32, #tpu.memory_space<vmem>>) target_semaphore(%arg19 : memref<!tpu.dma_semaphore, #tpu.memory_space<semaphore_mem>>)
        } else {
        }
        %dma_wait3A_465 = arith.constant 0 : i32
        %dma_wait3A_466 = arith.constant 0 : i32
        %dma_wait3A_467 = tpu.memref_slice %arg7[%dma_wait3A_465, %dma_wait3A_466] : memref<4x80xi32, #tpu.memory_space<vmem>> -> memref<1x80xi32, #tpu.memory_space<vmem>>
        %dma_wait3A_468 = tpu.memref_squeeze %dma_wait3A_467 : memref<1x80xi32, #tpu.memory_space<vmem>> -> memref<80xi32, #tpu.memory_space<vmem>>
        %dma_wait3A_469 = arith.constant 0 : i32
        %dma_wait3A_470 = tpu.memref_slice %arg3[%dma_wait3A_469] : memref<320000xi32, #tpu.memory_space<hbm>> -> memref<80xi32, #tpu.memory_space<hbm>>
        %dma_wait3A_471 = arith.constant 0 : i32
        %dma_wait3A_472 = tpu.memref_slice %arg7[%dma_wait3A_465, %dma_wait3A_471] : memref<4x80xi32, #tpu.memory_space<vmem>> -> memref<1x80xi32, #tpu.memory_space<vmem>>
        %dma_wait3A_473 = tpu.memref_squeeze %dma_wait3A_472 : memref<1x80xi32, #tpu.memory_space<vmem>> -> memref<80xi32, #tpu.memory_space<vmem>>
        %dma_wait3A_474 = arith.constant 0 : i32
        %dma_wait3A_475 = tpu.memref_slice %arg3[%dma_wait3A_474] : memref<320000xi32, #tpu.memory_space<hbm>> -> memref<80xi32, #tpu.memory_space<hbm>>
        tpu.wait_dma2 semaphore(%arg15 : memref<!tpu.dma_semaphore, #tpu.memory_space<semaphore_mem>>) src(%dma_wait3A_475 : memref<80xi32, #tpu.memory_space<hbm>>) dst(%dma_wait3A_473 : memref<80xi32, #tpu.memory_space<vmem>>)
        %dma_start3A_476 = arith.constant 0 : i32
        %dma_start3A_477 = arith.constant 0 : i32
        %dma_start3A_478 = arith.constant 0 : i32
        %dma_start3A_479 = arith.constant 0 : i32
        %dma_start3A_480 = tpu.memref_slice %arg9[%dma_start3A_477, %dma_start3A_478, %dma_start3A_479] : memref<4x80x128xf32, #tpu.memory_space<vmem>> -> memref<1x80x128xf32, #tpu.memory_space<vmem>>
        %dma_start3A_481 = tpu.memref_squeeze %dma_start3A_480 : memref<1x80x128xf32, #tpu.memory_space<vmem>> -> memref<80x128xf32, #tpu.memory_space<vmem>>
        %dma_start3A_482 = arith.constant 0 : i32
        %dma_start3A_483 = tpu.memref_slice %arg7[%dma_start3A_476, %dma_start3A_482] : memref<4x80xi32, #tpu.memory_space<vmem>> -> memref<1x80xi32, #tpu.memory_space<vmem>>
        %dma_start3A_484 = tpu.memref_squeeze %dma_start3A_483 : memref<1x80xi32, #tpu.memory_space<vmem>> -> memref<80xi32, #tpu.memory_space<vmem>>
        %dma_start3A_485 = arith.constant 0 : i32
        %dma_start3A_486 = arith.constant 0 : i32
        %dma_start3A_487 = tpu.memref_slice %arg2[%dma_start3A_485, %dma_start3A_486] : memref<10000x128xf32, #tpu.memory_space<hbm>> -> memref<10000x128xf32, #tpu.memory_space<hbm>>
        tpu.enqueue_indirect_dma source(%dma_start3A_487 : memref<10000x128xf32, #tpu.memory_space<hbm>>) target(%dma_start3A_481 : memref<80x128xf32, #tpu.memory_space<vmem>>) offsets(%dma_start3A_484 : memref<80xi32, #tpu.memory_space<vmem>>) semaphore(%arg11 : memref<!tpu.dma_semaphore, #tpu.memory_space<semaphore_mem>>)
      } else {
      }
      %add3A_406 = arith.constant 4 : i32
      %add3A_407 = arith.addi %add3A_364, %add3A_406 : i32
      %lt3A_408 = arith.cmpi slt, %add3A_407, %add3A_4 : i32
      %convert_element_type3A_409 = arith.extui %lt3A_408 : i1 to i32
      %cond3A_410 = arith.constant 0 : i32
      %cond3A_411 = arith.cmpi ne, %convert_element_type3A_409, %cond3A_410 : i32
      scf.if %cond3A_411 {
        %add3A_461 = arith.constant 4 : i32
        %add3A_462 = arith.addi %add3A_364, %add3A_461 : i32
        %add3A_463 = arith.addi %add3A_8, %add3A_462 : i32
        %mul3A_464 = arith.constant 80 : i32
        %mul3A_465 = arith.muli %add3A_463, %mul3A_464 : i32
        %dma_start3A_466 = arith.constant 2 : i32
        %dma_start3A_467 = arith.constant 0 : i32
        %dma_start3A_468 = tpu.memref_slice %arg7[%dma_start3A_466, %dma_start3A_467] : memref<4x80xi32, #tpu.memory_space<vmem>> -> memref<1x80xi32, #tpu.memory_space<vmem>>
        %dma_start3A_469 = tpu.memref_squeeze %dma_start3A_468 : memref<1x80xi32, #tpu.memory_space<vmem>> -> memref<80xi32, #tpu.memory_space<vmem>>
        %dma_start3A_470 = tpu.memref_slice %arg3[%mul3A_465] : memref<320000xi32, #tpu.memory_space<hbm>> -> memref<80xi32, #tpu.memory_space<hbm>>
        %dma_start3A_471 = arith.constant 0 : i32
        %dma_start3A_472 = tpu.memref_slice %arg7[%dma_start3A_466, %dma_start3A_471] : memref<4x80xi32, #tpu.memory_space<vmem>> -> memref<1x80xi32, #tpu.memory_space<vmem>>
        %dma_start3A_473 = tpu.memref_squeeze %dma_start3A_472 : memref<1x80xi32, #tpu.memory_space<vmem>> -> memref<80xi32, #tpu.memory_space<vmem>>
        %dma_start3A_474 = tpu.memref_slice %arg3[%mul3A_465] : memref<320000xi32, #tpu.memory_space<hbm>> -> memref<80xi32, #tpu.memory_space<hbm>>
        tpu.enqueue_dma source(%dma_start3A_474 : memref<80xi32, #tpu.memory_space<hbm>>) target(%dma_start3A_473 : memref<80xi32, #tpu.memory_space<vmem>>) target_semaphore(%arg17 : memref<!tpu.dma_semaphore, #tpu.memory_space<semaphore_mem>>)
      } else {
      }
      %add3A_412 = arith.constant 3 : i32
      %add3A_413 = arith.addi %mul3A_266, %add3A_412 : i32
      %dma_wait3A_414 = arith.constant 3 : i32
      %dma_wait3A_415 = arith.constant 3 : i32
      %dma_wait3A_416 = arith.constant 0 : i32
      %dma_wait3A_417 = arith.constant 0 : i32
      %dma_wait3A_418 = tpu.memref_slice %arg9[%dma_wait3A_415, %dma_wait3A_416, %dma_wait3A_417] : memref<4x80x128xf32, #tpu.memory_space<vmem>> -> memref<1x80x128xf32, #tpu.memory_space<vmem>>
      %dma_wait3A_419 = tpu.memref_squeeze %dma_wait3A_418 : memref<1x80x128xf32, #tpu.memory_space<vmem>> -> memref<80x128xf32, #tpu.memory_space<vmem>>
      %dma_wait3A_420 = arith.constant 0 : i32
      %dma_wait3A_421 = tpu.memref_slice %arg7[%dma_wait3A_414, %dma_wait3A_420] : memref<4x80xi32, #tpu.memory_space<vmem>> -> memref<1x80xi32, #tpu.memory_space<vmem>>
      %dma_wait3A_422 = tpu.memref_squeeze %dma_wait3A_421 : memref<1x80xi32, #tpu.memory_space<vmem>> -> memref<80xi32, #tpu.memory_space<vmem>>
      %dma_wait3A_423 = arith.constant 0 : i32
      %dma_wait3A_424 = arith.constant 0 : i32
      %dma_wait3A_425 = tpu.memref_slice %arg2[%dma_wait3A_423, %dma_wait3A_424] : memref<10000x128xf32, #tpu.memory_space<hbm>> -> memref<10000x128xf32, #tpu.memory_space<hbm>>
      tpu.wait_indirect_dma semaphore(%arg14 : memref<!tpu.dma_semaphore, #tpu.memory_space<semaphore_mem>>) src(%dma_wait3A_425 : memref<10000x128xf32, #tpu.memory_space<hbm>>) dst(%dma_wait3A_419 : memref<80x128xf32, #tpu.memory_space<vmem>>)
      %dma_wait3A_426 = arith.constant 3 : i32
      %dma_wait3A_427 = arith.constant 0 : i32
      %dma_wait3A_428 = tpu.memref_slice %arg8[%dma_wait3A_426, %dma_wait3A_427] : memref<4x80xi32, #tpu.memory_space<vmem>> -> memref<1x80xi32, #tpu.memory_space<vmem>>
      %dma_wait3A_429 = tpu.memref_squeeze %dma_wait3A_428 : memref<1x80xi32, #tpu.memory_space<vmem>> -> memref<80xi32, #tpu.memory_space<vmem>>
      %dma_wait3A_430 = arith.constant 0 : i32
      %dma_wait3A_431 = tpu.memref_slice %arg4[%dma_wait3A_430] : memref<320000xi32, #tpu.memory_space<hbm>> -> memref<80xi32, #tpu.memory_space<hbm>>
      %dma_wait3A_432 = arith.constant 0 : i32
      %dma_wait3A_433 = tpu.memref_slice %arg8[%dma_wait3A_426, %dma_wait3A_432] : memref<4x80xi32, #tpu.memory_space<vmem>> -> memref<1x80xi32, #tpu.memory_space<vmem>>
      %dma_wait3A_434 = tpu.memref_squeeze %dma_wait3A_433 : memref<1x80xi32, #tpu.memory_space<vmem>> -> memref<80xi32, #tpu.memory_space<vmem>>
      %dma_wait3A_435 = arith.constant 0 : i32
      %dma_wait3A_436 = tpu.memref_slice %arg4[%dma_wait3A_435] : memref<320000xi32, #tpu.memory_space<hbm>> -> memref<80xi32, #tpu.memory_space<hbm>>
      tpu.wait_dma2 semaphore(%arg22 : memref<!tpu.dma_semaphore, #tpu.memory_space<semaphore_mem>>) src(%dma_wait3A_436 : memref<80xi32, #tpu.memory_space<hbm>>) dst(%dma_wait3A_434 : memref<80xi32, #tpu.memory_space<vmem>>)
      %dma_start3A_437 = arith.constant 3 : i32
      %dma_start3A_438 = arith.constant 3 : i32
      %dma_start3A_439 = arith.constant 0 : i32
      %dma_start3A_440 = arith.constant 0 : i32
      %dma_start3A_441 = tpu.memref_slice %arg9[%dma_start3A_437, %dma_start3A_439, %dma_start3A_440] : memref<4x80x128xf32, #tpu.memory_space<vmem>> -> memref<1x80x128xf32, #tpu.memory_space<vmem>>
      %dma_start3A_442 = tpu.memref_squeeze %dma_start3A_441 : memref<1x80x128xf32, #tpu.memory_space<vmem>> -> memref<80x128xf32, #tpu.memory_space<vmem>>
      %dma_start3A_443 = arith.constant 0 : i32
      %dma_start3A_444 = tpu.memref_slice %arg8[%dma_start3A_438, %dma_start3A_443] : memref<4x80xi32, #tpu.memory_space<vmem>> -> memref<1x80xi32, #tpu.memory_space<vmem>>
      %dma_start3A_445 = tpu.memref_squeeze %dma_start3A_444 : memref<1x80xi32, #tpu.memory_space<vmem>> -> memref<80xi32, #tpu.memory_space<vmem>>
      %dma_start3A_446 = arith.constant 0 : i32
      %dma_start3A_447 = arith.constant 0 : i32
      %dma_start3A_448 = tpu.memref_slice %arg10[%dma_start3A_446, %dma_start3A_447] : memref<10112x128xf32, #tpu.memory_space<vmem_shared>> -> memref<10112x128xf32, #tpu.memory_space<vmem_shared>>
      tpu.enqueue_indirect_dma source(%dma_start3A_442 : memref<80x128xf32, #tpu.memory_space<vmem>>) target(%dma_start3A_448 : memref<10112x128xf32, #tpu.memory_space<vmem_shared>>) offsets(%dma_start3A_445 : memref<80xi32, #tpu.memory_space<vmem>>) semaphore(%arg26 : memref<!tpu.dma_semaphore, #tpu.memory_space<semaphore_mem>>) {add = true}
      %add3A_449 = arith.constant 2 : i32
      %add3A_450 = arith.addi %add3A_413, %add3A_449 : i32
      %lt3A_451 = arith.cmpi slt, %add3A_450, %add3A_4 : i32
      %convert_element_type3A_452 = arith.extui %lt3A_451 : i1 to i32
      %cond3A_453 = arith.constant 0 : i32
      %cond3A_454 = arith.cmpi ne, %convert_element_type3A_452, %cond3A_453 : i32
      scf.if %cond3A_454 {
        %ge3A = arith.constant 2 : i32
        %ge3A_461 = arith.cmpi sge, %add3A_413, %ge3A : i32
        %convert_element_type3A_462 = arith.extui %ge3A_461 : i1 to i32
        %cond3A_463 = arith.constant 0 : i32
        %cond3A_464 = arith.cmpi ne, %convert_element_type3A_462, %cond3A_463 : i32
        scf.if %cond3A_464 {
          %dma_wait3A_488 = arith.constant 1 : i32
          %dma_wait3A_489 = arith.constant 1 : i32
          %dma_wait3A_490 = arith.constant 0 : i32
          %dma_wait3A_491 = arith.constant 0 : i32
          %dma_wait3A_492 = tpu.memref_slice %arg9[%dma_wait3A_488, %dma_wait3A_490, %dma_wait3A_491] : memref<4x80x128xf32, #tpu.memory_space<vmem>> -> memref<1x80x128xf32, #tpu.memory_space<vmem>>
          %dma_wait3A_493 = tpu.memref_squeeze %dma_wait3A_492 : memref<1x80x128xf32, #tpu.memory_space<vmem>> -> memref<80x128xf32, #tpu.memory_space<vmem>>
          %dma_wait3A_494 = arith.constant 0 : i32
          %dma_wait3A_495 = tpu.memref_slice %arg8[%dma_wait3A_489, %dma_wait3A_494] : memref<4x80xi32, #tpu.memory_space<vmem>> -> memref<1x80xi32, #tpu.memory_space<vmem>>
          %dma_wait3A_496 = tpu.memref_squeeze %dma_wait3A_495 : memref<1x80xi32, #tpu.memory_space<vmem>> -> memref<80xi32, #tpu.memory_space<vmem>>
          %dma_wait3A_497 = arith.constant 0 : i32
          %dma_wait3A_498 = arith.constant 0 : i32
          %dma_wait3A_499 = tpu.memref_slice %arg10[%dma_wait3A_497, %dma_wait3A_498] : memref<10112x128xf32, #tpu.memory_space<vmem_shared>> -> memref<10112x128xf32, #tpu.memory_space<vmem_shared>>
          tpu.wait_indirect_dma semaphore(%arg24 : memref<!tpu.dma_semaphore, #tpu.memory_space<semaphore_mem>>) src(%dma_wait3A_493 : memref<80x128xf32, #tpu.memory_space<vmem>>) dst(%dma_wait3A_499 : memref<10112x128xf32, #tpu.memory_space<vmem_shared>>)
          %add3A_500 = arith.constant 2 : i32
          %add3A_501 = arith.addi %add3A_413, %add3A_500 : i32
          %add3A_502 = arith.addi %add3A_8, %add3A_501 : i32
          %mul3A_503 = arith.constant 80 : i32
          %mul3A_504 = arith.muli %add3A_502, %mul3A_503 : i32
          %dma_start3A_505 = arith.constant 1 : i32
          %dma_start3A_506 = arith.constant 0 : i32
          %dma_start3A_507 = tpu.memref_slice %arg8[%dma_start3A_505, %dma_start3A_506] : memref<4x80xi32, #tpu.memory_space<vmem>> -> memref<1x80xi32, #tpu.memory_space<vmem>>
          %dma_start3A_508 = tpu.memref_squeeze %dma_start3A_507 : memref<1x80xi32, #tpu.memory_space<vmem>> -> memref<80xi32, #tpu.memory_space<vmem>>
          %dma_start3A_509 = tpu.memref_slice %arg4[%mul3A_504] : memref<320000xi32, #tpu.memory_space<hbm>> -> memref<80xi32, #tpu.memory_space<hbm>>
          %dma_start3A_510 = arith.constant 0 : i32
          %dma_start3A_511 = tpu.memref_slice %arg8[%dma_start3A_505, %dma_start3A_510] : memref<4x80xi32, #tpu.memory_space<vmem>> -> memref<1x80xi32, #tpu.memory_space<vmem>>
          %dma_start3A_512 = tpu.memref_squeeze %dma_start3A_511 : memref<1x80xi32, #tpu.memory_space<vmem>> -> memref<80xi32, #tpu.memory_space<vmem>>
          %dma_start3A_513 = tpu.memref_slice %arg4[%mul3A_504] : memref<320000xi32, #tpu.memory_space<hbm>> -> memref<80xi32, #tpu.memory_space<hbm>>
          tpu.enqueue_dma source(%dma_start3A_513 : memref<80xi32, #tpu.memory_space<hbm>>) target(%dma_start3A_512 : memref<80xi32, #tpu.memory_space<vmem>>) target_semaphore(%arg20 : memref<!tpu.dma_semaphore, #tpu.memory_space<semaphore_mem>>)
        } else {
        }
        %dma_wait3A_465 = arith.constant 1 : i32
        %dma_wait3A_466 = arith.constant 0 : i32
        %dma_wait3A_467 = tpu.memref_slice %arg7[%dma_wait3A_465, %dma_wait3A_466] : memref<4x80xi32, #tpu.memory_space<vmem>> -> memref<1x80xi32, #tpu.memory_space<vmem>>
        %dma_wait3A_468 = tpu.memref_squeeze %dma_wait3A_467 : memref<1x80xi32, #tpu.memory_space<vmem>> -> memref<80xi32, #tpu.memory_space<vmem>>
        %dma_wait3A_469 = arith.constant 0 : i32
        %dma_wait3A_470 = tpu.memref_slice %arg3[%dma_wait3A_469] : memref<320000xi32, #tpu.memory_space<hbm>> -> memref<80xi32, #tpu.memory_space<hbm>>
        %dma_wait3A_471 = arith.constant 0 : i32
        %dma_wait3A_472 = tpu.memref_slice %arg7[%dma_wait3A_465, %dma_wait3A_471] : memref<4x80xi32, #tpu.memory_space<vmem>> -> memref<1x80xi32, #tpu.memory_space<vmem>>
        %dma_wait3A_473 = tpu.memref_squeeze %dma_wait3A_472 : memref<1x80xi32, #tpu.memory_space<vmem>> -> memref<80xi32, #tpu.memory_space<vmem>>
        %dma_wait3A_474 = arith.constant 0 : i32
        %dma_wait3A_475 = tpu.memref_slice %arg3[%dma_wait3A_474] : memref<320000xi32, #tpu.memory_space<hbm>> -> memref<80xi32, #tpu.memory_space<hbm>>
        tpu.wait_dma2 semaphore(%arg16 : memref<!tpu.dma_semaphore, #tpu.memory_space<semaphore_mem>>) src(%dma_wait3A_475 : memref<80xi32, #tpu.memory_space<hbm>>) dst(%dma_wait3A_473 : memref<80xi32, #tpu.memory_space<vmem>>)
        %dma_start3A_476 = arith.constant 1 : i32
        %dma_start3A_477 = arith.constant 1 : i32
        %dma_start3A_478 = arith.constant 0 : i32
        %dma_start3A_479 = arith.constant 0 : i32
        %dma_start3A_480 = tpu.memref_slice %arg9[%dma_start3A_477, %dma_start3A_478, %dma_start3A_479] : memref<4x80x128xf32, #tpu.memory_space<vmem>> -> memref<1x80x128xf32, #tpu.memory_space<vmem>>
        %dma_start3A_481 = tpu.memref_squeeze %dma_start3A_480 : memref<1x80x128xf32, #tpu.memory_space<vmem>> -> memref<80x128xf32, #tpu.memory_space<vmem>>
        %dma_start3A_482 = arith.constant 0 : i32
        %dma_start3A_483 = tpu.memref_slice %arg7[%dma_start3A_476, %dma_start3A_482] : memref<4x80xi32, #tpu.memory_space<vmem>> -> memref<1x80xi32, #tpu.memory_space<vmem>>
        %dma_start3A_484 = tpu.memref_squeeze %dma_start3A_483 : memref<1x80xi32, #tpu.memory_space<vmem>> -> memref<80xi32, #tpu.memory_space<vmem>>
        %dma_start3A_485 = arith.constant 0 : i32
        %dma_start3A_486 = arith.constant 0 : i32
        %dma_start3A_487 = tpu.memref_slice %arg2[%dma_start3A_485, %dma_start3A_486] : memref<10000x128xf32, #tpu.memory_space<hbm>> -> memref<10000x128xf32, #tpu.memory_space<hbm>>
        tpu.enqueue_indirect_dma source(%dma_start3A_487 : memref<10000x128xf32, #tpu.memory_space<hbm>>) target(%dma_start3A_481 : memref<80x128xf32, #tpu.memory_space<vmem>>) offsets(%dma_start3A_484 : memref<80xi32, #tpu.memory_space<vmem>>) semaphore(%arg12 : memref<!tpu.dma_semaphore, #tpu.memory_space<semaphore_mem>>)
      } else {
      }
      %add3A_455 = arith.constant 4 : i32
      %add3A_456 = arith.addi %add3A_413, %add3A_455 : i32
      %lt3A_457 = arith.cmpi slt, %add3A_456, %add3A_4 : i32
      %convert_element_type3A_458 = arith.extui %lt3A_457 : i1 to i32
      %cond3A_459 = arith.constant 0 : i32
      %cond3A_460 = arith.cmpi ne, %convert_element_type3A_458, %cond3A_459 : i32
      scf.if %cond3A_460 {
        %add3A_461 = arith.constant 4 : i32
        %add3A_462 = arith.addi %add3A_413, %add3A_461 : i32
        %add3A_463 = arith.addi %add3A_8, %add3A_462 : i32
        %mul3A_464 = arith.constant 80 : i32
        %mul3A_465 = arith.muli %add3A_463, %mul3A_464 : i32
        %dma_start3A_466 = arith.constant 3 : i32
        %dma_start3A_467 = arith.constant 0 : i32
        %dma_start3A_468 = tpu.memref_slice %arg7[%dma_start3A_466, %dma_start3A_467] : memref<4x80xi32, #tpu.memory_space<vmem>> -> memref<1x80xi32, #tpu.memory_space<vmem>>
        %dma_start3A_469 = tpu.memref_squeeze %dma_start3A_468 : memref<1x80xi32, #tpu.memory_space<vmem>> -> memref<80xi32, #tpu.memory_space<vmem>>
        %dma_start3A_470 = tpu.memref_slice %arg3[%mul3A_465] : memref<320000xi32, #tpu.memory_space<hbm>> -> memref<80xi32, #tpu.memory_space<hbm>>
        %dma_start3A_471 = arith.constant 0 : i32
        %dma_start3A_472 = tpu.memref_slice %arg7[%dma_start3A_466, %dma_start3A_471] : memref<4x80xi32, #tpu.memory_space<vmem>> -> memref<1x80xi32, #tpu.memory_space<vmem>>
        %dma_start3A_473 = tpu.memref_squeeze %dma_start3A_472 : memref<1x80xi32, #tpu.memory_space<vmem>> -> memref<80xi32, #tpu.memory_space<vmem>>
        %dma_start3A_474 = tpu.memref_slice %arg3[%mul3A_465] : memref<320000xi32, #tpu.memory_space<hbm>> -> memref<80xi32, #tpu.memory_space<hbm>>
        tpu.enqueue_dma source(%dma_start3A_474 : memref<80xi32, #tpu.memory_space<hbm>>) target(%dma_start3A_473 : memref<80xi32, #tpu.memory_space<vmem>>) target_semaphore(%arg18 : memref<!tpu.dma_semaphore, #tpu.memory_space<semaphore_mem>>)
      } else {
      }
    }
    %scan3A_165 = arith.constant 31 : i32
    %dma_wait3A_166 = arith.constant 0 : i32
    %dma_wait3A_167 = arith.constant 0 : i32
    %dma_wait3A_168 = arith.constant 0 : i32
    %dma_wait3A_169 = arith.constant 0 : i32
    %dma_wait3A_170 = tpu.memref_slice %arg9[%dma_wait3A_167, %dma_wait3A_168, %dma_wait3A_169] : memref<4x80x128xf32, #tpu.memory_space<vmem>> -> memref<1x80x128xf32, #tpu.memory_space<vmem>>
    %dma_wait3A_171 = tpu.memref_squeeze %dma_wait3A_170 : memref<1x80x128xf32, #tpu.memory_space<vmem>> -> memref<80x128xf32, #tpu.memory_space<vmem>>
    %dma_wait3A_172 = arith.constant 0 : i32
    %dma_wait3A_173 = tpu.memref_slice %arg7[%dma_wait3A_166, %dma_wait3A_172] : memref<4x80xi32, #tpu.memory_space<vmem>> -> memref<1x80xi32, #tpu.memory_space<vmem>>
    %dma_wait3A_174 = tpu.memref_squeeze %dma_wait3A_173 : memref<1x80xi32, #tpu.memory_space<vmem>> -> memref<80xi32, #tpu.memory_space<vmem>>
    %dma_wait3A_175 = arith.constant 0 : i32
    %dma_wait3A_176 = arith.constant 0 : i32
    %dma_wait3A_177 = tpu.memref_slice %arg2[%dma_wait3A_175, %dma_wait3A_176] : memref<10000x128xf32, #tpu.memory_space<hbm>> -> memref<10000x128xf32, #tpu.memory_space<hbm>>
    tpu.wait_indirect_dma semaphore(%arg11 : memref<!tpu.dma_semaphore, #tpu.memory_space<semaphore_mem>>) src(%dma_wait3A_177 : memref<10000x128xf32, #tpu.memory_space<hbm>>) dst(%dma_wait3A_171 : memref<80x128xf32, #tpu.memory_space<vmem>>)
    %dma_wait3A_178 = arith.constant 0 : i32
    %dma_wait3A_179 = arith.constant 0 : i32
    %dma_wait3A_180 = tpu.memref_slice %arg8[%dma_wait3A_178, %dma_wait3A_179] : memref<4x80xi32, #tpu.memory_space<vmem>> -> memref<1x80xi32, #tpu.memory_space<vmem>>
    %dma_wait3A_181 = tpu.memref_squeeze %dma_wait3A_180 : memref<1x80xi32, #tpu.memory_space<vmem>> -> memref<80xi32, #tpu.memory_space<vmem>>
    %dma_wait3A_182 = arith.constant 0 : i32
    %dma_wait3A_183 = tpu.memref_slice %arg4[%dma_wait3A_182] : memref<320000xi32, #tpu.memory_space<hbm>> -> memref<80xi32, #tpu.memory_space<hbm>>
    %dma_wait3A_184 = arith.constant 0 : i32
    %dma_wait3A_185 = tpu.memref_slice %arg8[%dma_wait3A_178, %dma_wait3A_184] : memref<4x80xi32, #tpu.memory_space<vmem>> -> memref<1x80xi32, #tpu.memory_space<vmem>>
    %dma_wait3A_186 = tpu.memref_squeeze %dma_wait3A_185 : memref<1x80xi32, #tpu.memory_space<vmem>> -> memref<80xi32, #tpu.memory_space<vmem>>
    %dma_wait3A_187 = arith.constant 0 : i32
    %dma_wait3A_188 = tpu.memref_slice %arg4[%dma_wait3A_187] : memref<320000xi32, #tpu.memory_space<hbm>> -> memref<80xi32, #tpu.memory_space<hbm>>
    tpu.wait_dma2 semaphore(%arg19 : memref<!tpu.dma_semaphore, #tpu.memory_space<semaphore_mem>>) src(%dma_wait3A_188 : memref<80xi32, #tpu.memory_space<hbm>>) dst(%dma_wait3A_186 : memref<80xi32, #tpu.memory_space<vmem>>)
    %dma_start3A_189 = arith.constant 0 : i32
    %dma_start3A_190 = arith.constant 0 : i32
    %dma_start3A_191 = arith.constant 0 : i32
    %dma_start3A_192 = arith.constant 0 : i32
    %dma_start3A_193 = tpu.memref_slice %arg9[%dma_start3A_189, %dma_start3A_191, %dma_start3A_192] : memref<4x80x128xf32, #tpu.memory_space<vmem>> -> memref<1x80x128xf32, #tpu.memory_space<vmem>>
    %dma_start3A_194 = tpu.memref_squeeze %dma_start3A_193 : memref<1x80x128xf32, #tpu.memory_space<vmem>> -> memref<80x128xf32, #tpu.memory_space<vmem>>
    %dma_start3A_195 = arith.constant 0 : i32
    %dma_start3A_196 = tpu.memref_slice %arg8[%dma_start3A_190, %dma_start3A_195] : memref<4x80xi32, #tpu.memory_space<vmem>> -> memref<1x80xi32, #tpu.memory_space<vmem>>
    %dma_start3A_197 = tpu.memref_squeeze %dma_start3A_196 : memref<1x80xi32, #tpu.memory_space<vmem>> -> memref<80xi32, #tpu.memory_space<vmem>>
    %dma_start3A_198 = arith.constant 0 : i32
    %dma_start3A_199 = arith.constant 0 : i32
    %dma_start3A_200 = tpu.memref_slice %arg10[%dma_start3A_198, %dma_start3A_199] : memref<10112x128xf32, #tpu.memory_space<vmem_shared>> -> memref<10112x128xf32, #tpu.memory_space<vmem_shared>>
    tpu.enqueue_indirect_dma source(%dma_start3A_194 : memref<80x128xf32, #tpu.memory_space<vmem>>) target(%dma_start3A_200 : memref<10112x128xf32, #tpu.memory_space<vmem_shared>>) offsets(%dma_start3A_197 : memref<80xi32, #tpu.memory_space<vmem>>) semaphore(%arg23 : memref<!tpu.dma_semaphore, #tpu.memory_space<semaphore_mem>>) {add = true}
    %gt3A = arith.constant 126 : i32
    %gt3A_201 = arith.cmpi sgt, %add3A_4, %gt3A : i32
    %convert_element_type3A = arith.extui %gt3A_201 : i1 to i32
    %cond3A = arith.constant 0 : i32
    %cond3A_202 = arith.cmpi ne, %convert_element_type3A, %cond3A : i32
    scf.if %cond3A_202 {
      %dma_wait3A_264 = arith.constant 2 : i32
      %dma_wait3A_265 = arith.constant 2 : i32
      %dma_wait3A_266 = arith.constant 0 : i32
      %dma_wait3A_267 = arith.constant 0 : i32
      %dma_wait3A_268 = tpu.memref_slice %arg9[%dma_wait3A_264, %dma_wait3A_266, %dma_wait3A_267] : memref<4x80x128xf32, #tpu.memory_space<vmem>> -> memref<1x80x128xf32, #tpu.memory_space<vmem>>
      %dma_wait3A_269 = tpu.memref_squeeze %dma_wait3A_268 : memref<1x80x128xf32, #tpu.memory_space<vmem>> -> memref<80x128xf32, #tpu.memory_space<vmem>>
      %dma_wait3A_270 = arith.constant 0 : i32
      %dma_wait3A_271 = tpu.memref_slice %arg8[%dma_wait3A_265, %dma_wait3A_270] : memref<4x80xi32, #tpu.memory_space<vmem>> -> memref<1x80xi32, #tpu.memory_space<vmem>>
      %dma_wait3A_272 = tpu.memref_squeeze %dma_wait3A_271 : memref<1x80xi32, #tpu.memory_space<vmem>> -> memref<80xi32, #tpu.memory_space<vmem>>
      %dma_wait3A_273 = arith.constant 0 : i32
      %dma_wait3A_274 = arith.constant 0 : i32
      %dma_wait3A_275 = tpu.memref_slice %arg10[%dma_wait3A_273, %dma_wait3A_274] : memref<10112x128xf32, #tpu.memory_space<vmem_shared>> -> memref<10112x128xf32, #tpu.memory_space<vmem_shared>>
      tpu.wait_indirect_dma semaphore(%arg25 : memref<!tpu.dma_semaphore, #tpu.memory_space<semaphore_mem>>) src(%dma_wait3A_269 : memref<80x128xf32, #tpu.memory_space<vmem>>) dst(%dma_wait3A_275 : memref<10112x128xf32, #tpu.memory_space<vmem_shared>>)
      %add3A_276 = arith.constant 126 : i32
      %add3A_277 = arith.addi %add3A_8, %add3A_276 : i32
      %mul3A_278 = arith.constant 80 : i32
      %mul3A_279 = arith.muli %add3A_277, %mul3A_278 : i32
      %dma_start3A_280 = arith.constant 2 : i32
      %dma_start3A_281 = arith.constant 0 : i32
      %dma_start3A_282 = tpu.memref_slice %arg8[%dma_start3A_280, %dma_start3A_281] : memref<4x80xi32, #tpu.memory_space<vmem>> -> memref<1x80xi32, #tpu.memory_space<vmem>>
      %dma_start3A_283 = tpu.memref_squeeze %dma_start3A_282 : memref<1x80xi32, #tpu.memory_space<vmem>> -> memref<80xi32, #tpu.memory_space<vmem>>
      %dma_start3A_284 = tpu.memref_slice %arg4[%mul3A_279] : memref<320000xi32, #tpu.memory_space<hbm>> -> memref<80xi32, #tpu.memory_space<hbm>>
      %dma_start3A_285 = arith.constant 0 : i32
      %dma_start3A_286 = tpu.memref_slice %arg8[%dma_start3A_280, %dma_start3A_285] : memref<4x80xi32, #tpu.memory_space<vmem>> -> memref<1x80xi32, #tpu.memory_space<vmem>>
      %dma_start3A_287 = tpu.memref_squeeze %dma_start3A_286 : memref<1x80xi32, #tpu.memory_space<vmem>> -> memref<80xi32, #tpu.memory_space<vmem>>
      %dma_start3A_288 = tpu.memref_slice %arg4[%mul3A_279] : memref<320000xi32, #tpu.memory_space<hbm>> -> memref<80xi32, #tpu.memory_space<hbm>>
      tpu.enqueue_dma source(%dma_start3A_288 : memref<80xi32, #tpu.memory_space<hbm>>) target(%dma_start3A_287 : memref<80xi32, #tpu.memory_space<vmem>>) target_semaphore(%arg21 : memref<!tpu.dma_semaphore, #tpu.memory_space<semaphore_mem>>)
      %dma_wait3A_289 = arith.constant 2 : i32
      %dma_wait3A_290 = arith.constant 0 : i32
      %dma_wait3A_291 = tpu.memref_slice %arg7[%dma_wait3A_289, %dma_wait3A_290] : memref<4x80xi32, #tpu.memory_space<vmem>> -> memref<1x80xi32, #tpu.memory_space<vmem>>
      %dma_wait3A_292 = tpu.memref_squeeze %dma_wait3A_291 : memref<1x80xi32, #tpu.memory_space<vmem>> -> memref<80xi32, #tpu.memory_space<vmem>>
      %dma_wait3A_293 = arith.constant 0 : i32
      %dma_wait3A_294 = tpu.memref_slice %arg3[%dma_wait3A_293] : memref<320000xi32, #tpu.memory_space<hbm>> -> memref<80xi32, #tpu.memory_space<hbm>>
      %dma_wait3A_295 = arith.constant 0 : i32
      %dma_wait3A_296 = tpu.memref_slice %arg7[%dma_wait3A_289, %dma_wait3A_295] : memref<4x80xi32, #tpu.memory_space<vmem>> -> memref<1x80xi32, #tpu.memory_space<vmem>>
      %dma_wait3A_297 = tpu.memref_squeeze %dma_wait3A_296 : memref<1x80xi32, #tpu.memory_space<vmem>> -> memref<80xi32, #tpu.memory_space<vmem>>
      %dma_wait3A_298 = arith.constant 0 : i32
      %dma_wait3A_299 = tpu.memref_slice %arg3[%dma_wait3A_298] : memref<320000xi32, #tpu.memory_space<hbm>> -> memref<80xi32, #tpu.memory_space<hbm>>
      tpu.wait_dma2 semaphore(%arg17 : memref<!tpu.dma_semaphore, #tpu.memory_space<semaphore_mem>>) src(%dma_wait3A_299 : memref<80xi32, #tpu.memory_space<hbm>>) dst(%dma_wait3A_297 : memref<80xi32, #tpu.memory_space<vmem>>)
      %dma_start3A_300 = arith.constant 2 : i32
      %dma_start3A_301 = arith.constant 2 : i32
      %dma_start3A_302 = arith.constant 0 : i32
      %dma_start3A_303 = arith.constant 0 : i32
      %dma_start3A_304 = tpu.memref_slice %arg9[%dma_start3A_301, %dma_start3A_302, %dma_start3A_303] : memref<4x80x128xf32, #tpu.memory_space<vmem>> -> memref<1x80x128xf32, #tpu.memory_space<vmem>>
      %dma_start3A_305 = tpu.memref_squeeze %dma_start3A_304 : memref<1x80x128xf32, #tpu.memory_space<vmem>> -> memref<80x128xf32, #tpu.memory_space<vmem>>
      %dma_start3A_306 = arith.constant 0 : i32
      %dma_start3A_307 = tpu.memref_slice %arg7[%dma_start3A_300, %dma_start3A_306] : memref<4x80xi32, #tpu.memory_space<vmem>> -> memref<1x80xi32, #tpu.memory_space<vmem>>
      %dma_start3A_308 = tpu.memref_squeeze %dma_start3A_307 : memref<1x80xi32, #tpu.memory_space<vmem>> -> memref<80xi32, #tpu.memory_space<vmem>>
      %dma_start3A_309 = arith.constant 0 : i32
      %dma_start3A_310 = arith.constant 0 : i32
      %dma_start3A_311 = tpu.memref_slice %arg2[%dma_start3A_309, %dma_start3A_310] : memref<10000x128xf32, #tpu.memory_space<hbm>> -> memref<10000x128xf32, #tpu.memory_space<hbm>>
      tpu.enqueue_indirect_dma source(%dma_start3A_311 : memref<10000x128xf32, #tpu.memory_space<hbm>>) target(%dma_start3A_305 : memref<80x128xf32, #tpu.memory_space<vmem>>) offsets(%dma_start3A_308 : memref<80xi32, #tpu.memory_space<vmem>>) semaphore(%arg13 : memref<!tpu.dma_semaphore, #tpu.memory_space<semaphore_mem>>)
    } else {
    }
    %gt3A_203 = arith.constant 128 : i32
    %gt3A_204 = arith.cmpi sgt, %add3A_4, %gt3A_203 : i32
    %convert_element_type3A_205 = arith.extui %gt3A_204 : i1 to i32
    %cond3A_206 = arith.constant 0 : i32
    %cond3A_207 = arith.cmpi ne, %convert_element_type3A_205, %cond3A_206 : i32
    scf.if %cond3A_207 {
      %add3A_264 = arith.constant 128 : i32
      %add3A_265 = arith.addi %add3A_8, %add3A_264 : i32
      %mul3A_266 = arith.constant 80 : i32
      %mul3A_267 = arith.muli %add3A_265, %mul3A_266 : i32
      %dma_start3A_268 = arith.constant 0 : i32
      %dma_start3A_269 = arith.constant 0 : i32
      %dma_start3A_270 = tpu.memref_slice %arg7[%dma_start3A_268, %dma_start3A_269] : memref<4x80xi32, #tpu.memory_space<vmem>> -> memref<1x80xi32, #tpu.memory_space<vmem>>
      %dma_start3A_271 = tpu.memref_squeeze %dma_start3A_270 : memref<1x80xi32, #tpu.memory_space<vmem>> -> memref<80xi32, #tpu.memory_space<vmem>>
      %dma_start3A_272 = tpu.memref_slice %arg3[%mul3A_267] : memref<320000xi32, #tpu.memory_space<hbm>> -> memref<80xi32, #tpu.memory_space<hbm>>
      %dma_start3A_273 = arith.constant 0 : i32
      %dma_start3A_274 = tpu.memref_slice %arg7[%dma_start3A_268, %dma_start3A_273] : memref<4x80xi32, #tpu.memory_space<vmem>> -> memref<1x80xi32, #tpu.memory_space<vmem>>
      %dma_start3A_275 = tpu.memref_squeeze %dma_start3A_274 : memref<1x80xi32, #tpu.memory_space<vmem>> -> memref<80xi32, #tpu.memory_space<vmem>>
      %dma_start3A_276 = tpu.memref_slice %arg3[%mul3A_267] : memref<320000xi32, #tpu.memory_space<hbm>> -> memref<80xi32, #tpu.memory_space<hbm>>
      tpu.enqueue_dma source(%dma_start3A_276 : memref<80xi32, #tpu.memory_space<hbm>>) target(%dma_start3A_275 : memref<80xi32, #tpu.memory_space<vmem>>) target_semaphore(%arg15 : memref<!tpu.dma_semaphore, #tpu.memory_space<semaphore_mem>>)
    } else {
    }
    %dma_wait3A_208 = arith.constant 0 : i32
    %dma_wait3A_209 = arith.constant 0 : i32
    %dma_wait3A_210 = arith.constant 0 : i32
    %dma_wait3A_211 = arith.constant 0 : i32
    %dma_wait3A_212 = tpu.memref_slice %arg9[%dma_wait3A_208, %dma_wait3A_210, %dma_wait3A_211] : memref<4x80x128xf32, #tpu.memory_space<vmem>> -> memref<1x80x128xf32, #tpu.memory_space<vmem>>
    %dma_wait3A_213 = tpu.memref_squeeze %dma_wait3A_212 : memref<1x80x128xf32, #tpu.memory_space<vmem>> -> memref<80x128xf32, #tpu.memory_space<vmem>>
    %dma_wait3A_214 = arith.constant 0 : i32
    %dma_wait3A_215 = tpu.memref_slice %arg8[%dma_wait3A_209, %dma_wait3A_214] : memref<4x80xi32, #tpu.memory_space<vmem>> -> memref<1x80xi32, #tpu.memory_space<vmem>>
    %dma_wait3A_216 = tpu.memref_squeeze %dma_wait3A_215 : memref<1x80xi32, #tpu.memory_space<vmem>> -> memref<80xi32, #tpu.memory_space<vmem>>
    %dma_wait3A_217 = arith.constant 0 : i32
    %dma_wait3A_218 = arith.constant 0 : i32
    %dma_wait3A_219 = tpu.memref_slice %arg10[%dma_wait3A_217, %dma_wait3A_218] : memref<10112x128xf32, #tpu.memory_space<vmem_shared>> -> memref<10112x128xf32, #tpu.memory_space<vmem_shared>>
    tpu.wait_indirect_dma semaphore(%arg23 : memref<!tpu.dma_semaphore, #tpu.memory_space<semaphore_mem>>) src(%dma_wait3A_213 : memref<80x128xf32, #tpu.memory_space<vmem>>) dst(%dma_wait3A_219 : memref<10112x128xf32, #tpu.memory_space<vmem_shared>>)
    %dma_wait3A_220 = arith.constant 1 : i32
    %dma_wait3A_221 = arith.constant 1 : i32
    %dma_wait3A_222 = arith.constant 0 : i32
    %dma_wait3A_223 = arith.constant 0 : i32
    %dma_wait3A_224 = tpu.memref_slice %arg9[%dma_wait3A_220, %dma_wait3A_222, %dma_wait3A_223] : memref<4x80x128xf32, #tpu.memory_space<vmem>> -> memref<1x80x128xf32, #tpu.memory_space<vmem>>
    %dma_wait3A_225 = tpu.memref_squeeze %dma_wait3A_224 : memref<1x80x128xf32, #tpu.memory_space<vmem>> -> memref<80x128xf32, #tpu.memory_space<vmem>>
    %dma_wait3A_226 = arith.constant 0 : i32
    %dma_wait3A_227 = tpu.memref_slice %arg8[%dma_wait3A_221, %dma_wait3A_226] : memref<4x80xi32, #tpu.memory_space<vmem>> -> memref<1x80xi32, #tpu.memory_space<vmem>>
    %dma_wait3A_228 = tpu.memref_squeeze %dma_wait3A_227 : memref<1x80xi32, #tpu.memory_space<vmem>> -> memref<80xi32, #tpu.memory_space<vmem>>
    %dma_wait3A_229 = arith.constant 0 : i32
    %dma_wait3A_230 = arith.constant 0 : i32
    %dma_wait3A_231 = tpu.memref_slice %arg10[%dma_wait3A_229, %dma_wait3A_230] : memref<10112x128xf32, #tpu.memory_space<vmem_shared>> -> memref<10112x128xf32, #tpu.memory_space<vmem_shared>>
    tpu.wait_indirect_dma semaphore(%arg24 : memref<!tpu.dma_semaphore, #tpu.memory_space<semaphore_mem>>) src(%dma_wait3A_225 : memref<80x128xf32, #tpu.memory_space<vmem>>) dst(%dma_wait3A_231 : memref<10112x128xf32, #tpu.memory_space<vmem_shared>>)
    %dma_wait3A_232 = arith.constant 2 : i32
    %dma_wait3A_233 = arith.constant 2 : i32
    %dma_wait3A_234 = arith.constant 0 : i32
    %dma_wait3A_235 = arith.constant 0 : i32
    %dma_wait3A_236 = tpu.memref_slice %arg9[%dma_wait3A_232, %dma_wait3A_234, %dma_wait3A_235] : memref<4x80x128xf32, #tpu.memory_space<vmem>> -> memref<1x80x128xf32, #tpu.memory_space<vmem>>
    %dma_wait3A_237 = tpu.memref_squeeze %dma_wait3A_236 : memref<1x80x128xf32, #tpu.memory_space<vmem>> -> memref<80x128xf32, #tpu.memory_space<vmem>>
    %dma_wait3A_238 = arith.constant 0 : i32
    %dma_wait3A_239 = tpu.memref_slice %arg8[%dma_wait3A_233, %dma_wait3A_238] : memref<4x80xi32, #tpu.memory_space<vmem>> -> memref<1x80xi32, #tpu.memory_space<vmem>>
    %dma_wait3A_240 = tpu.memref_squeeze %dma_wait3A_239 : memref<1x80xi32, #tpu.memory_space<vmem>> -> memref<80xi32, #tpu.memory_space<vmem>>
    %dma_wait3A_241 = arith.constant 0 : i32
    %dma_wait3A_242 = arith.constant 0 : i32
    %dma_wait3A_243 = tpu.memref_slice %arg10[%dma_wait3A_241, %dma_wait3A_242] : memref<10112x128xf32, #tpu.memory_space<vmem_shared>> -> memref<10112x128xf32, #tpu.memory_space<vmem_shared>>
    tpu.wait_indirect_dma semaphore(%arg25 : memref<!tpu.dma_semaphore, #tpu.memory_space<semaphore_mem>>) src(%dma_wait3A_237 : memref<80x128xf32, #tpu.memory_space<vmem>>) dst(%dma_wait3A_243 : memref<10112x128xf32, #tpu.memory_space<vmem_shared>>)
    %dma_wait3A_244 = arith.constant 3 : i32
    %dma_wait3A_245 = arith.constant 3 : i32
    %dma_wait3A_246 = arith.constant 0 : i32
    %dma_wait3A_247 = arith.constant 0 : i32
    %dma_wait3A_248 = tpu.memref_slice %arg9[%dma_wait3A_244, %dma_wait3A_246, %dma_wait3A_247] : memref<4x80x128xf32, #tpu.memory_space<vmem>> -> memref<1x80x128xf32, #tpu.memory_space<vmem>>
    %dma_wait3A_249 = tpu.memref_squeeze %dma_wait3A_248 : memref<1x80x128xf32, #tpu.memory_space<vmem>> -> memref<80x128xf32, #tpu.memory_space<vmem>>
    %dma_wait3A_250 = arith.constant 0 : i32
    %dma_wait3A_251 = tpu.memref_slice %arg8[%dma_wait3A_245, %dma_wait3A_250] : memref<4x80xi32, #tpu.memory_space<vmem>> -> memref<1x80xi32, #tpu.memory_space<vmem>>
    %dma_wait3A_252 = tpu.memref_squeeze %dma_wait3A_251 : memref<1x80xi32, #tpu.memory_space<vmem>> -> memref<80xi32, #tpu.memory_space<vmem>>
    %dma_wait3A_253 = arith.constant 0 : i32
    %dma_wait3A_254 = arith.constant 0 : i32
    %dma_wait3A_255 = tpu.memref_slice %arg10[%dma_wait3A_253, %dma_wait3A_254] : memref<10112x128xf32, #tpu.memory_space<vmem_shared>> -> memref<10112x128xf32, #tpu.memory_space<vmem_shared>>
    tpu.wait_indirect_dma semaphore(%arg26 : memref<!tpu.dma_semaphore, #tpu.memory_space<semaphore_mem>>) src(%dma_wait3A_249 : memref<80x128xf32, #tpu.memory_space<vmem>>) dst(%dma_wait3A_255 : memref<10112x128xf32, #tpu.memory_space<vmem_shared>>)
    %barrier3A_256 = arith.constant 0 : index
    tpu.barrier barrier_id(%barrier3A_256)
    %mul3A_257 = arith.constant 632 : i32
    %mul3A_258 = arith.muli %arg1, %mul3A_257 : i32
    %mul3A_259 = arith.constant 10112 : i32
    %mul3A_260 = arith.muli %arg0, %mul3A_259 : i32
    %mul3A_261 = arith.constant 632 : i32
    %mul3A_262 = arith.muli %arg1, %mul3A_261 : i32
    %add3A_263 = arith.addi %mul3A_260, %mul3A_262 : i32
    "tpu.region"() ({
      %run_scoped3A = tpu.sem_alloc : memref<!tpu.dma_semaphore, #tpu.memory_space<semaphore_mem>>
      %dma_start3A_264 = arith.constant 0 : i32
      %dma_start3A_265 = tpu.memref_slice %arg6[%add3A_263, %dma_start3A_264] : memref<20224x128xf32, #tpu.memory_space<hbm>> -> memref<632x128xf32, #tpu.memory_space<hbm>>
      %dma_start3A_266 = arith.constant 0 : i32
      %dma_start3A_267 = tpu.memref_slice %arg10[%mul3A_258, %dma_start3A_266] : memref<10112x128xf32, #tpu.memory_space<vmem_shared>> -> memref<632x128xf32, #tpu.memory_space<vmem_shared>>
      tpu.enqueue_dma source(%dma_start3A_267 : memref<632x128xf32, #tpu.memory_space<vmem_shared>>) target(%dma_start3A_265 : memref<632x128xf32, #tpu.memory_space<hbm>>) target_semaphore(%run_scoped3A : memref<!tpu.dma_semaphore, #tpu.memory_space<semaphore_mem>>)
      %dma_wait3A_268 = arith.constant 0 : i32
      %dma_wait3A_269 = tpu.memref_slice %arg6[%add3A_263, %dma_wait3A_268] : memref<20224x128xf32, #tpu.memory_space<hbm>> -> memref<632x128xf32, #tpu.memory_space<hbm>>
      %dma_wait3A_270 = arith.constant 0 : i32
      %dma_wait3A_271 = tpu.memref_slice %arg10[%mul3A_258, %dma_wait3A_270] : memref<10112x128xf32, #tpu.memory_space<vmem_shared>> -> memref<632x128xf32, #tpu.memory_space<vmem_shared>>
      tpu.wait_dma2 semaphore(%run_scoped3A : memref<!tpu.dma_semaphore, #tpu.memory_space<semaphore_mem>>) src(%dma_wait3A_271 : memref<632x128xf32, #tpu.memory_space<vmem_shared>>) dst(%dma_wait3A_269 : memref<632x128xf32, #tpu.memory_space<hbm>>)
      tpu.yield
    }) : () -> ()
    return
  }
}

module attributes {stable_mosaic.version = 14 : i64} {
  func.func @_pre_body(%arg0: i32, %arg1: memref<1024x128xf32, #tpu.memory_space<vmem>>, %arg2: memref<128x128xf32, #tpu.memory_space<vmem>>, %arg3: memref<32x1024xf32, #tpu.memory_space<vmem>>, %arg4: memref<1024x128xf32, #tpu.memory_space<vmem>>, %arg5: memref<1024x1xf32, #tpu.memory_space<vmem>>) attributes {dimension_semantics = [#tpu.dimension_semantics<arbitrary>], iteration_bounds = array<i64: 10>, scalar_prefetch = 0 : i64, scratch_operands = 0 : i64, tpu.core_type = #tpu.core_type<tc>, window_params = [{transform_indices = @transform_0, window_bounds = array<i64: 1024, 128>}, {pipeline_mode = #tpu.pipeline_mode<synchronous>, transform_indices = @transform_1, window_bounds = array<i64: 128, 128>}, {transform_indices = @transform_2, window_bounds = array<i64: 32, 1024>}, {transform_indices = @transform_3, window_bounds = array<i64: 1024, 128>}, {transform_indices = @transform_4, window_bounds = array<i64: 1024, 1>}]} {
    %get3A = arith.constant 0 : index
    %get3A_0 = arith.constant 0 : index
    %get3A_1 = vector.load %arg3[%get3A, %get3A_0] : memref<32x1024xf32, #tpu.memory_space<vmem>>, vector<32x1024xf32>
    %reduce_sum3A = arith.constant dense<0.000000e+00> : vector<1024xf32>
    %reduce_sum3A_2 = vector.multi_reduction <add>, %get3A_1, %reduce_sum3A [0] : vector<32x1024xf32> to vector<1024xf32>
    %add3A = arith.constant 1.000000e+00 : f32
    %add3A_3 = vector.broadcast %add3A : f32 to vector<1024xf32>
    %add3A_4 = arith.addf %add3A_3, %reduce_sum3A_2 : vector<1024xf32>
    %rsqrt3A = math.rsqrt %add3A_4 : vector<1024xf32>
    %reshape3A = vector.shape_cast %rsqrt3A : vector<1024xf32> to vector<1024x1xf32>
    %swap3A = arith.constant 0 : index
    %swap3A_5 = arith.constant 0 : index
    %swap3A_6 = vector.load %arg5[%swap3A, %swap3A_5] : memref<1024x1xf32, #tpu.memory_space<vmem>>, vector<1024x1xf32>
    tpu.vector_store %arg5[%swap3A, %swap3A_5], %reshape3A {strides = array<i32>} : memref<1024x1xf32, #tpu.memory_space<vmem>>, vector<1024x1xf32>,
    %get3A_7 = arith.constant 0 : index
    %get3A_8 = arith.constant 0 : index
    %get3A_9 = vector.load %arg1[%get3A_7, %get3A_8] : memref<1024x128xf32, #tpu.memory_space<vmem>>, vector<1024x128xf32>
    %get3A_10 = arith.constant 0 : index
    %get3A_11 = arith.constant 0 : index
    %get3A_12 = vector.load %arg2[%get3A_10, %get3A_11] : memref<128x128xf32, #tpu.memory_space<vmem>>, vector<128x128xf32>
    %dot_general3A = arith.constant dense<0.000000e+00> : vector<1024x128xf32>
    %dot_general3A_13 = tpu.matmul %get3A_9, %get3A_12, %dot_general3A {dimension_numbers = #tpu.dot_dimension_numbers<[1], [0], [0], [1], [0, 0, 1, 1], [], []>, transpose_lhs_hint = false} : vector<1024x128xf32>, vector<128x128xf32>, vector<1024x128xf32> -> vector<1024x128xf32>
    %mul3A = vector.broadcast %reshape3A : vector<1024x1xf32> to vector<1024x128xf32>
    %mul3A_14 = arith.mulf %mul3A, %dot_general3A_13 : vector<1024x128xf32>
    %swap3A_15 = arith.constant 0 : index
    %swap3A_16 = arith.constant 0 : index
    %swap3A_17 = vector.load %arg4[%swap3A_15, %swap3A_16] : memref<1024x128xf32, #tpu.memory_space<vmem>>, vector<1024x128xf32>
    tpu.vector_store %arg4[%swap3A_15, %swap3A_16], %mul3A_14 {strides = array<i32>} : memref<1024x128xf32, #tpu.memory_space<vmem>>, vector<1024x128xf32>,
    return
  }
  func.func @transform_0(%arg0: i32) -> (i32, i32) {
    %c0_i32 = arith.constant 0 : i32
    %c0_i32_0 = arith.constant 0 : i32
    return %arg0, %c0_i32 : i32, i32
  }
  func.func @transform_1(%arg0: i32) -> (i32, i32) {
    %c0_i32 = arith.constant 0 : i32
    %c0_i32_0 = arith.constant 0 : i32
    %c0_i32_1 = arith.constant 0 : i32
    return %c0_i32, %c0_i32_0 : i32, i32
  }
  func.func @transform_2(%arg0: i32) -> (i32, i32) {
    %c0_i32 = arith.constant 0 : i32
    %c0_i32_0 = arith.constant 0 : i32
    return %c0_i32, %arg0 : i32, i32
  }
  func.func @transform_3(%arg0: i32) -> (i32, i32) {
    %c0_i32 = arith.constant 0 : i32
    %c0_i32_0 = arith.constant 0 : i32
    return %arg0, %c0_i32 : i32, i32
  }
  func.func @transform_4(%arg0: i32) -> (i32, i32) {
    %c0_i32 = arith.constant 0 : i32
    %c0_i32_0 = arith.constant 0 : i32
    return %arg0, %c0_i32 : i32, i32
  }
}

module attributes {stable_mosaic.version = 14 : i64} {
  func.func @_mid_body(%arg0: i32, %arg1: memref<2x1000x128xf32, #tpu.memory_space<vmem>>, %arg2: memref<1000x128xf32, #tpu.memory_space<vmem>>, %arg3: memref<1000x1xf32, #tpu.memory_space<vmem>>, %arg4: memref<1x128xf32, #tpu.memory_space<vmem>>, %arg5: memref<128x128xf32, #tpu.memory_space<vmem>>, %arg6: memref<1000x128xf32, #tpu.memory_space<vmem>>) attributes {dimension_semantics = [#tpu.dimension_semantics<arbitrary>], iteration_bounds = array<i64: 10>, scalar_prefetch = 0 : i64, scratch_operands = 0 : i64, tpu.core_type = #tpu.core_type<tc>, window_params = [{transform_indices = @transform_0, window_bounds = array<i64: 2, 1000, 128>}, {transform_indices = @transform_1, window_bounds = array<i64: 1000, 128>}, {transform_indices = @transform_2, window_bounds = array<i64: 1000, 1>}, {pipeline_mode = #tpu.pipeline_mode<synchronous>, transform_indices = @transform_3, window_bounds = array<i64: 1, 128>}, {pipeline_mode = #tpu.pipeline_mode<synchronous>, transform_indices = @transform_4, window_bounds = array<i64: 128, 128>}, {transform_indices = @transform_5, window_bounds = array<i64: 1000, 128>}]} {
    %get3A = arith.constant 0 : index
    %get3A_0 = arith.constant 0 : index
    %get3A_1 = vector.load %arg3[%get3A, %get3A_0] : memref<1000x1xf32, #tpu.memory_space<vmem>>, vector<1000x1xf32>
    %get3A_2 = arith.constant 0 : index
    %get3A_3 = arith.constant 0 : index
    %get3A_4 = arith.constant 0 : index
    %get3A_5 = vector.load %arg1[%get3A_2, %get3A_3, %get3A_4] : memref<2x1000x128xf32, #tpu.memory_space<vmem>>, vector<1x1000x128xf32>
    %get3A_6 = vector.shape_cast %get3A_5 : vector<1x1000x128xf32> to vector<1000x128xf32>
    %get3A_7 = arith.constant 1 : index
    %get3A_8 = arith.constant 0 : index
    %get3A_9 = arith.constant 0 : index
    %get3A_10 = vector.load %arg1[%get3A_7, %get3A_8, %get3A_9] : memref<2x1000x128xf32, #tpu.memory_space<vmem>>, vector<1x1000x128xf32>
    %get3A_11 = vector.shape_cast %get3A_10 : vector<1x1000x128xf32> to vector<1000x128xf32>
    %add3A = arith.addf %get3A_6, %get3A_11 : vector<1000x128xf32>
    %get3A_12 = arith.constant 0 : index
    %get3A_13 = arith.constant 0 : index
    %get3A_14 = vector.load %arg2[%get3A_12, %get3A_13] : memref<1000x128xf32, #tpu.memory_space<vmem>>, vector<1000x128xf32>
    %add3A_15 = arith.addf %add3A, %get3A_14 : vector<1000x128xf32>
    %mul3A = vector.broadcast %get3A_1 : vector<1000x1xf32> to vector<1000x128xf32>
    %mul3A_16 = arith.mulf %mul3A, %add3A_15 : vector<1000x128xf32>
    %get3A_17 = arith.constant 0 : index
    %get3A_18 = arith.constant 0 : index
    %get3A_19 = vector.load %arg4[%get3A_17, %get3A_18] : memref<1x128xf32, #tpu.memory_space<vmem>>, vector<1x128xf32>
    %add3A_20 = vector.broadcast %get3A_19 : vector<1x128xf32> to vector<1000x128xf32>
    %add3A_21 = arith.addf %mul3A_16, %add3A_20 : vector<1000x128xf32>
    %max3A = arith.constant 0.000000e+00 : f32
    %max3A_22 = vector.broadcast %max3A : f32 to vector<1000x128xf32>
    %max3A_23 = arith.maximumf %add3A_21, %max3A_22 : vector<1000x128xf32>
    %get3A_24 = arith.constant 0 : index
    %get3A_25 = arith.constant 0 : index
    %get3A_26 = vector.load %arg5[%get3A_24, %get3A_25] : memref<128x128xf32, #tpu.memory_space<vmem>>, vector<128x128xf32>
    %dot_general3A = arith.constant dense<0.000000e+00> : vector<1000x128xf32>
    %dot_general3A_27 = tpu.matmul %max3A_23, %get3A_26, %dot_general3A {dimension_numbers = #tpu.dot_dimension_numbers<[1], [0], [0], [1], [0, 0, 1, 1], [], []>, transpose_lhs_hint = false} : vector<1000x128xf32>, vector<128x128xf32>, vector<1000x128xf32> -> vector<1000x128xf32>
    %mul3A_28 = vector.broadcast %get3A_1 : vector<1000x1xf32> to vector<1000x128xf32>
    %mul3A_29 = arith.mulf %mul3A_28, %dot_general3A_27 : vector<1000x128xf32>
    %swap3A = arith.constant 0 : index
    %swap3A_30 = arith.constant 0 : index
    %swap3A_31 = vector.load %arg6[%swap3A, %swap3A_30] : memref<1000x128xf32, #tpu.memory_space<vmem>>, vector<1000x128xf32>
    tpu.vector_store %arg6[%swap3A, %swap3A_30], %mul3A_29 {strides = array<i32>} : memref<1000x128xf32, #tpu.memory_space<vmem>>, vector<1000x128xf32>,
    return
  }
  func.func @transform_0(%arg0: i32) -> (i32, i32, i32) {
    %c0_i32 = arith.constant 0 : i32
    %c0_i32_0 = arith.constant 0 : i32
    %c0_i32_1 = arith.constant 0 : i32
    return %c0_i32, %arg0, %c0_i32_0 : i32, i32, i32
  }
  func.func @transform_1(%arg0: i32) -> (i32, i32) {
    %c0_i32 = arith.constant 0 : i32
    %c0_i32_0 = arith.constant 0 : i32
    return %arg0, %c0_i32 : i32, i32
  }
  func.func @transform_2(%arg0: i32) -> (i32, i32) {
    %c0_i32 = arith.constant 0 : i32
    %c0_i32_0 = arith.constant 0 : i32
    return %arg0, %c0_i32 : i32, i32
  }
  func.func @transform_3(%arg0: i32) -> (i32, i32) {
    %c0_i32 = arith.constant 0 : i32
    %c0_i32_0 = arith.constant 0 : i32
    %c0_i32_1 = arith.constant 0 : i32
    return %c0_i32, %c0_i32_0 : i32, i32
  }
  func.func @transform_4(%arg0: i32) -> (i32, i32) {
    %c0_i32 = arith.constant 0 : i32
    %c0_i32_0 = arith.constant 0 : i32
    %c0_i32_1 = arith.constant 0 : i32
    return %c0_i32, %c0_i32_0 : i32, i32
  }
  func.func @transform_5(%arg0: i32) -> (i32, i32) {
    %c0_i32 = arith.constant 0 : i32
    %c0_i32_0 = arith.constant 0 : i32
    return %arg0, %c0_i32 : i32, i32
  }
}

module attributes {stable_mosaic.version = 14 : i64} {
  func.func @_final_body(%arg0: i32, %arg1: memref<2x1000x128xf32, #tpu.memory_space<vmem>>, %arg2: memref<1000x128xf32, #tpu.memory_space<vmem>>, %arg3: memref<1000x1xf32, #tpu.memory_space<vmem>>, %arg4: memref<1x128xf32, #tpu.memory_space<vmem>>, %arg5: memref<128x128xf32, #tpu.memory_space<vmem>>, %arg6: memref<1x128xf32, #tpu.memory_space<vmem>>, %arg7: memref<1x128xf32, #tpu.memory_space<vmem>>, %arg8: memref<1x128xf32, #tpu.memory_space<vmem>>) attributes {dimension_semantics = [#tpu.dimension_semantics<arbitrary>], iteration_bounds = array<i64: 10>, scalar_prefetch = 0 : i64, scratch_operands = 1 : i64, tpu.core_type = #tpu.core_type<tc>, window_params = [{transform_indices = @transform_0, window_bounds = array<i64: 2, 1000, 128>}, {transform_indices = @transform_1, window_bounds = array<i64: 1000, 128>}, {transform_indices = @transform_2, window_bounds = array<i64: 1000, 1>}, {pipeline_mode = #tpu.pipeline_mode<synchronous>, transform_indices = @transform_3, window_bounds = array<i64: 1, 128>}, {pipeline_mode = #tpu.pipeline_mode<synchronous>, transform_indices = @transform_4, window_bounds = array<i64: 128, 128>}, {pipeline_mode = #tpu.pipeline_mode<synchronous>, transform_indices = @transform_5, window_bounds = array<i64: 1, 128>}, {pipeline_mode = #tpu.pipeline_mode<synchronous>, transform_indices = @transform_6, window_bounds = array<i64: 1, 128>}]} {
    %eq3A = arith.constant 0 : i32
    %eq3A_0 = arith.cmpi eq, %arg0, %eq3A : i32
    %convert_element_type3A = arith.extui %eq3A_0 : i1 to i32
    %cond3A = arith.constant 0 : i32
    %cond3A_1 = arith.cmpi ne, %convert_element_type3A, %cond3A : i32
    scf.if %cond3A_1 {
      %broadcast_in_dim3A_36 = arith.constant 0.000000e+00 : f32
      %broadcast_in_dim3A_37 = vector.broadcast %broadcast_in_dim3A_36 : f32 to vector<1x128xf32>
      %swap3A_38 = arith.constant 0 : index
      %swap3A_39 = arith.constant 0 : index
      %swap3A_40 = vector.load %arg8[%swap3A_38, %swap3A_39] : memref<1x128xf32, #tpu.memory_space<vmem>>, vector<1x128xf32>
      tpu.vector_store %arg8[%swap3A_38, %swap3A_39], %broadcast_in_dim3A_37 {strides = array<i32>} : memref<1x128xf32, #tpu.memory_space<vmem>>, vector<1x128xf32>,
    } else {
    }
    %get3A = arith.constant 0 : index
    %get3A_2 = arith.constant 0 : index
    %get3A_3 = vector.load %arg3[%get3A, %get3A_2] : memref<1000x1xf32, #tpu.memory_space<vmem>>, vector<1000x1xf32>
    %get3A_4 = arith.constant 0 : index
    %get3A_5 = arith.constant 0 : index
    %get3A_6 = arith.constant 0 : index
    %get3A_7 = vector.load %arg1[%get3A_4, %get3A_5, %get3A_6] : memref<2x1000x128xf32, #tpu.memory_space<vmem>>, vector<1x1000x128xf32>
    %get3A_8 = vector.shape_cast %get3A_7 : vector<1x1000x128xf32> to vector<1000x128xf32>
    %get3A_9 = arith.constant 1 : index
    %get3A_10 = arith.constant 0 : index
    %get3A_11 = arith.constant 0 : index
    %get3A_12 = vector.load %arg1[%get3A_9, %get3A_10, %get3A_11] : memref<2x1000x128xf32, #tpu.memory_space<vmem>>, vector<1x1000x128xf32>
    %get3A_13 = vector.shape_cast %get3A_12 : vector<1x1000x128xf32> to vector<1000x128xf32>
    %add3A = arith.addf %get3A_8, %get3A_13 : vector<1000x128xf32>
    %get3A_14 = arith.constant 0 : index
    %get3A_15 = arith.constant 0 : index
    %get3A_16 = vector.load %arg2[%get3A_14, %get3A_15] : memref<1000x128xf32, #tpu.memory_space<vmem>>, vector<1000x128xf32>
    %add3A_17 = arith.addf %add3A, %get3A_16 : vector<1000x128xf32>
    %mul3A = vector.broadcast %get3A_3 : vector<1000x1xf32> to vector<1000x128xf32>
    %mul3A_18 = arith.mulf %mul3A, %add3A_17 : vector<1000x128xf32>
    %get3A_19 = arith.constant 0 : index
    %get3A_20 = arith.constant 0 : index
    %get3A_21 = vector.load %arg4[%get3A_19, %get3A_20] : memref<1x128xf32, #tpu.memory_space<vmem>>, vector<1x128xf32>
    %add3A_22 = vector.broadcast %get3A_21 : vector<1x128xf32> to vector<1000x128xf32>
    %add3A_23 = arith.addf %mul3A_18, %add3A_22 : vector<1000x128xf32>
    %get3A_24 = arith.constant 0 : index
    %get3A_25 = arith.constant 0 : index
    %get3A_26 = vector.load %arg8[%get3A_24, %get3A_25] : memref<1x128xf32, #tpu.memory_space<vmem>>, vector<1x128xf32>
    %reduce_sum3A = arith.constant dense<0.000000e+00> : vector<128xf32>
    %reduce_sum3A_27 = vector.multi_reduction <add>, %add3A_23, %reduce_sum3A [0] : vector<1000x128xf32> to vector<128xf32>
    %broadcast_in_dim3A = vector.shape_cast %reduce_sum3A_27 : vector<128xf32> to vector<1x128xf32>
    %add3A_28 = arith.addf %get3A_26, %broadcast_in_dim3A : vector<1x128xf32>
    %swap3A = arith.constant 0 : index
    %swap3A_29 = arith.constant 0 : index
    %swap3A_30 = vector.load %arg8[%swap3A, %swap3A_29] : memref<1x128xf32, #tpu.memory_space<vmem>>, vector<1x128xf32>
    tpu.vector_store %arg8[%swap3A, %swap3A_29], %add3A_28 {strides = array<i32>} : memref<1x128xf32, #tpu.memory_space<vmem>>, vector<1x128xf32>,
    %eq3A_31 = arith.constant 9 : i32
    %eq3A_32 = arith.cmpi eq, %arg0, %eq3A_31 : i32
    %convert_element_type3A_33 = arith.extui %eq3A_32 : i1 to i32
    %cond3A_34 = arith.constant 0 : i32
    %cond3A_35 = arith.cmpi ne, %convert_element_type3A_33, %cond3A_34 : i32
    scf.if %cond3A_35 {
      %get3A_36 = arith.constant 0 : index
      %get3A_37 = arith.constant 0 : index
      %get3A_38 = vector.load %arg8[%get3A_36, %get3A_37] : memref<1x128xf32, #tpu.memory_space<vmem>>, vector<1x128xf32>
      %mul3A_39 = arith.constant 9.99999974E-5 : f32
      %mul3A_40 = vector.broadcast %mul3A_39 : f32 to vector<1x128xf32>
      %mul3A_41 = arith.mulf %get3A_38, %mul3A_40 : vector<1x128xf32>
      %get3A_42 = arith.constant 0 : index
      %get3A_43 = arith.constant 0 : index
      %get3A_44 = vector.load %arg5[%get3A_42, %get3A_43] : memref<128x128xf32, #tpu.memory_space<vmem>>, vector<128x128xf32>
      %dot_general3A = arith.constant dense<0.000000e+00> : vector<1x128xf32>
      %dot_general3A_45 = tpu.matmul %mul3A_41, %get3A_44, %dot_general3A {dimension_numbers = #tpu.dot_dimension_numbers<[1], [0], [0], [1], [0, 0, 1, 1], [], []>, transpose_lhs_hint = false} : vector<1x128xf32>, vector<128x128xf32>, vector<1x128xf32> -> vector<1x128xf32>
      %get3A_46 = arith.constant 0 : index
      %get3A_47 = arith.constant 0 : index
      %get3A_48 = vector.load %arg6[%get3A_46, %get3A_47] : memref<1x128xf32, #tpu.memory_space<vmem>>, vector<1x128xf32>
      %add3A_49 = arith.addf %dot_general3A_45, %get3A_48 : vector<1x128xf32>
      %iota3A = tpu.iota {dimensions = array<i32: 1>} : vector<1x128xi32>
      %lt3A = arith.constant 10 : i32
      %lt3A_50 = vector.broadcast %lt3A : i32 to vector<1x128xi32>
      %lt3A_51 = arith.cmpi slt, %iota3A, %lt3A_50 : vector<1x128xi32>
      %jit3A = arith.constant 0xFF800000 : f32
      %broadcast_in_dim3A_52 = vector.broadcast %jit3A : f32 to vector<1x128xf32>
      %select_n3A = arith.select %lt3A_51, %add3A_49, %broadcast_in_dim3A_52 : vector<1x128xi1>, vector<1x128xf32>
      %reduce_max3A = arith.constant dense<0xFF800000> : vector<1xf32>
      %reduce_max3A_53 = vector.multi_reduction <maximumf>, %select_n3A, %reduce_max3A [1] : vector<1x128xf32> to vector<1xf32>
      %broadcast_in_dim3A_54 = vector.shape_cast %reduce_max3A_53 : vector<1xf32> to vector<1x1xf32>
      %sub3A = vector.broadcast %broadcast_in_dim3A_54 : vector<1x1xf32> to vector<1x128xf32>
      %sub3A_55 = arith.subf %add3A_49, %sub3A : vector<1x128xf32>
      %exp3A = math.exp %sub3A_55 : vector<1x128xf32>
      %jit3A_56 = arith.constant 0.000000e+00 : f32
      %broadcast_in_dim3A_57 = vector.broadcast %jit3A_56 : f32 to vector<1x128xf32>
      %select_n3A_58 = arith.select %lt3A_51, %exp3A, %broadcast_in_dim3A_57 : vector<1x128xi1>, vector<1x128xf32>
      %reduce_sum3A_59 = arith.constant dense<0.000000e+00> : vector<1xf32>
      %reduce_sum3A_60 = vector.multi_reduction <add>, %select_n3A_58, %reduce_sum3A_59 [1] : vector<1x128xf32> to vector<1xf32>
      %broadcast_in_dim3A_61 = vector.shape_cast %reduce_sum3A_60 : vector<1xf32> to vector<1x1xf32>
      %div3A = vector.broadcast %broadcast_in_dim3A_61 : vector<1x1xf32> to vector<1x128xf32>
      %div3A_62 = arith.divf %select_n3A_58, %div3A : vector<1x128xf32>
      %swap3A_63 = arith.constant 0 : index
      %swap3A_64 = arith.constant 0 : index
      %swap3A_65 = vector.load %arg7[%swap3A_63, %swap3A_64] : memref<1x128xf32, #tpu.memory_space<vmem>>, vector<1x128xf32>
      tpu.vector_store %arg7[%swap3A_63, %swap3A_64], %div3A_62 {strides = array<i32>} : memref<1x128xf32, #tpu.memory_space<vmem>>, vector<1x128xf32>,
    } else {
    }
    return
  }
  func.func @transform_0(%arg0: i32) -> (i32, i32, i32) {
    %c0_i32 = arith.constant 0 : i32
    %c0_i32_0 = arith.constant 0 : i32
    %c0_i32_1 = arith.constant 0 : i32
    return %c0_i32, %arg0, %c0_i32_0 : i32, i32, i32
  }
  func.func @transform_1(%arg0: i32) -> (i32, i32) {
    %c0_i32 = arith.constant 0 : i32
    %c0_i32_0 = arith.constant 0 : i32
    return %arg0, %c0_i32 : i32, i32
  }
  func.func @transform_2(%arg0: i32) -> (i32, i32) {
    %c0_i32 = arith.constant 0 : i32
    %c0_i32_0 = arith.constant 0 : i32
    return %arg0, %c0_i32 : i32, i32
  }
  func.func @transform_3(%arg0: i32) -> (i32, i32) {
    %c0_i32 = arith.constant 0 : i32
    %c0_i32_0 = arith.constant 0 : i32
    %c0_i32_1 = arith.constant 0 : i32
    return %c0_i32, %c0_i32_0 : i32, i32
  }
  func.func @transform_4(%arg0: i32) -> (i32, i32) {
    %c0_i32 = arith.constant 0 : i32
    %c0_i32_0 = arith.constant 0 : i32
    %c0_i32_1 = arith.constant 0 : i32
    return %c0_i32, %c0_i32_0 : i32, i32
  }
  func.func @transform_5(%arg0: i32) -> (i32, i32) {
    %c0_i32 = arith.constant 0 : i32
    %c0_i32_0 = arith.constant 0 : i32
    %c0_i32_1 = arith.constant 0 : i32
    return %c0_i32, %c0_i32_0 : i32, i32
  }
  func.func @transform_6(%arg0: i32) -> (i32, i32) {
    %c0_i32 = arith.constant 0 : i32
    %c0_i32_0 = arith.constant 0 : i32
    %c0_i32_1 = arith.constant 0 : i32
    return %c0_i32, %c0_i32_0 : i32, i32
  }
}

</mosaic_0001>

<sc_bundles>
// kernel: kernel.10.cloned.1.call-start
scs
__scs_entry_jumppad:
0x0: {  	(pc) =	sbr.rel $0x88, $3  }
0x1: {  	(tag) =	ssettag $0x0;
	lr =	simm.s32 $0x1  }
0x2: {  	[smem:$0x3F97] =	sst lr;
	_ =	strace $0xD0000000  }
0x3: {  	_ = 	snop  }
0x4: {  	_ = 	snop  }
0x5: {  	_ = 	snop  }
0x6: {  	_ = 	snop  }
0x7: {  	_ = 	snop  }
__scs_overlays_trampoline_lowered:
0x8: {  	[smem:$0x3FA6] =	sst s0  }
0x9: {  	[smem:$0x3FA7] =	sst s1  }
0xa: {  	[smem:$0x3FA8] =	sst s2  }
0xb: {  	[smem:$0x3FA9] =	sst s3  }
0xc: {  	[smem:$0x3FAA] =	sst s4  }
0xd: {  	[smem:$0x3FAB] =	sst s5  }
0xe: {  	[smem:$0x3FAC] =	sst s6  }
0xf: {  	[smem:$0x3FAD] =	sst s7  }
0x10: {  	[smem:$0x3FAE] =	sst s8  }
0x11: {  	[smem:$0x3FAF] =	sst s9;
	s0 =	simm.s32 @!p0 $0x0  }
0x12: {  	s1 =	sld [smem:$0x3F95];
	s0 =	simm.s32 @p0 $0x1  }
0x13: {  	[smem:$0x3FB0] =	sst s0;
	s0 =	simm.s32 @!p1 $0x0  }
0x14: {  	s2 =	sld [smem:$0x3F94];
	s0 =	simm.s32 @p1 $0x1  }
0x15: {  	[smem:$0x3FB1] =	sst s0;
	s0 =	simm.s32 @!p2 $0x0  }
0x16: {  	s3 =	sld [smem:$0x3FDB];
	s0 =	simm.s32 @p2 $0x1  }
0x17: {  	s4 =	simm.s32 $0x1BF5;
	[smem:$0x3FB3] =	sst s0  }
0x18: {  	s0 =	sld [smem:$0x3F96];
	_ =	swait.ge [sflag:s4], $0x0  }
0x19: {  	s7 =	sld [smem:$0x3F97]  }
0x1a: {  	s8 =	sadd.s32 $0xFFFFE003, lr  }
0x1b: {  	s9 =	sadd.s32 $0xFFFFFEF7, lr;
	s5 =	simm.s32 $0xFFFFFFFF;
	p2 =	slt.u32 s8, $0xFFFFF086  }
0x1c: {  	p1 =	slt.u32 s9, $0xF7A;
	s5 =	simm.s32 @!p2 $0x0  }
0x1d: {  	s5 =	simm.s32 @p1 $0x1;
	p0 =	seq.s32 s7, s2  }
0x1e: {  	s7 =	smul.u32 @!p0 $0xF7A, s2;
	p2 =	seq.s32 @!p0 s5, $0x0  }
0x1f: {  	s9 =	smul.u32 $0xF7A, s1;
	s8 =	simm.s32 @!p0 $0x1BF5;
	p2 =	por !p2, p0  }
0x20: {  	[sflag:s8] =	ssyncset.s32 @!p0 $0xFFFFF086;
	s6 =	sadd.s32 @!p0 s3, s7;
	s7 =	simm.s32 @!p0 $0x108  }
0x21: {  	s3 =	sadd.s32 s3, s9;
	s6 =	sadd.s32 @!p0 $0x88, s6;
	s7 =	simm.s32 @p2 $0x1082  }
0x22: {  	[simem:s7], [sflag:s8] =	dma.local @!p0 [hbm:s6], $0xF7A  }
0x23: {  	s9 =	sor.u32 $0xD0000000, s2;
	s6 =	simm.s32 $0x108;
	_ =	swait.ge @!p0 [sflag:s8], $0x0  }
0x24: {  	s3 =	sadd.s32 $0x88, s3;
	s6 =	simm.s32 @!p1 $0x1082;
	[sflag:s4] =	ssyncset.s32 $0xFFFFF086  }
0x25: {  	[simem:s6], [sflag:s4] =	dma.local [hbm:s3], $0xF7A  }
0x26: {  	[smem:$0x3F97] =	sst s1;
	(tag) =	ssettag s2;
	_ =	strace s9  }
0x27: {  	s1 =	sld [smem:$0x3FA7]  }
0x28: {  	s2 =	sld [smem:$0x3FA8]  }
0x29: {  	s4 =	sld [smem:$0x3FAA]  }
0x2a: {  	p0 =	seq.s32 s5, $0x0;
	s5 =	sld [smem:$0x3FAB]  }
0x2b: {  	s6 =	sld [smem:$0x3FAC]  }
0x2c: {  	s7 =	sld [smem:$0x3FAD]  }
0x2d: {  	s3 =	simm.s32 $0x108;
	s8 =	sld [smem:$0x3FAE]  }
0x2e: {  	s3 =	simm.s32 @!p0 $0x1082;
	s9 =	sld [smem:$0x3FAF]  }
0x2f: {  	lr =	sadd.s32 s0, s3;
	s0 =	sld [smem:$0x3FA6]  }
0x30: {  	s3 =	sld [smem:$0x3FA9]  }
0x31: {  	[smem:$0x3FB2] =	sst s10  }
0x32: {  	s10 =	sld [smem:$0x3FB0];
	_ =	sdelay $0x3  }
0x33: {  	p0 =	seq.s32 s10, $0x1;
	s10 =	sld [smem:$0x3FB2];
	_ =	sdelay $0x3  }
0x34: {  	[smem:$0x3FB2] =	sst s10  }
0x35: {  	s10 =	sld [smem:$0x3FB1];
	_ =	sdelay $0x3  }
0x36: {  	p1 =	seq.s32 s10, $0x1;
	s10 =	sld [smem:$0x3FB2];
	_ =	sdelay $0x3  }
0x37: {  	[smem:$0x3FB2] =	sst s10  }
0x38: {  	s10 =	sld [smem:$0x3FB3]  }
0x39: {  	_ = 	snop;
	(pc) =	sbr.ind lr, $3  }
0x3a: {  	_ = 	snop  }
0x3b: {  	_ = 	snop  }
0x3c: {  	p2 =	seq.s32 s10, $0x1;
	s10 =	sld [smem:$0x3FB2]  }
0x3d: {  	_ =	shalt  }
0x3e: {  	_ =	shalt  }
0x3f: {  	_ =	shalt  }
0x40: {  	_ =	shalt  }
0x41: {  	_ =	shalt  }
0x42: {  	_ =	shalt  }
0x43: {  	_ =	shalt  }
0x44: {  	_ =	shalt  }
0x45: {  	_ =	shalt  }
0x46: {  	_ =	shalt  }
0x47: {  	_ =	shalt  }
0x48: {  	_ =	shalt  }
0x49: {  	_ =	shalt  }
0x4a: {  	_ =	shalt  }
0x4b: {  	_ =	shalt  }
0x4c: {  	_ =	shalt  }
0x4d: {  	_ =	shalt  }
0x4e: {  	_ =	shalt  }
0x4f: {  	_ =	shalt  }
0x50: {  	_ =	shalt  }
0x51: {  	_ =	shalt  }
0x52: {  	_ =	shalt  }
0x53: {  	_ =	shalt  }
0x54: {  	_ =	shalt  }
0x55: {  	_ =	shalt  }
0x56: {  	_ =	shalt  }
0x57: {  	_ =	shalt  }
0x58: {  	_ =	shalt  }
0x59: {  	_ =	shalt  }
0x5a: {  	_ =	shalt  }
0x5b: {  	_ =	shalt  }
0x5c: {  	_ =	shalt  }
0x5d: {  	_ =	shalt  }
0x5e: {  	_ =	shalt  }
0x5f: {  	_ =	shalt  }
0x60: {  	_ =	shalt  }
0x61: {  	_ =	shalt  }
0x62: {  	_ =	shalt  }
0x63: {  	_ =	shalt  }
0x64: {  	_ =	shalt  }
0x65: {  	_ =	shalt  }
0x66: {  	_ =	shalt  }
0x67: {  	_ =	shalt  }
0x68: {  	_ =	shalt  }
0x69: {  	_ =	shalt  }
0x6a: {  	_ =	shalt  }
0x6b: {  	_ =	shalt  }
0x6c: {  	_ =	shalt  }
0x6d: {  	_ =	shalt  }
0x6e: {  	_ =	shalt  }
0x6f: {  	_ =	shalt  }
0x70: {  	_ =	shalt  }
0x71: {  	_ =	shalt  }
0x72: {  	_ =	shalt  }
0x73: {  	_ =	shalt  }
0x74: {  	_ =	shalt  }
0x75: {  	_ =	shalt  }
0x76: {  	_ =	shalt  }
0x77: {  	_ =	shalt  }
0x78: {  	_ =	shalt  }
0x79: {  	_ =	shalt  }
0x7a: {  	_ =	shalt  }
0x7b: {  	_ =	shalt  }
0x7c: {  	_ =	shalt  }
0x7d: {  	_ =	shalt  }
0x7e: {  	_ =	shalt  }
0x7f: {  	_ =	shalt  }
0x80: {  	_ =	shalt  }
0x81: {  	_ =	shalt  }
0x82: {  	_ =	shalt  }
0x83: {  	_ =	shalt  }
0x84: {  	_ =	shalt  }
0x85: {  	_ =	shalt  }
0x86: {  	_ =	shalt  }
0x87: {  	_ =	shalt  }
.Lfunc_end0:
.L_simem_size_0:
called_computation_lowered:
.L_overlay_start_0:
0x88: {  	s2 =	sld [smem:$0x3FD9]  }
0x89: {  	s3 =	sld [smem:$0x3FFE];
	_ =	sdelay $0x1  }
0x8a: {  	s1 =	srdreg.scid  }
0x8b: {  	s0 =	sand.u32 $0x1, s1  }
0x8c: {  	s16 =	sshll.u32 s0, $0xA;
	s2 =	sadd.s32 s3, s2  }
0x8d: {  	s2 =	sadd.s32 s2, s16  }
0x8e: {  	[smem:$0x3FBE] =	sst s2  }
0x8f: {  	_ = 	snop  }
0x90: {  	(tm) =	ssettm $0x1  }
0x91: {  	s17 =	sld [smem:$0x3FFB];
	_ =	sdelay $0x3  }
0x92: {  	_ =	strace s17  }
0x93: {  	s2 =	sld [smem:$0x3FFC];
	_ =	sdelay $0x3  }
0x94: {  	_ =	strace s2  }
0x95: {  	s2 =	sld [smem:$0x3FFD];
	_ =	sdelay $0x3  }
0x96: {  	_ =	strace s2  }
0x97: {  	_ =	strace $0x8FFFFFFF  }
0x98: {  	s18 =	sld [smem:$0x3FDB];
	_ =	sdelay $0x1  }
0x99: {  	s19 =	simm.s32 $_scs_section_size  }
0x9a: {  	s4 =	simm.s32 $_size__tile_overlayer_lowered;
	s5 =	simm.s32 $_tile_overlayer_lowered  }
0x9b: {  	s22 =	simm.s32 $0x1BFF;
	s21 =	sshll.u32 s5, $0x1;
	s2 =	sadd.s32 s19, s18  }
0x9c: {  	s6 =	simm.s32 $0x0;
	s20 =	sshll.u32 s4, $0x1;
	s4 =	sadd.s32 s21, s2  }
0x9d: {  	[timem:s6], [sflag:s22] =	dma.local [hbm:s4], s20  }
0x9e: {  	_ =	swait.ge [sflag:s22], s20  }
0x9f: {  	s3 =	ssub.s32 $0x0, s20;
	[sflag:s22] =	ssyncset.done $0x0  }
0xa0: {  	[sflag:s22] =	ssyncadd.s32 s3;
	_ =	sdelay $0x1  }
0xa1: {  	s23 =	simm.s32 $0x1B8B  }
0xa2: {  	_ =	swait.ge [sflag:s23], $0x1  }
0xa3: {  	[sflag:s23] =	ssyncset.done $0x0  }
0xa4: {  	s25 =	simm.s32 $0x1B8E;
	s24 =	sld [smem:$0x3FFE];
	[sflag:s23] =	ssyncadd.s32 $0xFFFFFFFF  }
0xa5: {  	s26 =	simm.s32 $execute0_lowered;
	[smem:$0x3FD2] =	sst s25  }
0xa6: {  	s4 =	sshll.u32 s26, $0x1;
	_ =	strace $0x80000046;
	[dreg:$0x1] =	wrdreg $0xFFFFFFFF  }
0xa7: {  	s28 =	simm.s32 $_size_execute0_lowered;
	s2 =	sadd.s32 s2, s4;
	[dreg:$0x0] =	wrdreg $0x0  }
0xa8: {  	s4 =	sshll.u32 s28, $0x1;
	[dreg:$0x2] =	wrdreg s2  }
0xa9: {  	[dreg:$0x3] =	wrdreg s4  }
0xaa: {  	[dreg:$0x4] =	wrdreg $0xC0  }
0xab: {  	_ =	task [dreg:s6], $0x5FFFF  }
0xac: {  	[dreg:$0x1] =	wrdreg $0xFFFFFFFF  }
0xad: {  	[dreg:$0x0] =	wrdreg $0x60  }
0xae: {  	[dreg:$0x2] =	wrdreg s24  }
0xaf: {  	[dreg:$0x3] =	wrdreg $0x9  }
0xb0: {  	_ =	task.clear_ibuf [dreg:s6], $0x4FFFF;
	_ =	strace $0x90000046  }
0xb1: {  	s29 =	simm.s32 $0x9;
	_ =	strace $0x80000048  }
0xb2: {  	_ =	swait.ge [sflag:s29], $0x1  }
0xb3: {  	[sflag:s29] =	ssyncadd.s32 $0xFFFFFFFF  }
0xb4: {  	_ =	strace $0x90000048  }
0xb5: {  	_ =	sfence  }
0xb6: {  	s30 =	sld [smem:$0x0];
	_ =	sdelay $0x2  }
0xb7: {  	s31 =	sshll.u32 s1, $0xD;
	s1 =	sshrl.u32 s1, $0x2  }
0xb8: {  	s3 =	sand.u32 $0x4000, s31;
	s1 =	sadd.s32 s1, s30  }
0xb9: {  	s0 =	sor.u32 s3, s0;
	s1 =	sshll.u32 s1, $0x11  }
0xba: {  	s0 =	sor.u32 s1, s0  }
0xbb: {  	s0 =	sadd.s32 $0x8F2B, s0  }
0xbc: {  	[sflag:s0] =	ssyncadd.remote.s32 $0x1  }
0xbd: {  	_ =	sfence.sel $0xFFFF  }
0xbe: {  	[dreg:$0x0] =	wrdreg $0xFFFFFFFF;
	(pc) =	sbr.abs _section_cstart, $3  }
0xbf: {  	[dreg:$0x1] =	wrdreg $0xFFFFFFFF  }
0xc0: {  	_ =	task.clear_ibuf [dreg:s6], $0x2FFFF;
	_ =	strace $0x9FFFFFFF  }
0xc1: {  	(tm) =	ssettm $0x7FFFFFFF  }
tec
execute0_lowered:
.L_overlay_start_1:
0x0: {  	(tag) =	ssettag $0x1  }
0x1: {  	s4 =	rddreg [dreg:$0x0]  }
0x2: {  	s1 =	srdreg.scid;
	s0 =	rddreg [dreg:$0x1]  }
0x3: {  	s2 =	simm.s32 $0x0;
	s12 =	simm.s32 $0x1;
	s5 =	sand.u32 $0x1, s1  }
0x4: {  	s1 =	stileid.u32;
	s3 =	sshll.u32 s5, $0x4;
	s11 =	smul.u32 $0x4E20, s5  }
0x5: {  	s13 =	simm.s32 $0x2;
	s31 =	smul.u32 $0x4E2, s1;
	s6 =	sor.u32 s1, s3  }
0x6: {  	s14 =	simm.s32 $0x0;
	[smem:$0x7FF] =	sst s2;
	s7 =	smul.u32 $0x500, s6  }
0x7: {  	s8 =	sadd.s32 $0xC800, s4;
	s29 =	ssub.s32 $0x2, s5;
	s9 =	smul.u32 $0x2710, s6  }
0x8: {  	v0 =	vimm.f32 $1.000000000e+00;
	_ =	strace $0x80000047;
	s10 =	sshrl.u32 s29, $0x1;
	s6 =	smul.u32 $0x4E2, s6  }
.Ltmp0:
0x9: {  	vm0 =	vcmask $0x704;
	vm1 =	vcmask $0xB08;
	vm2 =	vcmask $0xF0C;
	s3 =	sadd.s32 $0x16600, s4;
	s10 =	ssub.s32 s29, s10;
	(pc) =	sbr.rel .LBB2_1-.Ltmp0, $4  }
0xa: {  	vm3 =	vcmask $0x1310;
	vm4 =	vcmask $0x1714;
	vm5 =	vcmask $0x1B18;
	s7 =	sadd.s32 s7, s4;
	s9 =	sshrl.u32 s9, $0x3;
	s4 =	sadd.s32 s8, s6  }
0xb: {  	vm6 =	vcmask $0x1F1C;
	vm7 =	vcmask $0x2320;
	vm8 =	vcmask $0x2724;
	s30 =	sadd.s32 s8, s9;
	s8 =	sadd.s32 s11, s8;
	s6 =	sadd.s32 $0x16C00, s7  }
0xc: {  	vm9 =	vcmask $0x2B28;
	vm10 =	vcmask $0x2F2C;
	vm11 =	vcmask $0x3330;
	s7 =	smax.u32 s10, $0x1;
	s9 =	simm.s32 $0x100;
	s10 =	simm.s32 $0x3  }
0xd: {  	vm12 =	vcmask $0x3734;
	vm13 =	vcmask $0x3B38;
	vm14 =	vcmask $0x3F3C;
	s11 =	simm.s32 $0x80;
	s5 =	sadd.s32 $0xA, s30;
	s8 =	sadd.s32 s31, s8  }
.LBB2_4:
0xe: {  	_ =	swait.ge [sflag:s12], $0x50  }
0xf: {  	[sflag:s12] =	ssyncset.done $0x0  }
0x10: {  	[sflag:s12] =	ssyncadd.s32 $0xFFFFFFB0  }
0x11: {  	v1 =	vld [tilespmem:$0x0];
	_ =	sdelay $0x7  }
0x12: {  	[tilespmem:v1+s9+$0x0] =	vst.idx.add.f32.msk $0x1, v0  }
0x13: {  	[tilespmem:v1+s9+$0x0] =	vst.idx.add.f32.msk vm0, v0  }
0x14: {  	[tilespmem:v1+s9+$0x0] =	vst.idx.add.f32.msk vm1, v0  }
0x15: {  	[tilespmem:v1+s9+$0x0] =	vst.idx.add.f32.msk vm2, v0  }
0x16: {  	[tilespmem:v1+s9+$0x0] =	vst.idx.add.f32.msk vm3, v0  }
0x17: {  	[tilespmem:v1+s9+$0x0] =	vst.idx.add.f32.msk vm4, v0  }
0x18: {  	[tilespmem:v1+s9+$0x0] =	vst.idx.add.f32.msk vm5, v0  }
0x19: {  	[tilespmem:v1+s9+$0x0] =	vst.idx.add.f32.msk vm6, v0  }
0x1a: {  	[tilespmem:v1+s9+$0x0] =	vst.idx.add.f32.msk vm7, v0  }
0x1b: {  	[tilespmem:v1+s9+$0x0] =	vst.idx.add.f32.msk vm8, v0  }
0x1c: {  	[tilespmem:v1+s9+$0x0] =	vst.idx.add.f32.msk vm9, v0  }
0x1d: {  	[tilespmem:v1+s9+$0x0] =	vst.idx.add.f32.msk vm10, v0  }
0x1e: {  	[tilespmem:v1+s9+$0x0] =	vst.idx.add.f32.msk vm11, v0  }
0x1f: {  	[tilespmem:v1+s9+$0x0] =	vst.idx.add.f32.msk vm12, v0  }
0x20: {  	[tilespmem:v1+s9+$0x0] =	vst.idx.add.f32.msk vm13, v0  }
0x21: {  	[tilespmem:v1+s9+$0x0] =	vst.idx.add.f32.msk vm14, v0  }
0x22: {  	v1 =	vld [tilespmem:$0x10];
	_ =	sdelay $0x7  }
0x23: {  	[tilespmem:v1+s9+$0x0] =	vst.idx.add.f32.msk $0x1, v0  }
0x24: {  	[tilespmem:v1+s9+$0x0] =	vst.idx.add.f32.msk vm0, v0  }
0x25: {  	[tilespmem:v1+s9+$0x0] =	vst.idx.add.f32.msk vm1, v0  }
0x26: {  	[tilespmem:v1+s9+$0x0] =	vst.idx.add.f32.msk vm2, v0  }
0x27: {  	[tilespmem:v1+s9+$0x0] =	vst.idx.add.f32.msk vm3, v0  }
0x28: {  	[tilespmem:v1+s9+$0x0] =	vst.idx.add.f32.msk vm4, v0  }
0x29: {  	[tilespmem:v1+s9+$0x0] =	vst.idx.add.f32.msk vm5, v0  }
0x2a: {  	[tilespmem:v1+s9+$0x0] =	vst.idx.add.f32.msk vm6, v0  }
0x2b: {  	[tilespmem:v1+s9+$0x0] =	vst.idx.add.f32.msk vm7, v0  }
0x2c: {  	[tilespmem:v1+s9+$0x0] =	vst.idx.add.f32.msk vm8, v0  }
0x2d: {  	[tilespmem:v1+s9+$0x0] =	vst.idx.add.f32.msk vm9, v0  }
0x2e: {  	[tilespmem:v1+s9+$0x0] =	vst.idx.add.f32.msk vm10, v0  }
0x2f: {  	[tilespmem:v1+s9+$0x0] =	vst.idx.add.f32.msk vm11, v0  }
0x30: {  	[tilespmem:v1+s9+$0x0] =	vst.idx.add.f32.msk vm12, v0  }
0x31: {  	[tilespmem:v1+s9+$0x0] =	vst.idx.add.f32.msk vm13, v0  }
0x32: {  	[tilespmem:v1+s9+$0x0] =	vst.idx.add.f32.msk vm14, v0  }
0x33: {  	v1 =	vld [tilespmem:$0x20];
	_ =	sdelay $0x7  }
0x34: {  	[tilespmem:v1+s9+$0x0] =	vst.idx.add.f32.msk $0x1, v0  }
0x35: {  	[tilespmem:v1+s9+$0x0] =	vst.idx.add.f32.msk vm0, v0  }
0x36: {  	[tilespmem:v1+s9+$0x0] =	vst.idx.add.f32.msk vm1, v0  }
0x37: {  	[tilespmem:v1+s9+$0x0] =	vst.idx.add.f32.msk vm2, v0  }
0x38: {  	[tilespmem:v1+s9+$0x0] =	vst.idx.add.f32.msk vm3, v0  }
0x39: {  	[tilespmem:v1+s9+$0x0] =	vst.idx.add.f32.msk vm4, v0  }
0x3a: {  	[tilespmem:v1+s9+$0x0] =	vst.idx.add.f32.msk vm5, v0  }
0x3b: {  	[tilespmem:v1+s9+$0x0] =	vst.idx.add.f32.msk vm6, v0  }
0x3c: {  	[tilespmem:v1+s9+$0x0] =	vst.idx.add.f32.msk vm7, v0  }
0x3d: {  	[tilespmem:v1+s9+$0x0] =	vst.idx.add.f32.msk vm8, v0  }
0x3e: {  	[tilespmem:v1+s9+$0x0] =	vst.idx.add.f32.msk vm9, v0  }
0x3f: {  	[tilespmem:v1+s9+$0x0] =	vst.idx.add.f32.msk vm10, v0  }
0x40: {  	[tilespmem:v1+s9+$0x0] =	vst.idx.add.f32.msk vm11, v0  }
0x41: {  	[tilespmem:v1+s9+$0x0] =	vst.idx.add.f32.msk vm12, v0  }
0x42: {  	[tilespmem:v1+s9+$0x0] =	vst.idx.add.f32.msk vm13, v0  }
0x43: {  	[tilespmem:v1+s9+$0x0] =	vst.idx.add.f32.msk vm14, v0  }
0x44: {  	v1 =	vld [tilespmem:$0x30];
	_ =	sdelay $0x7  }
0x45: {  	[tilespmem:v1+s9+$0x0] =	vst.idx.add.f32.msk $0x1, v0  }
0x46: {  	[tilespmem:v1+s9+$0x0] =	vst.idx.add.f32.msk vm0, v0  }
0x47: {  	[tilespmem:v1+s9+$0x0] =	vst.idx.add.f32.msk vm1, v0  }
0x48: {  	[tilespmem:v1+s9+$0x0] =	vst.idx.add.f32.msk vm2, v0  }
0x49: {  	[tilespmem:v1+s9+$0x0] =	vst.idx.add.f32.msk vm3, v0  }
0x4a: {  	[tilespmem:v1+s9+$0x0] =	vst.idx.add.f32.msk vm4, v0  }
0x4b: {  	[tilespmem:v1+s9+$0x0] =	vst.idx.add.f32.msk vm5, v0  }
0x4c: {  	[tilespmem:v1+s9+$0x0] =	vst.idx.add.f32.msk vm6, v0  }
0x4d: {  	[tilespmem:v1+s9+$0x0] =	vst.idx.add.f32.msk vm7, v0  }
0x4e: {  	[tilespmem:v1+s9+$0x0] =	vst.idx.add.f32.msk vm8, v0  }
0x4f: {  	[tilespmem:v1+s9+$0x0] =	vst.idx.add.f32.msk vm9, v0  }
0x50: {  	[tilespmem:v1+s9+$0x0] =	vst.idx.add.f32.msk vm10, v0  }
0x51: {  	[tilespmem:v1+s9+$0x0] =	vst.idx.add.f32.msk vm11, v0  }
0x52: {  	[tilespmem:v1+s9+$0x0] =	vst.idx.add.f32.msk vm12, v0  }
0x53: {  	[tilespmem:v1+s9+$0x0] =	vst.idx.add.f32.msk vm13, v0  }
0x54: {  	[tilespmem:v1+s9+$0x0] =	vst.idx.add.f32.msk vm14, v0  }
0x55: {  	v1 =	vld [tilespmem:$0x40];
	_ =	sdelay $0x7  }
0x56: {  	[tilespmem:v1+s9+$0x0] =	vst.idx.add.f32.msk $0x1, v0  }
0x57: {  	[tilespmem:v1+s9+$0x0] =	vst.idx.add.f32.msk vm0, v0  }
0x58: {  	[tilespmem:v1+s9+$0x0] =	vst.idx.add.f32.msk vm1, v0  }
0x59: {  	[tilespmem:v1+s9+$0x0] =	vst.idx.add.f32.msk vm2, v0  }
0x5a: {  	[tilespmem:v1+s9+$0x0] =	vst.idx.add.f32.msk vm3, v0  }
0x5b: {  	[tilespmem:v1+s9+$0x0] =	vst.idx.add.f32.msk vm4, v0  }
0x5c: {  	[tilespmem:v1+s9+$0x0] =	vst.idx.add.f32.msk vm5, v0  }
0x5d: {  	[tilespmem:v1+s9+$0x0] =	vst.idx.add.f32.msk vm6, v0  }
0x5e: {  	[tilespmem:v1+s9+$0x0] =	vst.idx.add.f32.msk vm7, v0  }
0x5f: {  	[tilespmem:v1+s9+$0x0] =	vst.idx.add.f32.msk vm8, v0  }
0x60: {  	[tilespmem:v1+s9+$0x0] =	vst.idx.add.f32.msk vm9, v0  }
0x61: {  	[tilespmem:v1+s9+$0x0] =	vst.idx.add.f32.msk vm10, v0  }
0x62: {  	[tilespmem:v1+s9+$0x0] =	vst.idx.add.f32.msk vm11, v0  }
0x63: {  	s14 =	sadd.s32 $0x1, s14;
	[tilespmem:v1+s9+$0x0] =	vst.idx.add.f32.msk vm12, v0  }
0x64: {  	p0 =	sne.s32 s14, s7;
	[tilespmem:v1+s9+$0x0] =	vst.idx.add.f32.msk vm13, v0  }
.Ltmp1:
0x65: {  	[tilespmem:v1+s9+$0x0] =	vst.idx.add.f32.msk vm14, v0;
	(pc) =	sbr.rel @!p0 .LBB2_5-.Ltmp1, $4  }
0x66: {  	[hbm4b:s6+s2] =	stream.linear.scatter [tilespmem:s9], [sflag:$0x3], $0x2800, $0x38;
	[tilespmem:$0x2900] =	vst v63  }
0x67: {  	_ =	swait.ge [sflag:s10], $0x2800  }
0x68: {  	[sflag:s10] =	ssyncset.done $0x0  }
0x69: {  	[sflag:s10] =	ssyncadd.s32 $0xFFFFD800  }
.LBB2_1:
0x6a: {  	[tilespmem:s9], [sflag:$0x3] =	stream.linear.gather [hbm4b:s3+s2], $0x2800, $0x38;
	[tilespmem:$0x2900] =	vst v63  }
0x6b: {  	_ =	swait.ge [sflag:s10], $0x2800  }
0x6c: {  	[sflag:s10] =	ssyncset.done $0x0  }
0x6d: {  	[sflag:s10] =	ssyncadd.s32 $0xFFFFD800  }
0x6e: {  	[tilespmem:s2], [sflag:$0x1] =	stream.linear.gather [hbm4b:s4+s2], $0x50, $0x38;
	[tilespmem:$0x2900] =	vst v63  }
0x6f: {  	s15 =	simm.s32 $0xFFFFFB3C  }
0x70: {  	[tilespmem:s11], [sflag:$0x2] =	stream.linear.gather [hbm4b:s5+s2], $0x50, $0x38;
	[tilespmem:$0x2900] =	vst v63  }
.LBB2_2:
0x71: {  	_ =	swait.ge [sflag:s12], $0x50  }
0x72: {  	[sflag:s12] =	ssyncset.done $0x0  }
0x73: {  	[sflag:s12] =	ssyncadd.s32 $0xFFFFFFB0  }
0x74: {  	v1 =	vld [tilespmem:$0x0];
	_ =	sdelay $0x7  }
0x75: {  	[tilespmem:v1+s9+$0x0] =	vst.idx.add.f32.msk $0x1, v0  }
0x76: {  	[tilespmem:v1+s9+$0x0] =	vst.idx.add.f32.msk vm0, v0  }
0x77: {  	[tilespmem:v1+s9+$0x0] =	vst.idx.add.f32.msk vm1, v0  }
0x78: {  	[tilespmem:v1+s9+$0x0] =	vst.idx.add.f32.msk vm2, v0  }
0x79: {  	[tilespmem:v1+s9+$0x0] =	vst.idx.add.f32.msk vm3, v0  }
0x7a: {  	[tilespmem:v1+s9+$0x0] =	vst.idx.add.f32.msk vm4, v0  }
0x7b: {  	[tilespmem:v1+s9+$0x0] =	vst.idx.add.f32.msk vm5, v0  }
0x7c: {  	[tilespmem:v1+s9+$0x0] =	vst.idx.add.f32.msk vm6, v0  }
0x7d: {  	[tilespmem:v1+s9+$0x0] =	vst.idx.add.f32.msk vm7, v0  }
0x7e: {  	[tilespmem:v1+s9+$0x0] =	vst.idx.add.f32.msk vm8, v0  }
0x7f: {  	[tilespmem:v1+s9+$0x0] =	vst.idx.add.f32.msk vm9, v0  }
0x80: {  	[tilespmem:v1+s9+$0x0] =	vst.idx.add.f32.msk vm10, v0  }
0x81: {  	[tilespmem:v1+s9+$0x0] =	vst.idx.add.f32.msk vm11, v0  }
0x82: {  	[tilespmem:v1+s9+$0x0] =	vst.idx.add.f32.msk vm12, v0  }
0x83: {  	[tilespmem:v1+s9+$0x0] =	vst.idx.add.f32.msk vm13, v0  }
0x84: {  	[tilespmem:v1+s9+$0x0] =	vst.idx.add.f32.msk vm14, v0  }
0x85: {  	v1 =	vld [tilespmem:$0x10];
	_ =	sdelay $0x7  }
0x86: {  	[tilespmem:v1+s9+$0x0] =	vst.idx.add.f32.msk $0x1, v0  }
0x87: {  	[tilespmem:v1+s9+$0x0] =	vst.idx.add.f32.msk vm0, v0  }
0x88: {  	[tilespmem:v1+s9+$0x0] =	vst.idx.add.f32.msk vm1, v0  }
0x89: {  	[tilespmem:v1+s9+$0x0] =	vst.idx.add.f32.msk vm2, v0  }
0x8a: {  	[tilespmem:v1+s9+$0x0] =	vst.idx.add.f32.msk vm3, v0  }
0x8b: {  	[tilespmem:v1+s9+$0x0] =	vst.idx.add.f32.msk vm4, v0  }
0x8c: {  	[tilespmem:v1+s9+$0x0] =	vst.idx.add.f32.msk vm5, v0  }
0x8d: {  	[tilespmem:v1+s9+$0x0] =	vst.idx.add.f32.msk vm6, v0  }
0x8e: {  	[tilespmem:v1+s9+$0x0] =	vst.idx.add.f32.msk vm7, v0  }
0x8f: {  	[tilespmem:v1+s9+$0x0] =	vst.idx.add.f32.msk vm8, v0  }
0x90: {  	[tilespmem:v1+s9+$0x0] =	vst.idx.add.f32.msk vm9, v0  }
0x91: {  	[tilespmem:v1+s9+$0x0] =	vst.idx.add.f32.msk vm10, v0  }
0x92: {  	[tilespmem:v1+s9+$0x0] =	vst.idx.add.f32.msk vm11, v0  }
0x93: {  	[tilespmem:v1+s9+$0x0] =	vst.idx.add.f32.msk vm12, v0  }
0x94: {  	[tilespmem:v1+s9+$0x0] =	vst.idx.add.f32.msk vm13, v0  }
0x95: {  	[tilespmem:v1+s9+$0x0] =	vst.idx.add.f32.msk vm14, v0  }
0x96: {  	v1 =	vld [tilespmem:$0x20];
	_ =	sdelay $0x7  }
0x97: {  	[tilespmem:v1+s9+$0x0] =	vst.idx.add.f32.msk $0x1, v0  }
0x98: {  	[tilespmem:v1+s9+$0x0] =	vst.idx.add.f32.msk vm0, v0  }
0x99: {  	[tilespmem:v1+s9+$0x0] =	vst.idx.add.f32.msk vm1, v0  }
0x9a: {  	[tilespmem:v1+s9+$0x0] =	vst.idx.add.f32.msk vm2, v0  }
0x9b: {  	[tilespmem:v1+s9+$0x0] =	vst.idx.add.f32.msk vm3, v0  }
0x9c: {  	[tilespmem:v1+s9+$0x0] =	vst.idx.add.f32.msk vm4, v0  }
0x9d: {  	[tilespmem:v1+s9+$0x0] =	vst.idx.add.f32.msk vm5, v0  }
0x9e: {  	[tilespmem:v1+s9+$0x0] =	vst.idx.add.f32.msk vm6, v0  }
0x9f: {  	[tilespmem:v1+s9+$0x0] =	vst.idx.add.f32.msk vm7, v0  }
0xa0: {  	[tilespmem:v1+s9+$0x0] =	vst.idx.add.f32.msk vm8, v0  }
0xa1: {  	[tilespmem:v1+s9+$0x0] =	vst.idx.add.f32.msk vm9, v0  }
0xa2: {  	[tilespmem:v1+s9+$0x0] =	vst.idx.add.f32.msk vm10, v0  }
0xa3: {  	[tilespmem:v1+s9+$0x0] =	vst.idx.add.f32.msk vm11, v0  }
0xa4: {  	[tilespmem:v1+s9+$0x0] =	vst.idx.add.f32.msk vm12, v0  }
0xa5: {  	[tilespmem:v1+s9+$0x0] =	vst.idx.add.f32.msk vm13, v0  }
0xa6: {  	[tilespmem:v1+s9+$0x0] =	vst.idx.add.f32.msk vm14, v0  }
0xa7: {  	v1 =	vld [tilespmem:$0x30];
	_ =	sdelay $0x7  }
0xa8: {  	[tilespmem:v1+s9+$0x0] =	vst.idx.add.f32.msk $0x1, v0  }
0xa9: {  	[tilespmem:v1+s9+$0x0] =	vst.idx.add.f32.msk vm0, v0  }
0xaa: {  	[tilespmem:v1+s9+$0x0] =	vst.idx.add.f32.msk vm1, v0  }
0xab: {  	[tilespmem:v1+s9+$0x0] =	vst.idx.add.f32.msk vm2, v0  }
0xac: {  	[tilespmem:v1+s9+$0x0] =	vst.idx.add.f32.msk vm3, v0  }
0xad: {  	[tilespmem:v1+s9+$0x0] =	vst.idx.add.f32.msk vm4, v0  }
0xae: {  	[tilespmem:v1+s9+$0x0] =	vst.idx.add.f32.msk vm5, v0  }
0xaf: {  	[tilespmem:v1+s9+$0x0] =	vst.idx.add.f32.msk vm6, v0  }
0xb0: {  	[tilespmem:v1+s9+$0x0] =	vst.idx.add.f32.msk vm7, v0  }
0xb1: {  	[tilespmem:v1+s9+$0x0] =	vst.idx.add.f32.msk vm8, v0  }
0xb2: {  	[tilespmem:v1+s9+$0x0] =	vst.idx.add.f32.msk vm9, v0  }
0xb3: {  	[tilespmem:v1+s9+$0x0] =	vst.idx.add.f32.msk vm10, v0  }
0xb4: {  	[tilespmem:v1+s9+$0x0] =	vst.idx.add.f32.msk vm11, v0  }
0xb5: {  	[tilespmem:v1+s9+$0x0] =	vst.idx.add.f32.msk vm12, v0  }
0xb6: {  	[tilespmem:v1+s9+$0x0] =	vst.idx.add.f32.msk vm13, v0  }
0xb7: {  	[tilespmem:v1+s9+$0x0] =	vst.idx.add.f32.msk vm14, v0  }
0xb8: {  	v1 =	vld [tilespmem:$0x40];
	_ =	sdelay $0x7  }
0xb9: {  	[tilespmem:v1+s9+$0x0] =	vst.idx.add.f32.msk $0x1, v0  }
0xba: {  	[tilespmem:v1+s9+$0x0] =	vst.idx.add.f32.msk vm0, v0  }
0xbb: {  	[tilespmem:v1+s9+$0x0] =	vst.idx.add.f32.msk vm1, v0  }
0xbc: {  	[tilespmem:v1+s9+$0x0] =	vst.idx.add.f32.msk vm2, v0  }
0xbd: {  	[tilespmem:v1+s9+$0x0] =	vst.idx.add.f32.msk vm3, v0  }
0xbe: {  	[tilespmem:v1+s9+$0x0] =	vst.idx.add.f32.msk vm4, v0  }
0xbf: {  	[tilespmem:v1+s9+$0x0] =	vst.idx.add.f32.msk vm5, v0  }
0xc0: {  	[tilespmem:v1+s9+$0x0] =	vst.idx.add.f32.msk vm6, v0  }
0xc1: {  	[tilespmem:v1+s9+$0x0] =	vst.idx.add.f32.msk vm7, v0  }
0xc2: {  	[tilespmem:v1+s9+$0x0] =	vst.idx.add.f32.msk vm8, v0  }
0xc3: {  	[tilespmem:v1+s9+$0x0] =	vst.idx.add.f32.msk vm9, v0  }
0xc4: {  	[tilespmem:v1+s9+$0x0] =	vst.idx.add.f32.msk vm10, v0  }
0xc5: {  	[tilespmem:v1+s9+$0x0] =	vst.idx.add.f32.msk vm11, v0  }
0xc6: {  	[tilespmem:v1+s9+$0x0] =	vst.idx.add.f32.msk vm12, v0  }
0xc7: {  	s16 =	sadd.s32 s15, s8;
	[tilespmem:v1+s9+$0x0] =	vst.idx.add.f32.msk vm13, v0  }
0xc8: {  	s17 =	sadd.s32 $0x4D8, s16;
	[tilespmem:v1+s9+$0x0] =	vst.idx.add.f32.msk vm14, v0  }
0xc9: {  	[tilespmem:s2], [sflag:$0x1] =	stream.linear.gather [hbm4b:s17+s2], $0x50, $0x38;
	[tilespmem:$0x2900] =	vst v63  }
0xca: {  	_ =	swait.ge [sflag:s13], $0x50  }
0xcb: {  	[sflag:s13] =	ssyncset.done $0x0  }
0xcc: {  	[sflag:s13] =	ssyncadd.s32 $0xFFFFFFB0  }
0xcd: {  	v1 =	vld [tilespmem:$0x80];
	_ =	sdelay $0x7  }
0xce: {  	[tilespmem:v1+s9+$0x0] =	vst.idx.add.f32.msk $0x1, v0  }
0xcf: {  	[tilespmem:v1+s9+$0x0] =	vst.idx.add.f32.msk vm0, v0  }
0xd0: {  	[tilespmem:v1+s9+$0x0] =	vst.idx.add.f32.msk vm1, v0  }
0xd1: {  	[tilespmem:v1+s9+$0x0] =	vst.idx.add.f32.msk vm2, v0  }
0xd2: {  	[tilespmem:v1+s9+$0x0] =	vst.idx.add.f32.msk vm3, v0  }
0xd3: {  	[tilespmem:v1+s9+$0x0] =	vst.idx.add.f32.msk vm4, v0  }
0xd4: {  	[tilespmem:v1+s9+$0x0] =	vst.idx.add.f32.msk vm5, v0  }
0xd5: {  	[tilespmem:v1+s9+$0x0] =	vst.idx.add.f32.msk vm6, v0  }
0xd6: {  	[tilespmem:v1+s9+$0x0] =	vst.idx.add.f32.msk vm7, v0  }
0xd7: {  	[tilespmem:v1+s9+$0x0] =	vst.idx.add.f32.msk vm8, v0  }
0xd8: {  	[tilespmem:v1+s9+$0x0] =	vst.idx.add.f32.msk vm9, v0  }
0xd9: {  	[tilespmem:v1+s9+$0x0] =	vst.idx.add.f32.msk vm10, v0  }
0xda: {  	[tilespmem:v1+s9+$0x0] =	vst.idx.add.f32.msk vm11, v0  }
0xdb: {  	[tilespmem:v1+s9+$0x0] =	vst.idx.add.f32.msk vm12, v0  }
0xdc: {  	[tilespmem:v1+s9+$0x0] =	vst.idx.add.f32.msk vm13, v0  }
0xdd: {  	[tilespmem:v1+s9+$0x0] =	vst.idx.add.f32.msk vm14, v0  }
0xde: {  	v1 =	vld [tilespmem:$0x90];
	_ =	sdelay $0x7  }
0xdf: {  	[tilespmem:v1+s9+$0x0] =	vst.idx.add.f32.msk $0x1, v0  }
0xe0: {  	[tilespmem:v1+s9+$0x0] =	vst.idx.add.f32.msk vm0, v0  }
0xe1: {  	[tilespmem:v1+s9+$0x0] =	vst.idx.add.f32.msk vm1, v0  }
0xe2: {  	[tilespmem:v1+s9+$0x0] =	vst.idx.add.f32.msk vm2, v0  }
0xe3: {  	[tilespmem:v1+s9+$0x0] =	vst.idx.add.f32.msk vm3, v0  }
0xe4: {  	[tilespmem:v1+s9+$0x0] =	vst.idx.add.f32.msk vm4, v0  }
0xe5: {  	[tilespmem:v1+s9+$0x0] =	vst.idx.add.f32.msk vm5, v0  }
0xe6: {  	[tilespmem:v1+s9+$0x0] =	vst.idx.add.f32.msk vm6, v0  }
0xe7: {  	[tilespmem:v1+s9+$0x0] =	vst.idx.add.f32.msk vm7, v0  }
0xe8: {  	[tilespmem:v1+s9+$0x0] =	vst.idx.add.f32.msk vm8, v0  }
0xe9: {  	[tilespmem:v1+s9+$0x0] =	vst.idx.add.f32.msk vm9, v0  }
0xea: {  	[tilespmem:v1+s9+$0x0] =	vst.idx.add.f32.msk vm10, v0  }
0xeb: {  	[tilespmem:v1+s9+$0x0] =	vst.idx.add.f32.msk vm11, v0  }
0xec: {  	[tilespmem:v1+s9+$0x0] =	vst.idx.add.f32.msk vm12, v0  }
0xed: {  	[tilespmem:v1+s9+$0x0] =	vst.idx.add.f32.msk vm13, v0  }
0xee: {  	[tilespmem:v1+s9+$0x0] =	vst.idx.add.f32.msk vm14, v0  }
0xef: {  	v1 =	vld [tilespmem:$0xA0];
	_ =	sdelay $0x7  }
0xf0: {  	[tilespmem:v1+s9+$0x0] =	vst.idx.add.f32.msk $0x1, v0  }
0xf1: {  	[tilespmem:v1+s9+$0x0] =	vst.idx.add.f32.msk vm0, v0  }
0xf2: {  	[tilespmem:v1+s9+$0x0] =	vst.idx.add.f32.msk vm1, v0  }
0xf3: {  	[tilespmem:v1+s9+$0x0] =	vst.idx.add.f32.msk vm2, v0  }
0xf4: {  	[tilespmem:v1+s9+$0x0] =	vst.idx.add.f32.msk vm3, v0  }
0xf5: {  	[tilespmem:v1+s9+$0x0] =	vst.idx.add.f32.msk vm4, v0  }
0xf6: {  	[tilespmem:v1+s9+$0x0] =	vst.idx.add.f32.msk vm5, v0  }
0xf7: {  	[tilespmem:v1+s9+$0x0] =	vst.idx.add.f32.msk vm6, v0  }
0xf8: {  	[tilespmem:v1+s9+$0x0] =	vst.idx.add.f32.msk vm7, v0  }
0xf9: {  	[tilespmem:v1+s9+$0x0] =	vst.idx.add.f32.msk vm8, v0  }
0xfa: {  	[tilespmem:v1+s9+$0x0] =	vst.idx.add.f32.msk vm9, v0  }
0xfb: {  	[tilespmem:v1+s9+$0x0] =	vst.idx.add.f32.msk vm10, v0  }
0xfc: {  	[tilespmem:v1+s9+$0x0] =	vst.idx.add.f32.msk vm11, v0  }
0xfd: {  	[tilespmem:v1+s9+$0x0] =	vst.idx.add.f32.msk vm12, v0  }
0xfe: {  	[tilespmem:v1+s9+$0x0] =	vst.idx.add.f32.msk vm13, v0  }
0xff: {  	[tilespmem:v1+s9+$0x0] =	vst.idx.add.f32.msk vm14, v0  }
0x100: {  	v1 =	vld [tilespmem:$0xB0];
	_ =	sdelay $0x7  }
0x101: {  	[tilespmem:v1+s9+$0x0] =	vst.idx.add.f32.msk $0x1, v0  }
0x102: {  	[tilespmem:v1+s9+$0x0] =	vst.idx.add.f32.msk vm0, v0  }
0x103: {  	[tilespmem:v1+s9+$0x0] =	vst.idx.add.f32.msk vm1, v0  }
0x104: {  	[tilespmem:v1+s9+$0x0] =	vst.idx.add.f32.msk vm2, v0  }
0x105: {  	[tilespmem:v1+s9+$0x0] =	vst.idx.add.f32.msk vm3, v0  }
0x106: {  	[tilespmem:v1+s9+$0x0] =	vst.idx.add.f32.msk vm4, v0  }
0x107: {  	[tilespmem:v1+s9+$0x0] =	vst.idx.add.f32.msk vm5, v0  }
0x108: {  	[tilespmem:v1+s9+$0x0] =	vst.idx.add.f32.msk vm6, v0  }
0x109: {  	[tilespmem:v1+s9+$0x0] =	vst.idx.add.f32.msk vm7, v0  }
0x10a: {  	[tilespmem:v1+s9+$0x0] =	vst.idx.add.f32.msk vm8, v0  }
0x10b: {  	[tilespmem:v1+s9+$0x0] =	vst.idx.add.f32.msk vm9, v0  }
0x10c: {  	[tilespmem:v1+s9+$0x0] =	vst.idx.add.f32.msk vm10, v0  }
0x10d: {  	[tilespmem:v1+s9+$0x0] =	vst.idx.add.f32.msk vm11, v0  }
0x10e: {  	[tilespmem:v1+s9+$0x0] =	vst.idx.add.f32.msk vm12, v0  }
0x10f: {  	[tilespmem:v1+s9+$0x0] =	vst.idx.add.f32.msk vm13, v0  }
0x110: {  	[tilespmem:v1+s9+$0x0] =	vst.idx.add.f32.msk vm14, v0  }
0x111: {  	v1 =	vld [tilespmem:$0xC0];
	_ =	sdelay $0x7  }
0x112: {  	[tilespmem:v1+s9+$0x0] =	vst.idx.add.f32.msk $0x1, v0  }
0x113: {  	[tilespmem:v1+s9+$0x0] =	vst.idx.add.f32.msk vm0, v0  }
0x114: {  	[tilespmem:v1+s9+$0x0] =	vst.idx.add.f32.msk vm1, v0  }
0x115: {  	[tilespmem:v1+s9+$0x0] =	vst.idx.add.f32.msk vm2, v0  }
0x116: {  	[tilespmem:v1+s9+$0x0] =	vst.idx.add.f32.msk vm3, v0  }
0x117: {  	[tilespmem:v1+s9+$0x0] =	vst.idx.add.f32.msk vm4, v0  }
0x118: {  	[tilespmem:v1+s9+$0x0] =	vst.idx.add.f32.msk vm5, v0  }
0x119: {  	[tilespmem:v1+s9+$0x0] =	vst.idx.add.f32.msk vm6, v0  }
0x11a: {  	[tilespmem:v1+s9+$0x0] =	vst.idx.add.f32.msk vm7, v0  }
0x11b: {  	[tilespmem:v1+s9+$0x0] =	vst.idx.add.f32.msk vm8, v0  }
0x11c: {  	p0 =	seq.s32 s15, $0x0;
	[tilespmem:v1+s9+$0x0] =	vst.idx.add.f32.msk vm9, v0  }
.Ltmp2:
0x11d: {  	[tilespmem:v1+s9+$0x0] =	vst.idx.add.f32.msk vm10, v0;
	(pc) =	sbr.rel @p0 .LBB2_4-.Ltmp2, $4  }
0x11e: {  	[tilespmem:v1+s9+$0x0] =	vst.idx.add.f32.msk vm11, v0  }
0x11f: {  	[tilespmem:v1+s9+$0x0] =	vst.idx.add.f32.msk vm12, v0  }
0x120: {  	[tilespmem:v1+s9+$0x0] =	vst.idx.add.f32.msk vm13, v0  }
0x121: {  	[tilespmem:v1+s9+$0x0] =	vst.idx.add.f32.msk vm14, v0  }
.Ltmp3:
0x122: {  	(pc) =	sbr.rel .LBB2_2-.Ltmp3, $3  }
0x123: {  	_ =	sdelay $0x1  }
0x124: {  	s16 =	sadd.s32 $0x4E2, s16;
	s15 =	sadd.s32 $0x14, s15  }
0x125: {  	[tilespmem:s11], [sflag:$0x2] =	stream.linear.gather [hbm4b:s16+s2], $0x50, $0x38;
	[tilespmem:$0x2900] =	vst v63  }
.LBB2_5:
0x126: {  	_ =	sfence.sel $0x180000  }
0x127: {  	[bflag:$0x0] =	sbarrier.arrive $0xFFFF  }
0x128: {  	p0 =	sne.s32 s1, $0x0;
	_ =	strace $0x90000047  }
0x129: {  	s0 =	sadd.s32 @!p0 $0x100000, s0;
	[bflag:$0x2] =	sbarrier.arrive $0xFFFF  }
0x12a: {  	[sflag:s0] =	ssyncadd.tile.s32 @!p0 $0x1;
	_ =	shalt  }
.Lfunc_end2:
_tile_overlayer_lowered:
.L_overlay_start_2:
0x12b: {  	(tag) =	ssettag $0x2  }
0x12c: {  	s0 =	rddreg [dreg:$0x0];
	s2 =	stileid.u32  }
0x12d: {  	s1 =	rddreg [dreg:$0x1];
	p0 =	sne.s32 s2, $0x0  }
0x12e: {  	s3 =	rddreg [dreg:$0x2];
	[bflag:$0x3] =	sbarrier.arrive $0xFFFF;
	s2 =	simm.s32 @!p0 $0x1C03  }
0x12f: {  	[timem:s3], [sflag:s2] =	dma.local @!p0 [hbm:s0], s1  }
0x130: {  	s0 =	simm.s32 @!p0 $0x3  }
0x131: {  	_ =	swait.ge @!p0 [sflag:s0], s1  }
0x132: {  	s1 =	ssub.s32 @!p0 $0x0, s1;
	[sflag:s0] =	ssyncset.done @!p0 $0x0  }
0x133: {  	[sflag:s0] =	ssyncadd.s32 @!p0 s1  }
0x134: {  	[bflag:$0x3] =	sbarrier.arrive $0xFFFF  }
0x135: {  	_ =	shalt  }

// kernel: kernel.13.cloned.1.call-start
scs
__scs_entry_jumppad:
0x0: {  	(pc) =	sbr.rel $0x88, $3  }
0x1: {  	(tag) =	ssettag $0x0;
	lr =	simm.s32 $0x1  }
0x2: {  	[smem:$0x3F97] =	sst lr;
	_ =	strace $0xD0000000  }
0x3: {  	_ = 	snop  }
0x4: {  	_ = 	snop  }
0x5: {  	_ = 	snop  }
0x6: {  	_ = 	snop  }
0x7: {  	_ = 	snop  }
__scs_overlays_trampoline_lowered:
0x8: {  	[smem:$0x3FA6] =	sst s0  }
0x9: {  	[smem:$0x3FA7] =	sst s1  }
0xa: {  	[smem:$0x3FA8] =	sst s2  }
0xb: {  	[smem:$0x3FA9] =	sst s3  }
0xc: {  	[smem:$0x3FAA] =	sst s4  }
0xd: {  	[smem:$0x3FAB] =	sst s5  }
0xe: {  	[smem:$0x3FAC] =	sst s6  }
0xf: {  	[smem:$0x3FAD] =	sst s7  }
0x10: {  	[smem:$0x3FAE] =	sst s8  }
0x11: {  	[smem:$0x3FAF] =	sst s9;
	s0 =	simm.s32 @!p0 $0x0  }
0x12: {  	s1 =	sld [smem:$0x3F95];
	s0 =	simm.s32 @p0 $0x1  }
0x13: {  	[smem:$0x3FB0] =	sst s0;
	s0 =	simm.s32 @!p1 $0x0  }
0x14: {  	s2 =	sld [smem:$0x3F94];
	s0 =	simm.s32 @p1 $0x1  }
0x15: {  	[smem:$0x3FB1] =	sst s0;
	s0 =	simm.s32 @!p2 $0x0  }
0x16: {  	s3 =	sld [smem:$0x3FDB];
	s0 =	simm.s32 @p2 $0x1  }
0x17: {  	s4 =	simm.s32 $0x1BF5;
	[smem:$0x3FB3] =	sst s0  }
0x18: {  	s0 =	sld [smem:$0x3F96];
	_ =	swait.ge [sflag:s4], $0x0  }
0x19: {  	s7 =	sld [smem:$0x3F97]  }
0x1a: {  	s8 =	sadd.s32 $0xFFFFE003, lr  }
0x1b: {  	s9 =	sadd.s32 $0xFFFFFEF7, lr;
	s5 =	simm.s32 $0xFFFFFFFF;
	p2 =	slt.u32 s8, $0xFFFFF086  }
0x1c: {  	p1 =	slt.u32 s9, $0xF7A;
	s5 =	simm.s32 @!p2 $0x0  }
0x1d: {  	s5 =	simm.s32 @p1 $0x1;
	p0 =	seq.s32 s7, s2  }
0x1e: {  	s7 =	smul.u32 @!p0 $0xF7A, s2;
	p2 =	seq.s32 @!p0 s5, $0x0  }
0x1f: {  	s9 =	smul.u32 $0xF7A, s1;
	s8 =	simm.s32 @!p0 $0x1BF5;
	p2 =	por !p2, p0  }
0x20: {  	[sflag:s8] =	ssyncset.s32 @!p0 $0xFFFFF086;
	s6 =	sadd.s32 @!p0 s3, s7;
	s7 =	simm.s32 @!p0 $0x108  }
0x21: {  	s3 =	sadd.s32 s3, s9;
	s6 =	sadd.s32 @!p0 $0x88, s6;
	s7 =	simm.s32 @p2 $0x1082  }
0x22: {  	[simem:s7], [sflag:s8] =	dma.local @!p0 [hbm:s6], $0xF7A  }
0x23: {  	s9 =	sor.u32 $0xD0000000, s2;
	s6 =	simm.s32 $0x108;
	_ =	swait.ge @!p0 [sflag:s8], $0x0  }
0x24: {  	s3 =	sadd.s32 $0x88, s3;
	s6 =	simm.s32 @!p1 $0x1082;
	[sflag:s4] =	ssyncset.s32 $0xFFFFF086  }
0x25: {  	[simem:s6], [sflag:s4] =	dma.local [hbm:s3], $0xF7A  }
0x26: {  	[smem:$0x3F97] =	sst s1;
	(tag) =	ssettag s2;
	_ =	strace s9  }
0x27: {  	s1 =	sld [smem:$0x3FA7]  }
0x28: {  	s2 =	sld [smem:$0x3FA8]  }
0x29: {  	s4 =	sld [smem:$0x3FAA]  }
0x2a: {  	p0 =	seq.s32 s5, $0x0;
	s5 =	sld [smem:$0x3FAB]  }
0x2b: {  	s6 =	sld [smem:$0x3FAC]  }
0x2c: {  	s7 =	sld [smem:$0x3FAD]  }
0x2d: {  	s3 =	simm.s32 $0x108;
	s8 =	sld [smem:$0x3FAE]  }
0x2e: {  	s3 =	simm.s32 @!p0 $0x1082;
	s9 =	sld [smem:$0x3FAF]  }
0x2f: {  	lr =	sadd.s32 s0, s3;
	s0 =	sld [smem:$0x3FA6]  }
0x30: {  	s3 =	sld [smem:$0x3FA9]  }
0x31: {  	[smem:$0x3FB2] =	sst s10  }
0x32: {  	s10 =	sld [smem:$0x3FB0];
	_ =	sdelay $0x3  }
0x33: {  	p0 =	seq.s32 s10, $0x1;
	s10 =	sld [smem:$0x3FB2];
	_ =	sdelay $0x3  }
0x34: {  	[smem:$0x3FB2] =	sst s10  }
0x35: {  	s10 =	sld [smem:$0x3FB1];
	_ =	sdelay $0x3  }
0x36: {  	p1 =	seq.s32 s10, $0x1;
	s10 =	sld [smem:$0x3FB2];
	_ =	sdelay $0x3  }
0x37: {  	[smem:$0x3FB2] =	sst s10  }
0x38: {  	s10 =	sld [smem:$0x3FB3]  }
0x39: {  	_ = 	snop;
	(pc) =	sbr.ind lr, $3  }
0x3a: {  	_ = 	snop  }
0x3b: {  	_ = 	snop  }
0x3c: {  	p2 =	seq.s32 s10, $0x1;
	s10 =	sld [smem:$0x3FB2]  }
0x3d: {  	_ =	shalt  }
0x3e: {  	_ =	shalt  }
0x3f: {  	_ =	shalt  }
0x40: {  	_ =	shalt  }
0x41: {  	_ =	shalt  }
0x42: {  	_ =	shalt  }
0x43: {  	_ =	shalt  }
0x44: {  	_ =	shalt  }
0x45: {  	_ =	shalt  }
0x46: {  	_ =	shalt  }
0x47: {  	_ =	shalt  }
0x48: {  	_ =	shalt  }
0x49: {  	_ =	shalt  }
0x4a: {  	_ =	shalt  }
0x4b: {  	_ =	shalt  }
0x4c: {  	_ =	shalt  }
0x4d: {  	_ =	shalt  }
0x4e: {  	_ =	shalt  }
0x4f: {  	_ =	shalt  }
0x50: {  	_ =	shalt  }
0x51: {  	_ =	shalt  }
0x52: {  	_ =	shalt  }
0x53: {  	_ =	shalt  }
0x54: {  	_ =	shalt  }
0x55: {  	_ =	shalt  }
0x56: {  	_ =	shalt  }
0x57: {  	_ =	shalt  }
0x58: {  	_ =	shalt  }
0x59: {  	_ =	shalt  }
0x5a: {  	_ =	shalt  }
0x5b: {  	_ =	shalt  }
0x5c: {  	_ =	shalt  }
0x5d: {  	_ =	shalt  }
0x5e: {  	_ =	shalt  }
0x5f: {  	_ =	shalt  }
0x60: {  	_ =	shalt  }
0x61: {  	_ =	shalt  }
0x62: {  	_ =	shalt  }
0x63: {  	_ =	shalt  }
0x64: {  	_ =	shalt  }
0x65: {  	_ =	shalt  }
0x66: {  	_ =	shalt  }
0x67: {  	_ =	shalt  }
0x68: {  	_ =	shalt  }
0x69: {  	_ =	shalt  }
0x6a: {  	_ =	shalt  }
0x6b: {  	_ =	shalt  }
0x6c: {  	_ =	shalt  }
0x6d: {  	_ =	shalt  }
0x6e: {  	_ =	shalt  }
0x6f: {  	_ =	shalt  }
0x70: {  	_ =	shalt  }
0x71: {  	_ =	shalt  }
0x72: {  	_ =	shalt  }
0x73: {  	_ =	shalt  }
0x74: {  	_ =	shalt  }
0x75: {  	_ =	shalt  }
0x76: {  	_ =	shalt  }
0x77: {  	_ =	shalt  }
0x78: {  	_ =	shalt  }
0x79: {  	_ =	shalt  }
0x7a: {  	_ =	shalt  }
0x7b: {  	_ =	shalt  }
0x7c: {  	_ =	shalt  }
0x7d: {  	_ =	shalt  }
0x7e: {  	_ =	shalt  }
0x7f: {  	_ =	shalt  }
0x80: {  	_ =	shalt  }
0x81: {  	_ =	shalt  }
0x82: {  	_ =	shalt  }
0x83: {  	_ =	shalt  }
0x84: {  	_ =	shalt  }
0x85: {  	_ =	shalt  }
0x86: {  	_ =	shalt  }
0x87: {  	_ =	shalt  }
.Lfunc_end0:
.L_simem_size_0:
called_computation.1_lowered:
.L_overlay_start_0:
0x88: {  	s2 =	sld [smem:$0x3FD9]  }
0x89: {  	s3 =	sld [smem:$0x3FFE];
	_ =	sdelay $0x1  }
0x8a: {  	s1 =	srdreg.scid  }
0x8b: {  	s0 =	sand.u32 $0x1, s1  }
0x8c: {  	s16 =	sshll.u32 s0, $0xA;
	s2 =	sadd.s32 s3, s2  }
0x8d: {  	s2 =	sadd.s32 s2, s16  }
0x8e: {  	[smem:$0x3FBE] =	sst s2  }
0x8f: {  	_ = 	snop  }
0x90: {  	(tm) =	ssettm $0x1  }
0x91: {  	s17 =	sld [smem:$0x3FFB];
	_ =	sdelay $0x3  }
0x92: {  	_ =	strace s17  }
0x93: {  	s2 =	sld [smem:$0x3FFC];
	_ =	sdelay $0x3  }
0x94: {  	_ =	strace s2  }
0x95: {  	s2 =	sld [smem:$0x3FFD];
	_ =	sdelay $0x3  }
0x96: {  	_ =	strace s2  }
0x97: {  	_ =	strace $0x8FFFFFFF  }
0x98: {  	s18 =	sld [smem:$0x3FDB];
	_ =	sdelay $0x1  }
0x99: {  	s19 =	simm.s32 $_scs_section_size  }
0x9a: {  	s4 =	simm.s32 $_size__tile_overlayer_lowered;
	s5 =	simm.s32 $_tile_overlayer_lowered  }
0x9b: {  	s22 =	simm.s32 $0x1BFF;
	s21 =	sshll.u32 s5, $0x1;
	s2 =	sadd.s32 s19, s18  }
0x9c: {  	s6 =	simm.s32 $0x0;
	s20 =	sshll.u32 s4, $0x1;
	s4 =	sadd.s32 s21, s2  }
0x9d: {  	[timem:s6], [sflag:s22] =	dma.local [hbm:s4], s20  }
0x9e: {  	_ =	swait.ge [sflag:s22], s20  }
0x9f: {  	s3 =	ssub.s32 $0x0, s20;
	[sflag:s22] =	ssyncset.done $0x0  }
0xa0: {  	[sflag:s22] =	ssyncadd.s32 s3;
	_ =	sdelay $0x1  }
0xa1: {  	s23 =	simm.s32 $0x1B8B  }
0xa2: {  	_ =	swait.ge [sflag:s23], $0x1  }
0xa3: {  	[sflag:s23] =	ssyncset.done $0x0  }
0xa4: {  	s25 =	simm.s32 $0x1B8E;
	s24 =	sld [smem:$0x3FFE];
	[sflag:s23] =	ssyncadd.s32 $0xFFFFFFFF  }
0xa5: {  	s26 =	simm.s32 $execute0_lowered;
	[smem:$0x3FD2] =	sst s25  }
0xa6: {  	s4 =	sshll.u32 s26, $0x1;
	_ =	strace $0x80000049;
	[dreg:$0x1] =	wrdreg $0xFFFFFFFF  }
0xa7: {  	s28 =	simm.s32 $_size_execute0_lowered;
	s2 =	sadd.s32 s2, s4;
	[dreg:$0x0] =	wrdreg $0x0  }
0xa8: {  	s4 =	sshll.u32 s28, $0x1;
	[dreg:$0x2] =	wrdreg s2  }
0xa9: {  	[dreg:$0x3] =	wrdreg s4  }
0xaa: {  	[dreg:$0x4] =	wrdreg $0xC0  }
0xab: {  	_ =	task [dreg:s6], $0x5FFFF  }
0xac: {  	[dreg:$0x1] =	wrdreg $0xFFFFFFFF  }
0xad: {  	[dreg:$0x0] =	wrdreg $0x60  }
0xae: {  	[dreg:$0x2] =	wrdreg s24  }
0xaf: {  	[dreg:$0x3] =	wrdreg $0xA4000  }
0xb0: {  	[dreg:$0x4] =	wrdreg $0x9  }
0xb1: {  	_ =	task.clear_ibuf [dreg:s6], $0x5FFFF;
	_ =	strace $0x90000049  }
0xb2: {  	s29 =	simm.s32 $0x9;
	_ =	strace $0x8000004B  }
0xb3: {  	_ =	swait.ge [sflag:s29], $0x1  }
0xb4: {  	[sflag:s29] =	ssyncadd.s32 $0xFFFFFFFF  }
0xb5: {  	_ =	strace $0x9000004B  }
0xb6: {  	_ =	sfence  }
0xb7: {  	s30 =	sld [smem:$0x0];
	_ =	sdelay $0x2  }
0xb8: {  	s31 =	sshll.u32 s1, $0xD;
	s1 =	sshrl.u32 s1, $0x2  }
0xb9: {  	s3 =	sand.u32 $0x4000, s31;
	s1 =	sadd.s32 s1, s30  }
0xba: {  	s0 =	sor.u32 s3, s0;
	s1 =	sshll.u32 s1, $0x11  }
0xbb: {  	s0 =	sor.u32 s1, s0  }
0xbc: {  	s0 =	sadd.s32 $0x8F2B, s0  }
0xbd: {  	[sflag:s0] =	ssyncadd.remote.s32 $0x1  }
0xbe: {  	_ =	sfence.sel $0xFFFF  }
0xbf: {  	[dreg:$0x0] =	wrdreg $0xFFFFFFFF;
	(pc) =	sbr.abs _section_cstart, $3  }
0xc0: {  	[dreg:$0x1] =	wrdreg $0xFFFFFFFF  }
0xc1: {  	_ =	task.clear_ibuf [dreg:s6], $0x2FFFF;
	_ =	strace $0x9FFFFFFF  }
0xc2: {  	(tm) =	ssettm $0x7FFFFFFF  }
0xc3: {  	_ =	shalt  }
tec
execute0_lowered:
.L_overlay_start_1:
0x0: {  	(tag) =	ssettag $0x1  }
0x1: {  	s0 =	rddreg [dreg:$0x0]  }
0x2: {  	s1 =	rddreg [dreg:$0x1];
	s3 =	simm.s32 $0x0;
	s2 =	srdreg.scid  }
0x3: {  	s12 =	stileid.u32;
	s28 =	simm.s32 $0x50;
	s29 =	simm.s32 $0x180  }
0x4: {  	s31 =	simm.s32 $0x200;
	s30 =	simm.s32 $0x5400;
	s5 =	smul.u32 $0x2780, s12  }
0x5: {  	[smem:$0x7FF] =	sst s3;
	s2 =	sand.u32 $0x1, s2;
	s20 =	smul.u32 $0x4F000, s12  }
0x6: {  	s4 =	sadd.s32 $0x16600, s0;
	s7 =	sadd.s32 $0x2A00, s0;
	s25 =	smul.u32 $0x4E2, s12  }
0x7: {  	s9 =	sadd.s32 $0xC800, s0;
	_ =	strace $0x8000004A;
	s8 =	smul.u32 $0x27800, s2  }
0x8: {  	s6 =	sshll.u32 s2, $0x4;
	s26 =	ssub.s32 $0x2, s2;
	s2 =	smul.u32 $0x4E20, s2  }
0x9: {  	s6 =	sor.u32 s12, s6;
	s10 =	sadd.s32 s5, s0;
	s13 =	sshrl.u32 s26, $0x1  }
0xa: {  	s23 =	sshrl.u32 s20, $0x2;
	s12 =	simm.s32 $0x3;
	s11 =	smul.u32 $0x2710, s6  }
0xb: {  	s5 =	sadd.s32 s5, s8;
	s6 =	smul.u32 $0x4E2, s6;
	s24 =	sadd.s32 $0x3D800, s10  }
0xc: {  	s8 =	simm.s32 $0x2;
	s10 =	simm.s32 $0x8;
	s0 =	sadd.s32 s5, s0  }
0xd: {  	s5 =	ssub.s32 s26, s13;
	[dreg:$0xc] =	wrdreg s24;
	s26 =	sadd.s32 s2, s7  }
0xe: {  	s2 =	sadd.s32 s2, s9;
	s24 =	simm.s32 $0x380;
	s14 =	sadd.s32 s7, s6  }
0xf: {  	s11 =	sshrl.u32 s11, $0x3;
	s6 =	sadd.s32 s9, s6;
	[dreg:$0x3] =	wrdreg s14  }
0x10: {  	s0 =	sadd.s32 $0x65000, s0;
	s5 =	smax.u32 s5, $0x1;
	[dreg:$0x4] =	wrdreg s6  }
0x11: {  	s15 =	sadd.s32 $0xA, s11;
	s18 =	sadd.s32 $0x14, s11;
	[dreg:$0xd] =	wrdreg s0  }
0x12: {  	s19 =	sadd.s32 $0x1E, s11;
	[dreg:$0xe] =	wrdreg s5;
	s11 =	simm.s32 $0x11  }
0x13: {  	s5 =	simm.s32 $0x9;
	s14 =	simm.s32 $0xD;
	s0 =	simm.s32 $0xE  }
0x14: {  	s16 =	sadd.s32 s7, s15;
	s17 =	sadd.s32 s9, s15;
	s13 =	sadd.s32 s7, s18  }
0x15: {  	s6 =	sadd.s32 s9, s18;
	s21 =	sadd.s32 s7, s19;
	[dreg:$0x5] =	wrdreg s16  }
0x16: {  	s22 =	sadd.s32 s9, s19;
	s18 =	sadd.s32 s25, s2;
	[dreg:$0x6] =	wrdreg s17  }
0x17: {  	s19 =	simm.s32 $0x100;
	s7 =	simm.s32 $0x2C00;
	[dreg:$0x7] =	wrdreg s13  }
0x18: {  	s2 =	simm.s32 $0x1;
	s9 =	simm.s32 $0xA;
	[dreg:$0x8] =	wrdreg s6  }
.Ltmp0:
0x19: {  	s15 =	simm.s32 $0x4;
	[dreg:$0x9] =	wrdreg s21;
	(pc) =	sbr.rel .LBB2_1-.Ltmp0, $4  }
0x1a: {  	[dreg:$0xa] =	wrdreg s22;
	s6 =	sadd.s32 s23, s1;
	s17 =	sadd.s32 s25, s26  }
0x1b: {  	s21 =	simm.s32 $0x200;
	s22 =	simm.s32 $0x280;
	s23 =	simm.s32 $0x180  }
0x1c: {  	s25 =	simm.s32 $0x400;
	s13 =	simm.s32 $0xB;
	s16 =	simm.s32 $0xC  }
0x1d: {  	s26 =	simm.s32 $0x0;
	[dreg:$0xb] =	wrdreg s6;
	s6 =	simm.s32 $0x7  }
.LBB2_4:
0x1e: {  	_ =	swait.ge [sflag:s15], $0x2800  }
0x1f: {  	[sflag:s15] =	ssyncset.done $0x0  }
0x20: {  	[sflag:s15] =	ssyncadd.s32 $0xFFFFD800  }
0x21: {  	_ =	swait.ge [sflag:s16], $0x50  }
0x22: {  	[sflag:s16] =	ssyncset.done $0x0  }
0x23: {  	s24 =	simm.s32 $0x380;
	[sflag:s16] =	ssyncadd.s32 $0xFFFFFFB0  }
0x24: {  	[spmem:s1] =	stream.indirect.scatter.add.f32 [tilespmem:s26], [sflag:$0x10], $0x80, s24, s28, $0xb8;
	[tilespmem:$0x1E000] =	vst v63  }
0x25: {  	_ =	swait.ge [sflag:s2], $0x2800  }
0x26: {  	[sflag:s2] =	ssyncset.done $0x0  }
0x27: {  	[sflag:s2] =	ssyncadd.s32 $0xFFFFD800  }
0x28: {  	_ =	swait.ge [sflag:s5], $0x50  }
0x29: {  	[sflag:s5] =	ssyncset.done $0x0  }
0x2a: {  	s21 =	simm.s32 $0x200;
	s25 =	simm.s32 $0x400;
	[sflag:s5] =	ssyncadd.s32 $0xFFFFFFB0  }
0x2b: {  	[spmem:s1] =	stream.indirect.scatter.add.f32 [tilespmem:s25], [sflag:$0xD], $0x80, s21, s28, $0xb8;
	[tilespmem:$0x1E000] =	vst v63  }
0x2c: {  	_ =	swait.ge [sflag:s14], $0x2800  }
0x2d: {  	[sflag:s14] =	ssyncset.done $0x0  }
0x2e: {  	[sflag:s14] =	ssyncadd.s32 $0xFFFFD800  }
0x2f: {  	_ =	swait.ge [sflag:s0], $0x2800  }
0x30: {  	[sflag:s0] =	ssyncset.done $0x0  }
0x31: {  	s7 =	simm.s32 $0xF;
	[sflag:s0] =	ssyncadd.s32 $0xFFFFD800  }
0x32: {  	_ =	swait.ge [sflag:s7], $0x2800  }
0x33: {  	[sflag:s7] =	ssyncset.done $0x0  }
0x34: {  	s11 =	simm.s32 $0x10;
	[sflag:s7] =	ssyncadd.s32 $0xFFFFD800  }
0x35: {  	_ =	swait.ge [sflag:s11], $0x2800  }
0x36: {  	[sflag:s11] =	ssyncset.done $0x0  }
0x37: {  	[sflag:s11] =	ssyncadd.s32 $0xFFFFD800  }
0x38: {  	[bflag:$0x0] =	sbarrier.arrive $0xFFFF  }
0x39: {  	s20 =	rddreg [dreg:$0xd]  }
0x3a: {  	s19 =	rddreg [dreg:$0x10]  }
0x3b: {  	s11 =	rddreg [dreg:$0x11]  }
0x3c: {  	[hbm:s20], [sflag:s19] =	dma.local [spmem:s11], $0x2780  }
0x3d: {  	s11 =	simm.s32 $0x11  }
0x3e: {  	_ =	swait.ge [sflag:s11], $0x2780  }
0x3f: {  	s22 =	rddreg [dreg:$0xf]  }
0x40: {  	s23 =	rddreg [dreg:$0xe];
	s26 =	sadd.s32 $0x1, s22  }
0x41: {  	p0 =	sne.s32 s26, s23  }
.Ltmp1:
0x42: {  	_ = 	snop;
	(pc) =	sbr.rel @!p0 .LBB2_5-.Ltmp1, $3  }
0x43: {  	_ =	sdelay $0x1  }
0x44: {  	s7 =	simm.s32 $0x2C00;
	s19 =	simm.s32 $0x100;
	[sflag:s11] =	ssyncset.done $0x0  }
0x45: {  	[sflag:s11] =	ssyncadd.s32 $0xFFFFD880;
	s22 =	simm.s32 $0x280;
	s23 =	simm.s32 $0x180  }
.LBB2_1:
0x46: {  	[dreg:$0xf] =	wrdreg s26  }
0x47: {  	s20 =	rddreg [dreg:$0x3]  }
0x48: {  	[tilespmem:s3], [sflag:$0x5] =	stream.linear.gather [hbm4b:s20+s3], $0x50, $0x38;
	[tilespmem:$0x1E000] =	vst v63  }
0x49: {  	s26 =	rddreg [dreg:$0x4]  }
0x4a: {  	[tilespmem:s21], [sflag:$0x9] =	stream.linear.gather [hbm4b:s26+s3], $0x50, $0x38;
	[tilespmem:$0x1E000] =	vst v63  }
0x4b: {  	s26 =	rddreg [dreg:$0x5];
	s21 =	simm.s32 $0x80  }
0x4c: {  	[tilespmem:s21], [sflag:$0x6] =	stream.linear.gather [hbm4b:s26+s3], $0x50, $0x38;
	[tilespmem:$0x1E000] =	vst v63  }
0x4d: {  	s26 =	rddreg [dreg:$0x6]  }
0x4e: {  	[tilespmem:s22], [sflag:$0xA] =	stream.linear.gather [hbm4b:s26+s3], $0x50, $0x38;
	[tilespmem:$0x1E000] =	vst v63  }
0x4f: {  	s26 =	rddreg [dreg:$0x7]  }
0x50: {  	[tilespmem:s19], [sflag:$0x7] =	stream.linear.gather [hbm4b:s26+s3], $0x50, $0x38;
	[tilespmem:$0x1E000] =	vst v63  }
0x51: {  	s22 =	rddreg [dreg:$0x8];
	s26 =	simm.s32 $0x300  }
0x52: {  	[tilespmem:s26], [sflag:$0xB] =	stream.linear.gather [hbm4b:s22+s3], $0x50, $0x38;
	[tilespmem:$0x1E000] =	vst v63  }
0x53: {  	s22 =	rddreg [dreg:$0x9]  }
0x54: {  	[tilespmem:s23], [sflag:$0x8] =	stream.linear.gather [hbm4b:s22+s3], $0x50, $0x38;
	[tilespmem:$0x1E000] =	vst v63  }
0x55: {  	s26 =	simm.s32 $0x5;
	s23 =	rddreg [dreg:$0xa]  }
0x56: {  	[tilespmem:s24], [sflag:$0xC] =	stream.linear.gather [hbm4b:s23+s3], $0x50, $0x38;
	[tilespmem:$0x1E000] =	vst v63  }
0x57: {  	_ =	swait.ge [sflag:s26], $0x50  }
0x58: {  	[sflag:s26] =	ssyncset.done $0x0  }
0x59: {  	s20 =	simm.s32 $0x6;
	[sflag:s26] =	ssyncadd.s32 $0xFFFFFFB0  }
0x5a: {  	[tilespmem:s25], [sflag:$0x1] =	stream.indirect.gather [hbm4b:s4+s28], $0x80, s3, s28, $0xb8;
	[tilespmem:$0x1E000] =	vst v63  }
0x5b: {  	_ =	swait.ge [sflag:s20], $0x50  }
0x5c: {  	s24 =	rddreg [dreg:$0xb]  }
0x5d: {  	s22 =	stileid.u32;
	[sflag:s20] =	ssyncset.done $0x0;
	s26 =	rddreg [dreg:$0xc]  }
0x5e: {  	[sflag:s20] =	ssyncadd.s32 $0xFFFFFFB0;
	s20 =	sshll.u32 s22, $0x6;
	s25 =	sshrl.u32 s24, $0x3  }
0x5f: {  	[tilespmem:s7], [sflag:$0x2] =	stream.indirect.gather [hbm4b:s4+s28], $0x80, s21, s28, $0xb8;
	[tilespmem:$0x1E000] =	vst v63  }
0x60: {  	s23 =	sor.u32 $0x1C11, s20;
	[dreg:$0x11] =	wrdreg s25  }
0x61: {  	[dreg:$0x10] =	wrdreg s23  }
0x62: {  	[spmem:s25], [sflag:s23] =	dma.local [hbm:s26], $0x2780  }
0x63: {  	_ =	swait.ge [sflag:s11], $0x2780  }
0x64: {  	s19 =	simm.s32 $0x100;
	[sflag:s11] =	ssyncset.done $0x0  }
0x65: {  	s24 =	simm.s32 $0x280;
	s20 =	simm.s32 $0x0;
	[sflag:s11] =	ssyncadd.s32 $0xFFFFD880  }
0x66: {  	s26 =	simm.s32 $0x7C00;
	s11 =	simm.s32 $0x2C00;
	[bflag:$0x0] =	sbarrier.arrive $0xFFFF  }
.LBB2_2:
0x67: {  	_ =	swait.ge [sflag:s2], $0x2800  }
0x68: {  	[sflag:s2] =	ssyncset.done $0x0  }
0x69: {  	[sflag:s2] =	ssyncadd.s32 $0xFFFFD800  }
0x6a: {  	_ =	swait.ge [sflag:s5], $0x50  }
0x6b: {  	p0 =	seq.s32 s20, $0x0;
	[sflag:s5] =	ssyncset.done $0x0  }
0x6c: {  	s7 =	simm.s32 $0x400;
	s23 =	simm.s32 @!p0 $0xF;
	[sflag:s5] =	ssyncadd.s32 $0xFFFFFFB0  }
0x6d: {  	[spmem:s1] =	stream.indirect.scatter.add.f32 [tilespmem:s7], [sflag:$0xD], $0x80, s31, s28, $0xb8;
	[tilespmem:$0x1E000] =	vst v63  }
0x6e: {  	_ =	swait.ge @!p0 [sflag:s23], $0x2800  }
0x6f: {  	s25 =	sadd.s32 @!p0 s20, s18;
	s21 =	simm.s32 @!p0 $0x0;
	[sflag:s23] =	ssyncset.done @!p0 $0x0  }
0x70: {  	s22 =	simm.s32 @!p0 $0x300;
	[sflag:s23] =	ssyncadd.s32 @!p0 $0xFFFFD800;
	s23 =	sadd.s32 @!p0 $0x14, s25  }
0x71: {  	[tilespmem:s22], [sflag:$0xB] =	stream.linear.gather @!p0 [hbm4b:s23+s21], $0x50, $0x38;
	[tilespmem:$0x1E000] =	vst v63  }
0x72: {  	_ =	swait.ge [sflag:s6], $0x50  }
0x73: {  	[sflag:s6] =	ssyncset.done $0x0  }
0x74: {  	s23 =	sadd.s32 s20, s17;
	[sflag:s6] =	ssyncadd.s32 $0xFFFFFFB0  }
0x75: {  	[tilespmem:s30], [sflag:$0x3] =	stream.indirect.gather [hbm4b:s4+s28], $0x80, s19, s28, $0xb8;
	[tilespmem:$0x1E000] =	vst v63  }
0x76: {  	s22 =	sadd.s32 $0x28, s23  }
0x77: {  	[tilespmem:s3], [sflag:$0x5] =	stream.linear.gather [hbm4b:s22+s3], $0x50, $0x38;
	[tilespmem:$0x1E000] =	vst v63  }
0x78: {  	_ =	swait.ge [sflag:s8], $0x2800  }
0x79: {  	[sflag:s8] =	ssyncset.done $0x0  }
0x7a: {  	[sflag:s8] =	ssyncadd.s32 $0xFFFFD800  }
0x7b: {  	_ =	swait.ge [sflag:s9], $0x50  }
0x7c: {  	[sflag:s9] =	ssyncset.done $0x0  }
0x7d: {  	s22 =	simm.s32 @!p0 $0x10;
	[sflag:s9] =	ssyncadd.s32 $0xFFFFFFB0  }
0x7e: {  	[spmem:s1] =	stream.indirect.scatter.add.f32 [tilespmem:s11], [sflag:$0xE], $0x80, s24, s28, $0xb8;
	[tilespmem:$0x1E000] =	vst v63  }
0x7f: {  	_ =	swait.ge @!p0 [sflag:s22], $0x2800  }
0x80: {  	[sflag:s22] =	ssyncset.done @!p0 $0x0  }
0x81: {  	[sflag:s22] =	ssyncadd.s32 @!p0 $0xFFFFD800;
	s22 =	sadd.s32 @!p0 $0x1E, s25;
	s25 =	simm.s32 @!p0 $0x380  }
0x82: {  	[tilespmem:s25], [sflag:$0xC] =	stream.linear.gather @!p0 [hbm4b:s22+s21], $0x50, $0x38;
	[tilespmem:$0x1E000] =	vst v63  }
0x83: {  	_ =	swait.ge [sflag:s10], $0x50  }
0x84: {  	p0 =	seq.s32 s20, $0x4B0;
	[sflag:s10] =	ssyncset.done $0x0  }
0x85: {  	s21 =	sadd.s32 @!p0 s20, s17;
	[sflag:s10] =	ssyncadd.s32 $0xFFFFFFB0  }
0x86: {  	[tilespmem:s26], [sflag:$0x4] =	stream.indirect.gather [hbm4b:s4+s28], $0x80, s29, s28, $0xb8;
	[tilespmem:$0x1E000] =	vst v63  }
0x87: {  	s22 =	simm.s32 @!p0 $0x0;
	s25 =	simm.s32 @!p0 $0x80;
	s21 =	sadd.s32 @!p0 $0x32, s21  }
0x88: {  	[tilespmem:s25], [sflag:$0x6] =	stream.linear.gather @!p0 [hbm4b:s21+s22], $0x50, $0x38;
	[tilespmem:$0x1E000] =	vst v63  }
0x89: {  	_ =	swait.ge [sflag:s12], $0x2800  }
0x8a: {  	[sflag:s12] =	ssyncset.done $0x0  }
0x8b: {  	[sflag:s12] =	ssyncadd.s32 $0xFFFFD800  }
0x8c: {  	_ =	swait.ge [sflag:s13], $0x50  }
0x8d: {  	[sflag:s13] =	ssyncset.done $0x0  }
0x8e: {  	s25 =	simm.s32 $0x300;
	[sflag:s13] =	ssyncadd.s32 $0xFFFFFFB0  }
0x8f: {  	[spmem:s1] =	stream.indirect.scatter.add.f32 [tilespmem:s30], [sflag:$0xF], $0x80, s25, s28, $0xb8;
	[tilespmem:$0x1E000] =	vst v63  }
0x90: {  	_ =	swait.ge [sflag:s14], $0x2800  }
0x91: {  	s25 =	sadd.s32 s20, s18;
	[sflag:s14] =	ssyncset.done $0x0  }
0x92: {  	s22 =	sadd.s32 $0x28, s25;
	[sflag:s14] =	ssyncadd.s32 $0xFFFFD800  }
0x93: {  	[tilespmem:s31], [sflag:$0x9] =	stream.linear.gather [hbm4b:s22+s3], $0x50, $0x38;
	[tilespmem:$0x1E000] =	vst v63  }
.Ltmp2:
0x94: {  	s22 =	simm.s32 $0x5;
	(pc) =	sbr.rel @p0 .LBB2_4-.Ltmp2, $4  }
0x95: {  	_ =	swait.ge [sflag:s22], $0x50  }
0x96: {  	[sflag:s22] =	ssyncset.done $0x0  }
0x97: {  	[sflag:s22] =	ssyncadd.s32 $0xFFFFFFB0  }
0x98: {  	[tilespmem:s7], [sflag:$0x1] =	stream.indirect.gather [hbm4b:s4+s28], $0x80, s3, s28, $0xb8;
	[tilespmem:$0x1E000] =	vst v63  }
0x99: {  	s21 =	sadd.s32 $0x3C, s23  }
0x9a: {  	[tilespmem:s19], [sflag:$0x7] =	stream.linear.gather [hbm4b:s21+s3], $0x50, $0x38;
	[tilespmem:$0x1E000] =	vst v63  }
0x9b: {  	_ =	swait.ge [sflag:s15], $0x2800  }
0x9c: {  	[sflag:s15] =	ssyncset.done $0x0  }
0x9d: {  	[sflag:s15] =	ssyncadd.s32 $0xFFFFD800  }
0x9e: {  	_ =	swait.ge [sflag:s16], $0x50  }
0x9f: {  	[sflag:s16] =	ssyncset.done $0x0  }
0xa0: {  	s22 =	simm.s32 $0x380;
	[sflag:s16] =	ssyncadd.s32 $0xFFFFFFB0  }
0xa1: {  	[spmem:s1] =	stream.indirect.scatter.add.f32 [tilespmem:s26], [sflag:$0x10], $0x80, s22, s28, $0xb8;
	[tilespmem:$0x1E000] =	vst v63  }
0xa2: {  	_ =	swait.ge [sflag:s0], $0x2800  }
0xa3: {  	[sflag:s0] =	ssyncset.done $0x0  }
0xa4: {  	s7 =	sadd.s32 $0x32, s25;
	[sflag:s0] =	ssyncadd.s32 $0xFFFFD800  }
0xa5: {  	[tilespmem:s24], [sflag:$0xA] =	stream.linear.gather [hbm4b:s7+s3], $0x50, $0x38;
	[tilespmem:$0x1E000] =	vst v63  }
0xa6: {  	s7 =	simm.s32 $0x6  }
0xa7: {  	_ =	swait.ge [sflag:s7], $0x50  }
.Ltmp3:
0xa8: {  	[sflag:s7] =	ssyncset.done $0x0;
	(pc) =	sbr.rel .LBB2_2-.Ltmp3, $4  }
0xa9: {  	s22 =	simm.s32 $0x80;
	[sflag:s7] =	ssyncadd.s32 $0xFFFFFFB0  }
0xaa: {  	[tilespmem:s11], [sflag:$0x2] =	stream.indirect.gather [hbm4b:s4+s28], $0x80, s22, s28, $0xb8;
	[tilespmem:$0x1E000] =	vst v63  }
0xab: {  	s25 =	sadd.s32 $0x46, s23;
	s20 =	sadd.s32 $0x28, s20  }
0xac: {  	[tilespmem:s29], [sflag:$0x8] =	stream.linear.gather [hbm4b:s25+s3], $0x50, $0x38;
	[tilespmem:$0x1E000] =	vst v63  }
.LBB2_5:
0xad: {  	_ =	sfence.sel $0x180000  }
0xae: {  	[bflag:$0x0] =	sbarrier.arrive $0xFFFF  }
0xaf: {  	_ =	strace $0x9000004A  }
0xb0: {  	s0 =	stileid.u32;
	[bflag:$0x2] =	sbarrier.arrive $0xFFFF  }
0xb1: {  	p0 =	sne.s32 s0, $0x0;
	s0 =	rddreg [dreg:$0x2]  }
0xb2: {  	s0 =	sadd.s32 @!p0 $0x100000, s0  }
0xb3: {  	[sflag:s0] =	ssyncadd.tile.s32 @!p0 $0x1;
	_ =	shalt  }
.Lfunc_end2:
_tile_overlayer_lowered:
.L_overlay_start_2:
0xb4: {  	(tag) =	ssettag $0x2  }
0xb5: {  	s0 =	rddreg [dreg:$0x0];
	s2 =	stileid.u32  }
0xb6: {  	s1 =	rddreg [dreg:$0x1];
	p0 =	sne.s32 s2, $0x0  }
0xb7: {  	s3 =	rddreg [dreg:$0x2];
	[bflag:$0x3] =	sbarrier.arrive $0xFFFF;
	s2 =	simm.s32 @!p0 $0x1C11  }
0xb8: {  	[timem:s3], [sflag:s2] =	dma.local @!p0 [hbm:s0], s1  }
0xb9: {  	s0 =	simm.s32 @!p0 $0x11  }
0xba: {  	_ =	swait.ge @!p0 [sflag:s0], s1  }
0xbb: {  	s1 =	ssub.s32 @!p0 $0x0, s1;
	[sflag:s0] =	ssyncset.done @!p0 $0x0  }
0xbc: {  	[sflag:s0] =	ssyncadd.s32 @!p0 s1  }
0xbd: {  	[bflag:$0x3] =	sbarrier.arrive $0xFFFF  }
0xbe: {  	_ =	shalt  }

// kernel: kernel.16.cloned.1.call-start
scs
__scs_entry_jumppad:
0x0: {  	(pc) =	sbr.rel $0x88, $3  }
0x1: {  	(tag) =	ssettag $0x0;
	lr =	simm.s32 $0x1  }
0x2: {  	[smem:$0x3F97] =	sst lr;
	_ =	strace $0xD0000000  }
0x3: {  	_ = 	snop  }
0x4: {  	_ = 	snop  }
0x5: {  	_ = 	snop  }
0x6: {  	_ = 	snop  }
0x7: {  	_ = 	snop  }
__scs_overlays_trampoline_lowered:
0x8: {  	[smem:$0x3FA6] =	sst s0  }
0x9: {  	[smem:$0x3FA7] =	sst s1  }
0xa: {  	[smem:$0x3FA8] =	sst s2  }
0xb: {  	[smem:$0x3FA9] =	sst s3  }
0xc: {  	[smem:$0x3FAA] =	sst s4  }
0xd: {  	[smem:$0x3FAB] =	sst s5  }
0xe: {  	[smem:$0x3FAC] =	sst s6  }
0xf: {  	[smem:$0x3FAD] =	sst s7  }
0x10: {  	[smem:$0x3FAE] =	sst s8  }
0x11: {  	[smem:$0x3FAF] =	sst s9;
	s0 =	simm.s32 @!p0 $0x0  }
0x12: {  	s1 =	sld [smem:$0x3F95];
	s0 =	simm.s32 @p0 $0x1  }
0x13: {  	[smem:$0x3FB0] =	sst s0;
	s0 =	simm.s32 @!p1 $0x0  }
0x14: {  	s2 =	sld [smem:$0x3F94];
	s0 =	simm.s32 @p1 $0x1  }
0x15: {  	[smem:$0x3FB1] =	sst s0;
	s0 =	simm.s32 @!p2 $0x0  }
0x16: {  	s3 =	sld [smem:$0x3FDB];
	s0 =	simm.s32 @p2 $0x1  }
0x17: {  	s4 =	simm.s32 $0x1BF5;
	[smem:$0x3FB3] =	sst s0  }
0x18: {  	s0 =	sld [smem:$0x3F96];
	_ =	swait.ge [sflag:s4], $0x0  }
0x19: {  	s7 =	sld [smem:$0x3F97]  }
0x1a: {  	s8 =	sadd.s32 $0xFFFFE003, lr  }
0x1b: {  	s9 =	sadd.s32 $0xFFFFFEF7, lr;
	s5 =	simm.s32 $0xFFFFFFFF;
	p2 =	slt.u32 s8, $0xFFFFF086  }
0x1c: {  	p1 =	slt.u32 s9, $0xF7A;
	s5 =	simm.s32 @!p2 $0x0  }
0x1d: {  	s5 =	simm.s32 @p1 $0x1;
	p0 =	seq.s32 s7, s2  }
0x1e: {  	s7 =	smul.u32 @!p0 $0xF7A, s2;
	p2 =	seq.s32 @!p0 s5, $0x0  }
0x1f: {  	s9 =	smul.u32 $0xF7A, s1;
	s8 =	simm.s32 @!p0 $0x1BF5;
	p2 =	por !p2, p0  }
0x20: {  	[sflag:s8] =	ssyncset.s32 @!p0 $0xFFFFF086;
	s6 =	sadd.s32 @!p0 s3, s7;
	s7 =	simm.s32 @!p0 $0x108  }
0x21: {  	s3 =	sadd.s32 s3, s9;
	s6 =	sadd.s32 @!p0 $0x88, s6;
	s7 =	simm.s32 @p2 $0x1082  }
0x22: {  	[simem:s7], [sflag:s8] =	dma.local @!p0 [hbm:s6], $0xF7A  }
0x23: {  	s9 =	sor.u32 $0xD0000000, s2;
	s6 =	simm.s32 $0x108;
	_ =	swait.ge @!p0 [sflag:s8], $0x0  }
0x24: {  	s3 =	sadd.s32 $0x88, s3;
	s6 =	simm.s32 @!p1 $0x1082;
	[sflag:s4] =	ssyncset.s32 $0xFFFFF086  }
0x25: {  	[simem:s6], [sflag:s4] =	dma.local [hbm:s3], $0xF7A  }
0x26: {  	[smem:$0x3F97] =	sst s1;
	(tag) =	ssettag s2;
	_ =	strace s9  }
0x27: {  	s1 =	sld [smem:$0x3FA7]  }
0x28: {  	s2 =	sld [smem:$0x3FA8]  }
0x29: {  	s4 =	sld [smem:$0x3FAA]  }
0x2a: {  	p0 =	seq.s32 s5, $0x0;
	s5 =	sld [smem:$0x3FAB]  }
0x2b: {  	s6 =	sld [smem:$0x3FAC]  }
0x2c: {  	s7 =	sld [smem:$0x3FAD]  }
0x2d: {  	s3 =	simm.s32 $0x108;
	s8 =	sld [smem:$0x3FAE]  }
0x2e: {  	s3 =	simm.s32 @!p0 $0x1082;
	s9 =	sld [smem:$0x3FAF]  }
0x2f: {  	lr =	sadd.s32 s0, s3;
	s0 =	sld [smem:$0x3FA6]  }
0x30: {  	s3 =	sld [smem:$0x3FA9]  }
0x31: {  	[smem:$0x3FB2] =	sst s10  }
0x32: {  	s10 =	sld [smem:$0x3FB0];
	_ =	sdelay $0x3  }
0x33: {  	p0 =	seq.s32 s10, $0x1;
	s10 =	sld [smem:$0x3FB2];
	_ =	sdelay $0x3  }
0x34: {  	[smem:$0x3FB2] =	sst s10  }
0x35: {  	s10 =	sld [smem:$0x3FB1];
	_ =	sdelay $0x3  }
0x36: {  	p1 =	seq.s32 s10, $0x1;
	s10 =	sld [smem:$0x3FB2];
	_ =	sdelay $0x3  }
0x37: {  	[smem:$0x3FB2] =	sst s10  }
0x38: {  	s10 =	sld [smem:$0x3FB3]  }
0x39: {  	_ = 	snop;
	(pc) =	sbr.ind lr, $3  }
0x3a: {  	_ = 	snop  }
0x3b: {  	_ = 	snop  }
0x3c: {  	p2 =	seq.s32 s10, $0x1;
	s10 =	sld [smem:$0x3FB2]  }
0x3d: {  	_ =	shalt  }
0x3e: {  	_ =	shalt  }
0x3f: {  	_ =	shalt  }
0x40: {  	_ =	shalt  }
0x41: {  	_ =	shalt  }
0x42: {  	_ =	shalt  }
0x43: {  	_ =	shalt  }
0x44: {  	_ =	shalt  }
0x45: {  	_ =	shalt  }
0x46: {  	_ =	shalt  }
0x47: {  	_ =	shalt  }
0x48: {  	_ =	shalt  }
0x49: {  	_ =	shalt  }
0x4a: {  	_ =	shalt  }
0x4b: {  	_ =	shalt  }
0x4c: {  	_ =	shalt  }
0x4d: {  	_ =	shalt  }
0x4e: {  	_ =	shalt  }
0x4f: {  	_ =	shalt  }
0x50: {  	_ =	shalt  }
0x51: {  	_ =	shalt  }
0x52: {  	_ =	shalt  }
0x53: {  	_ =	shalt  }
0x54: {  	_ =	shalt  }
0x55: {  	_ =	shalt  }
0x56: {  	_ =	shalt  }
0x57: {  	_ =	shalt  }
0x58: {  	_ =	shalt  }
0x59: {  	_ =	shalt  }
0x5a: {  	_ =	shalt  }
0x5b: {  	_ =	shalt  }
0x5c: {  	_ =	shalt  }
0x5d: {  	_ =	shalt  }
0x5e: {  	_ =	shalt  }
0x5f: {  	_ =	shalt  }
0x60: {  	_ =	shalt  }
0x61: {  	_ =	shalt  }
0x62: {  	_ =	shalt  }
0x63: {  	_ =	shalt  }
0x64: {  	_ =	shalt  }
0x65: {  	_ =	shalt  }
0x66: {  	_ =	shalt  }
0x67: {  	_ =	shalt  }
0x68: {  	_ =	shalt  }
0x69: {  	_ =	shalt  }
0x6a: {  	_ =	shalt  }
0x6b: {  	_ =	shalt  }
0x6c: {  	_ =	shalt  }
0x6d: {  	_ =	shalt  }
0x6e: {  	_ =	shalt  }
0x6f: {  	_ =	shalt  }
0x70: {  	_ =	shalt  }
0x71: {  	_ =	shalt  }
0x72: {  	_ =	shalt  }
0x73: {  	_ =	shalt  }
0x74: {  	_ =	shalt  }
0x75: {  	_ =	shalt  }
0x76: {  	_ =	shalt  }
0x77: {  	_ =	shalt  }
0x78: {  	_ =	shalt  }
0x79: {  	_ =	shalt  }
0x7a: {  	_ =	shalt  }
0x7b: {  	_ =	shalt  }
0x7c: {  	_ =	shalt  }
0x7d: {  	_ =	shalt  }
0x7e: {  	_ =	shalt  }
0x7f: {  	_ =	shalt  }
0x80: {  	_ =	shalt  }
0x81: {  	_ =	shalt  }
0x82: {  	_ =	shalt  }
0x83: {  	_ =	shalt  }
0x84: {  	_ =	shalt  }
0x85: {  	_ =	shalt  }
0x86: {  	_ =	shalt  }
0x87: {  	_ =	shalt  }
.Lfunc_end0:
.L_simem_size_0:
called_computation.2_lowered:
.L_overlay_start_0:
0x88: {  	s2 =	sld [smem:$0x3FD9]  }
0x89: {  	s3 =	sld [smem:$0x3FFE];
	_ =	sdelay $0x1  }
0x8a: {  	s1 =	srdreg.scid  }
0x8b: {  	s0 =	sand.u32 $0x1, s1  }
0x8c: {  	s16 =	sshll.u32 s0, $0xA;
	s2 =	sadd.s32 s3, s2  }
0x8d: {  	s2 =	sadd.s32 s2, s16  }
0x8e: {  	[smem:$0x3FBE] =	sst s2  }
0x8f: {  	_ = 	snop  }
0x90: {  	(tm) =	ssettm $0x1  }
0x91: {  	s17 =	sld [smem:$0x3FFB];
	_ =	sdelay $0x3  }
0x92: {  	_ =	strace s17  }
0x93: {  	s2 =	sld [smem:$0x3FFC];
	_ =	sdelay $0x3  }
0x94: {  	_ =	strace s2  }
0x95: {  	s2 =	sld [smem:$0x3FFD];
	_ =	sdelay $0x3  }
0x96: {  	_ =	strace s2  }
0x97: {  	_ =	strace $0x8FFFFFFF  }
0x98: {  	s18 =	sld [smem:$0x3FDB];
	_ =	sdelay $0x1  }
0x99: {  	s19 =	simm.s32 $_scs_section_size  }
0x9a: {  	s4 =	simm.s32 $_size__tile_overlayer_lowered;
	s5 =	simm.s32 $_tile_overlayer_lowered  }
0x9b: {  	s22 =	simm.s32 $0x1BFF;
	s21 =	sshll.u32 s5, $0x1;
	s2 =	sadd.s32 s19, s18  }
0x9c: {  	s6 =	simm.s32 $0x0;
	s20 =	sshll.u32 s4, $0x1;
	s4 =	sadd.s32 s21, s2  }
0x9d: {  	[timem:s6], [sflag:s22] =	dma.local [hbm:s4], s20  }
0x9e: {  	_ =	swait.ge [sflag:s22], s20  }
0x9f: {  	s3 =	ssub.s32 $0x0, s20;
	[sflag:s22] =	ssyncset.done $0x0  }
0xa0: {  	[sflag:s22] =	ssyncadd.s32 s3;
	_ =	sdelay $0x1  }
0xa1: {  	s23 =	simm.s32 $0x1B8B  }
0xa2: {  	_ =	swait.ge [sflag:s23], $0x1  }
0xa3: {  	[sflag:s23] =	ssyncset.done $0x0  }
0xa4: {  	s25 =	simm.s32 $0x1B8E;
	s24 =	sld [smem:$0x3FFE];
	[sflag:s23] =	ssyncadd.s32 $0xFFFFFFFF  }
0xa5: {  	s26 =	simm.s32 $execute0_lowered;
	[smem:$0x3FD2] =	sst s25  }
0xa6: {  	s4 =	sshll.u32 s26, $0x1;
	_ =	strace $0x8000004C;
	[dreg:$0x1] =	wrdreg $0xFFFFFFFF  }
0xa7: {  	s28 =	simm.s32 $_size_execute0_lowered;
	s2 =	sadd.s32 s2, s4;
	[dreg:$0x0] =	wrdreg $0x0  }
0xa8: {  	s4 =	sshll.u32 s28, $0x1;
	[dreg:$0x2] =	wrdreg s2  }
0xa9: {  	[dreg:$0x3] =	wrdreg s4  }
0xaa: {  	[dreg:$0x4] =	wrdreg $0xC0  }
0xab: {  	_ =	task [dreg:s6], $0x5FFFF  }
0xac: {  	[dreg:$0x1] =	wrdreg $0xFFFFFFFF  }
0xad: {  	[dreg:$0x0] =	wrdreg $0x60  }
0xae: {  	[dreg:$0x2] =	wrdreg s24  }
0xaf: {  	[dreg:$0x3] =	wrdreg $0xA4000  }
0xb0: {  	[dreg:$0x4] =	wrdreg $0x9  }
0xb1: {  	_ =	task.clear_ibuf [dreg:s6], $0x5FFFF;
	_ =	strace $0x9000004C  }
0xb2: {  	s29 =	simm.s32 $0x9;
	_ =	strace $0x8000004E  }
0xb3: {  	_ =	swait.ge [sflag:s29], $0x1  }
0xb4: {  	[sflag:s29] =	ssyncadd.s32 $0xFFFFFFFF  }
0xb5: {  	_ =	strace $0x9000004E  }
0xb6: {  	_ =	sfence  }
0xb7: {  	s30 =	sld [smem:$0x0];
	_ =	sdelay $0x2  }
0xb8: {  	s31 =	sshll.u32 s1, $0xD;
	s1 =	sshrl.u32 s1, $0x2  }
0xb9: {  	s3 =	sand.u32 $0x4000, s31;
	s1 =	sadd.s32 s1, s30  }
0xba: {  	s0 =	sor.u32 s3, s0;
	s1 =	sshll.u32 s1, $0x11  }
0xbb: {  	s0 =	sor.u32 s1, s0  }
0xbc: {  	s0 =	sadd.s32 $0x8F2B, s0  }
0xbd: {  	[sflag:s0] =	ssyncadd.remote.s32 $0x1  }
0xbe: {  	_ =	sfence.sel $0xFFFF  }
0xbf: {  	[dreg:$0x0] =	wrdreg $0xFFFFFFFF;
	(pc) =	sbr.abs _section_cstart, $3  }
0xc0: {  	[dreg:$0x1] =	wrdreg $0xFFFFFFFF  }
0xc1: {  	_ =	task.clear_ibuf [dreg:s6], $0x2FFFF;
	_ =	strace $0x9FFFFFFF  }
0xc2: {  	(tm) =	ssettm $0x7FFFFFFF  }
0xc3: {  	_ =	shalt  }
tec
execute0_lowered:
.L_overlay_start_1:
0x0: {  	(tag) =	ssettag $0x1  }
0x1: {  	s0 =	rddreg [dreg:$0x0]  }
0x2: {  	s1 =	rddreg [dreg:$0x1];
	s3 =	simm.s32 $0x0;
	s2 =	srdreg.scid  }
0x3: {  	s12 =	stileid.u32;
	s28 =	simm.s32 $0x50;
	s29 =	simm.s32 $0x180  }
0x4: {  	s31 =	simm.s32 $0x200;
	s30 =	simm.s32 $0x5400;
	s5 =	smul.u32 $0x2780, s12  }
0x5: {  	[smem:$0x7FF] =	sst s3;
	s2 =	sand.u32 $0x1, s2;
	s20 =	smul.u32 $0x4F000, s12  }
0x6: {  	s4 =	sadd.s32 $0x16600, s0;
	s7 =	sadd.s32 $0x2A00, s0;
	s25 =	smul.u32 $0x4E2, s12  }
0x7: {  	s9 =	sadd.s32 $0xC800, s0;
	_ =	strace $0x8000004D;
	s8 =	smul.u32 $0x27800, s2  }
0x8: {  	s6 =	sshll.u32 s2, $0x4;
	s26 =	ssub.s32 $0x2, s2;
	s2 =	smul.u32 $0x4E20, s2  }
0x9: {  	s6 =	sor.u32 s12, s6;
	s10 =	sadd.s32 s5, s0;
	s13 =	sshrl.u32 s26, $0x1  }
0xa: {  	s23 =	sshrl.u32 s20, $0x2;
	s12 =	simm.s32 $0x3;
	s11 =	smul.u32 $0x2710, s6  }
0xb: {  	s5 =	sadd.s32 s5, s8;
	s6 =	smul.u32 $0x4E2, s6;
	s24 =	sadd.s32 $0x3D800, s10  }
0xc: {  	s8 =	simm.s32 $0x2;
	s10 =	simm.s32 $0x8;
	s0 =	sadd.s32 s5, s0  }
0xd: {  	s5 =	ssub.s32 s26, s13;
	[dreg:$0xc] =	wrdreg s24;
	s26 =	sadd.s32 s2, s7  }
0xe: {  	s2 =	sadd.s32 s2, s9;
	s24 =	simm.s32 $0x380;
	s14 =	sadd.s32 s7, s6  }
0xf: {  	s11 =	sshrl.u32 s11, $0x3;
	s6 =	sadd.s32 s9, s6;
	[dreg:$0x3] =	wrdreg s14  }
0x10: {  	s0 =	sadd.s32 $0x65000, s0;
	s5 =	smax.u32 s5, $0x1;
	[dreg:$0x4] =	wrdreg s6  }
0x11: {  	s15 =	sadd.s32 $0xA, s11;
	s18 =	sadd.s32 $0x14, s11;
	[dreg:$0xd] =	wrdreg s0  }
0x12: {  	s19 =	sadd.s32 $0x1E, s11;
	[dreg:$0xe] =	wrdreg s5;
	s11 =	simm.s32 $0x11  }
0x13: {  	s5 =	simm.s32 $0x9;
	s14 =	simm.s32 $0xD;
	s0 =	simm.s32 $0xE  }
0x14: {  	s16 =	sadd.s32 s7, s15;
	s17 =	sadd.s32 s9, s15;
	s13 =	sadd.s32 s7, s18  }
0x15: {  	s6 =	sadd.s32 s9, s18;
	s21 =	sadd.s32 s7, s19;
	[dreg:$0x5] =	wrdreg s16  }
0x16: {  	s22 =	sadd.s32 s9, s19;
	s18 =	sadd.s32 s25, s2;
	[dreg:$0x6] =	wrdreg s17  }
0x17: {  	s19 =	simm.s32 $0x100;
	s7 =	simm.s32 $0x2C00;
	[dreg:$0x7] =	wrdreg s13  }
0x18: {  	s2 =	simm.s32 $0x1;
	s9 =	simm.s32 $0xA;
	[dreg:$0x8] =	wrdreg s6  }
.Ltmp0:
0x19: {  	s15 =	simm.s32 $0x4;
	[dreg:$0x9] =	wrdreg s21;
	(pc) =	sbr.rel .LBB2_1-.Ltmp0, $4  }
0x1a: {  	[dreg:$0xa] =	wrdreg s22;
	s6 =	sadd.s32 s23, s1;
	s17 =	sadd.s32 s25, s26  }
0x1b: {  	s21 =	simm.s32 $0x200;
	s22 =	simm.s32 $0x280;
	s23 =	simm.s32 $0x180  }
0x1c: {  	s25 =	simm.s32 $0x400;
	s13 =	simm.s32 $0xB;
	s16 =	simm.s32 $0xC  }
0x1d: {  	s26 =	simm.s32 $0x0;
	[dreg:$0xb] =	wrdreg s6;
	s6 =	simm.s32 $0x7  }
.LBB2_4:
0x1e: {  	_ =	swait.ge [sflag:s15], $0x2800  }
0x1f: {  	[sflag:s15] =	ssyncset.done $0x0  }
0x20: {  	[sflag:s15] =	ssyncadd.s32 $0xFFFFD800  }
0x21: {  	_ =	swait.ge [sflag:s16], $0x50  }
0x22: {  	[sflag:s16] =	ssyncset.done $0x0  }
0x23: {  	s24 =	simm.s32 $0x380;
	[sflag:s16] =	ssyncadd.s32 $0xFFFFFFB0  }
0x24: {  	[spmem:s1] =	stream.indirect.scatter.add.f32 [tilespmem:s26], [sflag:$0x10], $0x80, s24, s28, $0xb8;
	[tilespmem:$0x1E000] =	vst v63  }
0x25: {  	_ =	swait.ge [sflag:s2], $0x2800  }
0x26: {  	[sflag:s2] =	ssyncset.done $0x0  }
0x27: {  	[sflag:s2] =	ssyncadd.s32 $0xFFFFD800  }
0x28: {  	_ =	swait.ge [sflag:s5], $0x50  }
0x29: {  	[sflag:s5] =	ssyncset.done $0x0  }
0x2a: {  	s21 =	simm.s32 $0x200;
	s25 =	simm.s32 $0x400;
	[sflag:s5] =	ssyncadd.s32 $0xFFFFFFB0  }
0x2b: {  	[spmem:s1] =	stream.indirect.scatter.add.f32 [tilespmem:s25], [sflag:$0xD], $0x80, s21, s28, $0xb8;
	[tilespmem:$0x1E000] =	vst v63  }
0x2c: {  	_ =	swait.ge [sflag:s14], $0x2800  }
0x2d: {  	[sflag:s14] =	ssyncset.done $0x0  }
0x2e: {  	[sflag:s14] =	ssyncadd.s32 $0xFFFFD800  }
0x2f: {  	_ =	swait.ge [sflag:s0], $0x2800  }
0x30: {  	[sflag:s0] =	ssyncset.done $0x0  }
0x31: {  	s7 =	simm.s32 $0xF;
	[sflag:s0] =	ssyncadd.s32 $0xFFFFD800  }
0x32: {  	_ =	swait.ge [sflag:s7], $0x2800  }
0x33: {  	[sflag:s7] =	ssyncset.done $0x0  }
0x34: {  	s11 =	simm.s32 $0x10;
	[sflag:s7] =	ssyncadd.s32 $0xFFFFD800  }
0x35: {  	_ =	swait.ge [sflag:s11], $0x2800  }
0x36: {  	[sflag:s11] =	ssyncset.done $0x0  }
0x37: {  	[sflag:s11] =	ssyncadd.s32 $0xFFFFD800  }
0x38: {  	[bflag:$0x0] =	sbarrier.arrive $0xFFFF  }
0x39: {  	s20 =	rddreg [dreg:$0xd]  }
0x3a: {  	s19 =	rddreg [dreg:$0x10]  }
0x3b: {  	s11 =	rddreg [dreg:$0x11]  }
0x3c: {  	[hbm:s20], [sflag:s19] =	dma.local [spmem:s11], $0x2780  }
0x3d: {  	s11 =	simm.s32 $0x11  }
0x3e: {  	_ =	swait.ge [sflag:s11], $0x2780  }
0x3f: {  	s22 =	rddreg [dreg:$0xf]  }
0x40: {  	s23 =	rddreg [dreg:$0xe];
	s26 =	sadd.s32 $0x1, s22  }
0x41: {  	p0 =	sne.s32 s26, s23  }
.Ltmp1:
0x42: {  	_ = 	snop;
	(pc) =	sbr.rel @!p0 .LBB2_5-.Ltmp1, $3  }
0x43: {  	_ =	sdelay $0x1  }
0x44: {  	s7 =	simm.s32 $0x2C00;
	s19 =	simm.s32 $0x100;
	[sflag:s11] =	ssyncset.done $0x0  }
0x45: {  	[sflag:s11] =	ssyncadd.s32 $0xFFFFD880;
	s22 =	simm.s32 $0x280;
	s23 =	simm.s32 $0x180  }
.LBB2_1:
0x46: {  	[dreg:$0xf] =	wrdreg s26  }
0x47: {  	s20 =	rddreg [dreg:$0x3]  }
0x48: {  	[tilespmem:s3], [sflag:$0x5] =	stream.linear.gather [hbm4b:s20+s3], $0x50, $0x38;
	[tilespmem:$0x1E000] =	vst v63  }
0x49: {  	s26 =	rddreg [dreg:$0x4]  }
0x4a: {  	[tilespmem:s21], [sflag:$0x9] =	stream.linear.gather [hbm4b:s26+s3], $0x50, $0x38;
	[tilespmem:$0x1E000] =	vst v63  }
0x4b: {  	s26 =	rddreg [dreg:$0x5];
	s21 =	simm.s32 $0x80  }
0x4c: {  	[tilespmem:s21], [sflag:$0x6] =	stream.linear.gather [hbm4b:s26+s3], $0x50, $0x38;
	[tilespmem:$0x1E000] =	vst v63  }
0x4d: {  	s26 =	rddreg [dreg:$0x6]  }
0x4e: {  	[tilespmem:s22], [sflag:$0xA] =	stream.linear.gather [hbm4b:s26+s3], $0x50, $0x38;
	[tilespmem:$0x1E000] =	vst v63  }
0x4f: {  	s26 =	rddreg [dreg:$0x7]  }
0x50: {  	[tilespmem:s19], [sflag:$0x7] =	stream.linear.gather [hbm4b:s26+s3], $0x50, $0x38;
	[tilespmem:$0x1E000] =	vst v63  }
0x51: {  	s22 =	rddreg [dreg:$0x8];
	s26 =	simm.s32 $0x300  }
0x52: {  	[tilespmem:s26], [sflag:$0xB] =	stream.linear.gather [hbm4b:s22+s3], $0x50, $0x38;
	[tilespmem:$0x1E000] =	vst v63  }
0x53: {  	s22 =	rddreg [dreg:$0x9]  }
0x54: {  	[tilespmem:s23], [sflag:$0x8] =	stream.linear.gather [hbm4b:s22+s3], $0x50, $0x38;
	[tilespmem:$0x1E000] =	vst v63  }
0x55: {  	s26 =	simm.s32 $0x5;
	s23 =	rddreg [dreg:$0xa]  }
0x56: {  	[tilespmem:s24], [sflag:$0xC] =	stream.linear.gather [hbm4b:s23+s3], $0x50, $0x38;
	[tilespmem:$0x1E000] =	vst v63  }
0x57: {  	_ =	swait.ge [sflag:s26], $0x50  }
0x58: {  	[sflag:s26] =	ssyncset.done $0x0  }
0x59: {  	s20 =	simm.s32 $0x6;
	[sflag:s26] =	ssyncadd.s32 $0xFFFFFFB0  }
0x5a: {  	[tilespmem:s25], [sflag:$0x1] =	stream.indirect.gather [hbm4b:s4+s28], $0x80, s3, s28, $0xb8;
	[tilespmem:$0x1E000] =	vst v63  }
0x5b: {  	_ =	swait.ge [sflag:s20], $0x50  }
0x5c: {  	s24 =	rddreg [dreg:$0xb]  }
0x5d: {  	s22 =	stileid.u32;
	[sflag:s20] =	ssyncset.done $0x0;
	s26 =	rddreg [dreg:$0xc]  }
0x5e: {  	[sflag:s20] =	ssyncadd.s32 $0xFFFFFFB0;
	s20 =	sshll.u32 s22, $0x6;
	s25 =	sshrl.u32 s24, $0x3  }
0x5f: {  	[tilespmem:s7], [sflag:$0x2] =	stream.indirect.gather [hbm4b:s4+s28], $0x80, s21, s28, $0xb8;
	[tilespmem:$0x1E000] =	vst v63  }
0x60: {  	s23 =	sor.u32 $0x1C11, s20;
	[dreg:$0x11] =	wrdreg s25  }
0x61: {  	[dreg:$0x10] =	wrdreg s23  }
0x62: {  	[spmem:s25], [sflag:s23] =	dma.local [hbm:s26], $0x2780  }
0x63: {  	_ =	swait.ge [sflag:s11], $0x2780  }
0x64: {  	s19 =	simm.s32 $0x100;
	[sflag:s11] =	ssyncset.done $0x0  }
0x65: {  	s24 =	simm.s32 $0x280;
	s20 =	simm.s32 $0x0;
	[sflag:s11] =	ssyncadd.s32 $0xFFFFD880  }
0x66: {  	s26 =	simm.s32 $0x7C00;
	s11 =	simm.s32 $0x2C00;
	[bflag:$0x0] =	sbarrier.arrive $0xFFFF  }
.LBB2_2:
0x67: {  	_ =	swait.ge [sflag:s2], $0x2800  }
0x68: {  	[sflag:s2] =	ssyncset.done $0x0  }
0x69: {  	[sflag:s2] =	ssyncadd.s32 $0xFFFFD800  }
0x6a: {  	_ =	swait.ge [sflag:s5], $0x50  }
0x6b: {  	p0 =	seq.s32 s20, $0x0;
	[sflag:s5] =	ssyncset.done $0x0  }
0x6c: {  	s7 =	simm.s32 $0x400;
	s23 =	simm.s32 @!p0 $0xF;
	[sflag:s5] =	ssyncadd.s32 $0xFFFFFFB0  }
0x6d: {  	[spmem:s1] =	stream.indirect.scatter.add.f32 [tilespmem:s7], [sflag:$0xD], $0x80, s31, s28, $0xb8;
	[tilespmem:$0x1E000] =	vst v63  }
0x6e: {  	_ =	swait.ge @!p0 [sflag:s23], $0x2800  }
0x6f: {  	s25 =	sadd.s32 @!p0 s20, s18;
	s21 =	simm.s32 @!p0 $0x0;
	[sflag:s23] =	ssyncset.done @!p0 $0x0  }
0x70: {  	s22 =	simm.s32 @!p0 $0x300;
	[sflag:s23] =	ssyncadd.s32 @!p0 $0xFFFFD800;
	s23 =	sadd.s32 @!p0 $0x14, s25  }
0x71: {  	[tilespmem:s22], [sflag:$0xB] =	stream.linear.gather @!p0 [hbm4b:s23+s21], $0x50, $0x38;
	[tilespmem:$0x1E000] =	vst v63  }
0x72: {  	_ =	swait.ge [sflag:s6], $0x50  }
0x73: {  	[sflag:s6] =	ssyncset.done $0x0  }
0x74: {  	s23 =	sadd.s32 s20, s17;
	[sflag:s6] =	ssyncadd.s32 $0xFFFFFFB0  }
0x75: {  	[tilespmem:s30], [sflag:$0x3] =	stream.indirect.gather [hbm4b:s4+s28], $0x80, s19, s28, $0xb8;
	[tilespmem:$0x1E000] =	vst v63  }
0x76: {  	s22 =	sadd.s32 $0x28, s23  }
0x77: {  	[tilespmem:s3], [sflag:$0x5] =	stream.linear.gather [hbm4b:s22+s3], $0x50, $0x38;
	[tilespmem:$0x1E000] =	vst v63  }
0x78: {  	_ =	swait.ge [sflag:s8], $0x2800  }
0x79: {  	[sflag:s8] =	ssyncset.done $0x0  }
0x7a: {  	[sflag:s8] =	ssyncadd.s32 $0xFFFFD800  }
0x7b: {  	_ =	swait.ge [sflag:s9], $0x50  }
0x7c: {  	[sflag:s9] =	ssyncset.done $0x0  }
0x7d: {  	s22 =	simm.s32 @!p0 $0x10;
	[sflag:s9] =	ssyncadd.s32 $0xFFFFFFB0  }
0x7e: {  	[spmem:s1] =	stream.indirect.scatter.add.f32 [tilespmem:s11], [sflag:$0xE], $0x80, s24, s28, $0xb8;
	[tilespmem:$0x1E000] =	vst v63  }
0x7f: {  	_ =	swait.ge @!p0 [sflag:s22], $0x2800  }
0x80: {  	[sflag:s22] =	ssyncset.done @!p0 $0x0  }
0x81: {  	[sflag:s22] =	ssyncadd.s32 @!p0 $0xFFFFD800;
	s22 =	sadd.s32 @!p0 $0x1E, s25;
	s25 =	simm.s32 @!p0 $0x380  }
0x82: {  	[tilespmem:s25], [sflag:$0xC] =	stream.linear.gather @!p0 [hbm4b:s22+s21], $0x50, $0x38;
	[tilespmem:$0x1E000] =	vst v63  }
0x83: {  	_ =	swait.ge [sflag:s10], $0x50  }
0x84: {  	p0 =	seq.s32 s20, $0x4B0;
	[sflag:s10] =	ssyncset.done $0x0  }
0x85: {  	s21 =	sadd.s32 @!p0 s20, s17;
	[sflag:s10] =	ssyncadd.s32 $0xFFFFFFB0  }
0x86: {  	[tilespmem:s26], [sflag:$0x4] =	stream.indirect.gather [hbm4b:s4+s28], $0x80, s29, s28, $0xb8;
	[tilespmem:$0x1E000] =	vst v63  }
0x87: {  	s22 =	simm.s32 @!p0 $0x0;
	s25 =	simm.s32 @!p0 $0x80;
	s21 =	sadd.s32 @!p0 $0x32, s21  }
0x88: {  	[tilespmem:s25], [sflag:$0x6] =	stream.linear.gather @!p0 [hbm4b:s21+s22], $0x50, $0x38;
	[tilespmem:$0x1E000] =	vst v63  }
0x89: {  	_ =	swait.ge [sflag:s12], $0x2800  }
0x8a: {  	[sflag:s12] =	ssyncset.done $0x0  }
0x8b: {  	[sflag:s12] =	ssyncadd.s32 $0xFFFFD800  }
0x8c: {  	_ =	swait.ge [sflag:s13], $0x50  }
0x8d: {  	[sflag:s13] =	ssyncset.done $0x0  }
0x8e: {  	s25 =	simm.s32 $0x300;
	[sflag:s13] =	ssyncadd.s32 $0xFFFFFFB0  }
0x8f: {  	[spmem:s1] =	stream.indirect.scatter.add.f32 [tilespmem:s30], [sflag:$0xF], $0x80, s25, s28, $0xb8;
	[tilespmem:$0x1E000] =	vst v63  }
0x90: {  	_ =	swait.ge [sflag:s14], $0x2800  }
0x91: {  	s25 =	sadd.s32 s20, s18;
	[sflag:s14] =	ssyncset.done $0x0  }
0x92: {  	s22 =	sadd.s32 $0x28, s25;
	[sflag:s14] =	ssyncadd.s32 $0xFFFFD800  }
0x93: {  	[tilespmem:s31], [sflag:$0x9] =	stream.linear.gather [hbm4b:s22+s3], $0x50, $0x38;
	[tilespmem:$0x1E000] =	vst v63  }
.Ltmp2:
0x94: {  	s22 =	simm.s32 $0x5;
	(pc) =	sbr.rel @p0 .LBB2_4-.Ltmp2, $4  }
0x95: {  	_ =	swait.ge [sflag:s22], $0x50  }
0x96: {  	[sflag:s22] =	ssyncset.done $0x0  }
0x97: {  	[sflag:s22] =	ssyncadd.s32 $0xFFFFFFB0  }
0x98: {  	[tilespmem:s7], [sflag:$0x1] =	stream.indirect.gather [hbm4b:s4+s28], $0x80, s3, s28, $0xb8;
	[tilespmem:$0x1E000] =	vst v63  }
0x99: {  	s21 =	sadd.s32 $0x3C, s23  }
0x9a: {  	[tilespmem:s19], [sflag:$0x7] =	stream.linear.gather [hbm4b:s21+s3], $0x50, $0x38;
	[tilespmem:$0x1E000] =	vst v63  }
0x9b: {  	_ =	swait.ge [sflag:s15], $0x2800  }
0x9c: {  	[sflag:s15] =	ssyncset.done $0x0  }
0x9d: {  	[sflag:s15] =	ssyncadd.s32 $0xFFFFD800  }
0x9e: {  	_ =	swait.ge [sflag:s16], $0x50  }
0x9f: {  	[sflag:s16] =	ssyncset.done $0x0  }
0xa0: {  	s22 =	simm.s32 $0x380;
	[sflag:s16] =	ssyncadd.s32 $0xFFFFFFB0  }
0xa1: {  	[spmem:s1] =	stream.indirect.scatter.add.f32 [tilespmem:s26], [sflag:$0x10], $0x80, s22, s28, $0xb8;
	[tilespmem:$0x1E000] =	vst v63  }
0xa2: {  	_ =	swait.ge [sflag:s0], $0x2800  }
0xa3: {  	[sflag:s0] =	ssyncset.done $0x0  }
0xa4: {  	s7 =	sadd.s32 $0x32, s25;
	[sflag:s0] =	ssyncadd.s32 $0xFFFFD800  }
0xa5: {  	[tilespmem:s24], [sflag:$0xA] =	stream.linear.gather [hbm4b:s7+s3], $0x50, $0x38;
	[tilespmem:$0x1E000] =	vst v63  }
0xa6: {  	s7 =	simm.s32 $0x6  }
0xa7: {  	_ =	swait.ge [sflag:s7], $0x50  }
.Ltmp3:
0xa8: {  	[sflag:s7] =	ssyncset.done $0x0;
	(pc) =	sbr.rel .LBB2_2-.Ltmp3, $4  }
0xa9: {  	s22 =	simm.s32 $0x80;
	[sflag:s7] =	ssyncadd.s32 $0xFFFFFFB0  }
0xaa: {  	[tilespmem:s11], [sflag:$0x2] =	stream.indirect.gather [hbm4b:s4+s28], $0x80, s22, s28, $0xb8;
	[tilespmem:$0x1E000] =	vst v63  }
0xab: {  	s25 =	sadd.s32 $0x46, s23;
	s20 =	sadd.s32 $0x28, s20  }
0xac: {  	[tilespmem:s29], [sflag:$0x8] =	stream.linear.gather [hbm4b:s25+s3], $0x50, $0x38;
	[tilespmem:$0x1E000] =	vst v63  }
.LBB2_5:
0xad: {  	_ =	sfence.sel $0x180000  }
0xae: {  	[bflag:$0x0] =	sbarrier.arrive $0xFFFF  }
0xaf: {  	_ =	strace $0x9000004D  }
0xb0: {  	s0 =	stileid.u32;
	[bflag:$0x2] =	sbarrier.arrive $0xFFFF  }
0xb1: {  	p0 =	sne.s32 s0, $0x0;
	s0 =	rddreg [dreg:$0x2]  }
0xb2: {  	s0 =	sadd.s32 @!p0 $0x100000, s0  }
0xb3: {  	[sflag:s0] =	ssyncadd.tile.s32 @!p0 $0x1;
	_ =	shalt  }
.Lfunc_end2:
_tile_overlayer_lowered:
.L_overlay_start_2:
0xb4: {  	(tag) =	ssettag $0x2  }
0xb5: {  	s0 =	rddreg [dreg:$0x0];
	s2 =	stileid.u32  }
0xb6: {  	s1 =	rddreg [dreg:$0x1];
	p0 =	sne.s32 s2, $0x0  }
0xb7: {  	s3 =	rddreg [dreg:$0x2];
	[bflag:$0x3] =	sbarrier.arrive $0xFFFF;
	s2 =	simm.s32 @!p0 $0x1C11  }
0xb8: {  	[timem:s3], [sflag:s2] =	dma.local @!p0 [hbm:s0], s1  }
0xb9: {  	s0 =	simm.s32 @!p0 $0x11  }
0xba: {  	_ =	swait.ge @!p0 [sflag:s0], s1  }
0xbb: {  	s1 =	ssub.s32 @!p0 $0x0, s1;
	[sflag:s0] =	ssyncset.done @!p0 $0x0  }
0xbc: {  	[sflag:s0] =	ssyncadd.s32 @!p0 s1  }
0xbd: {  	[bflag:$0x3] =	sbarrier.arrive $0xFFFF  }
0xbe: {  	_ =	shalt  }

// kernel: kernel.19.cloned.1.call-start
scs
__scs_entry_jumppad:
0x0: {  	(pc) =	sbr.rel $0x88, $3  }
0x1: {  	(tag) =	ssettag $0x0;
	lr =	simm.s32 $0x1  }
0x2: {  	[smem:$0x3F97] =	sst lr;
	_ =	strace $0xD0000000  }
0x3: {  	_ = 	snop  }
0x4: {  	_ = 	snop  }
0x5: {  	_ = 	snop  }
0x6: {  	_ = 	snop  }
0x7: {  	_ = 	snop  }
__scs_overlays_trampoline_lowered:
0x8: {  	[smem:$0x3FA6] =	sst s0  }
0x9: {  	[smem:$0x3FA7] =	sst s1  }
0xa: {  	[smem:$0x3FA8] =	sst s2  }
0xb: {  	[smem:$0x3FA9] =	sst s3  }
0xc: {  	[smem:$0x3FAA] =	sst s4  }
0xd: {  	[smem:$0x3FAB] =	sst s5  }
0xe: {  	[smem:$0x3FAC] =	sst s6  }
0xf: {  	[smem:$0x3FAD] =	sst s7  }
0x10: {  	[smem:$0x3FAE] =	sst s8  }
0x11: {  	[smem:$0x3FAF] =	sst s9;
	s0 =	simm.s32 @!p0 $0x0  }
0x12: {  	s1 =	sld [smem:$0x3F95];
	s0 =	simm.s32 @p0 $0x1  }
0x13: {  	[smem:$0x3FB0] =	sst s0;
	s0 =	simm.s32 @!p1 $0x0  }
0x14: {  	s2 =	sld [smem:$0x3F94];
	s0 =	simm.s32 @p1 $0x1  }
0x15: {  	[smem:$0x3FB1] =	sst s0;
	s0 =	simm.s32 @!p2 $0x0  }
0x16: {  	s3 =	sld [smem:$0x3FDB];
	s0 =	simm.s32 @p2 $0x1  }
0x17: {  	s4 =	simm.s32 $0x1BF5;
	[smem:$0x3FB3] =	sst s0  }
0x18: {  	s0 =	sld [smem:$0x3F96];
	_ =	swait.ge [sflag:s4], $0x0  }
0x19: {  	s7 =	sld [smem:$0x3F97]  }
0x1a: {  	s8 =	sadd.s32 $0xFFFFE003, lr  }
0x1b: {  	s9 =	sadd.s32 $0xFFFFFEF7, lr;
	s5 =	simm.s32 $0xFFFFFFFF;
	p2 =	slt.u32 s8, $0xFFFFF086  }
0x1c: {  	p1 =	slt.u32 s9, $0xF7A;
	s5 =	simm.s32 @!p2 $0x0  }
0x1d: {  	s5 =	simm.s32 @p1 $0x1;
	p0 =	seq.s32 s7, s2  }
0x1e: {  	s7 =	smul.u32 @!p0 $0xF7A, s2;
	p2 =	seq.s32 @!p0 s5, $0x0  }
0x1f: {  	s9 =	smul.u32 $0xF7A, s1;
	s8 =	simm.s32 @!p0 $0x1BF5;
	p2 =	por !p2, p0  }
0x20: {  	[sflag:s8] =	ssyncset.s32 @!p0 $0xFFFFF086;
	s6 =	sadd.s32 @!p0 s3, s7;
	s7 =	simm.s32 @!p0 $0x108  }
0x21: {  	s3 =	sadd.s32 s3, s9;
	s6 =	sadd.s32 @!p0 $0x88, s6;
	s7 =	simm.s32 @p2 $0x1082  }
0x22: {  	[simem:s7], [sflag:s8] =	dma.local @!p0 [hbm:s6], $0xF7A  }
0x23: {  	s9 =	sor.u32 $0xD0000000, s2;
	s6 =	simm.s32 $0x108;
	_ =	swait.ge @!p0 [sflag:s8], $0x0  }
0x24: {  	s3 =	sadd.s32 $0x88, s3;
	s6 =	simm.s32 @!p1 $0x1082;
	[sflag:s4] =	ssyncset.s32 $0xFFFFF086  }
0x25: {  	[simem:s6], [sflag:s4] =	dma.local [hbm:s3], $0xF7A  }
0x26: {  	[smem:$0x3F97] =	sst s1;
	(tag) =	ssettag s2;
	_ =	strace s9  }
0x27: {  	s1 =	sld [smem:$0x3FA7]  }
0x28: {  	s2 =	sld [smem:$0x3FA8]  }
0x29: {  	s4 =	sld [smem:$0x3FAA]  }
0x2a: {  	p0 =	seq.s32 s5, $0x0;
	s5 =	sld [smem:$0x3FAB]  }
0x2b: {  	s6 =	sld [smem:$0x3FAC]  }
0x2c: {  	s7 =	sld [smem:$0x3FAD]  }
0x2d: {  	s3 =	simm.s32 $0x108;
	s8 =	sld [smem:$0x3FAE]  }
0x2e: {  	s3 =	simm.s32 @!p0 $0x1082;
	s9 =	sld [smem:$0x3FAF]  }
0x2f: {  	lr =	sadd.s32 s0, s3;
	s0 =	sld [smem:$0x3FA6]  }
0x30: {  	s3 =	sld [smem:$0x3FA9]  }
0x31: {  	[smem:$0x3FB2] =	sst s10  }
0x32: {  	s10 =	sld [smem:$0x3FB0];
	_ =	sdelay $0x3  }
0x33: {  	p0 =	seq.s32 s10, $0x1;
	s10 =	sld [smem:$0x3FB2];
	_ =	sdelay $0x3  }
0x34: {  	[smem:$0x3FB2] =	sst s10  }
0x35: {  	s10 =	sld [smem:$0x3FB1];
	_ =	sdelay $0x3  }
0x36: {  	p1 =	seq.s32 s10, $0x1;
	s10 =	sld [smem:$0x3FB2];
	_ =	sdelay $0x3  }
0x37: {  	[smem:$0x3FB2] =	sst s10  }
0x38: {  	s10 =	sld [smem:$0x3FB3]  }
0x39: {  	_ = 	snop;
	(pc) =	sbr.ind lr, $3  }
0x3a: {  	_ = 	snop  }
0x3b: {  	_ = 	snop  }
0x3c: {  	p2 =	seq.s32 s10, $0x1;
	s10 =	sld [smem:$0x3FB2]  }
0x3d: {  	_ =	shalt  }
0x3e: {  	_ =	shalt  }
0x3f: {  	_ =	shalt  }
0x40: {  	_ =	shalt  }
0x41: {  	_ =	shalt  }
0x42: {  	_ =	shalt  }
0x43: {  	_ =	shalt  }
0x44: {  	_ =	shalt  }
0x45: {  	_ =	shalt  }
0x46: {  	_ =	shalt  }
0x47: {  	_ =	shalt  }
0x48: {  	_ =	shalt  }
0x49: {  	_ =	shalt  }
0x4a: {  	_ =	shalt  }
0x4b: {  	_ =	shalt  }
0x4c: {  	_ =	shalt  }
0x4d: {  	_ =	shalt  }
0x4e: {  	_ =	shalt  }
0x4f: {  	_ =	shalt  }
0x50: {  	_ =	shalt  }
0x51: {  	_ =	shalt  }
0x52: {  	_ =	shalt  }
0x53: {  	_ =	shalt  }
0x54: {  	_ =	shalt  }
0x55: {  	_ =	shalt  }
0x56: {  	_ =	shalt  }
0x57: {  	_ =	shalt  }
0x58: {  	_ =	shalt  }
0x59: {  	_ =	shalt  }
0x5a: {  	_ =	shalt  }
0x5b: {  	_ =	shalt  }
0x5c: {  	_ =	shalt  }
0x5d: {  	_ =	shalt  }
0x5e: {  	_ =	shalt  }
0x5f: {  	_ =	shalt  }
0x60: {  	_ =	shalt  }
0x61: {  	_ =	shalt  }
0x62: {  	_ =	shalt  }
0x63: {  	_ =	shalt  }
0x64: {  	_ =	shalt  }
0x65: {  	_ =	shalt  }
0x66: {  	_ =	shalt  }
0x67: {  	_ =	shalt  }
0x68: {  	_ =	shalt  }
0x69: {  	_ =	shalt  }
0x6a: {  	_ =	shalt  }
0x6b: {  	_ =	shalt  }
0x6c: {  	_ =	shalt  }
0x6d: {  	_ =	shalt  }
0x6e: {  	_ =	shalt  }
0x6f: {  	_ =	shalt  }
0x70: {  	_ =	shalt  }
0x71: {  	_ =	shalt  }
0x72: {  	_ =	shalt  }
0x73: {  	_ =	shalt  }
0x74: {  	_ =	shalt  }
0x75: {  	_ =	shalt  }
0x76: {  	_ =	shalt  }
0x77: {  	_ =	shalt  }
0x78: {  	_ =	shalt  }
0x79: {  	_ =	shalt  }
0x7a: {  	_ =	shalt  }
0x7b: {  	_ =	shalt  }
0x7c: {  	_ =	shalt  }
0x7d: {  	_ =	shalt  }
0x7e: {  	_ =	shalt  }
0x7f: {  	_ =	shalt  }
0x80: {  	_ =	shalt  }
0x81: {  	_ =	shalt  }
0x82: {  	_ =	shalt  }
0x83: {  	_ =	shalt  }
0x84: {  	_ =	shalt  }
0x85: {  	_ =	shalt  }
0x86: {  	_ =	shalt  }
0x87: {  	_ =	shalt  }
.Lfunc_end0:
.L_simem_size_0:
called_computation.3_lowered:
.L_overlay_start_0:
0x88: {  	s2 =	sld [smem:$0x3FD9]  }
0x89: {  	s3 =	sld [smem:$0x3FFE];
	_ =	sdelay $0x1  }
0x8a: {  	s1 =	srdreg.scid  }
0x8b: {  	s0 =	sand.u32 $0x1, s1  }
0x8c: {  	s16 =	sshll.u32 s0, $0xA;
	s2 =	sadd.s32 s3, s2  }
0x8d: {  	s2 =	sadd.s32 s2, s16  }
0x8e: {  	[smem:$0x3FBE] =	sst s2  }
0x8f: {  	_ = 	snop  }
0x90: {  	(tm) =	ssettm $0x1  }
0x91: {  	s17 =	sld [smem:$0x3FFB];
	_ =	sdelay $0x3  }
0x92: {  	_ =	strace s17  }
0x93: {  	s2 =	sld [smem:$0x3FFC];
	_ =	sdelay $0x3  }
0x94: {  	_ =	strace s2  }
0x95: {  	s2 =	sld [smem:$0x3FFD];
	_ =	sdelay $0x3  }
0x96: {  	_ =	strace s2  }
0x97: {  	_ =	strace $0x8FFFFFFF  }
0x98: {  	s18 =	sld [smem:$0x3FDB];
	_ =	sdelay $0x1  }
0x99: {  	s19 =	simm.s32 $_scs_section_size  }
0x9a: {  	s4 =	simm.s32 $_size__tile_overlayer_lowered;
	s5 =	simm.s32 $_tile_overlayer_lowered  }
0x9b: {  	s22 =	simm.s32 $0x1BFF;
	s21 =	sshll.u32 s5, $0x1;
	s2 =	sadd.s32 s19, s18  }
0x9c: {  	s6 =	simm.s32 $0x0;
	s20 =	sshll.u32 s4, $0x1;
	s4 =	sadd.s32 s21, s2  }
0x9d: {  	[timem:s6], [sflag:s22] =	dma.local [hbm:s4], s20  }
0x9e: {  	_ =	swait.ge [sflag:s22], s20  }
0x9f: {  	s3 =	ssub.s32 $0x0, s20;
	[sflag:s22] =	ssyncset.done $0x0  }
0xa0: {  	[sflag:s22] =	ssyncadd.s32 s3;
	_ =	sdelay $0x1  }
0xa1: {  	s23 =	simm.s32 $0x1B8B  }
0xa2: {  	_ =	swait.ge [sflag:s23], $0x1  }
0xa3: {  	[sflag:s23] =	ssyncset.done $0x0  }
0xa4: {  	s25 =	simm.s32 $0x1B8E;
	s24 =	sld [smem:$0x3FFE];
	[sflag:s23] =	ssyncadd.s32 $0xFFFFFFFF  }
0xa5: {  	s26 =	simm.s32 $execute0_lowered;
	[smem:$0x3FD2] =	sst s25  }
0xa6: {  	s4 =	sshll.u32 s26, $0x1;
	_ =	strace $0x8000004F;
	[dreg:$0x1] =	wrdreg $0xFFFFFFFF  }
0xa7: {  	s28 =	simm.s32 $_size_execute0_lowered;
	s2 =	sadd.s32 s2, s4;
	[dreg:$0x0] =	wrdreg $0x0  }
0xa8: {  	s4 =	sshll.u32 s28, $0x1;
	[dreg:$0x2] =	wrdreg s2  }
0xa9: {  	[dreg:$0x3] =	wrdreg s4  }
0xaa: {  	[dreg:$0x4] =	wrdreg $0xC0  }
0xab: {  	_ =	task [dreg:s6], $0x5FFFF  }
0xac: {  	[dreg:$0x1] =	wrdreg $0xFFFFFFFF  }
0xad: {  	[dreg:$0x0] =	wrdreg $0x60  }
0xae: {  	[dreg:$0x2] =	wrdreg s24  }
0xaf: {  	[dreg:$0x3] =	wrdreg $0xA4000  }
0xb0: {  	[dreg:$0x4] =	wrdreg $0x9  }
0xb1: {  	_ =	task.clear_ibuf [dreg:s6], $0x5FFFF;
	_ =	strace $0x9000004F  }
0xb2: {  	s29 =	simm.s32 $0x9;
	_ =	strace $0x80000051  }
0xb3: {  	_ =	swait.ge [sflag:s29], $0x1  }
0xb4: {  	[sflag:s29] =	ssyncadd.s32 $0xFFFFFFFF  }
0xb5: {  	_ =	strace $0x90000051  }
0xb6: {  	_ =	sfence  }
0xb7: {  	s30 =	sld [smem:$0x0];
	_ =	sdelay $0x2  }
0xb8: {  	s31 =	sshll.u32 s1, $0xD;
	s1 =	sshrl.u32 s1, $0x2  }
0xb9: {  	s3 =	sand.u32 $0x4000, s31;
	s1 =	sadd.s32 s1, s30  }
0xba: {  	s0 =	sor.u32 s3, s0;
	s1 =	sshll.u32 s1, $0x11  }
0xbb: {  	s0 =	sor.u32 s1, s0  }
0xbc: {  	s0 =	sadd.s32 $0x8F2B, s0  }
0xbd: {  	[sflag:s0] =	ssyncadd.remote.s32 $0x1  }
0xbe: {  	_ =	sfence.sel $0xFFFF  }
0xbf: {  	[dreg:$0x0] =	wrdreg $0xFFFFFFFF;
	(pc) =	sbr.abs _section_cstart, $3  }
0xc0: {  	[dreg:$0x1] =	wrdreg $0xFFFFFFFF  }
0xc1: {  	_ =	task.clear_ibuf [dreg:s6], $0x2FFFF;
	_ =	strace $0x9FFFFFFF  }
0xc2: {  	(tm) =	ssettm $0x7FFFFFFF  }
0xc3: {  	_ =	shalt  }
tec
execute0_lowered:
.L_overlay_start_1:
0x0: {  	(tag) =	ssettag $0x1  }
0x1: {  	s0 =	rddreg [dreg:$0x0]  }
0x2: {  	s1 =	rddreg [dreg:$0x1];
	s3 =	simm.s32 $0x0;
	s2 =	srdreg.scid  }
0x3: {  	s12 =	stileid.u32;
	s28 =	simm.s32 $0x50;
	s29 =	simm.s32 $0x180  }
0x4: {  	s31 =	simm.s32 $0x200;
	s30 =	simm.s32 $0x5400;
	s5 =	smul.u32 $0x2780, s12  }
0x5: {  	[smem:$0x7FF] =	sst s3;
	s2 =	sand.u32 $0x1, s2;
	s20 =	smul.u32 $0x4F000, s12  }
0x6: {  	s4 =	sadd.s32 $0x16600, s0;
	s7 =	sadd.s32 $0x2A00, s0;
	s25 =	smul.u32 $0x4E2, s12  }
0x7: {  	s9 =	sadd.s32 $0xC800, s0;
	_ =	strace $0x80000050;
	s8 =	smul.u32 $0x27800, s2  }
0x8: {  	s6 =	sshll.u32 s2, $0x4;
	s26 =	ssub.s32 $0x2, s2;
	s2 =	smul.u32 $0x4E20, s2  }
0x9: {  	s6 =	sor.u32 s12, s6;
	s10 =	sadd.s32 s5, s0;
	s13 =	sshrl.u32 s26, $0x1  }
0xa: {  	s23 =	sshrl.u32 s20, $0x2;
	s12 =	simm.s32 $0x3;
	s11 =	smul.u32 $0x2710, s6  }
0xb: {  	s5 =	sadd.s32 s5, s8;
	s6 =	smul.u32 $0x4E2, s6;
	s24 =	sadd.s32 $0x3D800, s10  }
0xc: {  	s8 =	simm.s32 $0x2;
	s10 =	simm.s32 $0x8;
	s0 =	sadd.s32 s5, s0  }
0xd: {  	s5 =	ssub.s32 s26, s13;
	[dreg:$0xc] =	wrdreg s24;
	s26 =	sadd.s32 s2, s7  }
0xe: {  	s2 =	sadd.s32 s2, s9;
	s24 =	simm.s32 $0x380;
	s14 =	sadd.s32 s7, s6  }
0xf: {  	s11 =	sshrl.u32 s11, $0x3;
	s6 =	sadd.s32 s9, s6;
	[dreg:$0x3] =	wrdreg s14  }
0x10: {  	s0 =	sadd.s32 $0x65000, s0;
	s5 =	smax.u32 s5, $0x1;
	[dreg:$0x4] =	wrdreg s6  }
0x11: {  	s15 =	sadd.s32 $0xA, s11;
	s18 =	sadd.s32 $0x14, s11;
	[dreg:$0xd] =	wrdreg s0  }
0x12: {  	s19 =	sadd.s32 $0x1E, s11;
	[dreg:$0xe] =	wrdreg s5;
	s11 =	simm.s32 $0x11  }
0x13: {  	s5 =	simm.s32 $0x9;
	s14 =	simm.s32 $0xD;
	s0 =	simm.s32 $0xE  }
0x14: {  	s16 =	sadd.s32 s7, s15;
	s17 =	sadd.s32 s9, s15;
	s13 =	sadd.s32 s7, s18  }
0x15: {  	s6 =	sadd.s32 s9, s18;
	s21 =	sadd.s32 s7, s19;
	[dreg:$0x5] =	wrdreg s16  }
0x16: {  	s22 =	sadd.s32 s9, s19;
	s18 =	sadd.s32 s25, s2;
	[dreg:$0x6] =	wrdreg s17  }
0x17: {  	s19 =	simm.s32 $0x100;
	s7 =	simm.s32 $0x2C00;
	[dreg:$0x7] =	wrdreg s13  }
0x18: {  	s2 =	simm.s32 $0x1;
	s9 =	simm.s32 $0xA;
	[dreg:$0x8] =	wrdreg s6  }
.Ltmp0:
0x19: {  	s15 =	simm.s32 $0x4;
	[dreg:$0x9] =	wrdreg s21;
	(pc) =	sbr.rel .LBB2_1-.Ltmp0, $4  }
0x1a: {  	[dreg:$0xa] =	wrdreg s22;
	s6 =	sadd.s32 s23, s1;
	s17 =	sadd.s32 s25, s26  }
0x1b: {  	s21 =	simm.s32 $0x200;
	s22 =	simm.s32 $0x280;
	s23 =	simm.s32 $0x180  }
0x1c: {  	s25 =	simm.s32 $0x400;
	s13 =	simm.s32 $0xB;
	s16 =	simm.s32 $0xC  }
0x1d: {  	s26 =	simm.s32 $0x0;
	[dreg:$0xb] =	wrdreg s6;
	s6 =	simm.s32 $0x7  }
.LBB2_4:
0x1e: {  	_ =	swait.ge [sflag:s15], $0x2800  }
0x1f: {  	[sflag:s15] =	ssyncset.done $0x0  }
0x20: {  	[sflag:s15] =	ssyncadd.s32 $0xFFFFD800  }
0x21: {  	_ =	swait.ge [sflag:s16], $0x50  }
0x22: {  	[sflag:s16] =	ssyncset.done $0x0  }
0x23: {  	s24 =	simm.s32 $0x380;
	[sflag:s16] =	ssyncadd.s32 $0xFFFFFFB0  }
0x24: {  	[spmem:s1] =	stream.indirect.scatter.add.f32 [tilespmem:s26], [sflag:$0x10], $0x80, s24, s28, $0xb8;
	[tilespmem:$0x1E000] =	vst v63  }
0x25: {  	_ =	swait.ge [sflag:s2], $0x2800  }
0x26: {  	[sflag:s2] =	ssyncset.done $0x0  }
0x27: {  	[sflag:s2] =	ssyncadd.s32 $0xFFFFD800  }
0x28: {  	_ =	swait.ge [sflag:s5], $0x50  }
0x29: {  	[sflag:s5] =	ssyncset.done $0x0  }
0x2a: {  	s21 =	simm.s32 $0x200;
	s25 =	simm.s32 $0x400;
	[sflag:s5] =	ssyncadd.s32 $0xFFFFFFB0  }
0x2b: {  	[spmem:s1] =	stream.indirect.scatter.add.f32 [tilespmem:s25], [sflag:$0xD], $0x80, s21, s28, $0xb8;
	[tilespmem:$0x1E000] =	vst v63  }
0x2c: {  	_ =	swait.ge [sflag:s14], $0x2800  }
0x2d: {  	[sflag:s14] =	ssyncset.done $0x0  }
0x2e: {  	[sflag:s14] =	ssyncadd.s32 $0xFFFFD800  }
0x2f: {  	_ =	swait.ge [sflag:s0], $0x2800  }
0x30: {  	[sflag:s0] =	ssyncset.done $0x0  }
0x31: {  	s7 =	simm.s32 $0xF;
	[sflag:s0] =	ssyncadd.s32 $0xFFFFD800  }
0x32: {  	_ =	swait.ge [sflag:s7], $0x2800  }
0x33: {  	[sflag:s7] =	ssyncset.done $0x0  }
0x34: {  	s11 =	simm.s32 $0x10;
	[sflag:s7] =	ssyncadd.s32 $0xFFFFD800  }
0x35: {  	_ =	swait.ge [sflag:s11], $0x2800  }
0x36: {  	[sflag:s11] =	ssyncset.done $0x0  }
0x37: {  	[sflag:s11] =	ssyncadd.s32 $0xFFFFD800  }
0x38: {  	[bflag:$0x0] =	sbarrier.arrive $0xFFFF  }
0x39: {  	s20 =	rddreg [dreg:$0xd]  }
0x3a: {  	s19 =	rddreg [dreg:$0x10]  }
0x3b: {  	s11 =	rddreg [dreg:$0x11]  }
0x3c: {  	[hbm:s20], [sflag:s19] =	dma.local [spmem:s11], $0x2780  }
0x3d: {  	s11 =	simm.s32 $0x11  }
0x3e: {  	_ =	swait.ge [sflag:s11], $0x2780  }
0x3f: {  	s22 =	rddreg [dreg:$0xf]  }
0x40: {  	s23 =	rddreg [dreg:$0xe];
	s26 =	sadd.s32 $0x1, s22  }
0x41: {  	p0 =	sne.s32 s26, s23  }
.Ltmp1:
0x42: {  	_ = 	snop;
	(pc) =	sbr.rel @!p0 .LBB2_5-.Ltmp1, $3  }
0x43: {  	_ =	sdelay $0x1  }
0x44: {  	s7 =	simm.s32 $0x2C00;
	s19 =	simm.s32 $0x100;
	[sflag:s11] =	ssyncset.done $0x0  }
0x45: {  	[sflag:s11] =	ssyncadd.s32 $0xFFFFD880;
	s22 =	simm.s32 $0x280;
	s23 =	simm.s32 $0x180  }
.LBB2_1:
0x46: {  	[dreg:$0xf] =	wrdreg s26  }
0x47: {  	s20 =	rddreg [dreg:$0x3]  }
0x48: {  	[tilespmem:s3], [sflag:$0x5] =	stream.linear.gather [hbm4b:s20+s3], $0x50, $0x38;
	[tilespmem:$0x1E000] =	vst v63  }
0x49: {  	s26 =	rddreg [dreg:$0x4]  }
0x4a: {  	[tilespmem:s21], [sflag:$0x9] =	stream.linear.gather [hbm4b:s26+s3], $0x50, $0x38;
	[tilespmem:$0x1E000] =	vst v63  }
0x4b: {  	s26 =	rddreg [dreg:$0x5];
	s21 =	simm.s32 $0x80  }
0x4c: {  	[tilespmem:s21], [sflag:$0x6] =	stream.linear.gather [hbm4b:s26+s3], $0x50, $0x38;
	[tilespmem:$0x1E000] =	vst v63  }
0x4d: {  	s26 =	rddreg [dreg:$0x6]  }
0x4e: {  	[tilespmem:s22], [sflag:$0xA] =	stream.linear.gather [hbm4b:s26+s3], $0x50, $0x38;
	[tilespmem:$0x1E000] =	vst v63  }
0x4f: {  	s26 =	rddreg [dreg:$0x7]  }
0x50: {  	[tilespmem:s19], [sflag:$0x7] =	stream.linear.gather [hbm4b:s26+s3], $0x50, $0x38;
	[tilespmem:$0x1E000] =	vst v63  }
0x51: {  	s22 =	rddreg [dreg:$0x8];
	s26 =	simm.s32 $0x300  }
0x52: {  	[tilespmem:s26], [sflag:$0xB] =	stream.linear.gather [hbm4b:s22+s3], $0x50, $0x38;
	[tilespmem:$0x1E000] =	vst v63  }
0x53: {  	s22 =	rddreg [dreg:$0x9]  }
0x54: {  	[tilespmem:s23], [sflag:$0x8] =	stream.linear.gather [hbm4b:s22+s3], $0x50, $0x38;
	[tilespmem:$0x1E000] =	vst v63  }
0x55: {  	s26 =	simm.s32 $0x5;
	s23 =	rddreg [dreg:$0xa]  }
0x56: {  	[tilespmem:s24], [sflag:$0xC] =	stream.linear.gather [hbm4b:s23+s3], $0x50, $0x38;
	[tilespmem:$0x1E000] =	vst v63  }
0x57: {  	_ =	swait.ge [sflag:s26], $0x50  }
0x58: {  	[sflag:s26] =	ssyncset.done $0x0  }
0x59: {  	s20 =	simm.s32 $0x6;
	[sflag:s26] =	ssyncadd.s32 $0xFFFFFFB0  }
0x5a: {  	[tilespmem:s25], [sflag:$0x1] =	stream.indirect.gather [hbm4b:s4+s28], $0x80, s3, s28, $0xb8;
	[tilespmem:$0x1E000] =	vst v63  }
0x5b: {  	_ =	swait.ge [sflag:s20], $0x50  }
0x5c: {  	s24 =	rddreg [dreg:$0xb]  }
0x5d: {  	s22 =	stileid.u32;
	[sflag:s20] =	ssyncset.done $0x0;
	s26 =	rddreg [dreg:$0xc]  }
0x5e: {  	[sflag:s20] =	ssyncadd.s32 $0xFFFFFFB0;
	s20 =	sshll.u32 s22, $0x6;
	s25 =	sshrl.u32 s24, $0x3  }
0x5f: {  	[tilespmem:s7], [sflag:$0x2] =	stream.indirect.gather [hbm4b:s4+s28], $0x80, s21, s28, $0xb8;
	[tilespmem:$0x1E000] =	vst v63  }
0x60: {  	s23 =	sor.u32 $0x1C11, s20;
	[dreg:$0x11] =	wrdreg s25  }
0x61: {  	[dreg:$0x10] =	wrdreg s23  }
0x62: {  	[spmem:s25], [sflag:s23] =	dma.local [hbm:s26], $0x2780  }
0x63: {  	_ =	swait.ge [sflag:s11], $0x2780  }
0x64: {  	s19 =	simm.s32 $0x100;
	[sflag:s11] =	ssyncset.done $0x0  }
0x65: {  	s24 =	simm.s32 $0x280;
	s20 =	simm.s32 $0x0;
	[sflag:s11] =	ssyncadd.s32 $0xFFFFD880  }
0x66: {  	s26 =	simm.s32 $0x7C00;
	s11 =	simm.s32 $0x2C00;
	[bflag:$0x0] =	sbarrier.arrive $0xFFFF  }
.LBB2_2:
0x67: {  	_ =	swait.ge [sflag:s2], $0x2800  }
0x68: {  	[sflag:s2] =	ssyncset.done $0x0  }
0x69: {  	[sflag:s2] =	ssyncadd.s32 $0xFFFFD800  }
0x6a: {  	_ =	swait.ge [sflag:s5], $0x50  }
0x6b: {  	p0 =	seq.s32 s20, $0x0;
	[sflag:s5] =	ssyncset.done $0x0  }
0x6c: {  	s7 =	simm.s32 $0x400;
	s23 =	simm.s32 @!p0 $0xF;
	[sflag:s5] =	ssyncadd.s32 $0xFFFFFFB0  }
0x6d: {  	[spmem:s1] =	stream.indirect.scatter.add.f32 [tilespmem:s7], [sflag:$0xD], $0x80, s31, s28, $0xb8;
	[tilespmem:$0x1E000] =	vst v63  }
0x6e: {  	_ =	swait.ge @!p0 [sflag:s23], $0x2800  }
0x6f: {  	s25 =	sadd.s32 @!p0 s20, s18;
	s21 =	simm.s32 @!p0 $0x0;
	[sflag:s23] =	ssyncset.done @!p0 $0x0  }
0x70: {  	s22 =	simm.s32 @!p0 $0x300;
	[sflag:s23] =	ssyncadd.s32 @!p0 $0xFFFFD800;
	s23 =	sadd.s32 @!p0 $0x14, s25  }
0x71: {  	[tilespmem:s22], [sflag:$0xB] =	stream.linear.gather @!p0 [hbm4b:s23+s21], $0x50, $0x38;
	[tilespmem:$0x1E000] =	vst v63  }
0x72: {  	_ =	swait.ge [sflag:s6], $0x50  }
0x73: {  	[sflag:s6] =	ssyncset.done $0x0  }
0x74: {  	s23 =	sadd.s32 s20, s17;
	[sflag:s6] =	ssyncadd.s32 $0xFFFFFFB0  }
0x75: {  	[tilespmem:s30], [sflag:$0x3] =	stream.indirect.gather [hbm4b:s4+s28], $0x80, s19, s28, $0xb8;
	[tilespmem:$0x1E000] =	vst v63  }
0x76: {  	s22 =	sadd.s32 $0x28, s23  }
0x77: {  	[tilespmem:s3], [sflag:$0x5] =	stream.linear.gather [hbm4b:s22+s3], $0x50, $0x38;
	[tilespmem:$0x1E000] =	vst v63  }
0x78: {  	_ =	swait.ge [sflag:s8], $0x2800  }
0x79: {  	[sflag:s8] =	ssyncset.done $0x0  }
0x7a: {  	[sflag:s8] =	ssyncadd.s32 $0xFFFFD800  }
0x7b: {  	_ =	swait.ge [sflag:s9], $0x50  }
0x7c: {  	[sflag:s9] =	ssyncset.done $0x0  }
0x7d: {  	s22 =	simm.s32 @!p0 $0x10;
	[sflag:s9] =	ssyncadd.s32 $0xFFFFFFB0  }
0x7e: {  	[spmem:s1] =	stream.indirect.scatter.add.f32 [tilespmem:s11], [sflag:$0xE], $0x80, s24, s28, $0xb8;
	[tilespmem:$0x1E000] =	vst v63  }
0x7f: {  	_ =	swait.ge @!p0 [sflag:s22], $0x2800  }
0x80: {  	[sflag:s22] =	ssyncset.done @!p0 $0x0  }
0x81: {  	[sflag:s22] =	ssyncadd.s32 @!p0 $0xFFFFD800;
	s22 =	sadd.s32 @!p0 $0x1E, s25;
	s25 =	simm.s32 @!p0 $0x380  }
0x82: {  	[tilespmem:s25], [sflag:$0xC] =	stream.linear.gather @!p0 [hbm4b:s22+s21], $0x50, $0x38;
	[tilespmem:$0x1E000] =	vst v63  }
0x83: {  	_ =	swait.ge [sflag:s10], $0x50  }
0x84: {  	p0 =	seq.s32 s20, $0x4B0;
	[sflag:s10] =	ssyncset.done $0x0  }
0x85: {  	s21 =	sadd.s32 @!p0 s20, s17;
	[sflag:s10] =	ssyncadd.s32 $0xFFFFFFB0  }
0x86: {  	[tilespmem:s26], [sflag:$0x4] =	stream.indirect.gather [hbm4b:s4+s28], $0x80, s29, s28, $0xb8;
	[tilespmem:$0x1E000] =	vst v63  }
0x87: {  	s22 =	simm.s32 @!p0 $0x0;
	s25 =	simm.s32 @!p0 $0x80;
	s21 =	sadd.s32 @!p0 $0x32, s21  }
0x88: {  	[tilespmem:s25], [sflag:$0x6] =	stream.linear.gather @!p0 [hbm4b:s21+s22], $0x50, $0x38;
	[tilespmem:$0x1E000] =	vst v63  }
0x89: {  	_ =	swait.ge [sflag:s12], $0x2800  }
0x8a: {  	[sflag:s12] =	ssyncset.done $0x0  }
0x8b: {  	[sflag:s12] =	ssyncadd.s32 $0xFFFFD800  }
0x8c: {  	_ =	swait.ge [sflag:s13], $0x50  }
0x8d: {  	[sflag:s13] =	ssyncset.done $0x0  }
0x8e: {  	s25 =	simm.s32 $0x300;
	[sflag:s13] =	ssyncadd.s32 $0xFFFFFFB0  }
0x8f: {  	[spmem:s1] =	stream.indirect.scatter.add.f32 [tilespmem:s30], [sflag:$0xF], $0x80, s25, s28, $0xb8;
	[tilespmem:$0x1E000] =	vst v63  }
0x90: {  	_ =	swait.ge [sflag:s14], $0x2800  }
0x91: {  	s25 =	sadd.s32 s20, s18;
	[sflag:s14] =	ssyncset.done $0x0  }
0x92: {  	s22 =	sadd.s32 $0x28, s25;
	[sflag:s14] =	ssyncadd.s32 $0xFFFFD800  }
0x93: {  	[tilespmem:s31], [sflag:$0x9] =	stream.linear.gather [hbm4b:s22+s3], $0x50, $0x38;
	[tilespmem:$0x1E000] =	vst v63  }
.Ltmp2:
0x94: {  	s22 =	simm.s32 $0x5;
	(pc) =	sbr.rel @p0 .LBB2_4-.Ltmp2, $4  }
0x95: {  	_ =	swait.ge [sflag:s22], $0x50  }
0x96: {  	[sflag:s22] =	ssyncset.done $0x0  }
0x97: {  	[sflag:s22] =	ssyncadd.s32 $0xFFFFFFB0  }
0x98: {  	[tilespmem:s7], [sflag:$0x1] =	stream.indirect.gather [hbm4b:s4+s28], $0x80, s3, s28, $0xb8;
	[tilespmem:$0x1E000] =	vst v63  }
0x99: {  	s21 =	sadd.s32 $0x3C, s23  }
0x9a: {  	[tilespmem:s19], [sflag:$0x7] =	stream.linear.gather [hbm4b:s21+s3], $0x50, $0x38;
	[tilespmem:$0x1E000] =	vst v63  }
0x9b: {  	_ =	swait.ge [sflag:s15], $0x2800  }
0x9c: {  	[sflag:s15] =	ssyncset.done $0x0  }
0x9d: {  	[sflag:s15] =	ssyncadd.s32 $0xFFFFD800  }
0x9e: {  	_ =	swait.ge [sflag:s16], $0x50  }
0x9f: {  	[sflag:s16] =	ssyncset.done $0x0  }
0xa0: {  	s22 =	simm.s32 $0x380;
	[sflag:s16] =	ssyncadd.s32 $0xFFFFFFB0  }
0xa1: {  	[spmem:s1] =	stream.indirect.scatter.add.f32 [tilespmem:s26], [sflag:$0x10], $0x80, s22, s28, $0xb8;
	[tilespmem:$0x1E000] =	vst v63  }
0xa2: {  	_ =	swait.ge [sflag:s0], $0x2800  }
0xa3: {  	[sflag:s0] =	ssyncset.done $0x0  }
0xa4: {  	s7 =	sadd.s32 $0x32, s25;
	[sflag:s0] =	ssyncadd.s32 $0xFFFFD800  }
0xa5: {  	[tilespmem:s24], [sflag:$0xA] =	stream.linear.gather [hbm4b:s7+s3], $0x50, $0x38;
	[tilespmem:$0x1E000] =	vst v63  }
0xa6: {  	s7 =	simm.s32 $0x6  }
0xa7: {  	_ =	swait.ge [sflag:s7], $0x50  }
.Ltmp3:
0xa8: {  	[sflag:s7] =	ssyncset.done $0x0;
	(pc) =	sbr.rel .LBB2_2-.Ltmp3, $4  }
0xa9: {  	s22 =	simm.s32 $0x80;
	[sflag:s7] =	ssyncadd.s32 $0xFFFFFFB0  }
0xaa: {  	[tilespmem:s11], [sflag:$0x2] =	stream.indirect.gather [hbm4b:s4+s28], $0x80, s22, s28, $0xb8;
	[tilespmem:$0x1E000] =	vst v63  }
0xab: {  	s25 =	sadd.s32 $0x46, s23;
	s20 =	sadd.s32 $0x28, s20  }
0xac: {  	[tilespmem:s29], [sflag:$0x8] =	stream.linear.gather [hbm4b:s25+s3], $0x50, $0x38;
	[tilespmem:$0x1E000] =	vst v63  }
.LBB2_5:
0xad: {  	_ =	sfence.sel $0x180000  }
0xae: {  	[bflag:$0x0] =	sbarrier.arrive $0xFFFF  }
0xaf: {  	_ =	strace $0x90000050  }
0xb0: {  	s0 =	stileid.u32;
	[bflag:$0x2] =	sbarrier.arrive $0xFFFF  }
0xb1: {  	p0 =	sne.s32 s0, $0x0;
	s0 =	rddreg [dreg:$0x2]  }
0xb2: {  	s0 =	sadd.s32 @!p0 $0x100000, s0  }
0xb3: {  	[sflag:s0] =	ssyncadd.tile.s32 @!p0 $0x1;
	_ =	shalt  }
.Lfunc_end2:
_tile_overlayer_lowered:
.L_overlay_start_2:
0xb4: {  	(tag) =	ssettag $0x2  }
0xb5: {  	s0 =	rddreg [dreg:$0x0];
	s2 =	stileid.u32  }
0xb6: {  	s1 =	rddreg [dreg:$0x1];
	p0 =	sne.s32 s2, $0x0  }
0xb7: {  	s3 =	rddreg [dreg:$0x2];
	[bflag:$0x3] =	sbarrier.arrive $0xFFFF;
	s2 =	simm.s32 @!p0 $0x1C11  }
0xb8: {  	[timem:s3], [sflag:s2] =	dma.local @!p0 [hbm:s0], s1  }
0xb9: {  	s0 =	simm.s32 @!p0 $0x11  }
0xba: {  	_ =	swait.ge @!p0 [sflag:s0], s1  }
0xbb: {  	s1 =	ssub.s32 @!p0 $0x0, s1;
	[sflag:s0] =	ssyncset.done @!p0 $0x0  }
0xbc: {  	[sflag:s0] =	ssyncadd.s32 @!p0 s1  }
0xbd: {  	[bflag:$0x3] =	sbarrier.arrive $0xFFFF  }
0xbe: {  	_ =	shalt  }

</sc_bundles>
